<compile_context>
chip_gen: v7x
topology: tpu7x:2x2x1
jax: 0.10.2.dev20260603
libtpu: 0.0.44.dev20260713+nightly
codegen_flags: <defaults>
</compile_context>

<pallas_src>
import functools

import jax
import jax.numpy as jnp
from jax import lax
from jax.experimental import pallas as pl
from jax.experimental.pallas import tpu as pltpu
from jax.experimental.pallas import tpu_sc as plsc

N = 10000
NP = 10240
E = 320000
D = 128
NT = 12
NTP = 16

NC, NS = 2, 16
NW = NC * NS
EPW = E // NW
CH = 40
NCHUNK = EPW // CH
RPS = NP // NS

BR = 1024
GB = NP // BR


def _sc_mesh():
    return plsc.VectorSubcoreMesh(
        core_axis_name="c", subcore_axis_name="s",
        num_cores=NC, num_subcores=NS)



def _deg_body(dst_hbm, out_hbm, didx, ones_v, zb_v, deg_sh, sem):
    cid = lax.axis_index("c")
    sid = lax.axis_index("s")
    wid = cid * NS + sid

    def fill(i, _):
        zb_v[pl.ds(i * 16, 16)] = jnp.zeros((16,), jnp.float32)
        return _
    lax.fori_loop(0, RPS // 16, fill, 0)

    for off in sorted(set(list(range(0, CH - 15, 16)) + [CH - 16])):
        ones_v[pl.ds(off, 16)] = jnp.ones((16,), jnp.float32)

    pltpu.sync_copy(dst_hbm.at[wid], didx)
    pltpu.sync_copy(zb_v, deg_sh.at[pl.ds(sid * RPS, RPS)])
    plsc.subcore_barrier()

    def fire(i, _):
        pltpu.async_copy(ones_v, deg_sh.at[didx.at[i]], sem, add=True)
        return _
    lax.fori_loop(0, NCHUNK, fire, 0)

    def drain(i, _):
        pltpu.make_async_copy(ones_v, deg_sh.at[didx.at[i]], sem).wait()
        return _
    lax.fori_loop(0, NCHUNK, drain, 0)

    plsc.subcore_barrier()
    pltpu.sync_copy(deg_sh.at[pl.ds(sid * RPS, RPS)],
                    out_hbm.at[cid, pl.ds(sid * RPS, RPS)])


_deg_call = pl.kernel(
    _deg_body,
    out_type=jax.ShapeDtypeStruct((NC, NP), jnp.float32),
    mesh=_sc_mesh(),
    scratch_types=[
        pltpu.VMEM((NCHUNK, CH), jnp.int32),
        pltpu.VMEM((CH,), jnp.float32),
        pltpu.VMEM((RPS,), jnp.float32),
        pltpu.VMEM_SHARED((NP,), jnp.float32),
        pltpu.SemaphoreType.DMA,
    ],
)



NBUF = 4
NG = NCHUNK // NBUF
NREM = NCHUNK - NG * NBUF

RPA = N // NS
NZB = RPA // CH


def _agg_body(F, xp_hbm, src_hbm, dst_hbm, out_hbm, sidx, didx, rows, y_sh,
              isem, dsem, gsem, ssem):
    cid = lax.axis_index("c")
    sid = lax.axis_index("s")
    wid = cid * NS + sid
    nv = F // 16

    def sidx_start(i, b):
        pltpu.async_copy(src_hbm.at[wid, i], sidx.at[b], isem.at[b])

    def didx_start(i, b):
        pltpu.async_copy(dst_hbm.at[wid, i], didx.at[b], dsem.at[b])

    for b in range(NBUF):
        sidx_start(b, b)
        didx_start(b, b)

    def zrow(i, _):
        rows[0, i // nv, pl.ds((i % nv) * 16, 16)] = jnp.zeros((16,), jnp.float32)
        return _
    lax.fori_loop(0, CH * nv, zrow, 0)

    def zcp(i, _):
        pltpu.async_copy(rows.at[0], y_sh.at[pl.ds(sid * RPS + i * CH, CH)],
                         ssem.at[0])
        return _
    lax.fori_loop(0, RPS // CH, zcp, 0)

    def zdr(i, _):
        pltpu.make_async_copy(rows.at[0],
                              y_sh.at[pl.ds(sid * RPS + i * CH, CH)],
                              ssem.at[0]).wait()
        return _
    lax.fori_loop(0, RPS // CH, zdr, 0)
    plsc.subcore_barrier()

    def sidx_wait(i, b):
        pltpu.make_async_copy(src_hbm.at[wid, i], sidx.at[b], isem.at[b]).wait()

    def didx_wait(i, b):
        pltpu.make_async_copy(dst_hbm.at[wid, i], didx.at[b], dsem.at[b]).wait()

    def group(g, _):
        i0 = g * NBUF
        for b in range(NBUF):
            @pl.when(g > 0)
            def _drain_prev():
                pltpu.make_async_copy(rows.at[b], y_sh.at[didx.at[b]],
                                      ssem.at[b]).wait()
                didx_start(i0 + b, b)
            sidx_wait(i0 + b, b)
            pltpu.async_copy(xp_hbm.at[sidx.at[b]], rows.at[b], gsem.at[b])
        for b in range(NBUF):
            pltpu.make_async_copy(xp_hbm.at[sidx.at[b]], rows.at[b],
                                  gsem.at[b]).wait()
            didx_wait(i0 + b, b)
            pltpu.async_copy(rows.at[b], y_sh.at[didx.at[b]], ssem.at[b],
                             add=True)

            @pl.when(g + 1 < NG)
            def _next():
                sidx_start(i0 + NBUF + b, b)
        return _
    lax.fori_loop(0, NG, group, 0)

    for b in range(NBUF):
        pltpu.make_async_copy(rows.at[b], y_sh.at[didx.at[b]],
                              ssem.at[b]).wait()

    for b in range(NREM):
        i = NG * NBUF + b
        sidx_start(i, b)
        didx_start(i, b)
        sidx_wait(i, b)
        pltpu.async_copy(xp_hbm.at[sidx.at[b]], rows.at[b], gsem.at[b])
    for b in range(NREM):
        pltpu.make_async_copy(xp_hbm.at[sidx.at[b]], rows.at[b],
                              gsem.at[b]).wait()
        didx_wait(NG * NBUF + b, b)
        pltpu.async_copy(rows.at[b], y_sh.at[didx.at[b]], ssem.at[b], add=True)
    for b in range(NREM):
        pltpu.make_async_copy(rows.at[b], y_sh.at[didx.at[b]],
                              ssem.at[b]).wait()

    plsc.subcore_barrier()
    pltpu.sync_copy(y_sh.at[pl.ds(sid * RPS, RPS)],
                    out_hbm.at[cid, pl.ds(sid * RPS, RPS)])


def _make_agg(F):
    return pl.kernel(
        functools.partial(_agg_body, F),
        out_type=jax.ShapeDtypeStruct((NC, NP, F), jnp.float32),
        mesh=_sc_mesh(),
        scratch_types=[
            pltpu.VMEM((NBUF, CH), jnp.int32),
            pltpu.VMEM((NBUF, CH), jnp.int32),
            pltpu.VMEM((NBUF, CH, F), jnp.float32),
            pltpu.VMEM_SHARED((NP, F), jnp.float32),
            pltpu.SemaphoreType.DMA((NBUF,)),
            pltpu.SemaphoreType.DMA((NBUF,)),
            pltpu.SemaphoreType.DMA((NBUF,)),
            pltpu.SemaphoreType.DMA((NBUF,)),
        ],
    )


_agg128 = _make_agg(D)



def _tc1_body(deg_ref, x_ref, w1_ref, hp_ref):
    dis = lax.rsqrt(jnp.sum(deg_ref[...], axis=0) + 1.0)
    h = jnp.dot(x_ref[...], w1_ref[...], preferred_element_type=jnp.float32)
    hp_ref[...] = h * dis[:, None]


_tc1 = pl.pallas_call(
    _tc1_body,
    grid=(GB,),
    in_specs=[
        pl.BlockSpec((NC, BR), lambda i: (0, i)),
        pl.BlockSpec((BR, D), lambda i: (i, 0)),
        pl.BlockSpec((D, D), lambda i: (0, 0)),
    ],
    out_specs=pl.BlockSpec((BR, D), lambda i: (i, 0)),
    out_shape=jax.ShapeDtypeStruct((NP, D), jnp.float32),
)


def _tc2_body(deg_ref, agg_ref, hp_ref, b1_ref, rp_ref):
    dis = lax.rsqrt(jnp.sum(deg_ref[...], axis=0) + 1.0)
    s = agg_ref[0, :, :] + agg_ref[1, :, :] + hp_ref[...]
    r = jnp.maximum(s * dis[:, None] + b1_ref[...], 0.0)
    rp_ref[...] = r * dis[:, None]


_tc2 = pl.pallas_call(
    _tc2_body,
    grid=(GB,),
    in_specs=[
        pl.BlockSpec((NC, BR), lambda i: (0, i)),
        pl.BlockSpec((NC, BR, D), lambda i: (0, i, 0)),
        pl.BlockSpec((BR, D), lambda i: (i, 0)),
        pl.BlockSpec((1, D), lambda i: (0, 0)),
    ],
    out_specs=pl.BlockSpec((BR, D), lambda i: (i, 0)),
    out_shape=jax.ShapeDtypeStruct((NP, D), jnp.float32),
)


def _tc3_body(deg_ref, agg_ref, rp_ref, wt_ref, bt_ref, wc_ref, bc_ref, out_ref):
    dis = lax.rsqrt(jnp.sum(deg_ref[...], axis=0) + 1.0)
    t = agg_ref[0, :, :] + agg_ref[1, :, :] + rp_ref[...]
    z = jnp.dot(t, wt_ref[...], preferred_element_type=jnp.float32)
    s = z * dis[:, None] + bt_ref[...]
    logits = jnp.dot(s, wc_ref[...],
                     preferred_element_type=jnp.float32) + bc_ref[...]
    m = jnp.max(logits, axis=-1, keepdims=True)
    e = jnp.exp(logits - m)
    out_ref[...] = e / jnp.sum(e, axis=-1, keepdims=True)


_tc3 = pl.pallas_call(
    _tc3_body,
    grid=(GB,),
    in_specs=[
        pl.BlockSpec((NC, BR), lambda i: (0, i)),
        pl.BlockSpec((NC, BR, D), lambda i: (0, i, 0)),
        pl.BlockSpec((BR, D), lambda i: (i, 0)),
        pl.BlockSpec((D, NTP), lambda i: (0, 0)),
        pl.BlockSpec((1, NTP), lambda i: (0, 0)),
        pl.BlockSpec((NTP, NT), lambda i: (0, 0)),
        pl.BlockSpec((1, NT), lambda i: (0, 0)),
    ],
    out_specs=pl.BlockSpec((BR, NT), lambda i: (i, 0)),
    out_shape=jax.ShapeDtypeStruct((NP, NT), jnp.float32),
)


def kernel(x, edge_index, W1, b1, Wt, bt, Wc, bc):
    src = edge_index[0].reshape(NW, NCHUNK, CH)
    dst = edge_index[1].reshape(NW, NCHUNK, CH)
    x_pad = jnp.zeros((NP, D), jnp.float32).at[:N, :].set(x)
    wt_pad = jnp.pad(Wt, ((0, 0), (0, NTP - NT)))
    bt_pad = jnp.pad(bt, (0, NTP - NT))[None, :]
    wc_pad = jnp.pad(Wc, ((0, NTP - NT), (0, 0)))

    deg2 = _deg_call(dst)
    hp = _tc1(deg2, x_pad, W1)
    agg1 = _agg128(hp, src, dst)
    rp = _tc2(deg2, agg1, hp, b1[None, :])
    agg2 = _agg128(rp, src, dst)
    outp = _tc3(deg2, agg2, rp, wt_pad, bt_pad, wc_pad, bc[None, :])
    return outp[:N, :]

# --- scband reference (transcript-rebuilt; emitter-appended) ---
"""Pipeline reference for scband-gcn-47691316854949 (READ-ONLY COPY).

The authoritative reference and input builder live on the scoring server;
editing this copy changes nothing except your own understanding.
"""

import jax, jax.numpy as jnp
import numpy as np


def gcn_conv(x, edge_index, W, b):
    # PyG-style GCNConv: add self loops, symmetric normalization, linear, aggregate, bias
    N = x.shape[0]
    src = edge_index[0]
    dst = edge_index[1]
    loop = jnp.arange(N, dtype=src.dtype)
    src = jnp.concatenate([src, loop])
    dst = jnp.concatenate([dst, loop])
    deg = jnp.zeros((N,), dtype=x.dtype).at[dst].add(1.0)
    dis = jnp.where(deg > 0, jax.lax.rsqrt(jnp.maximum(deg, 1e-12)), 0.0)
    norm = dis[src] * dis[dst]
    h = x @ W
    msg = h[src] * norm[:, None]
    out = jax.ops.segment_sum(msg, dst, num_segments=N)
    return out + b


def setup_inputs(seed: int = 0) -> dict:
    key = jax.random.key(seed)
    ks = jax.random.split(key, 10)
    N, E, d_in, hidden, ntype = 10000, 320000, 128, 128, 12
    x = jax.random.normal(ks[0], (N, d_in), dtype=jnp.float32)
    edge_index = jax.random.randint(ks[1], (2, E), 0, N, dtype=jnp.int32)
    W1 = jax.random.normal(ks[2], (d_in, hidden), dtype=jnp.float32) * (1.0 / np.sqrt(d_in))
    b1 = jnp.zeros((hidden,), dtype=jnp.float32)
    Wt = jax.random.normal(ks[3], (hidden, ntype), dtype=jnp.float32) * (1.0 / np.sqrt(hidden))
    bt = jnp.zeros((ntype,), dtype=jnp.float32)
    Wc = jax.random.normal(ks[4], (ntype, ntype), dtype=jnp.float32) * (1.0 / np.sqrt(ntype))
    bc = jnp.zeros((ntype,), dtype=jnp.float32)
    return {"x": x, "edge_index": edge_index, "W1": W1, "b1": b1, "Wt": Wt, "bt": bt, "Wc": Wc, "bc": bc}


def reference(x, edge_index, W1, b1, Wt, bt, Wc, bc):
    # gc1 + relu (dropout is identity in eval mode)
    h = jax.nn.relu(gcn_conv(x, edge_index, W1, b1))
    # target_class == 'type' branch
    graph_emb = gcn_conv(h, edge_index, Wt, bt)
    out_type = jax.nn.softmax(graph_emb @ Wc + bc, axis=-1)
    return out_type

if __name__ == "__main__":
    import jax
    _d = setup_inputs()
    print(jax.jit(kernel)(*tuple(_d.values())))

</pallas_src>

<mosaic_0001>
#map = affine_map<(d0, d1) -> (0, 0)>
#map1 = affine_map<(d0, d1) -> (0, 0, 0)>
module attributes {stable_mosaic.version = 14 : i64} {
  func.func @_agg_body(%arg0: i32, %arg1: i32, %arg2: memref<10240x128xf32, #tpu.memory_space<hbm>>, %arg3: memref<32x250x40xi32, #tpu.memory_space<hbm>>, %arg4: memref<32x250x40xi32, #tpu.memory_space<hbm>>, %arg5: memref<2x10240x128xf32, #tpu.memory_space<hbm>>, %arg6: memref<4x40xi32, #tpu.memory_space<vmem>>, %arg7: memref<4x40xi32, #tpu.memory_space<vmem>>, %arg8: memref<4x40x128xf32, #tpu.memory_space<vmem>>, %arg9: memref<10240x128xf32, #tpu.memory_space<vmem_shared>>, %arg10: memref<4x!tpu.dma_semaphore, #tpu.memory_space<semaphore_mem>>, %arg11: memref<4x!tpu.dma_semaphore, #tpu.memory_space<semaphore_mem>>, %arg12: memref<4x!tpu.dma_semaphore, #tpu.memory_space<semaphore_mem>>, %arg13: memref<4x!tpu.dma_semaphore, #tpu.memory_space<semaphore_mem>>) attributes {dimension_semantics = [#tpu.dimension_semantics<core_parallel>, #tpu.dimension_semantics<subcore_parallel>], iteration_bounds = array<i64: 2, 16>, scalar_prefetch = 0 : i64, scratch_operands = 8 : i64, tpu.core_type = #tpu.core_type<sc_vector_subcore>, window_params = [{transform_indices = #map}, {transform_indices = #map1}, {transform_indices = #map1}, {transform_indices = #map1}]} {
    %mul3A = arith.constant 16 : i32
    %mul3A_0 = arith.muli %arg0, %mul3A : i32
    %add3A = arith.addi %mul3A_0, %arg1 : i32
    %dma_start3A = arith.constant 0 : i32
    %dma_start3A_1 = arith.constant 0 : i32
    %dma_start3A_2 = arith.constant 0 : i32
    %dma_start3A_3 = arith.constant 0 : i32
    %dma_start3A_4 = tpu.memref_slice %arg6[%dma_start3A_1, %dma_start3A_3] : memref<4x40xi32, #tpu.memory_space<vmem>> -> memref<1x40xi32, #tpu.memory_space<vmem>>
    %dma_start3A_5 = tpu.memref_squeeze %dma_start3A_4 : memref<1x40xi32, #tpu.memory_space<vmem>> -> memref<40xi32, #tpu.memory_space<vmem>>
    %dma_start3A_6 = arith.constant 0 : i32
    %dma_start3A_7 = tpu.memref_slice %arg3[%add3A, %dma_start3A, %dma_start3A_6] : memref<32x250x40xi32, #tpu.memory_space<hbm>> -> memref<1x1x40xi32, #tpu.memory_space<hbm>>
    %dma_start3A_8 = tpu.memref_squeeze %dma_start3A_7 : memref<1x1x40xi32, #tpu.memory_space<hbm>> -> memref<40xi32, #tpu.memory_space<hbm>>
    %dma_start3A_9 = tpu.memref_slice %arg10[%dma_start3A_2] : memref<4x!tpu.dma_semaphore, #tpu.memory_space<semaphore_mem>> -> memref<1x!tpu.dma_semaphore, #tpu.memory_space<semaphore_mem>>
    %dma_start3A_10 = tpu.memref_squeeze %dma_start3A_9 : memref<1x!tpu.dma_semaphore, #tpu.memory_space<semaphore_mem>> -> memref<!tpu.dma_semaphore, #tpu.memory_space<semaphore_mem>>
    %dma_start3A_11 = arith.constant 0 : i32
    %dma_start3A_12 = tpu.memref_slice %arg6[%dma_start3A_1, %dma_start3A_11] : memref<4x40xi32, #tpu.memory_space<vmem>> -> memref<1x40xi32, #tpu.memory_space<vmem>>
    %dma_start3A_13 = tpu.memref_squeeze %dma_start3A_12 : memref<1x40xi32, #tpu.memory_space<vmem>> -> memref<40xi32, #tpu.memory_space<vmem>>
    %dma_start3A_14 = arith.constant 0 : i32
    %dma_start3A_15 = tpu.memref_slice %arg3[%add3A, %dma_start3A, %dma_start3A_14] : memref<32x250x40xi32, #tpu.memory_space<hbm>> -> memref<1x1x40xi32, #tpu.memory_space<hbm>>
    %dma_start3A_16 = tpu.memref_squeeze %dma_start3A_15 : memref<1x1x40xi32, #tpu.memory_space<hbm>> -> memref<40xi32, #tpu.memory_space<hbm>>
    tpu.enqueue_dma source(%dma_start3A_16 : memref<40xi32, #tpu.memory_space<hbm>>) target(%dma_start3A_13 : memref<40xi32, #tpu.memory_space<vmem>>) target_semaphore(%dma_start3A_10 : memref<!tpu.dma_semaphore, #tpu.memory_space<semaphore_mem>>)
    %dma_start3A_17 = arith.constant 0 : i32
    %dma_start3A_18 = arith.constant 0 : i32
    %dma_start3A_19 = arith.constant 0 : i32
    %dma_start3A_20 = arith.constant 0 : i32
    %dma_start3A_21 = tpu.memref_slice %arg7[%dma_start3A_18, %dma_start3A_20] : memref<4x40xi32, #tpu.memory_space<vmem>> -> memref<1x40xi32, #tpu.memory_space<vmem>>
    %dma_start3A_22 = tpu.memref_squeeze %dma_start3A_21 : memref<1x40xi32, #tpu.memory_space<vmem>> -> memref<40xi32, #tpu.memory_space<vmem>>
    %dma_start3A_23 = arith.constant 0 : i32
    %dma_start3A_24 = tpu.memref_slice %arg4[%add3A, %dma_start3A_17, %dma_start3A_23] : memref<32x250x40xi32, #tpu.memory_space<hbm>> -> memref<1x1x40xi32, #tpu.memory_space<hbm>>
    %dma_start3A_25 = tpu.memref_squeeze %dma_start3A_24 : memref<1x1x40xi32, #tpu.memory_space<hbm>> -> memref<40xi32, #tpu.memory_space<hbm>>
    %dma_start3A_26 = tpu.memref_slice %arg11[%dma_start3A_19] : memref<4x!tpu.dma_semaphore, #tpu.memory_space<semaphore_mem>> -> memref<1x!tpu.dma_semaphore, #tpu.memory_space<semaphore_mem>>
    %dma_start3A_27 = tpu.memref_squeeze %dma_start3A_26 : memref<1x!tpu.dma_semaphore, #tpu.memory_space<semaphore_mem>> -> memref<!tpu.dma_semaphore, #tpu.memory_space<semaphore_mem>>
    %dma_start3A_28 = arith.constant 0 : i32
    %dma_start3A_29 = tpu.memref_slice %arg7[%dma_start3A_18, %dma_start3A_28] : memref<4x40xi32, #tpu.memory_space<vmem>> -> memref<1x40xi32, #tpu.memory_space<vmem>>
    %dma_start3A_30 = tpu.memref_squeeze %dma_start3A_29 : memref<1x40xi32, #tpu.memory_space<vmem>> -> memref<40xi32, #tpu.memory_space<vmem>>
    %dma_start3A_31 = arith.constant 0 : i32
    %dma_start3A_32 = tpu.memref_slice %arg4[%add3A, %dma_start3A_17, %dma_start3A_31] : memref<32x250x40xi32, #tpu.memory_space<hbm>> -> memref<1x1x40xi32, #tpu.memory_space<hbm>>
    %dma_start3A_33 = tpu.memref_squeeze %dma_start3A_32 : memref<1x1x40xi32, #tpu.memory_space<hbm>> -> memref<40xi32, #tpu.memory_space<hbm>>
    tpu.enqueue_dma source(%dma_start3A_33 : memref<40xi32, #tpu.memory_space<hbm>>) target(%dma_start3A_30 : memref<40xi32, #tpu.memory_space<vmem>>) target_semaphore(%dma_start3A_27 : memref<!tpu.dma_semaphore, #tpu.memory_space<semaphore_mem>>)
    %dma_start3A_34 = arith.constant 1 : i32
    %dma_start3A_35 = arith.constant 1 : i32
    %dma_start3A_36 = arith.constant 1 : i32
    %dma_start3A_37 = arith.constant 0 : i32
    %dma_start3A_38 = tpu.memref_slice %arg6[%dma_start3A_35, %dma_start3A_37] : memref<4x40xi32, #tpu.memory_space<vmem>> -> memref<1x40xi32, #tpu.memory_space<vmem>>
    %dma_start3A_39 = tpu.memref_squeeze %dma_start3A_38 : memref<1x40xi32, #tpu.memory_space<vmem>> -> memref<40xi32, #tpu.memory_space<vmem>>
    %dma_start3A_40 = arith.constant 0 : i32
    %dma_start3A_41 = tpu.memref_slice %arg3[%add3A, %dma_start3A_34, %dma_start3A_40] : memref<32x250x40xi32, #tpu.memory_space<hbm>> -> memref<1x1x40xi32, #tpu.memory_space<hbm>>
    %dma_start3A_42 = tpu.memref_squeeze %dma_start3A_41 : memref<1x1x40xi32, #tpu.memory_space<hbm>> -> memref<40xi32, #tpu.memory_space<hbm>>
    %dma_start3A_43 = tpu.memref_slice %arg10[%dma_start3A_36] : memref<4x!tpu.dma_semaphore, #tpu.memory_space<semaphore_mem>> -> memref<1x!tpu.dma_semaphore, #tpu.memory_space<semaphore_mem>>
    %dma_start3A_44 = tpu.memref_squeeze %dma_start3A_43 : memref<1x!tpu.dma_semaphore, #tpu.memory_space<semaphore_mem>> -> memref<!tpu.dma_semaphore, #tpu.memory_space<semaphore_mem>>
    %dma_start3A_45 = arith.constant 0 : i32
    %dma_start3A_46 = tpu.memref_slice %arg6[%dma_start3A_35, %dma_start3A_45] : memref<4x40xi32, #tpu.memory_space<vmem>> -> memref<1x40xi32, #tpu.memory_space<vmem>>
    %dma_start3A_47 = tpu.memref_squeeze %dma_start3A_46 : memref<1x40xi32, #tpu.memory_space<vmem>> -> memref<40xi32, #tpu.memory_space<vmem>>
    %dma_start3A_48 = arith.constant 0 : i32
    %dma_start3A_49 = tpu.memref_slice %arg3[%add3A, %dma_start3A_34, %dma_start3A_48] : memref<32x250x40xi32, #tpu.memory_space<hbm>> -> memref<1x1x40xi32, #tpu.memory_space<hbm>>
    %dma_start3A_50 = tpu.memref_squeeze %dma_start3A_49 : memref<1x1x40xi32, #tpu.memory_space<hbm>> -> memref<40xi32, #tpu.memory_space<hbm>>
    tpu.enqueue_dma source(%dma_start3A_50 : memref<40xi32, #tpu.memory_space<hbm>>) target(%dma_start3A_47 : memref<40xi32, #tpu.memory_space<vmem>>) target_semaphore(%dma_start3A_44 : memref<!tpu.dma_semaphore, #tpu.memory_space<semaphore_mem>>)
    %dma_start3A_51 = arith.constant 1 : i32
    %dma_start3A_52 = arith.constant 1 : i32
    %dma_start3A_53 = arith.constant 1 : i32
    %dma_start3A_54 = arith.constant 0 : i32
    %dma_start3A_55 = tpu.memref_slice %arg7[%dma_start3A_52, %dma_start3A_54] : memref<4x40xi32, #tpu.memory_space<vmem>> -> memref<1x40xi32, #tpu.memory_space<vmem>>
    %dma_start3A_56 = tpu.memref_squeeze %dma_start3A_55 : memref<1x40xi32, #tpu.memory_space<vmem>> -> memref<40xi32, #tpu.memory_space<vmem>>
    %dma_start3A_57 = arith.constant 0 : i32
    %dma_start3A_58 = tpu.memref_slice %arg4[%add3A, %dma_start3A_51, %dma_start3A_57] : memref<32x250x40xi32, #tpu.memory_space<hbm>> -> memref<1x1x40xi32, #tpu.memory_space<hbm>>
    %dma_start3A_59 = tpu.memref_squeeze %dma_start3A_58 : memref<1x1x40xi32, #tpu.memory_space<hbm>> -> memref<40xi32, #tpu.memory_space<hbm>>
    %dma_start3A_60 = tpu.memref_slice %arg11[%dma_start3A_53] : memref<4x!tpu.dma_semaphore, #tpu.memory_space<semaphore_mem>> -> memref<1x!tpu.dma_semaphore, #tpu.memory_space<semaphore_mem>>
    %dma_start3A_61 = tpu.memref_squeeze %dma_start3A_60 : memref<1x!tpu.dma_semaphore, #tpu.memory_space<semaphore_mem>> -> memref<!tpu.dma_semaphore, #tpu.memory_space<semaphore_mem>>
    %dma_start3A_62 = arith.constant 0 : i32
    %dma_start3A_63 = tpu.memref_slice %arg7[%dma_start3A_52, %dma_start3A_62] : memref<4x40xi32, #tpu.memory_space<vmem>> -> memref<1x40xi32, #tpu.memory_space<vmem>>
    %dma_start3A_64 = tpu.memref_squeeze %dma_start3A_63 : memref<1x40xi32, #tpu.memory_space<vmem>> -> memref<40xi32, #tpu.memory_space<vmem>>
    %dma_start3A_65 = arith.constant 0 : i32
    %dma_start3A_66 = tpu.memref_slice %arg4[%add3A, %dma_start3A_51, %dma_start3A_65] : memref<32x250x40xi32, #tpu.memory_space<hbm>> -> memref<1x1x40xi32, #tpu.memory_space<hbm>>
    %dma_start3A_67 = tpu.memref_squeeze %dma_start3A_66 : memref<1x1x40xi32, #tpu.memory_space<hbm>> -> memref<40xi32, #tpu.memory_space<hbm>>
    tpu.enqueue_dma source(%dma_start3A_67 : memref<40xi32, #tpu.memory_space<hbm>>) target(%dma_start3A_64 : memref<40xi32, #tpu.memory_space<vmem>>) target_semaphore(%dma_start3A_61 : memref<!tpu.dma_semaphore, #tpu.memory_space<semaphore_mem>>)
    %dma_start3A_68 = arith.constant 2 : i32
    %dma_start3A_69 = arith.constant 2 : i32
    %dma_start3A_70 = arith.constant 2 : i32
    %dma_start3A_71 = arith.constant 0 : i32
    %dma_start3A_72 = tpu.memref_slice %arg6[%dma_start3A_69, %dma_start3A_71] : memref<4x40xi32, #tpu.memory_space<vmem>> -> memref<1x40xi32, #tpu.memory_space<vmem>>
    %dma_start3A_73 = tpu.memref_squeeze %dma_start3A_72 : memref<1x40xi32, #tpu.memory_space<vmem>> -> memref<40xi32, #tpu.memory_space<vmem>>
    %dma_start3A_74 = arith.constant 0 : i32
    %dma_start3A_75 = tpu.memref_slice %arg3[%add3A, %dma_start3A_68, %dma_start3A_74] : memref<32x250x40xi32, #tpu.memory_space<hbm>> -> memref<1x1x40xi32, #tpu.memory_space<hbm>>
    %dma_start3A_76 = tpu.memref_squeeze %dma_start3A_75 : memref<1x1x40xi32, #tpu.memory_space<hbm>> -> memref<40xi32, #tpu.memory_space<hbm>>
    %dma_start3A_77 = tpu.memref_slice %arg10[%dma_start3A_70] : memref<4x!tpu.dma_semaphore, #tpu.memory_space<semaphore_mem>> -> memref<1x!tpu.dma_semaphore, #tpu.memory_space<semaphore_mem>>
    %dma_start3A_78 = tpu.memref_squeeze %dma_start3A_77 : memref<1x!tpu.dma_semaphore, #tpu.memory_space<semaphore_mem>> -> memref<!tpu.dma_semaphore, #tpu.memory_space<semaphore_mem>>
    %dma_start3A_79 = arith.constant 0 : i32
    %dma_start3A_80 = tpu.memref_slice %arg6[%dma_start3A_69, %dma_start3A_79] : memref<4x40xi32, #tpu.memory_space<vmem>> -> memref<1x40xi32, #tpu.memory_space<vmem>>
    %dma_start3A_81 = tpu.memref_squeeze %dma_start3A_80 : memref<1x40xi32, #tpu.memory_space<vmem>> -> memref<40xi32, #tpu.memory_space<vmem>>
    %dma_start3A_82 = arith.constant 0 : i32
    %dma_start3A_83 = tpu.memref_slice %arg3[%add3A, %dma_start3A_68, %dma_start3A_82] : memref<32x250x40xi32, #tpu.memory_space<hbm>> -> memref<1x1x40xi32, #tpu.memory_space<hbm>>
    %dma_start3A_84 = tpu.memref_squeeze %dma_start3A_83 : memref<1x1x40xi32, #tpu.memory_space<hbm>> -> memref<40xi32, #tpu.memory_space<hbm>>
    tpu.enqueue_dma source(%dma_start3A_84 : memref<40xi32, #tpu.memory_space<hbm>>) target(%dma_start3A_81 : memref<40xi32, #tpu.memory_space<vmem>>) target_semaphore(%dma_start3A_78 : memref<!tpu.dma_semaphore, #tpu.memory_space<semaphore_mem>>)
    %dma_start3A_85 = arith.constant 2 : i32
    %dma_start3A_86 = arith.constant 2 : i32
    %dma_start3A_87 = arith.constant 2 : i32
    %dma_start3A_88 = arith.constant 0 : i32
    %dma_start3A_89 = tpu.memref_slice %arg7[%dma_start3A_86, %dma_start3A_88] : memref<4x40xi32, #tpu.memory_space<vmem>> -> memref<1x40xi32, #tpu.memory_space<vmem>>
    %dma_start3A_90 = tpu.memref_squeeze %dma_start3A_89 : memref<1x40xi32, #tpu.memory_space<vmem>> -> memref<40xi32, #tpu.memory_space<vmem>>
    %dma_start3A_91 = arith.constant 0 : i32
    %dma_start3A_92 = tpu.memref_slice %arg4[%add3A, %dma_start3A_85, %dma_start3A_91] : memref<32x250x40xi32, #tpu.memory_space<hbm>> -> memref<1x1x40xi32, #tpu.memory_space<hbm>>
    %dma_start3A_93 = tpu.memref_squeeze %dma_start3A_92 : memref<1x1x40xi32, #tpu.memory_space<hbm>> -> memref<40xi32, #tpu.memory_space<hbm>>
    %dma_start3A_94 = tpu.memref_slice %arg11[%dma_start3A_87] : memref<4x!tpu.dma_semaphore, #tpu.memory_space<semaphore_mem>> -> memref<1x!tpu.dma_semaphore, #tpu.memory_space<semaphore_mem>>
    %dma_start3A_95 = tpu.memref_squeeze %dma_start3A_94 : memref<1x!tpu.dma_semaphore, #tpu.memory_space<semaphore_mem>> -> memref<!tpu.dma_semaphore, #tpu.memory_space<semaphore_mem>>
    %dma_start3A_96 = arith.constant 0 : i32
    %dma_start3A_97 = tpu.memref_slice %arg7[%dma_start3A_86, %dma_start3A_96] : memref<4x40xi32, #tpu.memory_space<vmem>> -> memref<1x40xi32, #tpu.memory_space<vmem>>
    %dma_start3A_98 = tpu.memref_squeeze %dma_start3A_97 : memref<1x40xi32, #tpu.memory_space<vmem>> -> memref<40xi32, #tpu.memory_space<vmem>>
    %dma_start3A_99 = arith.constant 0 : i32
    %dma_start3A_100 = tpu.memref_slice %arg4[%add3A, %dma_start3A_85, %dma_start3A_99] : memref<32x250x40xi32, #tpu.memory_space<hbm>> -> memref<1x1x40xi32, #tpu.memory_space<hbm>>
    %dma_start3A_101 = tpu.memref_squeeze %dma_start3A_100 : memref<1x1x40xi32, #tpu.memory_space<hbm>> -> memref<40xi32, #tpu.memory_space<hbm>>
    tpu.enqueue_dma source(%dma_start3A_101 : memref<40xi32, #tpu.memory_space<hbm>>) target(%dma_start3A_98 : memref<40xi32, #tpu.memory_space<vmem>>) target_semaphore(%dma_start3A_95 : memref<!tpu.dma_semaphore, #tpu.memory_space<semaphore_mem>>)
    %dma_start3A_102 = arith.constant 3 : i32
    %dma_start3A_103 = arith.constant 3 : i32
    %dma_start3A_104 = arith.constant 3 : i32
    %dma_start3A_105 = arith.constant 0 : i32
    %dma_start3A_106 = tpu.memref_slice %arg6[%dma_start3A_103, %dma_start3A_105] : memref<4x40xi32, #tpu.memory_space<vmem>> -> memref<1x40xi32, #tpu.memory_space<vmem>>
    %dma_start3A_107 = tpu.memref_squeeze %dma_start3A_106 : memref<1x40xi32, #tpu.memory_space<vmem>> -> memref<40xi32, #tpu.memory_space<vmem>>
    %dma_start3A_108 = arith.constant 0 : i32
    %dma_start3A_109 = tpu.memref_slice %arg3[%add3A, %dma_start3A_102, %dma_start3A_108] : memref<32x250x40xi32, #tpu.memory_space<hbm>> -> memref<1x1x40xi32, #tpu.memory_space<hbm>>
    %dma_start3A_110 = tpu.memref_squeeze %dma_start3A_109 : memref<1x1x40xi32, #tpu.memory_space<hbm>> -> memref<40xi32, #tpu.memory_space<hbm>>
    %dma_start3A_111 = tpu.memref_slice %arg10[%dma_start3A_104] : memref<4x!tpu.dma_semaphore, #tpu.memory_space<semaphore_mem>> -> memref<1x!tpu.dma_semaphore, #tpu.memory_space<semaphore_mem>>
    %dma_start3A_112 = tpu.memref_squeeze %dma_start3A_111 : memref<1x!tpu.dma_semaphore, #tpu.memory_space<semaphore_mem>> -> memref<!tpu.dma_semaphore, #tpu.memory_space<semaphore_mem>>
    %dma_start3A_113 = arith.constant 0 : i32
    %dma_start3A_114 = tpu.memref_slice %arg6[%dma_start3A_103, %dma_start3A_113] : memref<4x40xi32, #tpu.memory_space<vmem>> -> memref<1x40xi32, #tpu.memory_space<vmem>>
    %dma_start3A_115 = tpu.memref_squeeze %dma_start3A_114 : memref<1x40xi32, #tpu.memory_space<vmem>> -> memref<40xi32, #tpu.memory_space<vmem>>
    %dma_start3A_116 = arith.constant 0 : i32
    %dma_start3A_117 = tpu.memref_slice %arg3[%add3A, %dma_start3A_102, %dma_start3A_116] : memref<32x250x40xi32, #tpu.memory_space<hbm>> -> memref<1x1x40xi32, #tpu.memory_space<hbm>>
    %dma_start3A_118 = tpu.memref_squeeze %dma_start3A_117 : memref<1x1x40xi32, #tpu.memory_space<hbm>> -> memref<40xi32, #tpu.memory_space<hbm>>
    tpu.enqueue_dma source(%dma_start3A_118 : memref<40xi32, #tpu.memory_space<hbm>>) target(%dma_start3A_115 : memref<40xi32, #tpu.memory_space<vmem>>) target_semaphore(%dma_start3A_112 : memref<!tpu.dma_semaphore, #tpu.memory_space<semaphore_mem>>)
    %dma_start3A_119 = arith.constant 3 : i32
    %dma_start3A_120 = arith.constant 3 : i32
    %dma_start3A_121 = arith.constant 3 : i32
    %dma_start3A_122 = arith.constant 0 : i32
    %dma_start3A_123 = tpu.memref_slice %arg7[%dma_start3A_120, %dma_start3A_122] : memref<4x40xi32, #tpu.memory_space<vmem>> -> memref<1x40xi32, #tpu.memory_space<vmem>>
    %dma_start3A_124 = tpu.memref_squeeze %dma_start3A_123 : memref<1x40xi32, #tpu.memory_space<vmem>> -> memref<40xi32, #tpu.memory_space<vmem>>
    %dma_start3A_125 = arith.constant 0 : i32
    %dma_start3A_126 = tpu.memref_slice %arg4[%add3A, %dma_start3A_119, %dma_start3A_125] : memref<32x250x40xi32, #tpu.memory_space<hbm>> -> memref<1x1x40xi32, #tpu.memory_space<hbm>>
    %dma_start3A_127 = tpu.memref_squeeze %dma_start3A_126 : memref<1x1x40xi32, #tpu.memory_space<hbm>> -> memref<40xi32, #tpu.memory_space<hbm>>
    %dma_start3A_128 = tpu.memref_slice %arg11[%dma_start3A_121] : memref<4x!tpu.dma_semaphore, #tpu.memory_space<semaphore_mem>> -> memref<1x!tpu.dma_semaphore, #tpu.memory_space<semaphore_mem>>
    %dma_start3A_129 = tpu.memref_squeeze %dma_start3A_128 : memref<1x!tpu.dma_semaphore, #tpu.memory_space<semaphore_mem>> -> memref<!tpu.dma_semaphore, #tpu.memory_space<semaphore_mem>>
    %dma_start3A_130 = arith.constant 0 : i32
    %dma_start3A_131 = tpu.memref_slice %arg7[%dma_start3A_120, %dma_start3A_130] : memref<4x40xi32, #tpu.memory_space<vmem>> -> memref<1x40xi32, #tpu.memory_space<vmem>>
    %dma_start3A_132 = tpu.memref_squeeze %dma_start3A_131 : memref<1x40xi32, #tpu.memory_space<vmem>> -> memref<40xi32, #tpu.memory_space<vmem>>
    %dma_start3A_133 = arith.constant 0 : i32
    %dma_start3A_134 = tpu.memref_slice %arg4[%add3A, %dma_start3A_119, %dma_start3A_133] : memref<32x250x40xi32, #tpu.memory_space<hbm>> -> memref<1x1x40xi32, #tpu.memory_space<hbm>>
    %dma_start3A_135 = tpu.memref_squeeze %dma_start3A_134 : memref<1x1x40xi32, #tpu.memory_space<hbm>> -> memref<40xi32, #tpu.memory_space<hbm>>
    tpu.enqueue_dma source(%dma_start3A_135 : memref<40xi32, #tpu.memory_space<hbm>>) target(%dma_start3A_132 : memref<40xi32, #tpu.memory_space<vmem>>) target_semaphore(%dma_start3A_129 : memref<!tpu.dma_semaphore, #tpu.memory_space<semaphore_mem>>)
    %scan3A = arith.constant 0 : i32
    %scan3A_136 = arith.constant 0 : i32
    %scan3A_137 = arith.constant 320 : i32
    %scan3A_138 = arith.addi %scan3A_136, %scan3A_137 : i32
    %scan3A_139 = arith.constant 1 : i32
    scf.for %scan3A_479 = %scan3A_136 to %scan3A_138 step %scan3A_139  : i32 {
      %broadcast_in_dim3A = arith.constant 0.000000e+00 : f32
      %broadcast_in_dim3A_480 = vector.broadcast %broadcast_in_dim3A : f32 to vector<16xf32>
      %jit3A = arith.constant 8 : i32
      %div3A = arith.divsi %scan3A_479, %jit3A : i32
      %sign3A = arith.constant 0 : i32
      %sign3A_481 = arith.cmpi sgt, %scan3A_479, %sign3A : i32
      %sign3A_482 = arith.extui %sign3A_481 : i1 to i32
      %sign3A_483 = arith.constant 0 : i32
      %sign3A_484 = arith.cmpi slt, %scan3A_479, %sign3A_483 : i32
      %sign3A_485 = arith.extui %sign3A_484 : i1 to i32
      %sign3A_486 = arith.subi %sign3A_482, %sign3A_485 : i32
      %sign3A_487 = arith.constant 0 : i32
      %sign3A_488 = arith.cmpi sgt, %jit3A, %sign3A_487 : i32
      %sign3A_489 = arith.extui %sign3A_488 : i1 to i32
      %sign3A_490 = arith.constant 0 : i32
      %sign3A_491 = arith.cmpi slt, %jit3A, %sign3A_490 : i32
      %sign3A_492 = arith.extui %sign3A_491 : i1 to i32
      %sign3A_493 = arith.subi %sign3A_489, %sign3A_492 : i32
      %ne3A = arith.cmpi ne, %sign3A_486, %sign3A_493 : i32
      %rem3A = arith.remsi %scan3A_479, %jit3A : i32
      %ne3A_494 = arith.constant 0 : i32
      %ne3A_495 = arith.cmpi ne, %rem3A, %ne3A_494 : i32
      %and3A = arith.andi %ne3A, %ne3A_495 : i1
      %sub3A = arith.constant 1 : i32
      %sub3A_496 = arith.subi %div3A, %sub3A : i32
      %select_n3A = arith.select %and3A, %sub3A_496, %div3A : i32
      %jit3A_497 = arith.constant 8 : i32
      %eq3A = arith.constant 0 : i32
      %eq3A_498 = arith.cmpi eq, %jit3A_497, %eq3A : i32
      %jit3A_499 = arith.constant 1 : i32
      %select_n3A_500 = arith.select %eq3A_498, %jit3A_499, %jit3A_497 : i32
      %rem3A_501 = arith.remsi %scan3A_479, %select_n3A_500 : i32
      %ne3A_502 = arith.constant 0 : i32
      %ne3A_503 = arith.cmpi ne, %rem3A_501, %ne3A_502 : i32
      %lt3A = arith.constant 0 : i32
      %lt3A_504 = arith.cmpi slt, %rem3A_501, %lt3A : i32
      %lt3A_505 = arith.constant 0 : i32
      %lt3A_506 = arith.cmpi slt, %select_n3A_500, %lt3A_505 : i32
      %ne3A_507 = arith.xori %lt3A_504, %lt3A_506 : i1
      %and3A_508 = arith.andi %ne3A_507, %ne3A_503 : i1
      %add3A_509 = arith.addi %rem3A_501, %select_n3A_500 : i32
      %select_n3A_510 = arith.select %and3A_508, %add3A_509, %rem3A_501 : i32
      %mul3A_511 = arith.constant 16 : i32
      %mul3A_512 = arith.muli %select_n3A_510, %mul3A_511 : i32
      %swap3A = arith.constant 0 : i32
      %swap3A_513 = arith.index_cast %swap3A : i32 to index
      %swap3A_514 = arith.index_cast %select_n3A : i32 to index
      %swap3A_515 = arith.index_cast %mul3A_512 : i32 to index
      %swap3A_516 = tpu.vector_load %arg8[%swap3A_513, %swap3A_514, %swap3A_515] {strides = array<i32>} : memref<4x40x128xf32, #tpu.memory_space<vmem>>, vector<1x1x16xf32>,
      %swap3A_517 = vector.shape_cast %swap3A_516 : vector<1x1x16xf32> to vector<16xf32>
      %swap3A_518 = vector.shape_cast %broadcast_in_dim3A_480 : vector<16xf32> to vector<1x1x16xf32>
      tpu.vector_store %arg8[%swap3A_513, %swap3A_514, %swap3A_515], %swap3A_518 {strides = array<i32>} : memref<4x40x128xf32, #tpu.memory_space<vmem>>, vector<1x1x16xf32>,
    }
    %scan3A_140 = arith.constant 320 : i32
    %scan3A_141 = arith.constant 0 : i32
    %scan3A_142 = arith.constant 0 : i32
    %scan3A_143 = arith.constant 16 : i32
    %scan3A_144 = arith.addi %scan3A_142, %scan3A_143 : i32
    %scan3A_145 = arith.constant 1 : i32
    scf.for %scan3A_479 = %scan3A_142 to %scan3A_144 step %scan3A_145  : i32 {
      %mul3A_480 = arith.constant 640 : i32
      %mul3A_481 = arith.muli %arg1, %mul3A_480 : i32
      %mul3A_482 = arith.constant 40 : i32
      %mul3A_483 = arith.muli %scan3A_479, %mul3A_482 : i32
      %add3A_484 = arith.addi %mul3A_481, %mul3A_483 : i32
      %dma_start3A_485 = arith.constant 0 : i32
      %dma_start3A_486 = arith.constant 0 : i32
      %dma_start3A_487 = arith.constant 0 : i32
      %dma_start3A_488 = arith.constant 0 : i32
      %dma_start3A_489 = tpu.memref_slice %arg8[%dma_start3A_485, %dma_start3A_487, %dma_start3A_488] : memref<4x40x128xf32, #tpu.memory_space<vmem>> -> memref<1x40x128xf32, #tpu.memory_space<vmem>>
      %dma_start3A_490 = tpu.memref_squeeze %dma_start3A_489 : memref<1x40x128xf32, #tpu.memory_space<vmem>> -> memref<40x128xf32, #tpu.memory_space<vmem>>
      %dma_start3A_491 = arith.constant 0 : i32
      %dma_start3A_492 = tpu.memref_slice %arg9[%add3A_484, %dma_start3A_491] : memref<10240x128xf32, #tpu.memory_space<vmem_shared>> -> memref<40x128xf32, #tpu.memory_space<vmem_shared>>
      %dma_start3A_493 = tpu.memref_slice %arg13[%dma_start3A_486] : memref<4x!tpu.dma_semaphore, #tpu.memory_space<semaphore_mem>> -> memref<1x!tpu.dma_semaphore, #tpu.memory_space<semaphore_mem>>
      %dma_start3A_494 = tpu.memref_squeeze %dma_start3A_493 : memref<1x!tpu.dma_semaphore, #tpu.memory_space<semaphore_mem>> -> memref<!tpu.dma_semaphore, #tpu.memory_space<semaphore_mem>>
      %dma_start3A_495 = arith.constant 0 : i32
      %dma_start3A_496 = tpu.memref_slice %arg9[%add3A_484, %dma_start3A_495] : memref<10240x128xf32, #tpu.memory_space<vmem_shared>> -> memref<40x128xf32, #tpu.memory_space<vmem_shared>>
      %dma_start3A_497 = arith.constant 0 : i32
      %dma_start3A_498 = arith.constant 0 : i32
      %dma_start3A_499 = tpu.memref_slice %arg8[%dma_start3A_485, %dma_start3A_497, %dma_start3A_498] : memref<4x40x128xf32, #tpu.memory_space<vmem>> -> memref<1x40x128xf32, #tpu.memory_space<vmem>>
      %dma_start3A_500 = tpu.memref_squeeze %dma_start3A_499 : memref<1x40x128xf32, #tpu.memory_space<vmem>> -> memref<40x128xf32, #tpu.memory_space<vmem>>
      tpu.enqueue_dma source(%dma_start3A_500 : memref<40x128xf32, #tpu.memory_space<vmem>>) target(%dma_start3A_496 : memref<40x128xf32, #tpu.memory_space<vmem_shared>>) target_semaphore(%dma_start3A_494 : memref<!tpu.dma_semaphore, #tpu.memory_space<semaphore_mem>>)
    }
    %scan3A_146 = arith.constant 16 : i32
    %scan3A_147 = arith.constant 0 : i32
    %scan3A_148 = arith.constant 0 : i32
    %scan3A_149 = arith.constant 16 : i32
    %scan3A_150 = arith.addi %scan3A_148, %scan3A_149 : i32
    %scan3A_151 = arith.constant 1 : i32
    scf.for %scan3A_479 = %scan3A_148 to %scan3A_150 step %scan3A_151  : i32 {
      %mul3A_480 = arith.constant 640 : i32
      %mul3A_481 = arith.muli %arg1, %mul3A_480 : i32
      %mul3A_482 = arith.constant 40 : i32
      %mul3A_483 = arith.muli %scan3A_479, %mul3A_482 : i32
      %add3A_484 = arith.addi %mul3A_481, %mul3A_483 : i32
      %dma_wait3A_485 = arith.constant 0 : i32
      %dma_wait3A_486 = arith.constant 0 : i32
      %dma_wait3A_487 = arith.constant 0 : i32
      %dma_wait3A_488 = arith.constant 0 : i32
      %dma_wait3A_489 = tpu.memref_slice %arg8[%dma_wait3A_485, %dma_wait3A_487, %dma_wait3A_488] : memref<4x40x128xf32, #tpu.memory_space<vmem>> -> memref<1x40x128xf32, #tpu.memory_space<vmem>>
      %dma_wait3A_490 = tpu.memref_squeeze %dma_wait3A_489 : memref<1x40x128xf32, #tpu.memory_space<vmem>> -> memref<40x128xf32, #tpu.memory_space<vmem>>
      %dma_wait3A_491 = arith.constant 0 : i32
      %dma_wait3A_492 = tpu.memref_slice %arg9[%add3A_484, %dma_wait3A_491] : memref<10240x128xf32, #tpu.memory_space<vmem_shared>> -> memref<40x128xf32, #tpu.memory_space<vmem_shared>>
      %dma_wait3A_493 = tpu.memref_slice %arg13[%dma_wait3A_486] : memref<4x!tpu.dma_semaphore, #tpu.memory_space<semaphore_mem>> -> memref<1x!tpu.dma_semaphore, #tpu.memory_space<semaphore_mem>>
      %dma_wait3A_494 = tpu.memref_squeeze %dma_wait3A_493 : memref<1x!tpu.dma_semaphore, #tpu.memory_space<semaphore_mem>> -> memref<!tpu.dma_semaphore, #tpu.memory_space<semaphore_mem>>
      %dma_wait3A_495 = arith.constant 0 : i32
      %dma_wait3A_496 = tpu.memref_slice %arg9[%add3A_484, %dma_wait3A_495] : memref<10240x128xf32, #tpu.memory_space<vmem_shared>> -> memref<40x128xf32, #tpu.memory_space<vmem_shared>>
      %dma_wait3A_497 = arith.constant 0 : i32
      %dma_wait3A_498 = arith.constant 0 : i32
      %dma_wait3A_499 = tpu.memref_slice %arg8[%dma_wait3A_485, %dma_wait3A_497, %dma_wait3A_498] : memref<4x40x128xf32, #tpu.memory_space<vmem>> -> memref<1x40x128xf32, #tpu.memory_space<vmem>>
      %dma_wait3A_500 = tpu.memref_squeeze %dma_wait3A_499 : memref<1x40x128xf32, #tpu.memory_space<vmem>> -> memref<40x128xf32, #tpu.memory_space<vmem>>
      tpu.wait_dma2 semaphore(%dma_wait3A_494 : memref<!tpu.dma_semaphore, #tpu.memory_space<semaphore_mem>>) src(%dma_wait3A_500 : memref<40x128xf32, #tpu.memory_space<vmem>>) dst(%dma_wait3A_496 : memref<40x128xf32, #tpu.memory_space<vmem_shared>>)
    }
    %scan3A_152 = arith.constant 16 : i32
    %barrier3A = arith.constant 0 : index
    tpu.barrier barrier_id(%barrier3A)
    %scan3A_153 = arith.constant 0 : i32
    %scan3A_154 = arith.constant 0 : i32
    %scan3A_155 = arith.constant 62 : i32
    %scan3A_156 = arith.addi %scan3A_154, %scan3A_155 : i32
    %scan3A_157 = arith.constant 1 : i32
    scf.for %scan3A_479 = %scan3A_154 to %scan3A_156 step %scan3A_157  : i32 {
      %mul3A_480 = arith.constant 4 : i32
      %mul3A_481 = arith.muli %scan3A_479, %mul3A_480 : i32
      %gt3A = arith.constant 0 : i32
      %gt3A_482 = arith.cmpi sgt, %scan3A_479, %gt3A : i32
      %convert_element_type3A = arith.extui %gt3A_482 : i1 to i32
      %cond3A = arith.constant 0 : i32
      %cond3A_483 = arith.cmpi ne, %convert_element_type3A, %cond3A : i32
      scf.if %cond3A_483 {
        %dma_wait3A_850 = arith.constant 0 : i32
        %dma_wait3A_851 = arith.constant 0 : i32
        %dma_wait3A_852 = arith.constant 0 : i32
        %dma_wait3A_853 = arith.constant 0 : i32
        %dma_wait3A_854 = arith.constant 0 : i32
        %dma_wait3A_855 = tpu.memref_slice %arg8[%dma_wait3A_850, %dma_wait3A_853, %dma_wait3A_854] : memref<4x40x128xf32, #tpu.memory_space<vmem>> -> memref<1x40x128xf32, #tpu.memory_space<vmem>>
        %dma_wait3A_856 = tpu.memref_squeeze %dma_wait3A_855 : memref<1x40x128xf32, #tpu.memory_space<vmem>> -> memref<40x128xf32, #tpu.memory_space<vmem>>
        %dma_wait3A_857 = arith.constant 0 : i32
        %dma_wait3A_858 = tpu.memref_slice %arg7[%dma_wait3A_851, %dma_wait3A_857] : memref<4x40xi32, #tpu.memory_space<vmem>> -> memref<1x40xi32, #tpu.memory_space<vmem>>
        %dma_wait3A_859 = tpu.memref_squeeze %dma_wait3A_858 : memref<1x40xi32, #tpu.memory_space<vmem>> -> memref<40xi32, #tpu.memory_space<vmem>>
        %dma_wait3A_860 = arith.constant 0 : i32
        %dma_wait3A_861 = arith.constant 0 : i32
        %dma_wait3A_862 = tpu.memref_slice %arg9[%dma_wait3A_860, %dma_wait3A_861] : memref<10240x128xf32, #tpu.memory_space<vmem_shared>> -> memref<10240x128xf32, #tpu.memory_space<vmem_shared>>
        %dma_wait3A_863 = tpu.memref_slice %arg13[%dma_wait3A_852] : memref<4x!tpu.dma_semaphore, #tpu.memory_space<semaphore_mem>> -> memref<1x!tpu.dma_semaphore, #tpu.memory_space<semaphore_mem>>
        %dma_wait3A_864 = tpu.memref_squeeze %dma_wait3A_863 : memref<1x!tpu.dma_semaphore, #tpu.memory_space<semaphore_mem>> -> memref<!tpu.dma_semaphore, #tpu.memory_space<semaphore_mem>>
        tpu.wait_indirect_dma semaphore(%dma_wait3A_864 : memref<!tpu.dma_semaphore, #tpu.memory_space<semaphore_mem>>) src(%dma_wait3A_856 : memref<40x128xf32, #tpu.memory_space<vmem>>) dst(%dma_wait3A_862 : memref<10240x128xf32, #tpu.memory_space<vmem_shared>>)
        %add3A_865 = arith.constant 0 : i32
        %add3A_866 = arith.addi %mul3A_481, %add3A_865 : i32
        %dma_start3A_867 = arith.constant 0 : i32
        %dma_start3A_868 = arith.constant 0 : i32
        %dma_start3A_869 = arith.constant 0 : i32
        %dma_start3A_870 = tpu.memref_slice %arg7[%dma_start3A_867, %dma_start3A_869] : memref<4x40xi32, #tpu.memory_space<vmem>> -> memref<1x40xi32, #tpu.memory_space<vmem>>
        %dma_start3A_871 = tpu.memref_squeeze %dma_start3A_870 : memref<1x40xi32, #tpu.memory_space<vmem>> -> memref<40xi32, #tpu.memory_space<vmem>>
        %dma_start3A_872 = arith.constant 0 : i32
        %dma_start3A_873 = tpu.memref_slice %arg4[%add3A, %add3A_866, %dma_start3A_872] : memref<32x250x40xi32, #tpu.memory_space<hbm>> -> memref<1x1x40xi32, #tpu.memory_space<hbm>>
        %dma_start3A_874 = tpu.memref_squeeze %dma_start3A_873 : memref<1x1x40xi32, #tpu.memory_space<hbm>> -> memref<40xi32, #tpu.memory_space<hbm>>
        %dma_start3A_875 = tpu.memref_slice %arg11[%dma_start3A_868] : memref<4x!tpu.dma_semaphore, #tpu.memory_space<semaphore_mem>> -> memref<1x!tpu.dma_semaphore, #tpu.memory_space<semaphore_mem>>
        %dma_start3A_876 = tpu.memref_squeeze %dma_start3A_875 : memref<1x!tpu.dma_semaphore, #tpu.memory_space<semaphore_mem>> -> memref<!tpu.dma_semaphore, #tpu.memory_space<semaphore_mem>>
        %dma_start3A_877 = arith.constant 0 : i32
        %dma_start3A_878 = tpu.memref_slice %arg7[%dma_start3A_867, %dma_start3A_877] : memref<4x40xi32, #tpu.memory_space<vmem>> -> memref<1x40xi32, #tpu.memory_space<vmem>>
        %dma_start3A_879 = tpu.memref_squeeze %dma_start3A_878 : memref<1x40xi32, #tpu.memory_space<vmem>> -> memref<40xi32, #tpu.memory_space<vmem>>
        %dma_start3A_880 = arith.constant 0 : i32
        %dma_start3A_881 = tpu.memref_slice %arg4[%add3A, %add3A_866, %dma_start3A_880] : memref<32x250x40xi32, #tpu.memory_space<hbm>> -> memref<1x1x40xi32, #tpu.memory_space<hbm>>
        %dma_start3A_882 = tpu.memref_squeeze %dma_start3A_881 : memref<1x1x40xi32, #tpu.memory_space<hbm>> -> memref<40xi32, #tpu.memory_space<hbm>>
        tpu.enqueue_dma source(%dma_start3A_882 : memref<40xi32, #tpu.memory_space<hbm>>) target(%dma_start3A_879 : memref<40xi32, #tpu.memory_space<vmem>>) target_semaphore(%dma_start3A_876 : memref<!tpu.dma_semaphore, #tpu.memory_space<semaphore_mem>>)
      } else {
      }
      %add3A_484 = arith.constant 0 : i32
      %add3A_485 = arith.addi %mul3A_481, %add3A_484 : i32
      %dma_wait3A_486 = arith.constant 0 : i32
      %dma_wait3A_487 = arith.constant 0 : i32
      %dma_wait3A_488 = arith.constant 0 : i32
      %dma_wait3A_489 = tpu.memref_slice %arg6[%dma_wait3A_486, %dma_wait3A_488] : memref<4x40xi32, #tpu.memory_space<vmem>> -> memref<1x40xi32, #tpu.memory_space<vmem>>
      %dma_wait3A_490 = tpu.memref_squeeze %dma_wait3A_489 : memref<1x40xi32, #tpu.memory_space<vmem>> -> memref<40xi32, #tpu.memory_space<vmem>>
      %dma_wait3A_491 = arith.constant 0 : i32
      %dma_wait3A_492 = tpu.memref_slice %arg3[%add3A, %add3A_485, %dma_wait3A_491] : memref<32x250x40xi32, #tpu.memory_space<hbm>> -> memref<1x1x40xi32, #tpu.memory_space<hbm>>
      %dma_wait3A_493 = tpu.memref_squeeze %dma_wait3A_492 : memref<1x1x40xi32, #tpu.memory_space<hbm>> -> memref<40xi32, #tpu.memory_space<hbm>>
      %dma_wait3A_494 = tpu.memref_slice %arg10[%dma_wait3A_487] : memref<4x!tpu.dma_semaphore, #tpu.memory_space<semaphore_mem>> -> memref<1x!tpu.dma_semaphore, #tpu.memory_space<semaphore_mem>>
      %dma_wait3A_495 = tpu.memref_squeeze %dma_wait3A_494 : memref<1x!tpu.dma_semaphore, #tpu.memory_space<semaphore_mem>> -> memref<!tpu.dma_semaphore, #tpu.memory_space<semaphore_mem>>
      %dma_wait3A_496 = arith.constant 0 : i32
      %dma_wait3A_497 = tpu.memref_slice %arg6[%dma_wait3A_486, %dma_wait3A_496] : memref<4x40xi32, #tpu.memory_space<vmem>> -> memref<1x40xi32, #tpu.memory_space<vmem>>
      %dma_wait3A_498 = tpu.memref_squeeze %dma_wait3A_497 : memref<1x40xi32, #tpu.memory_space<vmem>> -> memref<40xi32, #tpu.memory_space<vmem>>
      %dma_wait3A_499 = arith.constant 0 : i32
      %dma_wait3A_500 = tpu.memref_slice %arg3[%add3A, %add3A_485, %dma_wait3A_499] : memref<32x250x40xi32, #tpu.memory_space<hbm>> -> memref<1x1x40xi32, #tpu.memory_space<hbm>>
      %dma_wait3A_501 = tpu.memref_squeeze %dma_wait3A_500 : memref<1x1x40xi32, #tpu.memory_space<hbm>> -> memref<40xi32, #tpu.memory_space<hbm>>
      tpu.wait_dma2 semaphore(%dma_wait3A_495 : memref<!tpu.dma_semaphore, #tpu.memory_space<semaphore_mem>>) src(%dma_wait3A_501 : memref<40xi32, #tpu.memory_space<hbm>>) dst(%dma_wait3A_498 : memref<40xi32, #tpu.memory_space<vmem>>)
      %dma_start3A_502 = arith.constant 0 : i32
      %dma_start3A_503 = arith.constant 0 : i32
      %dma_start3A_504 = arith.constant 0 : i32
      %dma_start3A_505 = arith.constant 0 : i32
      %dma_start3A_506 = arith.constant 0 : i32
      %dma_start3A_507 = tpu.memref_slice %arg8[%dma_start3A_503, %dma_start3A_505, %dma_start3A_506] : memref<4x40x128xf32, #tpu.memory_space<vmem>> -> memref<1x40x128xf32, #tpu.memory_space<vmem>>
      %dma_start3A_508 = tpu.memref_squeeze %dma_start3A_507 : memref<1x40x128xf32, #tpu.memory_space<vmem>> -> memref<40x128xf32, #tpu.memory_space<vmem>>
      %dma_start3A_509 = arith.constant 0 : i32
      %dma_start3A_510 = tpu.memref_slice %arg6[%dma_start3A_502, %dma_start3A_509] : memref<4x40xi32, #tpu.memory_space<vmem>> -> memref<1x40xi32, #tpu.memory_space<vmem>>
      %dma_start3A_511 = tpu.memref_squeeze %dma_start3A_510 : memref<1x40xi32, #tpu.memory_space<vmem>> -> memref<40xi32, #tpu.memory_space<vmem>>
      %dma_start3A_512 = arith.constant 0 : i32
      %dma_start3A_513 = arith.constant 0 : i32
      %dma_start3A_514 = tpu.memref_slice %arg2[%dma_start3A_512, %dma_start3A_513] : memref<10240x128xf32, #tpu.memory_space<hbm>> -> memref<10240x128xf32, #tpu.memory_space<hbm>>
      %dma_start3A_515 = tpu.memref_slice %arg12[%dma_start3A_504] : memref<4x!tpu.dma_semaphore, #tpu.memory_space<semaphore_mem>> -> memref<1x!tpu.dma_semaphore, #tpu.memory_space<semaphore_mem>>
      %dma_start3A_516 = tpu.memref_squeeze %dma_start3A_515 : memref<1x!tpu.dma_semaphore, #tpu.memory_space<semaphore_mem>> -> memref<!tpu.dma_semaphore, #tpu.memory_space<semaphore_mem>>
      tpu.enqueue_indirect_dma source(%dma_start3A_514 : memref<10240x128xf32, #tpu.memory_space<hbm>>) target(%dma_start3A_508 : memref<40x128xf32, #tpu.memory_space<vmem>>) offsets(%dma_start3A_511 : memref<40xi32, #tpu.memory_space<vmem>>) semaphore(%dma_start3A_516 : memref<!tpu.dma_semaphore, #tpu.memory_space<semaphore_mem>>)
      %gt3A_517 = arith.constant 0 : i32
      %gt3A_518 = arith.cmpi sgt, %scan3A_479, %gt3A_517 : i32
      %convert_element_type3A_519 = arith.extui %gt3A_518 : i1 to i32
      %cond3A_520 = arith.constant 0 : i32
      %cond3A_521 = arith.cmpi ne, %convert_element_type3A_519, %cond3A_520 : i32
      scf.if %cond3A_521 {
        %dma_wait3A_850 = arith.constant 1 : i32
        %dma_wait3A_851 = arith.constant 1 : i32
        %dma_wait3A_852 = arith.constant 1 : i32
        %dma_wait3A_853 = arith.constant 0 : i32
        %dma_wait3A_854 = arith.constant 0 : i32
        %dma_wait3A_855 = tpu.memref_slice %arg8[%dma_wait3A_850, %dma_wait3A_853, %dma_wait3A_854] : memref<4x40x128xf32, #tpu.memory_space<vmem>> -> memref<1x40x128xf32, #tpu.memory_space<vmem>>
        %dma_wait3A_856 = tpu.memref_squeeze %dma_wait3A_855 : memref<1x40x128xf32, #tpu.memory_space<vmem>> -> memref<40x128xf32, #tpu.memory_space<vmem>>
        %dma_wait3A_857 = arith.constant 0 : i32
        %dma_wait3A_858 = tpu.memref_slice %arg7[%dma_wait3A_851, %dma_wait3A_857] : memref<4x40xi32, #tpu.memory_space<vmem>> -> memref<1x40xi32, #tpu.memory_space<vmem>>
        %dma_wait3A_859 = tpu.memref_squeeze %dma_wait3A_858 : memref<1x40xi32, #tpu.memory_space<vmem>> -> memref<40xi32, #tpu.memory_space<vmem>>
        %dma_wait3A_860 = arith.constant 0 : i32
        %dma_wait3A_861 = arith.constant 0 : i32
        %dma_wait3A_862 = tpu.memref_slice %arg9[%dma_wait3A_860, %dma_wait3A_861] : memref<10240x128xf32, #tpu.memory_space<vmem_shared>> -> memref<10240x128xf32, #tpu.memory_space<vmem_shared>>
        %dma_wait3A_863 = tpu.memref_slice %arg13[%dma_wait3A_852] : memref<4x!tpu.dma_semaphore, #tpu.memory_space<semaphore_mem>> -> memref<1x!tpu.dma_semaphore, #tpu.memory_space<semaphore_mem>>
        %dma_wait3A_864 = tpu.memref_squeeze %dma_wait3A_863 : memref<1x!tpu.dma_semaphore, #tpu.memory_space<semaphore_mem>> -> memref<!tpu.dma_semaphore, #tpu.memory_space<semaphore_mem>>
        tpu.wait_indirect_dma semaphore(%dma_wait3A_864 : memref<!tpu.dma_semaphore, #tpu.memory_space<semaphore_mem>>) src(%dma_wait3A_856 : memref<40x128xf32, #tpu.memory_space<vmem>>) dst(%dma_wait3A_862 : memref<10240x128xf32, #tpu.memory_space<vmem_shared>>)
        %add3A_865 = arith.constant 1 : i32
        %add3A_866 = arith.addi %mul3A_481, %add3A_865 : i32
        %dma_start3A_867 = arith.constant 1 : i32
        %dma_start3A_868 = arith.constant 1 : i32
        %dma_start3A_869 = arith.constant 0 : i32
        %dma_start3A_870 = tpu.memref_slice %arg7[%dma_start3A_867, %dma_start3A_869] : memref<4x40xi32, #tpu.memory_space<vmem>> -> memref<1x40xi32, #tpu.memory_space<vmem>>
        %dma_start3A_871 = tpu.memref_squeeze %dma_start3A_870 : memref<1x40xi32, #tpu.memory_space<vmem>> -> memref<40xi32, #tpu.memory_space<vmem>>
        %dma_start3A_872 = arith.constant 0 : i32
        %dma_start3A_873 = tpu.memref_slice %arg4[%add3A, %add3A_866, %dma_start3A_872] : memref<32x250x40xi32, #tpu.memory_space<hbm>> -> memref<1x1x40xi32, #tpu.memory_space<hbm>>
        %dma_start3A_874 = tpu.memref_squeeze %dma_start3A_873 : memref<1x1x40xi32, #tpu.memory_space<hbm>> -> memref<40xi32, #tpu.memory_space<hbm>>
        %dma_start3A_875 = tpu.memref_slice %arg11[%dma_start3A_868] : memref<4x!tpu.dma_semaphore, #tpu.memory_space<semaphore_mem>> -> memref<1x!tpu.dma_semaphore, #tpu.memory_space<semaphore_mem>>
        %dma_start3A_876 = tpu.memref_squeeze %dma_start3A_875 : memref<1x!tpu.dma_semaphore, #tpu.memory_space<semaphore_mem>> -> memref<!tpu.dma_semaphore, #tpu.memory_space<semaphore_mem>>
        %dma_start3A_877 = arith.constant 0 : i32
        %dma_start3A_878 = tpu.memref_slice %arg7[%dma_start3A_867, %dma_start3A_877] : memref<4x40xi32, #tpu.memory_space<vmem>> -> memref<1x40xi32, #tpu.memory_space<vmem>>
        %dma_start3A_879 = tpu.memref_squeeze %dma_start3A_878 : memref<1x40xi32, #tpu.memory_space<vmem>> -> memref<40xi32, #tpu.memory_space<vmem>>
        %dma_start3A_880 = arith.constant 0 : i32
        %dma_start3A_881 = tpu.memref_slice %arg4[%add3A, %add3A_866, %dma_start3A_880] : memref<32x250x40xi32, #tpu.memory_space<hbm>> -> memref<1x1x40xi32, #tpu.memory_space<hbm>>
        %dma_start3A_882 = tpu.memref_squeeze %dma_start3A_881 : memref<1x1x40xi32, #tpu.memory_space<hbm>> -> memref<40xi32, #tpu.memory_space<hbm>>
        tpu.enqueue_dma source(%dma_start3A_882 : memref<40xi32, #tpu.memory_space<hbm>>) target(%dma_start3A_879 : memref<40xi32, #tpu.memory_space<vmem>>) target_semaphore(%dma_start3A_876 : memref<!tpu.dma_semaphore, #tpu.memory_space<semaphore_mem>>)
      } else {
      }
      %add3A_522 = arith.constant 1 : i32
      %add3A_523 = arith.addi %mul3A_481, %add3A_522 : i32
      %dma_wait3A_524 = arith.constant 1 : i32
      %dma_wait3A_525 = arith.constant 1 : i32
      %dma_wait3A_526 = arith.constant 0 : i32
      %dma_wait3A_527 = tpu.memref_slice %arg6[%dma_wait3A_524, %dma_wait3A_526] : memref<4x40xi32, #tpu.memory_space<vmem>> -> memref<1x40xi32, #tpu.memory_space<vmem>>
      %dma_wait3A_528 = tpu.memref_squeeze %dma_wait3A_527 : memref<1x40xi32, #tpu.memory_space<vmem>> -> memref<40xi32, #tpu.memory_space<vmem>>
      %dma_wait3A_529 = arith.constant 0 : i32
      %dma_wait3A_530 = tpu.memref_slice %arg3[%add3A, %add3A_523, %dma_wait3A_529] : memref<32x250x40xi32, #tpu.memory_space<hbm>> -> memref<1x1x40xi32, #tpu.memory_space<hbm>>
      %dma_wait3A_531 = tpu.memref_squeeze %dma_wait3A_530 : memref<1x1x40xi32, #tpu.memory_space<hbm>> -> memref<40xi32, #tpu.memory_space<hbm>>
      %dma_wait3A_532 = tpu.memref_slice %arg10[%dma_wait3A_525] : memref<4x!tpu.dma_semaphore, #tpu.memory_space<semaphore_mem>> -> memref<1x!tpu.dma_semaphore, #tpu.memory_space<semaphore_mem>>
      %dma_wait3A_533 = tpu.memref_squeeze %dma_wait3A_532 : memref<1x!tpu.dma_semaphore, #tpu.memory_space<semaphore_mem>> -> memref<!tpu.dma_semaphore, #tpu.memory_space<semaphore_mem>>
      %dma_wait3A_534 = arith.constant 0 : i32
      %dma_wait3A_535 = tpu.memref_slice %arg6[%dma_wait3A_524, %dma_wait3A_534] : memref<4x40xi32, #tpu.memory_space<vmem>> -> memref<1x40xi32, #tpu.memory_space<vmem>>
      %dma_wait3A_536 = tpu.memref_squeeze %dma_wait3A_535 : memref<1x40xi32, #tpu.memory_space<vmem>> -> memref<40xi32, #tpu.memory_space<vmem>>
      %dma_wait3A_537 = arith.constant 0 : i32
      %dma_wait3A_538 = tpu.memref_slice %arg3[%add3A, %add3A_523, %dma_wait3A_537] : memref<32x250x40xi32, #tpu.memory_space<hbm>> -> memref<1x1x40xi32, #tpu.memory_space<hbm>>
      %dma_wait3A_539 = tpu.memref_squeeze %dma_wait3A_538 : memref<1x1x40xi32, #tpu.memory_space<hbm>> -> memref<40xi32, #tpu.memory_space<hbm>>
      tpu.wait_dma2 semaphore(%dma_wait3A_533 : memref<!tpu.dma_semaphore, #tpu.memory_space<semaphore_mem>>) src(%dma_wait3A_539 : memref<40xi32, #tpu.memory_space<hbm>>) dst(%dma_wait3A_536 : memref<40xi32, #tpu.memory_space<vmem>>)
      %dma_start3A_540 = arith.constant 1 : i32
      %dma_start3A_541 = arith.constant 1 : i32
      %dma_start3A_542 = arith.constant 1 : i32
      %dma_start3A_543 = arith.constant 0 : i32
      %dma_start3A_544 = arith.constant 0 : i32
      %dma_start3A_545 = tpu.memref_slice %arg8[%dma_start3A_541, %dma_start3A_543, %dma_start3A_544] : memref<4x40x128xf32, #tpu.memory_space<vmem>> -> memref<1x40x128xf32, #tpu.memory_space<vmem>>
      %dma_start3A_546 = tpu.memref_squeeze %dma_start3A_545 : memref<1x40x128xf32, #tpu.memory_space<vmem>> -> memref<40x128xf32, #tpu.memory_space<vmem>>
      %dma_start3A_547 = arith.constant 0 : i32
      %dma_start3A_548 = tpu.memref_slice %arg6[%dma_start3A_540, %dma_start3A_547] : memref<4x40xi32, #tpu.memory_space<vmem>> -> memref<1x40xi32, #tpu.memory_space<vmem>>
      %dma_start3A_549 = tpu.memref_squeeze %dma_start3A_548 : memref<1x40xi32, #tpu.memory_space<vmem>> -> memref<40xi32, #tpu.memory_space<vmem>>
      %dma_start3A_550 = arith.constant 0 : i32
      %dma_start3A_551 = arith.constant 0 : i32
      %dma_start3A_552 = tpu.memref_slice %arg2[%dma_start3A_550, %dma_start3A_551] : memref<10240x128xf32, #tpu.memory_space<hbm>> -> memref<10240x128xf32, #tpu.memory_space<hbm>>
      %dma_start3A_553 = tpu.memref_slice %arg12[%dma_start3A_542] : memref<4x!tpu.dma_semaphore, #tpu.memory_space<semaphore_mem>> -> memref<1x!tpu.dma_semaphore, #tpu.memory_space<semaphore_mem>>
      %dma_start3A_554 = tpu.memref_squeeze %dma_start3A_553 : memref<1x!tpu.dma_semaphore, #tpu.memory_space<semaphore_mem>> -> memref<!tpu.dma_semaphore, #tpu.memory_space<semaphore_mem>>
      tpu.enqueue_indirect_dma source(%dma_start3A_552 : memref<10240x128xf32, #tpu.memory_space<hbm>>) target(%dma_start3A_546 : memref<40x128xf32, #tpu.memory_space<vmem>>) offsets(%dma_start3A_549 : memref<40xi32, #tpu.memory_space<vmem>>) semaphore(%dma_start3A_554 : memref<!tpu.dma_semaphore, #tpu.memory_space<semaphore_mem>>)
      %gt3A_555 = arith.constant 0 : i32
      %gt3A_556 = arith.cmpi sgt, %scan3A_479, %gt3A_555 : i32
      %convert_element_type3A_557 = arith.extui %gt3A_556 : i1 to i32
      %cond3A_558 = arith.constant 0 : i32
      %cond3A_559 = arith.cmpi ne, %convert_element_type3A_557, %cond3A_558 : i32
      scf.if %cond3A_559 {
        %dma_wait3A_850 = arith.constant 2 : i32
        %dma_wait3A_851 = arith.constant 2 : i32
        %dma_wait3A_852 = arith.constant 2 : i32
        %dma_wait3A_853 = arith.constant 0 : i32
        %dma_wait3A_854 = arith.constant 0 : i32
        %dma_wait3A_855 = tpu.memref_slice %arg8[%dma_wait3A_850, %dma_wait3A_853, %dma_wait3A_854] : memref<4x40x128xf32, #tpu.memory_space<vmem>> -> memref<1x40x128xf32, #tpu.memory_space<vmem>>
        %dma_wait3A_856 = tpu.memref_squeeze %dma_wait3A_855 : memref<1x40x128xf32, #tpu.memory_space<vmem>> -> memref<40x128xf32, #tpu.memory_space<vmem>>
        %dma_wait3A_857 = arith.constant 0 : i32
        %dma_wait3A_858 = tpu.memref_slice %arg7[%dma_wait3A_851, %dma_wait3A_857] : memref<4x40xi32, #tpu.memory_space<vmem>> -> memref<1x40xi32, #tpu.memory_space<vmem>>
        %dma_wait3A_859 = tpu.memref_squeeze %dma_wait3A_858 : memref<1x40xi32, #tpu.memory_space<vmem>> -> memref<40xi32, #tpu.memory_space<vmem>>
        %dma_wait3A_860 = arith.constant 0 : i32
        %dma_wait3A_861 = arith.constant 0 : i32
        %dma_wait3A_862 = tpu.memref_slice %arg9[%dma_wait3A_860, %dma_wait3A_861] : memref<10240x128xf32, #tpu.memory_space<vmem_shared>> -> memref<10240x128xf32, #tpu.memory_space<vmem_shared>>
        %dma_wait3A_863 = tpu.memref_slice %arg13[%dma_wait3A_852] : memref<4x!tpu.dma_semaphore, #tpu.memory_space<semaphore_mem>> -> memref<1x!tpu.dma_semaphore, #tpu.memory_space<semaphore_mem>>
        %dma_wait3A_864 = tpu.memref_squeeze %dma_wait3A_863 : memref<1x!tpu.dma_semaphore, #tpu.memory_space<semaphore_mem>> -> memref<!tpu.dma_semaphore, #tpu.memory_space<semaphore_mem>>
        tpu.wait_indirect_dma semaphore(%dma_wait3A_864 : memref<!tpu.dma_semaphore, #tpu.memory_space<semaphore_mem>>) src(%dma_wait3A_856 : memref<40x128xf32, #tpu.memory_space<vmem>>) dst(%dma_wait3A_862 : memref<10240x128xf32, #tpu.memory_space<vmem_shared>>)
        %add3A_865 = arith.constant 2 : i32
        %add3A_866 = arith.addi %mul3A_481, %add3A_865 : i32
        %dma_start3A_867 = arith.constant 2 : i32
        %dma_start3A_868 = arith.constant 2 : i32
        %dma_start3A_869 = arith.constant 0 : i32
        %dma_start3A_870 = tpu.memref_slice %arg7[%dma_start3A_867, %dma_start3A_869] : memref<4x40xi32, #tpu.memory_space<vmem>> -> memref<1x40xi32, #tpu.memory_space<vmem>>
        %dma_start3A_871 = tpu.memref_squeeze %dma_start3A_870 : memref<1x40xi32, #tpu.memory_space<vmem>> -> memref<40xi32, #tpu.memory_space<vmem>>
        %dma_start3A_872 = arith.constant 0 : i32
        %dma_start3A_873 = tpu.memref_slice %arg4[%add3A, %add3A_866, %dma_start3A_872] : memref<32x250x40xi32, #tpu.memory_space<hbm>> -> memref<1x1x40xi32, #tpu.memory_space<hbm>>
        %dma_start3A_874 = tpu.memref_squeeze %dma_start3A_873 : memref<1x1x40xi32, #tpu.memory_space<hbm>> -> memref<40xi32, #tpu.memory_space<hbm>>
        %dma_start3A_875 = tpu.memref_slice %arg11[%dma_start3A_868] : memref<4x!tpu.dma_semaphore, #tpu.memory_space<semaphore_mem>> -> memref<1x!tpu.dma_semaphore, #tpu.memory_space<semaphore_mem>>
        %dma_start3A_876 = tpu.memref_squeeze %dma_start3A_875 : memref<1x!tpu.dma_semaphore, #tpu.memory_space<semaphore_mem>> -> memref<!tpu.dma_semaphore, #tpu.memory_space<semaphore_mem>>
        %dma_start3A_877 = arith.constant 0 : i32
        %dma_start3A_878 = tpu.memref_slice %arg7[%dma_start3A_867, %dma_start3A_877] : memref<4x40xi32, #tpu.memory_space<vmem>> -> memref<1x40xi32, #tpu.memory_space<vmem>>
        %dma_start3A_879 = tpu.memref_squeeze %dma_start3A_878 : memref<1x40xi32, #tpu.memory_space<vmem>> -> memref<40xi32, #tpu.memory_space<vmem>>
        %dma_start3A_880 = arith.constant 0 : i32
        %dma_start3A_881 = tpu.memref_slice %arg4[%add3A, %add3A_866, %dma_start3A_880] : memref<32x250x40xi32, #tpu.memory_space<hbm>> -> memref<1x1x40xi32, #tpu.memory_space<hbm>>
        %dma_start3A_882 = tpu.memref_squeeze %dma_start3A_881 : memref<1x1x40xi32, #tpu.memory_space<hbm>> -> memref<40xi32, #tpu.memory_space<hbm>>
        tpu.enqueue_dma source(%dma_start3A_882 : memref<40xi32, #tpu.memory_space<hbm>>) target(%dma_start3A_879 : memref<40xi32, #tpu.memory_space<vmem>>) target_semaphore(%dma_start3A_876 : memref<!tpu.dma_semaphore, #tpu.memory_space<semaphore_mem>>)
      } else {
      }
      %add3A_560 = arith.constant 2 : i32
      %add3A_561 = arith.addi %mul3A_481, %add3A_560 : i32
      %dma_wait3A_562 = arith.constant 2 : i32
      %dma_wait3A_563 = arith.constant 2 : i32
      %dma_wait3A_564 = arith.constant 0 : i32
      %dma_wait3A_565 = tpu.memref_slice %arg6[%dma_wait3A_562, %dma_wait3A_564] : memref<4x40xi32, #tpu.memory_space<vmem>> -> memref<1x40xi32, #tpu.memory_space<vmem>>
      %dma_wait3A_566 = tpu.memref_squeeze %dma_wait3A_565 : memref<1x40xi32, #tpu.memory_space<vmem>> -> memref<40xi32, #tpu.memory_space<vmem>>
      %dma_wait3A_567 = arith.constant 0 : i32
      %dma_wait3A_568 = tpu.memref_slice %arg3[%add3A, %add3A_561, %dma_wait3A_567] : memref<32x250x40xi32, #tpu.memory_space<hbm>> -> memref<1x1x40xi32, #tpu.memory_space<hbm>>
      %dma_wait3A_569 = tpu.memref_squeeze %dma_wait3A_568 : memref<1x1x40xi32, #tpu.memory_space<hbm>> -> memref<40xi32, #tpu.memory_space<hbm>>
      %dma_wait3A_570 = tpu.memref_slice %arg10[%dma_wait3A_563] : memref<4x!tpu.dma_semaphore, #tpu.memory_space<semaphore_mem>> -> memref<1x!tpu.dma_semaphore, #tpu.memory_space<semaphore_mem>>
      %dma_wait3A_571 = tpu.memref_squeeze %dma_wait3A_570 : memref<1x!tpu.dma_semaphore, #tpu.memory_space<semaphore_mem>> -> memref<!tpu.dma_semaphore, #tpu.memory_space<semaphore_mem>>
      %dma_wait3A_572 = arith.constant 0 : i32
      %dma_wait3A_573 = tpu.memref_slice %arg6[%dma_wait3A_562, %dma_wait3A_572] : memref<4x40xi32, #tpu.memory_space<vmem>> -> memref<1x40xi32, #tpu.memory_space<vmem>>
      %dma_wait3A_574 = tpu.memref_squeeze %dma_wait3A_573 : memref<1x40xi32, #tpu.memory_space<vmem>> -> memref<40xi32, #tpu.memory_space<vmem>>
      %dma_wait3A_575 = arith.constant 0 : i32
      %dma_wait3A_576 = tpu.memref_slice %arg3[%add3A, %add3A_561, %dma_wait3A_575] : memref<32x250x40xi32, #tpu.memory_space<hbm>> -> memref<1x1x40xi32, #tpu.memory_space<hbm>>
      %dma_wait3A_577 = tpu.memref_squeeze %dma_wait3A_576 : memref<1x1x40xi32, #tpu.memory_space<hbm>> -> memref<40xi32, #tpu.memory_space<hbm>>
      tpu.wait_dma2 semaphore(%dma_wait3A_571 : memref<!tpu.dma_semaphore, #tpu.memory_space<semaphore_mem>>) src(%dma_wait3A_577 : memref<40xi32, #tpu.memory_space<hbm>>) dst(%dma_wait3A_574 : memref<40xi32, #tpu.memory_space<vmem>>)
      %dma_start3A_578 = arith.constant 2 : i32
      %dma_start3A_579 = arith.constant 2 : i32
      %dma_start3A_580 = arith.constant 2 : i32
      %dma_start3A_581 = arith.constant 0 : i32
      %dma_start3A_582 = arith.constant 0 : i32
      %dma_start3A_583 = tpu.memref_slice %arg8[%dma_start3A_579, %dma_start3A_581, %dma_start3A_582] : memref<4x40x128xf32, #tpu.memory_space<vmem>> -> memref<1x40x128xf32, #tpu.memory_space<vmem>>
      %dma_start3A_584 = tpu.memref_squeeze %dma_start3A_583 : memref<1x40x128xf32, #tpu.memory_space<vmem>> -> memref<40x128xf32, #tpu.memory_space<vmem>>
      %dma_start3A_585 = arith.constant 0 : i32
      %dma_start3A_586 = tpu.memref_slice %arg6[%dma_start3A_578, %dma_start3A_585] : memref<4x40xi32, #tpu.memory_space<vmem>> -> memref<1x40xi32, #tpu.memory_space<vmem>>
      %dma_start3A_587 = tpu.memref_squeeze %dma_start3A_586 : memref<1x40xi32, #tpu.memory_space<vmem>> -> memref<40xi32, #tpu.memory_space<vmem>>
      %dma_start3A_588 = arith.constant 0 : i32
      %dma_start3A_589 = arith.constant 0 : i32
      %dma_start3A_590 = tpu.memref_slice %arg2[%dma_start3A_588, %dma_start3A_589] : memref<10240x128xf32, #tpu.memory_space<hbm>> -> memref<10240x128xf32, #tpu.memory_space<hbm>>
      %dma_start3A_591 = tpu.memref_slice %arg12[%dma_start3A_580] : memref<4x!tpu.dma_semaphore, #tpu.memory_space<semaphore_mem>> -> memref<1x!tpu.dma_semaphore, #tpu.memory_space<semaphore_mem>>
      %dma_start3A_592 = tpu.memref_squeeze %dma_start3A_591 : memref<1x!tpu.dma_semaphore, #tpu.memory_space<semaphore_mem>> -> memref<!tpu.dma_semaphore, #tpu.memory_space<semaphore_mem>>
      tpu.enqueue_indirect_dma source(%dma_start3A_590 : memref<10240x128xf32, #tpu.memory_space<hbm>>) target(%dma_start3A_584 : memref<40x128xf32, #tpu.memory_space<vmem>>) offsets(%dma_start3A_587 : memref<40xi32, #tpu.memory_space<vmem>>) semaphore(%dma_start3A_592 : memref<!tpu.dma_semaphore, #tpu.memory_space<semaphore_mem>>)
      %gt3A_593 = arith.constant 0 : i32
      %gt3A_594 = arith.cmpi sgt, %scan3A_479, %gt3A_593 : i32
      %convert_element_type3A_595 = arith.extui %gt3A_594 : i1 to i32
      %cond3A_596 = arith.constant 0 : i32
      %cond3A_597 = arith.cmpi ne, %convert_element_type3A_595, %cond3A_596 : i32
      scf.if %cond3A_597 {
        %dma_wait3A_850 = arith.constant 3 : i32
        %dma_wait3A_851 = arith.constant 3 : i32
        %dma_wait3A_852 = arith.constant 3 : i32
        %dma_wait3A_853 = arith.constant 0 : i32
        %dma_wait3A_854 = arith.constant 0 : i32
        %dma_wait3A_855 = tpu.memref_slice %arg8[%dma_wait3A_850, %dma_wait3A_853, %dma_wait3A_854] : memref<4x40x128xf32, #tpu.memory_space<vmem>> -> memref<1x40x128xf32, #tpu.memory_space<vmem>>
        %dma_wait3A_856 = tpu.memref_squeeze %dma_wait3A_855 : memref<1x40x128xf32, #tpu.memory_space<vmem>> -> memref<40x128xf32, #tpu.memory_space<vmem>>
        %dma_wait3A_857 = arith.constant 0 : i32
        %dma_wait3A_858 = tpu.memref_slice %arg7[%dma_wait3A_851, %dma_wait3A_857] : memref<4x40xi32, #tpu.memory_space<vmem>> -> memref<1x40xi32, #tpu.memory_space<vmem>>
        %dma_wait3A_859 = tpu.memref_squeeze %dma_wait3A_858 : memref<1x40xi32, #tpu.memory_space<vmem>> -> memref<40xi32, #tpu.memory_space<vmem>>
        %dma_wait3A_860 = arith.constant 0 : i32
        %dma_wait3A_861 = arith.constant 0 : i32
        %dma_wait3A_862 = tpu.memref_slice %arg9[%dma_wait3A_860, %dma_wait3A_861] : memref<10240x128xf32, #tpu.memory_space<vmem_shared>> -> memref<10240x128xf32, #tpu.memory_space<vmem_shared>>
        %dma_wait3A_863 = tpu.memref_slice %arg13[%dma_wait3A_852] : memref<4x!tpu.dma_semaphore, #tpu.memory_space<semaphore_mem>> -> memref<1x!tpu.dma_semaphore, #tpu.memory_space<semaphore_mem>>
        %dma_wait3A_864 = tpu.memref_squeeze %dma_wait3A_863 : memref<1x!tpu.dma_semaphore, #tpu.memory_space<semaphore_mem>> -> memref<!tpu.dma_semaphore, #tpu.memory_space<semaphore_mem>>
        tpu.wait_indirect_dma semaphore(%dma_wait3A_864 : memref<!tpu.dma_semaphore, #tpu.memory_space<semaphore_mem>>) src(%dma_wait3A_856 : memref<40x128xf32, #tpu.memory_space<vmem>>) dst(%dma_wait3A_862 : memref<10240x128xf32, #tpu.memory_space<vmem_shared>>)
        %add3A_865 = arith.constant 3 : i32
        %add3A_866 = arith.addi %mul3A_481, %add3A_865 : i32
        %dma_start3A_867 = arith.constant 3 : i32
        %dma_start3A_868 = arith.constant 3 : i32
        %dma_start3A_869 = arith.constant 0 : i32
        %dma_start3A_870 = tpu.memref_slice %arg7[%dma_start3A_867, %dma_start3A_869] : memref<4x40xi32, #tpu.memory_space<vmem>> -> memref<1x40xi32, #tpu.memory_space<vmem>>
        %dma_start3A_871 = tpu.memref_squeeze %dma_start3A_870 : memref<1x40xi32, #tpu.memory_space<vmem>> -> memref<40xi32, #tpu.memory_space<vmem>>
        %dma_start3A_872 = arith.constant 0 : i32
        %dma_start3A_873 = tpu.memref_slice %arg4[%add3A, %add3A_866, %dma_start3A_872] : memref<32x250x40xi32, #tpu.memory_space<hbm>> -> memref<1x1x40xi32, #tpu.memory_space<hbm>>
        %dma_start3A_874 = tpu.memref_squeeze %dma_start3A_873 : memref<1x1x40xi32, #tpu.memory_space<hbm>> -> memref<40xi32, #tpu.memory_space<hbm>>
        %dma_start3A_875 = tpu.memref_slice %arg11[%dma_start3A_868] : memref<4x!tpu.dma_semaphore, #tpu.memory_space<semaphore_mem>> -> memref<1x!tpu.dma_semaphore, #tpu.memory_space<semaphore_mem>>
        %dma_start3A_876 = tpu.memref_squeeze %dma_start3A_875 : memref<1x!tpu.dma_semaphore, #tpu.memory_space<semaphore_mem>> -> memref<!tpu.dma_semaphore, #tpu.memory_space<semaphore_mem>>
        %dma_start3A_877 = arith.constant 0 : i32
        %dma_start3A_878 = tpu.memref_slice %arg7[%dma_start3A_867, %dma_start3A_877] : memref<4x40xi32, #tpu.memory_space<vmem>> -> memref<1x40xi32, #tpu.memory_space<vmem>>
        %dma_start3A_879 = tpu.memref_squeeze %dma_start3A_878 : memref<1x40xi32, #tpu.memory_space<vmem>> -> memref<40xi32, #tpu.memory_space<vmem>>
        %dma_start3A_880 = arith.constant 0 : i32
        %dma_start3A_881 = tpu.memref_slice %arg4[%add3A, %add3A_866, %dma_start3A_880] : memref<32x250x40xi32, #tpu.memory_space<hbm>> -> memref<1x1x40xi32, #tpu.memory_space<hbm>>
        %dma_start3A_882 = tpu.memref_squeeze %dma_start3A_881 : memref<1x1x40xi32, #tpu.memory_space<hbm>> -> memref<40xi32, #tpu.memory_space<hbm>>
        tpu.enqueue_dma source(%dma_start3A_882 : memref<40xi32, #tpu.memory_space<hbm>>) target(%dma_start3A_879 : memref<40xi32, #tpu.memory_space<vmem>>) target_semaphore(%dma_start3A_876 : memref<!tpu.dma_semaphore, #tpu.memory_space<semaphore_mem>>)
      } else {
      }
      %add3A_598 = arith.constant 3 : i32
      %add3A_599 = arith.addi %mul3A_481, %add3A_598 : i32
      %dma_wait3A_600 = arith.constant 3 : i32
      %dma_wait3A_601 = arith.constant 3 : i32
      %dma_wait3A_602 = arith.constant 0 : i32
      %dma_wait3A_603 = tpu.memref_slice %arg6[%dma_wait3A_600, %dma_wait3A_602] : memref<4x40xi32, #tpu.memory_space<vmem>> -> memref<1x40xi32, #tpu.memory_space<vmem>>
      %dma_wait3A_604 = tpu.memref_squeeze %dma_wait3A_603 : memref<1x40xi32, #tpu.memory_space<vmem>> -> memref<40xi32, #tpu.memory_space<vmem>>
      %dma_wait3A_605 = arith.constant 0 : i32
      %dma_wait3A_606 = tpu.memref_slice %arg3[%add3A, %add3A_599, %dma_wait3A_605] : memref<32x250x40xi32, #tpu.memory_space<hbm>> -> memref<1x1x40xi32, #tpu.memory_space<hbm>>
      %dma_wait3A_607 = tpu.memref_squeeze %dma_wait3A_606 : memref<1x1x40xi32, #tpu.memory_space<hbm>> -> memref<40xi32, #tpu.memory_space<hbm>>
      %dma_wait3A_608 = tpu.memref_slice %arg10[%dma_wait3A_601] : memref<4x!tpu.dma_semaphore, #tpu.memory_space<semaphore_mem>> -> memref<1x!tpu.dma_semaphore, #tpu.memory_space<semaphore_mem>>
      %dma_wait3A_609 = tpu.memref_squeeze %dma_wait3A_608 : memref<1x!tpu.dma_semaphore, #tpu.memory_space<semaphore_mem>> -> memref<!tpu.dma_semaphore, #tpu.memory_space<semaphore_mem>>
      %dma_wait3A_610 = arith.constant 0 : i32
      %dma_wait3A_611 = tpu.memref_slice %arg6[%dma_wait3A_600, %dma_wait3A_610] : memref<4x40xi32, #tpu.memory_space<vmem>> -> memref<1x40xi32, #tpu.memory_space<vmem>>
      %dma_wait3A_612 = tpu.memref_squeeze %dma_wait3A_611 : memref<1x40xi32, #tpu.memory_space<vmem>> -> memref<40xi32, #tpu.memory_space<vmem>>
      %dma_wait3A_613 = arith.constant 0 : i32
      %dma_wait3A_614 = tpu.memref_slice %arg3[%add3A, %add3A_599, %dma_wait3A_613] : memref<32x250x40xi32, #tpu.memory_space<hbm>> -> memref<1x1x40xi32, #tpu.memory_space<hbm>>
      %dma_wait3A_615 = tpu.memref_squeeze %dma_wait3A_614 : memref<1x1x40xi32, #tpu.memory_space<hbm>> -> memref<40xi32, #tpu.memory_space<hbm>>
      tpu.wait_dma2 semaphore(%dma_wait3A_609 : memref<!tpu.dma_semaphore, #tpu.memory_space<semaphore_mem>>) src(%dma_wait3A_615 : memref<40xi32, #tpu.memory_space<hbm>>) dst(%dma_wait3A_612 : memref<40xi32, #tpu.memory_space<vmem>>)
      %dma_start3A_616 = arith.constant 3 : i32
      %dma_start3A_617 = arith.constant 3 : i32
      %dma_start3A_618 = arith.constant 3 : i32
      %dma_start3A_619 = arith.constant 0 : i32
      %dma_start3A_620 = arith.constant 0 : i32
      %dma_start3A_621 = tpu.memref_slice %arg8[%dma_start3A_617, %dma_start3A_619, %dma_start3A_620] : memref<4x40x128xf32, #tpu.memory_space<vmem>> -> memref<1x40x128xf32, #tpu.memory_space<vmem>>
      %dma_start3A_622 = tpu.memref_squeeze %dma_start3A_621 : memref<1x40x128xf32, #tpu.memory_space<vmem>> -> memref<40x128xf32, #tpu.memory_space<vmem>>
      %dma_start3A_623 = arith.constant 0 : i32
      %dma_start3A_624 = tpu.memref_slice %arg6[%dma_start3A_616, %dma_start3A_623] : memref<4x40xi32, #tpu.memory_space<vmem>> -> memref<1x40xi32, #tpu.memory_space<vmem>>
      %dma_start3A_625 = tpu.memref_squeeze %dma_start3A_624 : memref<1x40xi32, #tpu.memory_space<vmem>> -> memref<40xi32, #tpu.memory_space<vmem>>
      %dma_start3A_626 = arith.constant 0 : i32
      %dma_start3A_627 = arith.constant 0 : i32
      %dma_start3A_628 = tpu.memref_slice %arg2[%dma_start3A_626, %dma_start3A_627] : memref<10240x128xf32, #tpu.memory_space<hbm>> -> memref<10240x128xf32, #tpu.memory_space<hbm>>
      %dma_start3A_629 = tpu.memref_slice %arg12[%dma_start3A_618] : memref<4x!tpu.dma_semaphore, #tpu.memory_space<semaphore_mem>> -> memref<1x!tpu.dma_semaphore, #tpu.memory_space<semaphore_mem>>
      %dma_start3A_630 = tpu.memref_squeeze %dma_start3A_629 : memref<1x!tpu.dma_semaphore, #tpu.memory_space<semaphore_mem>> -> memref<!tpu.dma_semaphore, #tpu.memory_space<semaphore_mem>>
      tpu.enqueue_indirect_dma source(%dma_start3A_628 : memref<10240x128xf32, #tpu.memory_space<hbm>>) target(%dma_start3A_622 : memref<40x128xf32, #tpu.memory_space<vmem>>) offsets(%dma_start3A_625 : memref<40xi32, #tpu.memory_space<vmem>>) semaphore(%dma_start3A_630 : memref<!tpu.dma_semaphore, #tpu.memory_space<semaphore_mem>>)
      %dma_wait3A_631 = arith.constant 0 : i32
      %dma_wait3A_632 = arith.constant 0 : i32
      %dma_wait3A_633 = arith.constant 0 : i32
      %dma_wait3A_634 = arith.constant 0 : i32
      %dma_wait3A_635 = arith.constant 0 : i32
      %dma_wait3A_636 = tpu.memref_slice %arg8[%dma_wait3A_632, %dma_wait3A_634, %dma_wait3A_635] : memref<4x40x128xf32, #tpu.memory_space<vmem>> -> memref<1x40x128xf32, #tpu.memory_space<vmem>>
      %dma_wait3A_637 = tpu.memref_squeeze %dma_wait3A_636 : memref<1x40x128xf32, #tpu.memory_space<vmem>> -> memref<40x128xf32, #tpu.memory_space<vmem>>
      %dma_wait3A_638 = arith.constant 0 : i32
      %dma_wait3A_639 = tpu.memref_slice %arg6[%dma_wait3A_631, %dma_wait3A_638] : memref<4x40xi32, #tpu.memory_space<vmem>> -> memref<1x40xi32, #tpu.memory_space<vmem>>
      %dma_wait3A_640 = tpu.memref_squeeze %dma_wait3A_639 : memref<1x40xi32, #tpu.memory_space<vmem>> -> memref<40xi32, #tpu.memory_space<vmem>>
      %dma_wait3A_641 = arith.constant 0 : i32
      %dma_wait3A_642 = arith.constant 0 : i32
      %dma_wait3A_643 = tpu.memref_slice %arg2[%dma_wait3A_641, %dma_wait3A_642] : memref<10240x128xf32, #tpu.memory_space<hbm>> -> memref<10240x128xf32, #tpu.memory_space<hbm>>
      %dma_wait3A_644 = tpu.memref_slice %arg12[%dma_wait3A_633] : memref<4x!tpu.dma_semaphore, #tpu.memory_space<semaphore_mem>> -> memref<1x!tpu.dma_semaphore, #tpu.memory_space<semaphore_mem>>
      %dma_wait3A_645 = tpu.memref_squeeze %dma_wait3A_644 : memref<1x!tpu.dma_semaphore, #tpu.memory_space<semaphore_mem>> -> memref<!tpu.dma_semaphore, #tpu.memory_space<semaphore_mem>>
      tpu.wait_indirect_dma semaphore(%dma_wait3A_645 : memref<!tpu.dma_semaphore, #tpu.memory_space<semaphore_mem>>) src(%dma_wait3A_643 : memref<10240x128xf32, #tpu.memory_space<hbm>>) dst(%dma_wait3A_637 : memref<40x128xf32, #tpu.memory_space<vmem>>)
      %add3A_646 = arith.constant 0 : i32
      %add3A_647 = arith.addi %mul3A_481, %add3A_646 : i32
      %dma_wait3A_648 = arith.constant 0 : i32
      %dma_wait3A_649 = arith.constant 0 : i32
      %dma_wait3A_650 = arith.constant 0 : i32
      %dma_wait3A_651 = tpu.memref_slice %arg7[%dma_wait3A_648, %dma_wait3A_650] : memref<4x40xi32, #tpu.memory_space<vmem>> -> memref<1x40xi32, #tpu.memory_space<vmem>>
      %dma_wait3A_652 = tpu.memref_squeeze %dma_wait3A_651 : memref<1x40xi32, #tpu.memory_space<vmem>> -> memref<40xi32, #tpu.memory_space<vmem>>
      %dma_wait3A_653 = arith.constant 0 : i32
      %dma_wait3A_654 = tpu.memref_slice %arg4[%add3A, %add3A_647, %dma_wait3A_653] : memref<32x250x40xi32, #tpu.memory_space<hbm>> -> memref<1x1x40xi32, #tpu.memory_space<hbm>>
      %dma_wait3A_655 = tpu.memref_squeeze %dma_wait3A_654 : memref<1x1x40xi32, #tpu.memory_space<hbm>> -> memref<40xi32, #tpu.memory_space<hbm>>
      %dma_wait3A_656 = tpu.memref_slice %arg11[%dma_wait3A_649] : memref<4x!tpu.dma_semaphore, #tpu.memory_space<semaphore_mem>> -> memref<1x!tpu.dma_semaphore, #tpu.memory_space<semaphore_mem>>
      %dma_wait3A_657 = tpu.memref_squeeze %dma_wait3A_656 : memref<1x!tpu.dma_semaphore, #tpu.memory_space<semaphore_mem>> -> memref<!tpu.dma_semaphore, #tpu.memory_space<semaphore_mem>>
      %dma_wait3A_658 = arith.constant 0 : i32
      %dma_wait3A_659 = tpu.memref_slice %arg7[%dma_wait3A_648, %dma_wait3A_658] : memref<4x40xi32, #tpu.memory_space<vmem>> -> memref<1x40xi32, #tpu.memory_space<vmem>>
      %dma_wait3A_660 = tpu.memref_squeeze %dma_wait3A_659 : memref<1x40xi32, #tpu.memory_space<vmem>> -> memref<40xi32, #tpu.memory_space<vmem>>
      %dma_wait3A_661 = arith.constant 0 : i32
      %dma_wait3A_662 = tpu.memref_slice %arg4[%add3A, %add3A_647, %dma_wait3A_661] : memref<32x250x40xi32, #tpu.memory_space<hbm>> -> memref<1x1x40xi32, #tpu.memory_space<hbm>>
      %dma_wait3A_663 = tpu.memref_squeeze %dma_wait3A_662 : memref<1x1x40xi32, #tpu.memory_space<hbm>> -> memref<40xi32, #tpu.memory_space<hbm>>
      tpu.wait_dma2 semaphore(%dma_wait3A_657 : memref<!tpu.dma_semaphore, #tpu.memory_space<semaphore_mem>>) src(%dma_wait3A_663 : memref<40xi32, #tpu.memory_space<hbm>>) dst(%dma_wait3A_660 : memref<40xi32, #tpu.memory_space<vmem>>)
      %dma_start3A_664 = arith.constant 0 : i32
      %dma_start3A_665 = arith.constant 0 : i32
      %dma_start3A_666 = arith.constant 0 : i32
      %dma_start3A_667 = arith.constant 0 : i32
      %dma_start3A_668 = arith.constant 0 : i32
      %dma_start3A_669 = tpu.memref_slice %arg8[%dma_start3A_664, %dma_start3A_667, %dma_start3A_668] : memref<4x40x128xf32, #tpu.memory_space<vmem>> -> memref<1x40x128xf32, #tpu.memory_space<vmem>>
      %dma_start3A_670 = tpu.memref_squeeze %dma_start3A_669 : memref<1x40x128xf32, #tpu.memory_space<vmem>> -> memref<40x128xf32, #tpu.memory_space<vmem>>
      %dma_start3A_671 = arith.constant 0 : i32
      %dma_start3A_672 = tpu.memref_slice %arg7[%dma_start3A_665, %dma_start3A_671] : memref<4x40xi32, #tpu.memory_space<vmem>> -> memref<1x40xi32, #tpu.memory_space<vmem>>
      %dma_start3A_673 = tpu.memref_squeeze %dma_start3A_672 : memref<1x40xi32, #tpu.memory_space<vmem>> -> memref<40xi32, #tpu.memory_space<vmem>>
      %dma_start3A_674 = arith.constant 0 : i32
      %dma_start3A_675 = arith.constant 0 : i32
      %dma_start3A_676 = tpu.memref_slice %arg9[%dma_start3A_674, %dma_start3A_675] : memref<10240x128xf32, #tpu.memory_space<vmem_shared>> -> memref<10240x128xf32, #tpu.memory_space<vmem_shared>>
      %dma_start3A_677 = tpu.memref_slice %arg13[%dma_start3A_666] : memref<4x!tpu.dma_semaphore, #tpu.memory_space<semaphore_mem>> -> memref<1x!tpu.dma_semaphore, #tpu.memory_space<semaphore_mem>>
      %dma_start3A_678 = tpu.memref_squeeze %dma_start3A_677 : memref<1x!tpu.dma_semaphore, #tpu.memory_space<semaphore_mem>> -> memref<!tpu.dma_semaphore, #tpu.memory_space<semaphore_mem>>
      tpu.enqueue_indirect_dma source(%dma_start3A_670 : memref<40x128xf32, #tpu.memory_space<vmem>>) target(%dma_start3A_676 : memref<10240x128xf32, #tpu.memory_space<vmem_shared>>) offsets(%dma_start3A_673 : memref<40xi32, #tpu.memory_space<vmem>>) semaphore(%dma_start3A_678 : memref<!tpu.dma_semaphore, #tpu.memory_space<semaphore_mem>>) {add = true}
      %add3A_679 = arith.constant 1 : i32
      %add3A_680 = arith.addi %scan3A_479, %add3A_679 : i32
      %lt3A = arith.constant 62 : i32
      %lt3A_681 = arith.cmpi slt, %add3A_680, %lt3A : i32
      %convert_element_type3A_682 = arith.extui %lt3A_681 : i1 to i32
      %cond3A_683 = arith.constant 0 : i32
      %cond3A_684 = arith.cmpi ne, %convert_element_type3A_682, %cond3A_683 : i32
      scf.if %cond3A_684 {
        %add3A_850 = arith.constant 4 : i32
        %add3A_851 = arith.addi %mul3A_481, %add3A_850 : i32
        %add3A_852 = arith.constant 0 : i32
        %add3A_853 = arith.addi %add3A_851, %add3A_852 : i32
        %dma_start3A_854 = arith.constant 0 : i32
        %dma_start3A_855 = arith.constant 0 : i32
        %dma_start3A_856 = arith.constant 0 : i32
        %dma_start3A_857 = tpu.memref_slice %arg6[%dma_start3A_854, %dma_start3A_856] : memref<4x40xi32, #tpu.memory_space<vmem>> -> memref<1x40xi32, #tpu.memory_space<vmem>>
        %dma_start3A_858 = tpu.memref_squeeze %dma_start3A_857 : memref<1x40xi32, #tpu.memory_space<vmem>> -> memref<40xi32, #tpu.memory_space<vmem>>
        %dma_start3A_859 = arith.constant 0 : i32
        %dma_start3A_860 = tpu.memref_slice %arg3[%add3A, %add3A_853, %dma_start3A_859] : memref<32x250x40xi32, #tpu.memory_space<hbm>> -> memref<1x1x40xi32, #tpu.memory_space<hbm>>
        %dma_start3A_861 = tpu.memref_squeeze %dma_start3A_860 : memref<1x1x40xi32, #tpu.memory_space<hbm>> -> memref<40xi32, #tpu.memory_space<hbm>>
        %dma_start3A_862 = tpu.memref_slice %arg10[%dma_start3A_855] : memref<4x!tpu.dma_semaphore, #tpu.memory_space<semaphore_mem>> -> memref<1x!tpu.dma_semaphore, #tpu.memory_space<semaphore_mem>>
        %dma_start3A_863 = tpu.memref_squeeze %dma_start3A_862 : memref<1x!tpu.dma_semaphore, #tpu.memory_space<semaphore_mem>> -> memref<!tpu.dma_semaphore, #tpu.memory_space<semaphore_mem>>
        %dma_start3A_864 = arith.constant 0 : i32
        %dma_start3A_865 = tpu.memref_slice %arg6[%dma_start3A_854, %dma_start3A_864] : memref<4x40xi32, #tpu.memory_space<vmem>> -> memref<1x40xi32, #tpu.memory_space<vmem>>
        %dma_start3A_866 = tpu.memref_squeeze %dma_start3A_865 : memref<1x40xi32, #tpu.memory_space<vmem>> -> memref<40xi32, #tpu.memory_space<vmem>>
        %dma_start3A_867 = arith.constant 0 : i32
        %dma_start3A_868 = tpu.memref_slice %arg3[%add3A, %add3A_853, %dma_start3A_867] : memref<32x250x40xi32, #tpu.memory_space<hbm>> -> memref<1x1x40xi32, #tpu.memory_space<hbm>>
        %dma_start3A_869 = tpu.memref_squeeze %dma_start3A_868 : memref<1x1x40xi32, #tpu.memory_space<hbm>> -> memref<40xi32, #tpu.memory_space<hbm>>
        tpu.enqueue_dma source(%dma_start3A_869 : memref<40xi32, #tpu.memory_space<hbm>>) target(%dma_start3A_866 : memref<40xi32, #tpu.memory_space<vmem>>) target_semaphore(%dma_start3A_863 : memref<!tpu.dma_semaphore, #tpu.memory_space<semaphore_mem>>)
      } else {
      }
      %dma_wait3A_685 = arith.constant 1 : i32
      %dma_wait3A_686 = arith.constant 1 : i32
      %dma_wait3A_687 = arith.constant 1 : i32
      %dma_wait3A_688 = arith.constant 0 : i32
      %dma_wait3A_689 = arith.constant 0 : i32
      %dma_wait3A_690 = tpu.memref_slice %arg8[%dma_wait3A_686, %dma_wait3A_688, %dma_wait3A_689] : memref<4x40x128xf32, #tpu.memory_space<vmem>> -> memref<1x40x128xf32, #tpu.memory_space<vmem>>
      %dma_wait3A_691 = tpu.memref_squeeze %dma_wait3A_690 : memref<1x40x128xf32, #tpu.memory_space<vmem>> -> memref<40x128xf32, #tpu.memory_space<vmem>>
      %dma_wait3A_692 = arith.constant 0 : i32
      %dma_wait3A_693 = tpu.memref_slice %arg6[%dma_wait3A_685, %dma_wait3A_692] : memref<4x40xi32, #tpu.memory_space<vmem>> -> memref<1x40xi32, #tpu.memory_space<vmem>>
      %dma_wait3A_694 = tpu.memref_squeeze %dma_wait3A_693 : memref<1x40xi32, #tpu.memory_space<vmem>> -> memref<40xi32, #tpu.memory_space<vmem>>
      %dma_wait3A_695 = arith.constant 0 : i32
      %dma_wait3A_696 = arith.constant 0 : i32
      %dma_wait3A_697 = tpu.memref_slice %arg2[%dma_wait3A_695, %dma_wait3A_696] : memref<10240x128xf32, #tpu.memory_space<hbm>> -> memref<10240x128xf32, #tpu.memory_space<hbm>>
      %dma_wait3A_698 = tpu.memref_slice %arg12[%dma_wait3A_687] : memref<4x!tpu.dma_semaphore, #tpu.memory_space<semaphore_mem>> -> memref<1x!tpu.dma_semaphore, #tpu.memory_space<semaphore_mem>>
      %dma_wait3A_699 = tpu.memref_squeeze %dma_wait3A_698 : memref<1x!tpu.dma_semaphore, #tpu.memory_space<semaphore_mem>> -> memref<!tpu.dma_semaphore, #tpu.memory_space<semaphore_mem>>
      tpu.wait_indirect_dma semaphore(%dma_wait3A_699 : memref<!tpu.dma_semaphore, #tpu.memory_space<semaphore_mem>>) src(%dma_wait3A_697 : memref<10240x128xf32, #tpu.memory_space<hbm>>) dst(%dma_wait3A_691 : memref<40x128xf32, #tpu.memory_space<vmem>>)
      %add3A_700 = arith.constant 1 : i32
      %add3A_701 = arith.addi %mul3A_481, %add3A_700 : i32
      %dma_wait3A_702 = arith.constant 1 : i32
      %dma_wait3A_703 = arith.constant 1 : i32
      %dma_wait3A_704 = arith.constant 0 : i32
      %dma_wait3A_705 = tpu.memref_slice %arg7[%dma_wait3A_702, %dma_wait3A_704] : memref<4x40xi32, #tpu.memory_space<vmem>> -> memref<1x40xi32, #tpu.memory_space<vmem>>
      %dma_wait3A_706 = tpu.memref_squeeze %dma_wait3A_705 : memref<1x40xi32, #tpu.memory_space<vmem>> -> memref<40xi32, #tpu.memory_space<vmem>>
      %dma_wait3A_707 = arith.constant 0 : i32
      %dma_wait3A_708 = tpu.memref_slice %arg4[%add3A, %add3A_701, %dma_wait3A_707] : memref<32x250x40xi32, #tpu.memory_space<hbm>> -> memref<1x1x40xi32, #tpu.memory_space<hbm>>
      %dma_wait3A_709 = tpu.memref_squeeze %dma_wait3A_708 : memref<1x1x40xi32, #tpu.memory_space<hbm>> -> memref<40xi32, #tpu.memory_space<hbm>>
      %dma_wait3A_710 = tpu.memref_slice %arg11[%dma_wait3A_703] : memref<4x!tpu.dma_semaphore, #tpu.memory_space<semaphore_mem>> -> memref<1x!tpu.dma_semaphore, #tpu.memory_space<semaphore_mem>>
      %dma_wait3A_711 = tpu.memref_squeeze %dma_wait3A_710 : memref<1x!tpu.dma_semaphore, #tpu.memory_space<semaphore_mem>> -> memref<!tpu.dma_semaphore, #tpu.memory_space<semaphore_mem>>
      %dma_wait3A_712 = arith.constant 0 : i32
      %dma_wait3A_713 = tpu.memref_slice %arg7[%dma_wait3A_702, %dma_wait3A_712] : memref<4x40xi32, #tpu.memory_space<vmem>> -> memref<1x40xi32, #tpu.memory_space<vmem>>
      %dma_wait3A_714 = tpu.memref_squeeze %dma_wait3A_713 : memref<1x40xi32, #tpu.memory_space<vmem>> -> memref<40xi32, #tpu.memory_space<vmem>>
      %dma_wait3A_715 = arith.constant 0 : i32
      %dma_wait3A_716 = tpu.memref_slice %arg4[%add3A, %add3A_701, %dma_wait3A_715] : memref<32x250x40xi32, #tpu.memory_space<hbm>> -> memref<1x1x40xi32, #tpu.memory_space<hbm>>
      %dma_wait3A_717 = tpu.memref_squeeze %dma_wait3A_716 : memref<1x1x40xi32, #tpu.memory_space<hbm>> -> memref<40xi32, #tpu.memory_space<hbm>>
      tpu.wait_dma2 semaphore(%dma_wait3A_711 : memref<!tpu.dma_semaphore, #tpu.memory_space<semaphore_mem>>) src(%dma_wait3A_717 : memref<40xi32, #tpu.memory_space<hbm>>) dst(%dma_wait3A_714 : memref<40xi32, #tpu.memory_space<vmem>>)
      %dma_start3A_718 = arith.constant 1 : i32
      %dma_start3A_719 = arith.constant 1 : i32
      %dma_start3A_720 = arith.constant 1 : i32
      %dma_start3A_721 = arith.constant 0 : i32
      %dma_start3A_722 = arith.constant 0 : i32
      %dma_start3A_723 = tpu.memref_slice %arg8[%dma_start3A_718, %dma_start3A_721, %dma_start3A_722] : memref<4x40x128xf32, #tpu.memory_space<vmem>> -> memref<1x40x128xf32, #tpu.memory_space<vmem>>
      %dma_start3A_724 = tpu.memref_squeeze %dma_start3A_723 : memref<1x40x128xf32, #tpu.memory_space<vmem>> -> memref<40x128xf32, #tpu.memory_space<vmem>>
      %dma_start3A_725 = arith.constant 0 : i32
      %dma_start3A_726 = tpu.memref_slice %arg7[%dma_start3A_719, %dma_start3A_725] : memref<4x40xi32, #tpu.memory_space<vmem>> -> memref<1x40xi32, #tpu.memory_space<vmem>>
      %dma_start3A_727 = tpu.memref_squeeze %dma_start3A_726 : memref<1x40xi32, #tpu.memory_space<vmem>> -> memref<40xi32, #tpu.memory_space<vmem>>
      %dma_start3A_728 = arith.constant 0 : i32
      %dma_start3A_729 = arith.constant 0 : i32
      %dma_start3A_730 = tpu.memref_slice %arg9[%dma_start3A_728, %dma_start3A_729] : memref<10240x128xf32, #tpu.memory_space<vmem_shared>> -> memref<10240x128xf32, #tpu.memory_space<vmem_shared>>
      %dma_start3A_731 = tpu.memref_slice %arg13[%dma_start3A_720] : memref<4x!tpu.dma_semaphore, #tpu.memory_space<semaphore_mem>> -> memref<1x!tpu.dma_semaphore, #tpu.memory_space<semaphore_mem>>
      %dma_start3A_732 = tpu.memref_squeeze %dma_start3A_731 : memref<1x!tpu.dma_semaphore, #tpu.memory_space<semaphore_mem>> -> memref<!tpu.dma_semaphore, #tpu.memory_space<semaphore_mem>>
      tpu.enqueue_indirect_dma source(%dma_start3A_724 : memref<40x128xf32, #tpu.memory_space<vmem>>) target(%dma_start3A_730 : memref<10240x128xf32, #tpu.memory_space<vmem_shared>>) offsets(%dma_start3A_727 : memref<40xi32, #tpu.memory_space<vmem>>) semaphore(%dma_start3A_732 : memref<!tpu.dma_semaphore, #tpu.memory_space<semaphore_mem>>) {add = true}
      %add3A_733 = arith.constant 1 : i32
      %add3A_734 = arith.addi %scan3A_479, %add3A_733 : i32
      %lt3A_735 = arith.constant 62 : i32
      %lt3A_736 = arith.cmpi slt, %add3A_734, %lt3A_735 : i32
      %convert_element_type3A_737 = arith.extui %lt3A_736 : i1 to i32
      %cond3A_738 = arith.constant 0 : i32
      %cond3A_739 = arith.cmpi ne, %convert_element_type3A_737, %cond3A_738 : i32
      scf.if %cond3A_739 {
        %add3A_850 = arith.constant 4 : i32
        %add3A_851 = arith.addi %mul3A_481, %add3A_850 : i32
        %add3A_852 = arith.constant 1 : i32
        %add3A_853 = arith.addi %add3A_851, %add3A_852 : i32
        %dma_start3A_854 = arith.constant 1 : i32
        %dma_start3A_855 = arith.constant 1 : i32
        %dma_start3A_856 = arith.constant 0 : i32
        %dma_start3A_857 = tpu.memref_slice %arg6[%dma_start3A_854, %dma_start3A_856] : memref<4x40xi32, #tpu.memory_space<vmem>> -> memref<1x40xi32, #tpu.memory_space<vmem>>
        %dma_start3A_858 = tpu.memref_squeeze %dma_start3A_857 : memref<1x40xi32, #tpu.memory_space<vmem>> -> memref<40xi32, #tpu.memory_space<vmem>>
        %dma_start3A_859 = arith.constant 0 : i32
        %dma_start3A_860 = tpu.memref_slice %arg3[%add3A, %add3A_853, %dma_start3A_859] : memref<32x250x40xi32, #tpu.memory_space<hbm>> -> memref<1x1x40xi32, #tpu.memory_space<hbm>>
        %dma_start3A_861 = tpu.memref_squeeze %dma_start3A_860 : memref<1x1x40xi32, #tpu.memory_space<hbm>> -> memref<40xi32, #tpu.memory_space<hbm>>
        %dma_start3A_862 = tpu.memref_slice %arg10[%dma_start3A_855] : memref<4x!tpu.dma_semaphore, #tpu.memory_space<semaphore_mem>> -> memref<1x!tpu.dma_semaphore, #tpu.memory_space<semaphore_mem>>
        %dma_start3A_863 = tpu.memref_squeeze %dma_start3A_862 : memref<1x!tpu.dma_semaphore, #tpu.memory_space<semaphore_mem>> -> memref<!tpu.dma_semaphore, #tpu.memory_space<semaphore_mem>>
        %dma_start3A_864 = arith.constant 0 : i32
        %dma_start3A_865 = tpu.memref_slice %arg6[%dma_start3A_854, %dma_start3A_864] : memref<4x40xi32, #tpu.memory_space<vmem>> -> memref<1x40xi32, #tpu.memory_space<vmem>>
        %dma_start3A_866 = tpu.memref_squeeze %dma_start3A_865 : memref<1x40xi32, #tpu.memory_space<vmem>> -> memref<40xi32, #tpu.memory_space<vmem>>
        %dma_start3A_867 = arith.constant 0 : i32
        %dma_start3A_868 = tpu.memref_slice %arg3[%add3A, %add3A_853, %dma_start3A_867] : memref<32x250x40xi32, #tpu.memory_space<hbm>> -> memref<1x1x40xi32, #tpu.memory_space<hbm>>
        %dma_start3A_869 = tpu.memref_squeeze %dma_start3A_868 : memref<1x1x40xi32, #tpu.memory_space<hbm>> -> memref<40xi32, #tpu.memory_space<hbm>>
        tpu.enqueue_dma source(%dma_start3A_869 : memref<40xi32, #tpu.memory_space<hbm>>) target(%dma_start3A_866 : memref<40xi32, #tpu.memory_space<vmem>>) target_semaphore(%dma_start3A_863 : memref<!tpu.dma_semaphore, #tpu.memory_space<semaphore_mem>>)
      } else {
      }
      %dma_wait3A_740 = arith.constant 2 : i32
      %dma_wait3A_741 = arith.constant 2 : i32
      %dma_wait3A_742 = arith.constant 2 : i32
      %dma_wait3A_743 = arith.constant 0 : i32
      %dma_wait3A_744 = arith.constant 0 : i32
      %dma_wait3A_745 = tpu.memref_slice %arg8[%dma_wait3A_741, %dma_wait3A_743, %dma_wait3A_744] : memref<4x40x128xf32, #tpu.memory_space<vmem>> -> memref<1x40x128xf32, #tpu.memory_space<vmem>>
      %dma_wait3A_746 = tpu.memref_squeeze %dma_wait3A_745 : memref<1x40x128xf32, #tpu.memory_space<vmem>> -> memref<40x128xf32, #tpu.memory_space<vmem>>
      %dma_wait3A_747 = arith.constant 0 : i32
      %dma_wait3A_748 = tpu.memref_slice %arg6[%dma_wait3A_740, %dma_wait3A_747] : memref<4x40xi32, #tpu.memory_space<vmem>> -> memref<1x40xi32, #tpu.memory_space<vmem>>
      %dma_wait3A_749 = tpu.memref_squeeze %dma_wait3A_748 : memref<1x40xi32, #tpu.memory_space<vmem>> -> memref<40xi32, #tpu.memory_space<vmem>>
      %dma_wait3A_750 = arith.constant 0 : i32
      %dma_wait3A_751 = arith.constant 0 : i32
      %dma_wait3A_752 = tpu.memref_slice %arg2[%dma_wait3A_750, %dma_wait3A_751] : memref<10240x128xf32, #tpu.memory_space<hbm>> -> memref<10240x128xf32, #tpu.memory_space<hbm>>
      %dma_wait3A_753 = tpu.memref_slice %arg12[%dma_wait3A_742] : memref<4x!tpu.dma_semaphore, #tpu.memory_space<semaphore_mem>> -> memref<1x!tpu.dma_semaphore, #tpu.memory_space<semaphore_mem>>
      %dma_wait3A_754 = tpu.memref_squeeze %dma_wait3A_753 : memref<1x!tpu.dma_semaphore, #tpu.memory_space<semaphore_mem>> -> memref<!tpu.dma_semaphore, #tpu.memory_space<semaphore_mem>>
      tpu.wait_indirect_dma semaphore(%dma_wait3A_754 : memref<!tpu.dma_semaphore, #tpu.memory_space<semaphore_mem>>) src(%dma_wait3A_752 : memref<10240x128xf32, #tpu.memory_space<hbm>>) dst(%dma_wait3A_746 : memref<40x128xf32, #tpu.memory_space<vmem>>)
      %add3A_755 = arith.constant 2 : i32
      %add3A_756 = arith.addi %mul3A_481, %add3A_755 : i32
      %dma_wait3A_757 = arith.constant 2 : i32
      %dma_wait3A_758 = arith.constant 2 : i32
      %dma_wait3A_759 = arith.constant 0 : i32
      %dma_wait3A_760 = tpu.memref_slice %arg7[%dma_wait3A_757, %dma_wait3A_759] : memref<4x40xi32, #tpu.memory_space<vmem>> -> memref<1x40xi32, #tpu.memory_space<vmem>>
      %dma_wait3A_761 = tpu.memref_squeeze %dma_wait3A_760 : memref<1x40xi32, #tpu.memory_space<vmem>> -> memref<40xi32, #tpu.memory_space<vmem>>
      %dma_wait3A_762 = arith.constant 0 : i32
      %dma_wait3A_763 = tpu.memref_slice %arg4[%add3A, %add3A_756, %dma_wait3A_762] : memref<32x250x40xi32, #tpu.memory_space<hbm>> -> memref<1x1x40xi32, #tpu.memory_space<hbm>>
      %dma_wait3A_764 = tpu.memref_squeeze %dma_wait3A_763 : memref<1x1x40xi32, #tpu.memory_space<hbm>> -> memref<40xi32, #tpu.memory_space<hbm>>
      %dma_wait3A_765 = tpu.memref_slice %arg11[%dma_wait3A_758] : memref<4x!tpu.dma_semaphore, #tpu.memory_space<semaphore_mem>> -> memref<1x!tpu.dma_semaphore, #tpu.memory_space<semaphore_mem>>
      %dma_wait3A_766 = tpu.memref_squeeze %dma_wait3A_765 : memref<1x!tpu.dma_semaphore, #tpu.memory_space<semaphore_mem>> -> memref<!tpu.dma_semaphore, #tpu.memory_space<semaphore_mem>>
      %dma_wait3A_767 = arith.constant 0 : i32
      %dma_wait3A_768 = tpu.memref_slice %arg7[%dma_wait3A_757, %dma_wait3A_767] : memref<4x40xi32, #tpu.memory_space<vmem>> -> memref<1x40xi32, #tpu.memory_space<vmem>>
      %dma_wait3A_769 = tpu.memref_squeeze %dma_wait3A_768 : memref<1x40xi32, #tpu.memory_space<vmem>> -> memref<40xi32, #tpu.memory_space<vmem>>
      %dma_wait3A_770 = arith.constant 0 : i32
      %dma_wait3A_771 = tpu.memref_slice %arg4[%add3A, %add3A_756, %dma_wait3A_770] : memref<32x250x40xi32, #tpu.memory_space<hbm>> -> memref<1x1x40xi32, #tpu.memory_space<hbm>>
      %dma_wait3A_772 = tpu.memref_squeeze %dma_wait3A_771 : memref<1x1x40xi32, #tpu.memory_space<hbm>> -> memref<40xi32, #tpu.memory_space<hbm>>
      tpu.wait_dma2 semaphore(%dma_wait3A_766 : memref<!tpu.dma_semaphore, #tpu.memory_space<semaphore_mem>>) src(%dma_wait3A_772 : memref<40xi32, #tpu.memory_space<hbm>>) dst(%dma_wait3A_769 : memref<40xi32, #tpu.memory_space<vmem>>)
      %dma_start3A_773 = arith.constant 2 : i32
      %dma_start3A_774 = arith.constant 2 : i32
      %dma_start3A_775 = arith.constant 2 : i32
      %dma_start3A_776 = arith.constant 0 : i32
      %dma_start3A_777 = arith.constant 0 : i32
      %dma_start3A_778 = tpu.memref_slice %arg8[%dma_start3A_773, %dma_start3A_776, %dma_start3A_777] : memref<4x40x128xf32, #tpu.memory_space<vmem>> -> memref<1x40x128xf32, #tpu.memory_space<vmem>>
      %dma_start3A_779 = tpu.memref_squeeze %dma_start3A_778 : memref<1x40x128xf32, #tpu.memory_space<vmem>> -> memref<40x128xf32, #tpu.memory_space<vmem>>
      %dma_start3A_780 = arith.constant 0 : i32
      %dma_start3A_781 = tpu.memref_slice %arg7[%dma_start3A_774, %dma_start3A_780] : memref<4x40xi32, #tpu.memory_space<vmem>> -> memref<1x40xi32, #tpu.memory_space<vmem>>
      %dma_start3A_782 = tpu.memref_squeeze %dma_start3A_781 : memref<1x40xi32, #tpu.memory_space<vmem>> -> memref<40xi32, #tpu.memory_space<vmem>>
      %dma_start3A_783 = arith.constant 0 : i32
      %dma_start3A_784 = arith.constant 0 : i32
      %dma_start3A_785 = tpu.memref_slice %arg9[%dma_start3A_783, %dma_start3A_784] : memref<10240x128xf32, #tpu.memory_space<vmem_shared>> -> memref<10240x128xf32, #tpu.memory_space<vmem_shared>>
      %dma_start3A_786 = tpu.memref_slice %arg13[%dma_start3A_775] : memref<4x!tpu.dma_semaphore, #tpu.memory_space<semaphore_mem>> -> memref<1x!tpu.dma_semaphore, #tpu.memory_space<semaphore_mem>>
      %dma_start3A_787 = tpu.memref_squeeze %dma_start3A_786 : memref<1x!tpu.dma_semaphore, #tpu.memory_space<semaphore_mem>> -> memref<!tpu.dma_semaphore, #tpu.memory_space<semaphore_mem>>
      tpu.enqueue_indirect_dma source(%dma_start3A_779 : memref<40x128xf32, #tpu.memory_space<vmem>>) target(%dma_start3A_785 : memref<10240x128xf32, #tpu.memory_space<vmem_shared>>) offsets(%dma_start3A_782 : memref<40xi32, #tpu.memory_space<vmem>>) semaphore(%dma_start3A_787 : memref<!tpu.dma_semaphore, #tpu.memory_space<semaphore_mem>>) {add = true}
      %add3A_788 = arith.constant 1 : i32
      %add3A_789 = arith.addi %scan3A_479, %add3A_788 : i32
      %lt3A_790 = arith.constant 62 : i32
      %lt3A_791 = arith.cmpi slt, %add3A_789, %lt3A_790 : i32
      %convert_element_type3A_792 = arith.extui %lt3A_791 : i1 to i32
      %cond3A_793 = arith.constant 0 : i32
      %cond3A_794 = arith.cmpi ne, %convert_element_type3A_792, %cond3A_793 : i32
      scf.if %cond3A_794 {
        %add3A_850 = arith.constant 4 : i32
        %add3A_851 = arith.addi %mul3A_481, %add3A_850 : i32
        %add3A_852 = arith.constant 2 : i32
        %add3A_853 = arith.addi %add3A_851, %add3A_852 : i32
        %dma_start3A_854 = arith.constant 2 : i32
        %dma_start3A_855 = arith.constant 2 : i32
        %dma_start3A_856 = arith.constant 0 : i32
        %dma_start3A_857 = tpu.memref_slice %arg6[%dma_start3A_854, %dma_start3A_856] : memref<4x40xi32, #tpu.memory_space<vmem>> -> memref<1x40xi32, #tpu.memory_space<vmem>>
        %dma_start3A_858 = tpu.memref_squeeze %dma_start3A_857 : memref<1x40xi32, #tpu.memory_space<vmem>> -> memref<40xi32, #tpu.memory_space<vmem>>
        %dma_start3A_859 = arith.constant 0 : i32
        %dma_start3A_860 = tpu.memref_slice %arg3[%add3A, %add3A_853, %dma_start3A_859] : memref<32x250x40xi32, #tpu.memory_space<hbm>> -> memref<1x1x40xi32, #tpu.memory_space<hbm>>
        %dma_start3A_861 = tpu.memref_squeeze %dma_start3A_860 : memref<1x1x40xi32, #tpu.memory_space<hbm>> -> memref<40xi32, #tpu.memory_space<hbm>>
        %dma_start3A_862 = tpu.memref_slice %arg10[%dma_start3A_855] : memref<4x!tpu.dma_semaphore, #tpu.memory_space<semaphore_mem>> -> memref<1x!tpu.dma_semaphore, #tpu.memory_space<semaphore_mem>>
        %dma_start3A_863 = tpu.memref_squeeze %dma_start3A_862 : memref<1x!tpu.dma_semaphore, #tpu.memory_space<semaphore_mem>> -> memref<!tpu.dma_semaphore, #tpu.memory_space<semaphore_mem>>
        %dma_start3A_864 = arith.constant 0 : i32
        %dma_start3A_865 = tpu.memref_slice %arg6[%dma_start3A_854, %dma_start3A_864] : memref<4x40xi32, #tpu.memory_space<vmem>> -> memref<1x40xi32, #tpu.memory_space<vmem>>
        %dma_start3A_866 = tpu.memref_squeeze %dma_start3A_865 : memref<1x40xi32, #tpu.memory_space<vmem>> -> memref<40xi32, #tpu.memory_space<vmem>>
        %dma_start3A_867 = arith.constant 0 : i32
        %dma_start3A_868 = tpu.memref_slice %arg3[%add3A, %add3A_853, %dma_start3A_867] : memref<32x250x40xi32, #tpu.memory_space<hbm>> -> memref<1x1x40xi32, #tpu.memory_space<hbm>>
        %dma_start3A_869 = tpu.memref_squeeze %dma_start3A_868 : memref<1x1x40xi32, #tpu.memory_space<hbm>> -> memref<40xi32, #tpu.memory_space<hbm>>
        tpu.enqueue_dma source(%dma_start3A_869 : memref<40xi32, #tpu.memory_space<hbm>>) target(%dma_start3A_866 : memref<40xi32, #tpu.memory_space<vmem>>) target_semaphore(%dma_start3A_863 : memref<!tpu.dma_semaphore, #tpu.memory_space<semaphore_mem>>)
      } else {
      }
      %dma_wait3A_795 = arith.constant 3 : i32
      %dma_wait3A_796 = arith.constant 3 : i32
      %dma_wait3A_797 = arith.constant 3 : i32
      %dma_wait3A_798 = arith.constant 0 : i32
      %dma_wait3A_799 = arith.constant 0 : i32
      %dma_wait3A_800 = tpu.memref_slice %arg8[%dma_wait3A_796, %dma_wait3A_798, %dma_wait3A_799] : memref<4x40x128xf32, #tpu.memory_space<vmem>> -> memref<1x40x128xf32, #tpu.memory_space<vmem>>
      %dma_wait3A_801 = tpu.memref_squeeze %dma_wait3A_800 : memref<1x40x128xf32, #tpu.memory_space<vmem>> -> memref<40x128xf32, #tpu.memory_space<vmem>>
      %dma_wait3A_802 = arith.constant 0 : i32
      %dma_wait3A_803 = tpu.memref_slice %arg6[%dma_wait3A_795, %dma_wait3A_802] : memref<4x40xi32, #tpu.memory_space<vmem>> -> memref<1x40xi32, #tpu.memory_space<vmem>>
      %dma_wait3A_804 = tpu.memref_squeeze %dma_wait3A_803 : memref<1x40xi32, #tpu.memory_space<vmem>> -> memref<40xi32, #tpu.memory_space<vmem>>
      %dma_wait3A_805 = arith.constant 0 : i32
      %dma_wait3A_806 = arith.constant 0 : i32
      %dma_wait3A_807 = tpu.memref_slice %arg2[%dma_wait3A_805, %dma_wait3A_806] : memref<10240x128xf32, #tpu.memory_space<hbm>> -> memref<10240x128xf32, #tpu.memory_space<hbm>>
      %dma_wait3A_808 = tpu.memref_slice %arg12[%dma_wait3A_797] : memref<4x!tpu.dma_semaphore, #tpu.memory_space<semaphore_mem>> -> memref<1x!tpu.dma_semaphore, #tpu.memory_space<semaphore_mem>>
      %dma_wait3A_809 = tpu.memref_squeeze %dma_wait3A_808 : memref<1x!tpu.dma_semaphore, #tpu.memory_space<semaphore_mem>> -> memref<!tpu.dma_semaphore, #tpu.memory_space<semaphore_mem>>
      tpu.wait_indirect_dma semaphore(%dma_wait3A_809 : memref<!tpu.dma_semaphore, #tpu.memory_space<semaphore_mem>>) src(%dma_wait3A_807 : memref<10240x128xf32, #tpu.memory_space<hbm>>) dst(%dma_wait3A_801 : memref<40x128xf32, #tpu.memory_space<vmem>>)
      %add3A_810 = arith.constant 3 : i32
      %add3A_811 = arith.addi %mul3A_481, %add3A_810 : i32
      %dma_wait3A_812 = arith.constant 3 : i32
      %dma_wait3A_813 = arith.constant 3 : i32
      %dma_wait3A_814 = arith.constant 0 : i32
      %dma_wait3A_815 = tpu.memref_slice %arg7[%dma_wait3A_812, %dma_wait3A_814] : memref<4x40xi32, #tpu.memory_space<vmem>> -> memref<1x40xi32, #tpu.memory_space<vmem>>
      %dma_wait3A_816 = tpu.memref_squeeze %dma_wait3A_815 : memref<1x40xi32, #tpu.memory_space<vmem>> -> memref<40xi32, #tpu.memory_space<vmem>>
      %dma_wait3A_817 = arith.constant 0 : i32
      %dma_wait3A_818 = tpu.memref_slice %arg4[%add3A, %add3A_811, %dma_wait3A_817] : memref<32x250x40xi32, #tpu.memory_space<hbm>> -> memref<1x1x40xi32, #tpu.memory_space<hbm>>
      %dma_wait3A_819 = tpu.memref_squeeze %dma_wait3A_818 : memref<1x1x40xi32, #tpu.memory_space<hbm>> -> memref<40xi32, #tpu.memory_space<hbm>>
      %dma_wait3A_820 = tpu.memref_slice %arg11[%dma_wait3A_813] : memref<4x!tpu.dma_semaphore, #tpu.memory_space<semaphore_mem>> -> memref<1x!tpu.dma_semaphore, #tpu.memory_space<semaphore_mem>>
      %dma_wait3A_821 = tpu.memref_squeeze %dma_wait3A_820 : memref<1x!tpu.dma_semaphore, #tpu.memory_space<semaphore_mem>> -> memref<!tpu.dma_semaphore, #tpu.memory_space<semaphore_mem>>
      %dma_wait3A_822 = arith.constant 0 : i32
      %dma_wait3A_823 = tpu.memref_slice %arg7[%dma_wait3A_812, %dma_wait3A_822] : memref<4x40xi32, #tpu.memory_space<vmem>> -> memref<1x40xi32, #tpu.memory_space<vmem>>
      %dma_wait3A_824 = tpu.memref_squeeze %dma_wait3A_823 : memref<1x40xi32, #tpu.memory_space<vmem>> -> memref<40xi32, #tpu.memory_space<vmem>>
      %dma_wait3A_825 = arith.constant 0 : i32
      %dma_wait3A_826 = tpu.memref_slice %arg4[%add3A, %add3A_811, %dma_wait3A_825] : memref<32x250x40xi32, #tpu.memory_space<hbm>> -> memref<1x1x40xi32, #tpu.memory_space<hbm>>
      %dma_wait3A_827 = tpu.memref_squeeze %dma_wait3A_826 : memref<1x1x40xi32, #tpu.memory_space<hbm>> -> memref<40xi32, #tpu.memory_space<hbm>>
      tpu.wait_dma2 semaphore(%dma_wait3A_821 : memref<!tpu.dma_semaphore, #tpu.memory_space<semaphore_mem>>) src(%dma_wait3A_827 : memref<40xi32, #tpu.memory_space<hbm>>) dst(%dma_wait3A_824 : memref<40xi32, #tpu.memory_space<vmem>>)
      %dma_start3A_828 = arith.constant 3 : i32
      %dma_start3A_829 = arith.constant 3 : i32
      %dma_start3A_830 = arith.constant 3 : i32
      %dma_start3A_831 = arith.constant 0 : i32
      %dma_start3A_832 = arith.constant 0 : i32
      %dma_start3A_833 = tpu.memref_slice %arg8[%dma_start3A_828, %dma_start3A_831, %dma_start3A_832] : memref<4x40x128xf32, #tpu.memory_space<vmem>> -> memref<1x40x128xf32, #tpu.memory_space<vmem>>
      %dma_start3A_834 = tpu.memref_squeeze %dma_start3A_833 : memref<1x40x128xf32, #tpu.memory_space<vmem>> -> memref<40x128xf32, #tpu.memory_space<vmem>>
      %dma_start3A_835 = arith.constant 0 : i32
      %dma_start3A_836 = tpu.memref_slice %arg7[%dma_start3A_829, %dma_start3A_835] : memref<4x40xi32, #tpu.memory_space<vmem>> -> memref<1x40xi32, #tpu.memory_space<vmem>>
      %dma_start3A_837 = tpu.memref_squeeze %dma_start3A_836 : memref<1x40xi32, #tpu.memory_space<vmem>> -> memref<40xi32, #tpu.memory_space<vmem>>
      %dma_start3A_838 = arith.constant 0 : i32
      %dma_start3A_839 = arith.constant 0 : i32
      %dma_start3A_840 = tpu.memref_slice %arg9[%dma_start3A_838, %dma_start3A_839] : memref<10240x128xf32, #tpu.memory_space<vmem_shared>> -> memref<10240x128xf32, #tpu.memory_space<vmem_shared>>
      %dma_start3A_841 = tpu.memref_slice %arg13[%dma_start3A_830] : memref<4x!tpu.dma_semaphore, #tpu.memory_space<semaphore_mem>> -> memref<1x!tpu.dma_semaphore, #tpu.memory_space<semaphore_mem>>
      %dma_start3A_842 = tpu.memref_squeeze %dma_start3A_841 : memref<1x!tpu.dma_semaphore, #tpu.memory_space<semaphore_mem>> -> memref<!tpu.dma_semaphore, #tpu.memory_space<semaphore_mem>>
      tpu.enqueue_indirect_dma source(%dma_start3A_834 : memref<40x128xf32, #tpu.memory_space<vmem>>) target(%dma_start3A_840 : memref<10240x128xf32, #tpu.memory_space<vmem_shared>>) offsets(%dma_start3A_837 : memref<40xi32, #tpu.memory_space<vmem>>) semaphore(%dma_start3A_842 : memref<!tpu.dma_semaphore, #tpu.memory_space<semaphore_mem>>) {add = true}
      %add3A_843 = arith.constant 1 : i32
      %add3A_844 = arith.addi %scan3A_479, %add3A_843 : i32
      %lt3A_845 = arith.constant 62 : i32
      %lt3A_846 = arith.cmpi slt, %add3A_844, %lt3A_845 : i32
      %convert_element_type3A_847 = arith.extui %lt3A_846 : i1 to i32
      %cond3A_848 = arith.constant 0 : i32
      %cond3A_849 = arith.cmpi ne, %convert_element_type3A_847, %cond3A_848 : i32
      scf.if %cond3A_849 {
        %add3A_850 = arith.constant 4 : i32
        %add3A_851 = arith.addi %mul3A_481, %add3A_850 : i32
        %add3A_852 = arith.constant 3 : i32
        %add3A_853 = arith.addi %add3A_851, %add3A_852 : i32
        %dma_start3A_854 = arith.constant 3 : i32
        %dma_start3A_855 = arith.constant 3 : i32
        %dma_start3A_856 = arith.constant 0 : i32
        %dma_start3A_857 = tpu.memref_slice %arg6[%dma_start3A_854, %dma_start3A_856] : memref<4x40xi32, #tpu.memory_space<vmem>> -> memref<1x40xi32, #tpu.memory_space<vmem>>
        %dma_start3A_858 = tpu.memref_squeeze %dma_start3A_857 : memref<1x40xi32, #tpu.memory_space<vmem>> -> memref<40xi32, #tpu.memory_space<vmem>>
        %dma_start3A_859 = arith.constant 0 : i32
        %dma_start3A_860 = tpu.memref_slice %arg3[%add3A, %add3A_853, %dma_start3A_859] : memref<32x250x40xi32, #tpu.memory_space<hbm>> -> memref<1x1x40xi32, #tpu.memory_space<hbm>>
        %dma_start3A_861 = tpu.memref_squeeze %dma_start3A_860 : memref<1x1x40xi32, #tpu.memory_space<hbm>> -> memref<40xi32, #tpu.memory_space<hbm>>
        %dma_start3A_862 = tpu.memref_slice %arg10[%dma_start3A_855] : memref<4x!tpu.dma_semaphore, #tpu.memory_space<semaphore_mem>> -> memref<1x!tpu.dma_semaphore, #tpu.memory_space<semaphore_mem>>
        %dma_start3A_863 = tpu.memref_squeeze %dma_start3A_862 : memref<1x!tpu.dma_semaphore, #tpu.memory_space<semaphore_mem>> -> memref<!tpu.dma_semaphore, #tpu.memory_space<semaphore_mem>>
        %dma_start3A_864 = arith.constant 0 : i32
        %dma_start3A_865 = tpu.memref_slice %arg6[%dma_start3A_854, %dma_start3A_864] : memref<4x40xi32, #tpu.memory_space<vmem>> -> memref<1x40xi32, #tpu.memory_space<vmem>>
        %dma_start3A_866 = tpu.memref_squeeze %dma_start3A_865 : memref<1x40xi32, #tpu.memory_space<vmem>> -> memref<40xi32, #tpu.memory_space<vmem>>
        %dma_start3A_867 = arith.constant 0 : i32
        %dma_start3A_868 = tpu.memref_slice %arg3[%add3A, %add3A_853, %dma_start3A_867] : memref<32x250x40xi32, #tpu.memory_space<hbm>> -> memref<1x1x40xi32, #tpu.memory_space<hbm>>
        %dma_start3A_869 = tpu.memref_squeeze %dma_start3A_868 : memref<1x1x40xi32, #tpu.memory_space<hbm>> -> memref<40xi32, #tpu.memory_space<hbm>>
        tpu.enqueue_dma source(%dma_start3A_869 : memref<40xi32, #tpu.memory_space<hbm>>) target(%dma_start3A_866 : memref<40xi32, #tpu.memory_space<vmem>>) target_semaphore(%dma_start3A_863 : memref<!tpu.dma_semaphore, #tpu.memory_space<semaphore_mem>>)
      } else {
      }
    }
    %scan3A_158 = arith.constant 62 : i32
    %dma_wait3A = arith.constant 0 : i32
    %dma_wait3A_159 = arith.constant 0 : i32
    %dma_wait3A_160 = arith.constant 0 : i32
    %dma_wait3A_161 = arith.constant 0 : i32
    %dma_wait3A_162 = arith.constant 0 : i32
    %dma_wait3A_163 = tpu.memref_slice %arg8[%dma_wait3A, %dma_wait3A_161, %dma_wait3A_162] : memref<4x40x128xf32, #tpu.memory_space<vmem>> -> memref<1x40x128xf32, #tpu.memory_space<vmem>>
    %dma_wait3A_164 = tpu.memref_squeeze %dma_wait3A_163 : memref<1x40x128xf32, #tpu.memory_space<vmem>> -> memref<40x128xf32, #tpu.memory_space<vmem>>
    %dma_wait3A_165 = arith.constant 0 : i32
    %dma_wait3A_166 = tpu.memref_slice %arg7[%dma_wait3A_159, %dma_wait3A_165] : memref<4x40xi32, #tpu.memory_space<vmem>> -> memref<1x40xi32, #tpu.memory_space<vmem>>
    %dma_wait3A_167 = tpu.memref_squeeze %dma_wait3A_166 : memref<1x40xi32, #tpu.memory_space<vmem>> -> memref<40xi32, #tpu.memory_space<vmem>>
    %dma_wait3A_168 = arith.constant 0 : i32
    %dma_wait3A_169 = arith.constant 0 : i32
    %dma_wait3A_170 = tpu.memref_slice %arg9[%dma_wait3A_168, %dma_wait3A_169] : memref<10240x128xf32, #tpu.memory_space<vmem_shared>> -> memref<10240x128xf32, #tpu.memory_space<vmem_shared>>
    %dma_wait3A_171 = tpu.memref_slice %arg13[%dma_wait3A_160] : memref<4x!tpu.dma_semaphore, #tpu.memory_space<semaphore_mem>> -> memref<1x!tpu.dma_semaphore, #tpu.memory_space<semaphore_mem>>
    %dma_wait3A_172 = tpu.memref_squeeze %dma_wait3A_171 : memref<1x!tpu.dma_semaphore, #tpu.memory_space<semaphore_mem>> -> memref<!tpu.dma_semaphore, #tpu.memory_space<semaphore_mem>>
    tpu.wait_indirect_dma semaphore(%dma_wait3A_172 : memref<!tpu.dma_semaphore, #tpu.memory_space<semaphore_mem>>) src(%dma_wait3A_164 : memref<40x128xf32, #tpu.memory_space<vmem>>) dst(%dma_wait3A_170 : memref<10240x128xf32, #tpu.memory_space<vmem_shared>>)
    %dma_wait3A_173 = arith.constant 1 : i32
    %dma_wait3A_174 = arith.constant 1 : i32
    %dma_wait3A_175 = arith.constant 1 : i32
    %dma_wait3A_176 = arith.constant 0 : i32
    %dma_wait3A_177 = arith.constant 0 : i32
    %dma_wait3A_178 = tpu.memref_slice %arg8[%dma_wait3A_173, %dma_wait3A_176, %dma_wait3A_177] : memref<4x40x128xf32, #tpu.memory_space<vmem>> -> memref<1x40x128xf32, #tpu.memory_space<vmem>>
    %dma_wait3A_179 = tpu.memref_squeeze %dma_wait3A_178 : memref<1x40x128xf32, #tpu.memory_space<vmem>> -> memref<40x128xf32, #tpu.memory_space<vmem>>
    %dma_wait3A_180 = arith.constant 0 : i32
    %dma_wait3A_181 = tpu.memref_slice %arg7[%dma_wait3A_174, %dma_wait3A_180] : memref<4x40xi32, #tpu.memory_space<vmem>> -> memref<1x40xi32, #tpu.memory_space<vmem>>
    %dma_wait3A_182 = tpu.memref_squeeze %dma_wait3A_181 : memref<1x40xi32, #tpu.memory_space<vmem>> -> memref<40xi32, #tpu.memory_space<vmem>>
    %dma_wait3A_183 = arith.constant 0 : i32
    %dma_wait3A_184 = arith.constant 0 : i32
    %dma_wait3A_185 = tpu.memref_slice %arg9[%dma_wait3A_183, %dma_wait3A_184] : memref<10240x128xf32, #tpu.memory_space<vmem_shared>> -> memref<10240x128xf32, #tpu.memory_space<vmem_shared>>
    %dma_wait3A_186 = tpu.memref_slice %arg13[%dma_wait3A_175] : memref<4x!tpu.dma_semaphore, #tpu.memory_space<semaphore_mem>> -> memref<1x!tpu.dma_semaphore, #tpu.memory_space<semaphore_mem>>
    %dma_wait3A_187 = tpu.memref_squeeze %dma_wait3A_186 : memref<1x!tpu.dma_semaphore, #tpu.memory_space<semaphore_mem>> -> memref<!tpu.dma_semaphore, #tpu.memory_space<semaphore_mem>>
    tpu.wait_indirect_dma semaphore(%dma_wait3A_187 : memref<!tpu.dma_semaphore, #tpu.memory_space<semaphore_mem>>) src(%dma_wait3A_179 : memref<40x128xf32, #tpu.memory_space<vmem>>) dst(%dma_wait3A_185 : memref<10240x128xf32, #tpu.memory_space<vmem_shared>>)
    %dma_wait3A_188 = arith.constant 2 : i32
    %dma_wait3A_189 = arith.constant 2 : i32
    %dma_wait3A_190 = arith.constant 2 : i32
    %dma_wait3A_191 = arith.constant 0 : i32
    %dma_wait3A_192 = arith.constant 0 : i32
    %dma_wait3A_193 = tpu.memref_slice %arg8[%dma_wait3A_188, %dma_wait3A_191, %dma_wait3A_192] : memref<4x40x128xf32, #tpu.memory_space<vmem>> -> memref<1x40x128xf32, #tpu.memory_space<vmem>>
    %dma_wait3A_194 = tpu.memref_squeeze %dma_wait3A_193 : memref<1x40x128xf32, #tpu.memory_space<vmem>> -> memref<40x128xf32, #tpu.memory_space<vmem>>
    %dma_wait3A_195 = arith.constant 0 : i32
    %dma_wait3A_196 = tpu.memref_slice %arg7[%dma_wait3A_189, %dma_wait3A_195] : memref<4x40xi32, #tpu.memory_space<vmem>> -> memref<1x40xi32, #tpu.memory_space<vmem>>
    %dma_wait3A_197 = tpu.memref_squeeze %dma_wait3A_196 : memref<1x40xi32, #tpu.memory_space<vmem>> -> memref<40xi32, #tpu.memory_space<vmem>>
    %dma_wait3A_198 = arith.constant 0 : i32
    %dma_wait3A_199 = arith.constant 0 : i32
    %dma_wait3A_200 = tpu.memref_slice %arg9[%dma_wait3A_198, %dma_wait3A_199] : memref<10240x128xf32, #tpu.memory_space<vmem_shared>> -> memref<10240x128xf32, #tpu.memory_space<vmem_shared>>
    %dma_wait3A_201 = tpu.memref_slice %arg13[%dma_wait3A_190] : memref<4x!tpu.dma_semaphore, #tpu.memory_space<semaphore_mem>> -> memref<1x!tpu.dma_semaphore, #tpu.memory_space<semaphore_mem>>
    %dma_wait3A_202 = tpu.memref_squeeze %dma_wait3A_201 : memref<1x!tpu.dma_semaphore, #tpu.memory_space<semaphore_mem>> -> memref<!tpu.dma_semaphore, #tpu.memory_space<semaphore_mem>>
    tpu.wait_indirect_dma semaphore(%dma_wait3A_202 : memref<!tpu.dma_semaphore, #tpu.memory_space<semaphore_mem>>) src(%dma_wait3A_194 : memref<40x128xf32, #tpu.memory_space<vmem>>) dst(%dma_wait3A_200 : memref<10240x128xf32, #tpu.memory_space<vmem_shared>>)
    %dma_wait3A_203 = arith.constant 3 : i32
    %dma_wait3A_204 = arith.constant 3 : i32
    %dma_wait3A_205 = arith.constant 3 : i32
    %dma_wait3A_206 = arith.constant 0 : i32
    %dma_wait3A_207 = arith.constant 0 : i32
    %dma_wait3A_208 = tpu.memref_slice %arg8[%dma_wait3A_203, %dma_wait3A_206, %dma_wait3A_207] : memref<4x40x128xf32, #tpu.memory_space<vmem>> -> memref<1x40x128xf32, #tpu.memory_space<vmem>>
    %dma_wait3A_209 = tpu.memref_squeeze %dma_wait3A_208 : memref<1x40x128xf32, #tpu.memory_space<vmem>> -> memref<40x128xf32, #tpu.memory_space<vmem>>
    %dma_wait3A_210 = arith.constant 0 : i32
    %dma_wait3A_211 = tpu.memref_slice %arg7[%dma_wait3A_204, %dma_wait3A_210] : memref<4x40xi32, #tpu.memory_space<vmem>> -> memref<1x40xi32, #tpu.memory_space<vmem>>
    %dma_wait3A_212 = tpu.memref_squeeze %dma_wait3A_211 : memref<1x40xi32, #tpu.memory_space<vmem>> -> memref<40xi32, #tpu.memory_space<vmem>>
    %dma_wait3A_213 = arith.constant 0 : i32
    %dma_wait3A_214 = arith.constant 0 : i32
    %dma_wait3A_215 = tpu.memref_slice %arg9[%dma_wait3A_213, %dma_wait3A_214] : memref<10240x128xf32, #tpu.memory_space<vmem_shared>> -> memref<10240x128xf32, #tpu.memory_space<vmem_shared>>
    %dma_wait3A_216 = tpu.memref_slice %arg13[%dma_wait3A_205] : memref<4x!tpu.dma_semaphore, #tpu.memory_space<semaphore_mem>> -> memref<1x!tpu.dma_semaphore, #tpu.memory_space<semaphore_mem>>
    %dma_wait3A_217 = tpu.memref_squeeze %dma_wait3A_216 : memref<1x!tpu.dma_semaphore, #tpu.memory_space<semaphore_mem>> -> memref<!tpu.dma_semaphore, #tpu.memory_space<semaphore_mem>>
    tpu.wait_indirect_dma semaphore(%dma_wait3A_217 : memref<!tpu.dma_semaphore, #tpu.memory_space<semaphore_mem>>) src(%dma_wait3A_209 : memref<40x128xf32, #tpu.memory_space<vmem>>) dst(%dma_wait3A_215 : memref<10240x128xf32, #tpu.memory_space<vmem_shared>>)
    %dma_start3A_218 = arith.constant 248 : i32
    %dma_start3A_219 = arith.constant 0 : i32
    %dma_start3A_220 = arith.constant 0 : i32
    %dma_start3A_221 = arith.constant 0 : i32
    %dma_start3A_222 = tpu.memref_slice %arg6[%dma_start3A_219, %dma_start3A_221] : memref<4x40xi32, #tpu.memory_space<vmem>> -> memref<1x40xi32, #tpu.memory_space<vmem>>
    %dma_start3A_223 = tpu.memref_squeeze %dma_start3A_222 : memref<1x40xi32, #tpu.memory_space<vmem>> -> memref<40xi32, #tpu.memory_space<vmem>>
    %dma_start3A_224 = arith.constant 0 : i32
    %dma_start3A_225 = tpu.memref_slice %arg3[%add3A, %dma_start3A_218, %dma_start3A_224] : memref<32x250x40xi32, #tpu.memory_space<hbm>> -> memref<1x1x40xi32, #tpu.memory_space<hbm>>
    %dma_start3A_226 = tpu.memref_squeeze %dma_start3A_225 : memref<1x1x40xi32, #tpu.memory_space<hbm>> -> memref<40xi32, #tpu.memory_space<hbm>>
    %dma_start3A_227 = tpu.memref_slice %arg10[%dma_start3A_220] : memref<4x!tpu.dma_semaphore, #tpu.memory_space<semaphore_mem>> -> memref<1x!tpu.dma_semaphore, #tpu.memory_space<semaphore_mem>>
    %dma_start3A_228 = tpu.memref_squeeze %dma_start3A_227 : memref<1x!tpu.dma_semaphore, #tpu.memory_space<semaphore_mem>> -> memref<!tpu.dma_semaphore, #tpu.memory_space<semaphore_mem>>
    %dma_start3A_229 = arith.constant 0 : i32
    %dma_start3A_230 = tpu.memref_slice %arg6[%dma_start3A_219, %dma_start3A_229] : memref<4x40xi32, #tpu.memory_space<vmem>> -> memref<1x40xi32, #tpu.memory_space<vmem>>
    %dma_start3A_231 = tpu.memref_squeeze %dma_start3A_230 : memref<1x40xi32, #tpu.memory_space<vmem>> -> memref<40xi32, #tpu.memory_space<vmem>>
    %dma_start3A_232 = arith.constant 0 : i32
    %dma_start3A_233 = tpu.memref_slice %arg3[%add3A, %dma_start3A_218, %dma_start3A_232] : memref<32x250x40xi32, #tpu.memory_space<hbm>> -> memref<1x1x40xi32, #tpu.memory_space<hbm>>
    %dma_start3A_234 = tpu.memref_squeeze %dma_start3A_233 : memref<1x1x40xi32, #tpu.memory_space<hbm>> -> memref<40xi32, #tpu.memory_space<hbm>>
    tpu.enqueue_dma source(%dma_start3A_234 : memref<40xi32, #tpu.memory_space<hbm>>) target(%dma_start3A_231 : memref<40xi32, #tpu.memory_space<vmem>>) target_semaphore(%dma_start3A_228 : memref<!tpu.dma_semaphore, #tpu.memory_space<semaphore_mem>>)
    %dma_start3A_235 = arith.constant 248 : i32
    %dma_start3A_236 = arith.constant 0 : i32
    %dma_start3A_237 = arith.constant 0 : i32
    %dma_start3A_238 = arith.constant 0 : i32
    %dma_start3A_239 = tpu.memref_slice %arg7[%dma_start3A_236, %dma_start3A_238] : memref<4x40xi32, #tpu.memory_space<vmem>> -> memref<1x40xi32, #tpu.memory_space<vmem>>
    %dma_start3A_240 = tpu.memref_squeeze %dma_start3A_239 : memref<1x40xi32, #tpu.memory_space<vmem>> -> memref<40xi32, #tpu.memory_space<vmem>>
    %dma_start3A_241 = arith.constant 0 : i32
    %dma_start3A_242 = tpu.memref_slice %arg4[%add3A, %dma_start3A_235, %dma_start3A_241] : memref<32x250x40xi32, #tpu.memory_space<hbm>> -> memref<1x1x40xi32, #tpu.memory_space<hbm>>
    %dma_start3A_243 = tpu.memref_squeeze %dma_start3A_242 : memref<1x1x40xi32, #tpu.memory_space<hbm>> -> memref<40xi32, #tpu.memory_space<hbm>>
    %dma_start3A_244 = tpu.memref_slice %arg11[%dma_start3A_237] : memref<4x!tpu.dma_semaphore, #tpu.memory_space<semaphore_mem>> -> memref<1x!tpu.dma_semaphore, #tpu.memory_space<semaphore_mem>>
    %dma_start3A_245 = tpu.memref_squeeze %dma_start3A_244 : memref<1x!tpu.dma_semaphore, #tpu.memory_space<semaphore_mem>> -> memref<!tpu.dma_semaphore, #tpu.memory_space<semaphore_mem>>
    %dma_start3A_246 = arith.constant 0 : i32
    %dma_start3A_247 = tpu.memref_slice %arg7[%dma_start3A_236, %dma_start3A_246] : memref<4x40xi32, #tpu.memory_space<vmem>> -> memref<1x40xi32, #tpu.memory_space<vmem>>
    %dma_start3A_248 = tpu.memref_squeeze %dma_start3A_247 : memref<1x40xi32, #tpu.memory_space<vmem>> -> memref<40xi32, #tpu.memory_space<vmem>>
    %dma_start3A_249 = arith.constant 0 : i32
    %dma_start3A_250 = tpu.memref_slice %arg4[%add3A, %dma_start3A_235, %dma_start3A_249] : memref<32x250x40xi32, #tpu.memory_space<hbm>> -> memref<1x1x40xi32, #tpu.memory_space<hbm>>
    %dma_start3A_251 = tpu.memref_squeeze %dma_start3A_250 : memref<1x1x40xi32, #tpu.memory_space<hbm>> -> memref<40xi32, #tpu.memory_space<hbm>>
    tpu.enqueue_dma source(%dma_start3A_251 : memref<40xi32, #tpu.memory_space<hbm>>) target(%dma_start3A_248 : memref<40xi32, #tpu.memory_space<vmem>>) target_semaphore(%dma_start3A_245 : memref<!tpu.dma_semaphore, #tpu.memory_space<semaphore_mem>>)
    %dma_wait3A_252 = arith.constant 248 : i32
    %dma_wait3A_253 = arith.constant 0 : i32
    %dma_wait3A_254 = arith.constant 0 : i32
    %dma_wait3A_255 = arith.constant 0 : i32
    %dma_wait3A_256 = tpu.memref_slice %arg6[%dma_wait3A_253, %dma_wait3A_255] : memref<4x40xi32, #tpu.memory_space<vmem>> -> memref<1x40xi32, #tpu.memory_space<vmem>>
    %dma_wait3A_257 = tpu.memref_squeeze %dma_wait3A_256 : memref<1x40xi32, #tpu.memory_space<vmem>> -> memref<40xi32, #tpu.memory_space<vmem>>
    %dma_wait3A_258 = arith.constant 0 : i32
    %dma_wait3A_259 = tpu.memref_slice %arg3[%add3A, %dma_wait3A_252, %dma_wait3A_258] : memref<32x250x40xi32, #tpu.memory_space<hbm>> -> memref<1x1x40xi32, #tpu.memory_space<hbm>>
    %dma_wait3A_260 = tpu.memref_squeeze %dma_wait3A_259 : memref<1x1x40xi32, #tpu.memory_space<hbm>> -> memref<40xi32, #tpu.memory_space<hbm>>
    %dma_wait3A_261 = tpu.memref_slice %arg10[%dma_wait3A_254] : memref<4x!tpu.dma_semaphore, #tpu.memory_space<semaphore_mem>> -> memref<1x!tpu.dma_semaphore, #tpu.memory_space<semaphore_mem>>
    %dma_wait3A_262 = tpu.memref_squeeze %dma_wait3A_261 : memref<1x!tpu.dma_semaphore, #tpu.memory_space<semaphore_mem>> -> memref<!tpu.dma_semaphore, #tpu.memory_space<semaphore_mem>>
    %dma_wait3A_263 = arith.constant 0 : i32
    %dma_wait3A_264 = tpu.memref_slice %arg6[%dma_wait3A_253, %dma_wait3A_263] : memref<4x40xi32, #tpu.memory_space<vmem>> -> memref<1x40xi32, #tpu.memory_space<vmem>>
    %dma_wait3A_265 = tpu.memref_squeeze %dma_wait3A_264 : memref<1x40xi32, #tpu.memory_space<vmem>> -> memref<40xi32, #tpu.memory_space<vmem>>
    %dma_wait3A_266 = arith.constant 0 : i32
    %dma_wait3A_267 = tpu.memref_slice %arg3[%add3A, %dma_wait3A_252, %dma_wait3A_266] : memref<32x250x40xi32, #tpu.memory_space<hbm>> -> memref<1x1x40xi32, #tpu.memory_space<hbm>>
    %dma_wait3A_268 = tpu.memref_squeeze %dma_wait3A_267 : memref<1x1x40xi32, #tpu.memory_space<hbm>> -> memref<40xi32, #tpu.memory_space<hbm>>
    tpu.wait_dma2 semaphore(%dma_wait3A_262 : memref<!tpu.dma_semaphore, #tpu.memory_space<semaphore_mem>>) src(%dma_wait3A_268 : memref<40xi32, #tpu.memory_space<hbm>>) dst(%dma_wait3A_265 : memref<40xi32, #tpu.memory_space<vmem>>)
    %dma_start3A_269 = arith.constant 0 : i32
    %dma_start3A_270 = arith.constant 0 : i32
    %dma_start3A_271 = arith.constant 0 : i32
    %dma_start3A_272 = arith.constant 0 : i32
    %dma_start3A_273 = arith.constant 0 : i32
    %dma_start3A_274 = tpu.memref_slice %arg8[%dma_start3A_270, %dma_start3A_272, %dma_start3A_273] : memref<4x40x128xf32, #tpu.memory_space<vmem>> -> memref<1x40x128xf32, #tpu.memory_space<vmem>>
    %dma_start3A_275 = tpu.memref_squeeze %dma_start3A_274 : memref<1x40x128xf32, #tpu.memory_space<vmem>> -> memref<40x128xf32, #tpu.memory_space<vmem>>
    %dma_start3A_276 = arith.constant 0 : i32
    %dma_start3A_277 = tpu.memref_slice %arg6[%dma_start3A_269, %dma_start3A_276] : memref<4x40xi32, #tpu.memory_space<vmem>> -> memref<1x40xi32, #tpu.memory_space<vmem>>
    %dma_start3A_278 = tpu.memref_squeeze %dma_start3A_277 : memref<1x40xi32, #tpu.memory_space<vmem>> -> memref<40xi32, #tpu.memory_space<vmem>>
    %dma_start3A_279 = arith.constant 0 : i32
    %dma_start3A_280 = arith.constant 0 : i32
    %dma_start3A_281 = tpu.memref_slice %arg2[%dma_start3A_279, %dma_start3A_280] : memref<10240x128xf32, #tpu.memory_space<hbm>> -> memref<10240x128xf32, #tpu.memory_space<hbm>>
    %dma_start3A_282 = tpu.memref_slice %arg12[%dma_start3A_271] : memref<4x!tpu.dma_semaphore, #tpu.memory_space<semaphore_mem>> -> memref<1x!tpu.dma_semaphore, #tpu.memory_space<semaphore_mem>>
    %dma_start3A_283 = tpu.memref_squeeze %dma_start3A_282 : memref<1x!tpu.dma_semaphore, #tpu.memory_space<semaphore_mem>> -> memref<!tpu.dma_semaphore, #tpu.memory_space<semaphore_mem>>
    tpu.enqueue_indirect_dma source(%dma_start3A_281 : memref<10240x128xf32, #tpu.memory_space<hbm>>) target(%dma_start3A_275 : memref<40x128xf32, #tpu.memory_space<vmem>>) offsets(%dma_start3A_278 : memref<40xi32, #tpu.memory_space<vmem>>) semaphore(%dma_start3A_283 : memref<!tpu.dma_semaphore, #tpu.memory_space<semaphore_mem>>)
    %dma_start3A_284 = arith.constant 249 : i32
    %dma_start3A_285 = arith.constant 1 : i32
    %dma_start3A_286 = arith.constant 1 : i32
    %dma_start3A_287 = arith.constant 0 : i32
    %dma_start3A_288 = tpu.memref_slice %arg6[%dma_start3A_285, %dma_start3A_287] : memref<4x40xi32, #tpu.memory_space<vmem>> -> memref<1x40xi32, #tpu.memory_space<vmem>>
    %dma_start3A_289 = tpu.memref_squeeze %dma_start3A_288 : memref<1x40xi32, #tpu.memory_space<vmem>> -> memref<40xi32, #tpu.memory_space<vmem>>
    %dma_start3A_290 = arith.constant 0 : i32
    %dma_start3A_291 = tpu.memref_slice %arg3[%add3A, %dma_start3A_284, %dma_start3A_290] : memref<32x250x40xi32, #tpu.memory_space<hbm>> -> memref<1x1x40xi32, #tpu.memory_space<hbm>>
    %dma_start3A_292 = tpu.memref_squeeze %dma_start3A_291 : memref<1x1x40xi32, #tpu.memory_space<hbm>> -> memref<40xi32, #tpu.memory_space<hbm>>
    %dma_start3A_293 = tpu.memref_slice %arg10[%dma_start3A_286] : memref<4x!tpu.dma_semaphore, #tpu.memory_space<semaphore_mem>> -> memref<1x!tpu.dma_semaphore, #tpu.memory_space<semaphore_mem>>
    %dma_start3A_294 = tpu.memref_squeeze %dma_start3A_293 : memref<1x!tpu.dma_semaphore, #tpu.memory_space<semaphore_mem>> -> memref<!tpu.dma_semaphore, #tpu.memory_space<semaphore_mem>>
    %dma_start3A_295 = arith.constant 0 : i32
    %dma_start3A_296 = tpu.memref_slice %arg6[%dma_start3A_285, %dma_start3A_295] : memref<4x40xi32, #tpu.memory_space<vmem>> -> memref<1x40xi32, #tpu.memory_space<vmem>>
    %dma_start3A_297 = tpu.memref_squeeze %dma_start3A_296 : memref<1x40xi32, #tpu.memory_space<vmem>> -> memref<40xi32, #tpu.memory_space<vmem>>
    %dma_start3A_298 = arith.constant 0 : i32
    %dma_start3A_299 = tpu.memref_slice %arg3[%add3A, %dma_start3A_284, %dma_start3A_298] : memref<32x250x40xi32, #tpu.memory_space<hbm>> -> memref<1x1x40xi32, #tpu.memory_space<hbm>>
    %dma_start3A_300 = tpu.memref_squeeze %dma_start3A_299 : memref<1x1x40xi32, #tpu.memory_space<hbm>> -> memref<40xi32, #tpu.memory_space<hbm>>
    tpu.enqueue_dma source(%dma_start3A_300 : memref<40xi32, #tpu.memory_space<hbm>>) target(%dma_start3A_297 : memref<40xi32, #tpu.memory_space<vmem>>) target_semaphore(%dma_start3A_294 : memref<!tpu.dma_semaphore, #tpu.memory_space<semaphore_mem>>)
    %dma_start3A_301 = arith.constant 249 : i32
    %dma_start3A_302 = arith.constant 1 : i32
    %dma_start3A_303 = arith.constant 1 : i32
    %dma_start3A_304 = arith.constant 0 : i32
    %dma_start3A_305 = tpu.memref_slice %arg7[%dma_start3A_302, %dma_start3A_304] : memref<4x40xi32, #tpu.memory_space<vmem>> -> memref<1x40xi32, #tpu.memory_space<vmem>>
    %dma_start3A_306 = tpu.memref_squeeze %dma_start3A_305 : memref<1x40xi32, #tpu.memory_space<vmem>> -> memref<40xi32, #tpu.memory_space<vmem>>
    %dma_start3A_307 = arith.constant 0 : i32
    %dma_start3A_308 = tpu.memref_slice %arg4[%add3A, %dma_start3A_301, %dma_start3A_307] : memref<32x250x40xi32, #tpu.memory_space<hbm>> -> memref<1x1x40xi32, #tpu.memory_space<hbm>>
    %dma_start3A_309 = tpu.memref_squeeze %dma_start3A_308 : memref<1x1x40xi32, #tpu.memory_space<hbm>> -> memref<40xi32, #tpu.memory_space<hbm>>
    %dma_start3A_310 = tpu.memref_slice %arg11[%dma_start3A_303] : memref<4x!tpu.dma_semaphore, #tpu.memory_space<semaphore_mem>> -> memref<1x!tpu.dma_semaphore, #tpu.memory_space<semaphore_mem>>
    %dma_start3A_311 = tpu.memref_squeeze %dma_start3A_310 : memref<1x!tpu.dma_semaphore, #tpu.memory_space<semaphore_mem>> -> memref<!tpu.dma_semaphore, #tpu.memory_space<semaphore_mem>>
    %dma_start3A_312 = arith.constant 0 : i32
    %dma_start3A_313 = tpu.memref_slice %arg7[%dma_start3A_302, %dma_start3A_312] : memref<4x40xi32, #tpu.memory_space<vmem>> -> memref<1x40xi32, #tpu.memory_space<vmem>>
    %dma_start3A_314 = tpu.memref_squeeze %dma_start3A_313 : memref<1x40xi32, #tpu.memory_space<vmem>> -> memref<40xi32, #tpu.memory_space<vmem>>
    %dma_start3A_315 = arith.constant 0 : i32
    %dma_start3A_316 = tpu.memref_slice %arg4[%add3A, %dma_start3A_301, %dma_start3A_315] : memref<32x250x40xi32, #tpu.memory_space<hbm>> -> memref<1x1x40xi32, #tpu.memory_space<hbm>>
    %dma_start3A_317 = tpu.memref_squeeze %dma_start3A_316 : memref<1x1x40xi32, #tpu.memory_space<hbm>> -> memref<40xi32, #tpu.memory_space<hbm>>
    tpu.enqueue_dma source(%dma_start3A_317 : memref<40xi32, #tpu.memory_space<hbm>>) target(%dma_start3A_314 : memref<40xi32, #tpu.memory_space<vmem>>) target_semaphore(%dma_start3A_311 : memref<!tpu.dma_semaphore, #tpu.memory_space<semaphore_mem>>)
    %dma_wait3A_318 = arith.constant 249 : i32
    %dma_wait3A_319 = arith.constant 1 : i32
    %dma_wait3A_320 = arith.constant 1 : i32
    %dma_wait3A_321 = arith.constant 0 : i32
    %dma_wait3A_322 = tpu.memref_slice %arg6[%dma_wait3A_319, %dma_wait3A_321] : memref<4x40xi32, #tpu.memory_space<vmem>> -> memref<1x40xi32, #tpu.memory_space<vmem>>
    %dma_wait3A_323 = tpu.memref_squeeze %dma_wait3A_322 : memref<1x40xi32, #tpu.memory_space<vmem>> -> memref<40xi32, #tpu.memory_space<vmem>>
    %dma_wait3A_324 = arith.constant 0 : i32
    %dma_wait3A_325 = tpu.memref_slice %arg3[%add3A, %dma_wait3A_318, %dma_wait3A_324] : memref<32x250x40xi32, #tpu.memory_space<hbm>> -> memref<1x1x40xi32, #tpu.memory_space<hbm>>
    %dma_wait3A_326 = tpu.memref_squeeze %dma_wait3A_325 : memref<1x1x40xi32, #tpu.memory_space<hbm>> -> memref<40xi32, #tpu.memory_space<hbm>>
    %dma_wait3A_327 = tpu.memref_slice %arg10[%dma_wait3A_320] : memref<4x!tpu.dma_semaphore, #tpu.memory_space<semaphore_mem>> -> memref<1x!tpu.dma_semaphore, #tpu.memory_space<semaphore_mem>>
    %dma_wait3A_328 = tpu.memref_squeeze %dma_wait3A_327 : memref<1x!tpu.dma_semaphore, #tpu.memory_space<semaphore_mem>> -> memref<!tpu.dma_semaphore, #tpu.memory_space<semaphore_mem>>
    %dma_wait3A_329 = arith.constant 0 : i32
    %dma_wait3A_330 = tpu.memref_slice %arg6[%dma_wait3A_319, %dma_wait3A_329] : memref<4x40xi32, #tpu.memory_space<vmem>> -> memref<1x40xi32, #tpu.memory_space<vmem>>
    %dma_wait3A_331 = tpu.memref_squeeze %dma_wait3A_330 : memref<1x40xi32, #tpu.memory_space<vmem>> -> memref<40xi32, #tpu.memory_space<vmem>>
    %dma_wait3A_332 = arith.constant 0 : i32
    %dma_wait3A_333 = tpu.memref_slice %arg3[%add3A, %dma_wait3A_318, %dma_wait3A_332] : memref<32x250x40xi32, #tpu.memory_space<hbm>> -> memref<1x1x40xi32, #tpu.memory_space<hbm>>
    %dma_wait3A_334 = tpu.memref_squeeze %dma_wait3A_333 : memref<1x1x40xi32, #tpu.memory_space<hbm>> -> memref<40xi32, #tpu.memory_space<hbm>>
    tpu.wait_dma2 semaphore(%dma_wait3A_328 : memref<!tpu.dma_semaphore, #tpu.memory_space<semaphore_mem>>) src(%dma_wait3A_334 : memref<40xi32, #tpu.memory_space<hbm>>) dst(%dma_wait3A_331 : memref<40xi32, #tpu.memory_space<vmem>>)
    %dma_start3A_335 = arith.constant 1 : i32
    %dma_start3A_336 = arith.constant 1 : i32
    %dma_start3A_337 = arith.constant 1 : i32
    %dma_start3A_338 = arith.constant 0 : i32
    %dma_start3A_339 = arith.constant 0 : i32
    %dma_start3A_340 = tpu.memref_slice %arg8[%dma_start3A_336, %dma_start3A_338, %dma_start3A_339] : memref<4x40x128xf32, #tpu.memory_space<vmem>> -> memref<1x40x128xf32, #tpu.memory_space<vmem>>
    %dma_start3A_341 = tpu.memref_squeeze %dma_start3A_340 : memref<1x40x128xf32, #tpu.memory_space<vmem>> -> memref<40x128xf32, #tpu.memory_space<vmem>>
    %dma_start3A_342 = arith.constant 0 : i32
    %dma_start3A_343 = tpu.memref_slice %arg6[%dma_start3A_335, %dma_start3A_342] : memref<4x40xi32, #tpu.memory_space<vmem>> -> memref<1x40xi32, #tpu.memory_space<vmem>>
    %dma_start3A_344 = tpu.memref_squeeze %dma_start3A_343 : memref<1x40xi32, #tpu.memory_space<vmem>> -> memref<40xi32, #tpu.memory_space<vmem>>
    %dma_start3A_345 = arith.constant 0 : i32
    %dma_start3A_346 = arith.constant 0 : i32
    %dma_start3A_347 = tpu.memref_slice %arg2[%dma_start3A_345, %dma_start3A_346] : memref<10240x128xf32, #tpu.memory_space<hbm>> -> memref<10240x128xf32, #tpu.memory_space<hbm>>
    %dma_start3A_348 = tpu.memref_slice %arg12[%dma_start3A_337] : memref<4x!tpu.dma_semaphore, #tpu.memory_space<semaphore_mem>> -> memref<1x!tpu.dma_semaphore, #tpu.memory_space<semaphore_mem>>
    %dma_start3A_349 = tpu.memref_squeeze %dma_start3A_348 : memref<1x!tpu.dma_semaphore, #tpu.memory_space<semaphore_mem>> -> memref<!tpu.dma_semaphore, #tpu.memory_space<semaphore_mem>>
    tpu.enqueue_indirect_dma source(%dma_start3A_347 : memref<10240x128xf32, #tpu.memory_space<hbm>>) target(%dma_start3A_341 : memref<40x128xf32, #tpu.memory_space<vmem>>) offsets(%dma_start3A_344 : memref<40xi32, #tpu.memory_space<vmem>>) semaphore(%dma_start3A_349 : memref<!tpu.dma_semaphore, #tpu.memory_space<semaphore_mem>>)
    %dma_wait3A_350 = arith.constant 0 : i32
    %dma_wait3A_351 = arith.constant 0 : i32
    %dma_wait3A_352 = arith.constant 0 : i32
    %dma_wait3A_353 = arith.constant 0 : i32
    %dma_wait3A_354 = arith.constant 0 : i32
    %dma_wait3A_355 = tpu.memref_slice %arg8[%dma_wait3A_351, %dma_wait3A_353, %dma_wait3A_354] : memref<4x40x128xf32, #tpu.memory_space<vmem>> -> memref<1x40x128xf32, #tpu.memory_space<vmem>>
    %dma_wait3A_356 = tpu.memref_squeeze %dma_wait3A_355 : memref<1x40x128xf32, #tpu.memory_space<vmem>> -> memref<40x128xf32, #tpu.memory_space<vmem>>
    %dma_wait3A_357 = arith.constant 0 : i32
    %dma_wait3A_358 = tpu.memref_slice %arg6[%dma_wait3A_350, %dma_wait3A_357] : memref<4x40xi32, #tpu.memory_space<vmem>> -> memref<1x40xi32, #tpu.memory_space<vmem>>
    %dma_wait3A_359 = tpu.memref_squeeze %dma_wait3A_358 : memref<1x40xi32, #tpu.memory_space<vmem>> -> memref<40xi32, #tpu.memory_space<vmem>>
    %dma_wait3A_360 = arith.constant 0 : i32
    %dma_wait3A_361 = arith.constant 0 : i32
    %dma_wait3A_362 = tpu.memref_slice %arg2[%dma_wait3A_360, %dma_wait3A_361] : memref<10240x128xf32, #tpu.memory_space<hbm>> -> memref<10240x128xf32, #tpu.memory_space<hbm>>
    %dma_wait3A_363 = tpu.memref_slice %arg12[%dma_wait3A_352] : memref<4x!tpu.dma_semaphore, #tpu.memory_space<semaphore_mem>> -> memref<1x!tpu.dma_semaphore, #tpu.memory_space<semaphore_mem>>
    %dma_wait3A_364 = tpu.memref_squeeze %dma_wait3A_363 : memref<1x!tpu.dma_semaphore, #tpu.memory_space<semaphore_mem>> -> memref<!tpu.dma_semaphore, #tpu.memory_space<semaphore_mem>>
    tpu.wait_indirect_dma semaphore(%dma_wait3A_364 : memref<!tpu.dma_semaphore, #tpu.memory_space<semaphore_mem>>) src(%dma_wait3A_362 : memref<10240x128xf32, #tpu.memory_space<hbm>>) dst(%dma_wait3A_356 : memref<40x128xf32, #tpu.memory_space<vmem>>)
    %dma_wait3A_365 = arith.constant 248 : i32
    %dma_wait3A_366 = arith.constant 0 : i32
    %dma_wait3A_367 = arith.constant 0 : i32
    %dma_wait3A_368 = arith.constant 0 : i32
    %dma_wait3A_369 = tpu.memref_slice %arg7[%dma_wait3A_366, %dma_wait3A_368] : memref<4x40xi32, #tpu.memory_space<vmem>> -> memref<1x40xi32, #tpu.memory_space<vmem>>
    %dma_wait3A_370 = tpu.memref_squeeze %dma_wait3A_369 : memref<1x40xi32, #tpu.memory_space<vmem>> -> memref<40xi32, #tpu.memory_space<vmem>>
    %dma_wait3A_371 = arith.constant 0 : i32
    %dma_wait3A_372 = tpu.memref_slice %arg4[%add3A, %dma_wait3A_365, %dma_wait3A_371] : memref<32x250x40xi32, #tpu.memory_space<hbm>> -> memref<1x1x40xi32, #tpu.memory_space<hbm>>
    %dma_wait3A_373 = tpu.memref_squeeze %dma_wait3A_372 : memref<1x1x40xi32, #tpu.memory_space<hbm>> -> memref<40xi32, #tpu.memory_space<hbm>>
    %dma_wait3A_374 = tpu.memref_slice %arg11[%dma_wait3A_367] : memref<4x!tpu.dma_semaphore, #tpu.memory_space<semaphore_mem>> -> memref<1x!tpu.dma_semaphore, #tpu.memory_space<semaphore_mem>>
    %dma_wait3A_375 = tpu.memref_squeeze %dma_wait3A_374 : memref<1x!tpu.dma_semaphore, #tpu.memory_space<semaphore_mem>> -> memref<!tpu.dma_semaphore, #tpu.memory_space<semaphore_mem>>
    %dma_wait3A_376 = arith.constant 0 : i32
    %dma_wait3A_377 = tpu.memref_slice %arg7[%dma_wait3A_366, %dma_wait3A_376] : memref<4x40xi32, #tpu.memory_space<vmem>> -> memref<1x40xi32, #tpu.memory_space<vmem>>
    %dma_wait3A_378 = tpu.memref_squeeze %dma_wait3A_377 : memref<1x40xi32, #tpu.memory_space<vmem>> -> memref<40xi32, #tpu.memory_space<vmem>>
    %dma_wait3A_379 = arith.constant 0 : i32
    %dma_wait3A_380 = tpu.memref_slice %arg4[%add3A, %dma_wait3A_365, %dma_wait3A_379] : memref<32x250x40xi32, #tpu.memory_space<hbm>> -> memref<1x1x40xi32, #tpu.memory_space<hbm>>
    %dma_wait3A_381 = tpu.memref_squeeze %dma_wait3A_380 : memref<1x1x40xi32, #tpu.memory_space<hbm>> -> memref<40xi32, #tpu.memory_space<hbm>>
    tpu.wait_dma2 semaphore(%dma_wait3A_375 : memref<!tpu.dma_semaphore, #tpu.memory_space<semaphore_mem>>) src(%dma_wait3A_381 : memref<40xi32, #tpu.memory_space<hbm>>) dst(%dma_wait3A_378 : memref<40xi32, #tpu.memory_space<vmem>>)
    %dma_start3A_382 = arith.constant 0 : i32
    %dma_start3A_383 = arith.constant 0 : i32
    %dma_start3A_384 = arith.constant 0 : i32
    %dma_start3A_385 = arith.constant 0 : i32
    %dma_start3A_386 = arith.constant 0 : i32
    %dma_start3A_387 = tpu.memref_slice %arg8[%dma_start3A_382, %dma_start3A_385, %dma_start3A_386] : memref<4x40x128xf32, #tpu.memory_space<vmem>> -> memref<1x40x128xf32, #tpu.memory_space<vmem>>
    %dma_start3A_388 = tpu.memref_squeeze %dma_start3A_387 : memref<1x40x128xf32, #tpu.memory_space<vmem>> -> memref<40x128xf32, #tpu.memory_space<vmem>>
    %dma_start3A_389 = arith.constant 0 : i32
    %dma_start3A_390 = tpu.memref_slice %arg7[%dma_start3A_383, %dma_start3A_389] : memref<4x40xi32, #tpu.memory_space<vmem>> -> memref<1x40xi32, #tpu.memory_space<vmem>>
    %dma_start3A_391 = tpu.memref_squeeze %dma_start3A_390 : memref<1x40xi32, #tpu.memory_space<vmem>> -> memref<40xi32, #tpu.memory_space<vmem>>
    %dma_start3A_392 = arith.constant 0 : i32
    %dma_start3A_393 = arith.constant 0 : i32
    %dma_start3A_394 = tpu.memref_slice %arg9[%dma_start3A_392, %dma_start3A_393] : memref<10240x128xf32, #tpu.memory_space<vmem_shared>> -> memref<10240x128xf32, #tpu.memory_space<vmem_shared>>
    %dma_start3A_395 = tpu.memref_slice %arg13[%dma_start3A_384] : memref<4x!tpu.dma_semaphore, #tpu.memory_space<semaphore_mem>> -> memref<1x!tpu.dma_semaphore, #tpu.memory_space<semaphore_mem>>
    %dma_start3A_396 = tpu.memref_squeeze %dma_start3A_395 : memref<1x!tpu.dma_semaphore, #tpu.memory_space<semaphore_mem>> -> memref<!tpu.dma_semaphore, #tpu.memory_space<semaphore_mem>>
    tpu.enqueue_indirect_dma source(%dma_start3A_388 : memref<40x128xf32, #tpu.memory_space<vmem>>) target(%dma_start3A_394 : memref<10240x128xf32, #tpu.memory_space<vmem_shared>>) offsets(%dma_start3A_391 : memref<40xi32, #tpu.memory_space<vmem>>) semaphore(%dma_start3A_396 : memref<!tpu.dma_semaphore, #tpu.memory_space<semaphore_mem>>) {add = true}
    %dma_wait3A_397 = arith.constant 1 : i32
    %dma_wait3A_398 = arith.constant 1 : i32
    %dma_wait3A_399 = arith.constant 1 : i32
    %dma_wait3A_400 = arith.constant 0 : i32
    %dma_wait3A_401 = arith.constant 0 : i32
    %dma_wait3A_402 = tpu.memref_slice %arg8[%dma_wait3A_398, %dma_wait3A_400, %dma_wait3A_401] : memref<4x40x128xf32, #tpu.memory_space<vmem>> -> memref<1x40x128xf32, #tpu.memory_space<vmem>>
    %dma_wait3A_403 = tpu.memref_squeeze %dma_wait3A_402 : memref<1x40x128xf32, #tpu.memory_space<vmem>> -> memref<40x128xf32, #tpu.memory_space<vmem>>
    %dma_wait3A_404 = arith.constant 0 : i32
    %dma_wait3A_405 = tpu.memref_slice %arg6[%dma_wait3A_397, %dma_wait3A_404] : memref<4x40xi32, #tpu.memory_space<vmem>> -> memref<1x40xi32, #tpu.memory_space<vmem>>
    %dma_wait3A_406 = tpu.memref_squeeze %dma_wait3A_405 : memref<1x40xi32, #tpu.memory_space<vmem>> -> memref<40xi32, #tpu.memory_space<vmem>>
    %dma_wait3A_407 = arith.constant 0 : i32
    %dma_wait3A_408 = arith.constant 0 : i32
    %dma_wait3A_409 = tpu.memref_slice %arg2[%dma_wait3A_407, %dma_wait3A_408] : memref<10240x128xf32, #tpu.memory_space<hbm>> -> memref<10240x128xf32, #tpu.memory_space<hbm>>
    %dma_wait3A_410 = tpu.memref_slice %arg12[%dma_wait3A_399] : memref<4x!tpu.dma_semaphore, #tpu.memory_space<semaphore_mem>> -> memref<1x!tpu.dma_semaphore, #tpu.memory_space<semaphore_mem>>
    %dma_wait3A_411 = tpu.memref_squeeze %dma_wait3A_410 : memref<1x!tpu.dma_semaphore, #tpu.memory_space<semaphore_mem>> -> memref<!tpu.dma_semaphore, #tpu.memory_space<semaphore_mem>>
    tpu.wait_indirect_dma semaphore(%dma_wait3A_411 : memref<!tpu.dma_semaphore, #tpu.memory_space<semaphore_mem>>) src(%dma_wait3A_409 : memref<10240x128xf32, #tpu.memory_space<hbm>>) dst(%dma_wait3A_403 : memref<40x128xf32, #tpu.memory_space<vmem>>)
    %dma_wait3A_412 = arith.constant 249 : i32
    %dma_wait3A_413 = arith.constant 1 : i32
    %dma_wait3A_414 = arith.constant 1 : i32
    %dma_wait3A_415 = arith.constant 0 : i32
    %dma_wait3A_416 = tpu.memref_slice %arg7[%dma_wait3A_413, %dma_wait3A_415] : memref<4x40xi32, #tpu.memory_space<vmem>> -> memref<1x40xi32, #tpu.memory_space<vmem>>
    %dma_wait3A_417 = tpu.memref_squeeze %dma_wait3A_416 : memref<1x40xi32, #tpu.memory_space<vmem>> -> memref<40xi32, #tpu.memory_space<vmem>>
    %dma_wait3A_418 = arith.constant 0 : i32
    %dma_wait3A_419 = tpu.memref_slice %arg4[%add3A, %dma_wait3A_412, %dma_wait3A_418] : memref<32x250x40xi32, #tpu.memory_space<hbm>> -> memref<1x1x40xi32, #tpu.memory_space<hbm>>
    %dma_wait3A_420 = tpu.memref_squeeze %dma_wait3A_419 : memref<1x1x40xi32, #tpu.memory_space<hbm>> -> memref<40xi32, #tpu.memory_space<hbm>>
    %dma_wait3A_421 = tpu.memref_slice %arg11[%dma_wait3A_414] : memref<4x!tpu.dma_semaphore, #tpu.memory_space<semaphore_mem>> -> memref<1x!tpu.dma_semaphore, #tpu.memory_space<semaphore_mem>>
    %dma_wait3A_422 = tpu.memref_squeeze %dma_wait3A_421 : memref<1x!tpu.dma_semaphore, #tpu.memory_space<semaphore_mem>> -> memref<!tpu.dma_semaphore, #tpu.memory_space<semaphore_mem>>
    %dma_wait3A_423 = arith.constant 0 : i32
    %dma_wait3A_424 = tpu.memref_slice %arg7[%dma_wait3A_413, %dma_wait3A_423] : memref<4x40xi32, #tpu.memory_space<vmem>> -> memref<1x40xi32, #tpu.memory_space<vmem>>
    %dma_wait3A_425 = tpu.memref_squeeze %dma_wait3A_424 : memref<1x40xi32, #tpu.memory_space<vmem>> -> memref<40xi32, #tpu.memory_space<vmem>>
    %dma_wait3A_426 = arith.constant 0 : i32
    %dma_wait3A_427 = tpu.memref_slice %arg4[%add3A, %dma_wait3A_412, %dma_wait3A_426] : memref<32x250x40xi32, #tpu.memory_space<hbm>> -> memref<1x1x40xi32, #tpu.memory_space<hbm>>
    %dma_wait3A_428 = tpu.memref_squeeze %dma_wait3A_427 : memref<1x1x40xi32, #tpu.memory_space<hbm>> -> memref<40xi32, #tpu.memory_space<hbm>>
    tpu.wait_dma2 semaphore(%dma_wait3A_422 : memref<!tpu.dma_semaphore, #tpu.memory_space<semaphore_mem>>) src(%dma_wait3A_428 : memref<40xi32, #tpu.memory_space<hbm>>) dst(%dma_wait3A_425 : memref<40xi32, #tpu.memory_space<vmem>>)
    %dma_start3A_429 = arith.constant 1 : i32
    %dma_start3A_430 = arith.constant 1 : i32
    %dma_start3A_431 = arith.constant 1 : i32
    %dma_start3A_432 = arith.constant 0 : i32
    %dma_start3A_433 = arith.constant 0 : i32
    %dma_start3A_434 = tpu.memref_slice %arg8[%dma_start3A_429, %dma_start3A_432, %dma_start3A_433] : memref<4x40x128xf32, #tpu.memory_space<vmem>> -> memref<1x40x128xf32, #tpu.memory_space<vmem>>
    %dma_start3A_435 = tpu.memref_squeeze %dma_start3A_434 : memref<1x40x128xf32, #tpu.memory_space<vmem>> -> memref<40x128xf32, #tpu.memory_space<vmem>>
    %dma_start3A_436 = arith.constant 0 : i32
    %dma_start3A_437 = tpu.memref_slice %arg7[%dma_start3A_430, %dma_start3A_436] : memref<4x40xi32, #tpu.memory_space<vmem>> -> memref<1x40xi32, #tpu.memory_space<vmem>>
    %dma_start3A_438 = tpu.memref_squeeze %dma_start3A_437 : memref<1x40xi32, #tpu.memory_space<vmem>> -> memref<40xi32, #tpu.memory_space<vmem>>
    %dma_start3A_439 = arith.constant 0 : i32
    %dma_start3A_440 = arith.constant 0 : i32
    %dma_start3A_441 = tpu.memref_slice %arg9[%dma_start3A_439, %dma_start3A_440] : memref<10240x128xf32, #tpu.memory_space<vmem_shared>> -> memref<10240x128xf32, #tpu.memory_space<vmem_shared>>
    %dma_start3A_442 = tpu.memref_slice %arg13[%dma_start3A_431] : memref<4x!tpu.dma_semaphore, #tpu.memory_space<semaphore_mem>> -> memref<1x!tpu.dma_semaphore, #tpu.memory_space<semaphore_mem>>
    %dma_start3A_443 = tpu.memref_squeeze %dma_start3A_442 : memref<1x!tpu.dma_semaphore, #tpu.memory_space<semaphore_mem>> -> memref<!tpu.dma_semaphore, #tpu.memory_space<semaphore_mem>>
    tpu.enqueue_indirect_dma source(%dma_start3A_435 : memref<40x128xf32, #tpu.memory_space<vmem>>) target(%dma_start3A_441 : memref<10240x128xf32, #tpu.memory_space<vmem_shared>>) offsets(%dma_start3A_438 : memref<40xi32, #tpu.memory_space<vmem>>) semaphore(%dma_start3A_443 : memref<!tpu.dma_semaphore, #tpu.memory_space<semaphore_mem>>) {add = true}
    %dma_wait3A_444 = arith.constant 0 : i32
    %dma_wait3A_445 = arith.constant 0 : i32
    %dma_wait3A_446 = arith.constant 0 : i32
    %dma_wait3A_447 = arith.constant 0 : i32
    %dma_wait3A_448 = arith.constant 0 : i32
    %dma_wait3A_449 = tpu.memref_slice %arg8[%dma_wait3A_444, %dma_wait3A_447, %dma_wait3A_448] : memref<4x40x128xf32, #tpu.memory_space<vmem>> -> memref<1x40x128xf32, #tpu.memory_space<vmem>>
    %dma_wait3A_450 = tpu.memref_squeeze %dma_wait3A_449 : memref<1x40x128xf32, #tpu.memory_space<vmem>> -> memref<40x128xf32, #tpu.memory_space<vmem>>
    %dma_wait3A_451 = arith.constant 0 : i32
    %dma_wait3A_452 = tpu.memref_slice %arg7[%dma_wait3A_445, %dma_wait3A_451] : memref<4x40xi32, #tpu.memory_space<vmem>> -> memref<1x40xi32, #tpu.memory_space<vmem>>
    %dma_wait3A_453 = tpu.memref_squeeze %dma_wait3A_452 : memref<1x40xi32, #tpu.memory_space<vmem>> -> memref<40xi32, #tpu.memory_space<vmem>>
    %dma_wait3A_454 = arith.constant 0 : i32
    %dma_wait3A_455 = arith.constant 0 : i32
    %dma_wait3A_456 = tpu.memref_slice %arg9[%dma_wait3A_454, %dma_wait3A_455] : memref<10240x128xf32, #tpu.memory_space<vmem_shared>> -> memref<10240x128xf32, #tpu.memory_space<vmem_shared>>
    %dma_wait3A_457 = tpu.memref_slice %arg13[%dma_wait3A_446] : memref<4x!tpu.dma_semaphore, #tpu.memory_space<semaphore_mem>> -> memref<1x!tpu.dma_semaphore, #tpu.memory_space<semaphore_mem>>
    %dma_wait3A_458 = tpu.memref_squeeze %dma_wait3A_457 : memref<1x!tpu.dma_semaphore, #tpu.memory_space<semaphore_mem>> -> memref<!tpu.dma_semaphore, #tpu.memory_space<semaphore_mem>>
    tpu.wait_indirect_dma semaphore(%dma_wait3A_458 : memref<!tpu.dma_semaphore, #tpu.memory_space<semaphore_mem>>) src(%dma_wait3A_450 : memref<40x128xf32, #tpu.memory_space<vmem>>) dst(%dma_wait3A_456 : memref<10240x128xf32, #tpu.memory_space<vmem_shared>>)
    %dma_wait3A_459 = arith.constant 1 : i32
    %dma_wait3A_460 = arith.constant 1 : i32
    %dma_wait3A_461 = arith.constant 1 : i32
    %dma_wait3A_462 = arith.constant 0 : i32
    %dma_wait3A_463 = arith.constant 0 : i32
    %dma_wait3A_464 = tpu.memref_slice %arg8[%dma_wait3A_459, %dma_wait3A_462, %dma_wait3A_463] : memref<4x40x128xf32, #tpu.memory_space<vmem>> -> memref<1x40x128xf32, #tpu.memory_space<vmem>>
    %dma_wait3A_465 = tpu.memref_squeeze %dma_wait3A_464 : memref<1x40x128xf32, #tpu.memory_space<vmem>> -> memref<40x128xf32, #tpu.memory_space<vmem>>
    %dma_wait3A_466 = arith.constant 0 : i32
    %dma_wait3A_467 = tpu.memref_slice %arg7[%dma_wait3A_460, %dma_wait3A_466] : memref<4x40xi32, #tpu.memory_space<vmem>> -> memref<1x40xi32, #tpu.memory_space<vmem>>
    %dma_wait3A_468 = tpu.memref_squeeze %dma_wait3A_467 : memref<1x40xi32, #tpu.memory_space<vmem>> -> memref<40xi32, #tpu.memory_space<vmem>>
    %dma_wait3A_469 = arith.constant 0 : i32
    %dma_wait3A_470 = arith.constant 0 : i32
    %dma_wait3A_471 = tpu.memref_slice %arg9[%dma_wait3A_469, %dma_wait3A_470] : memref<10240x128xf32, #tpu.memory_space<vmem_shared>> -> memref<10240x128xf32, #tpu.memory_space<vmem_shared>>
    %dma_wait3A_472 = tpu.memref_slice %arg13[%dma_wait3A_461] : memref<4x!tpu.dma_semaphore, #tpu.memory_space<semaphore_mem>> -> memref<1x!tpu.dma_semaphore, #tpu.memory_space<semaphore_mem>>
    %dma_wait3A_473 = tpu.memref_squeeze %dma_wait3A_472 : memref<1x!tpu.dma_semaphore, #tpu.memory_space<semaphore_mem>> -> memref<!tpu.dma_semaphore, #tpu.memory_space<semaphore_mem>>
    tpu.wait_indirect_dma semaphore(%dma_wait3A_473 : memref<!tpu.dma_semaphore, #tpu.memory_space<semaphore_mem>>) src(%dma_wait3A_465 : memref<40x128xf32, #tpu.memory_space<vmem>>) dst(%dma_wait3A_471 : memref<10240x128xf32, #tpu.memory_space<vmem_shared>>)
    %barrier3A_474 = arith.constant 0 : index
    tpu.barrier barrier_id(%barrier3A_474)
    %mul3A_475 = arith.constant 640 : i32
    %mul3A_476 = arith.muli %arg1, %mul3A_475 : i32
    %mul3A_477 = arith.constant 640 : i32
    %mul3A_478 = arith.muli %arg1, %mul3A_477 : i32
    "tpu.region"() ({
      %run_scoped3A = tpu.sem_alloc : memref<!tpu.dma_semaphore, #tpu.memory_space<semaphore_mem>>
      %dma_start3A_479 = arith.constant 0 : i32
      %dma_start3A_480 = tpu.memref_slice %arg5[%arg0, %mul3A_478, %dma_start3A_479] : memref<2x10240x128xf32, #tpu.memory_space<hbm>> -> memref<1x640x128xf32, #tpu.memory_space<hbm>>
      %dma_start3A_481 = tpu.memref_squeeze %dma_start3A_480 : memref<1x640x128xf32, #tpu.memory_space<hbm>> -> memref<640x128xf32, #tpu.memory_space<hbm>>
      %dma_start3A_482 = arith.constant 0 : i32
      %dma_start3A_483 = tpu.memref_slice %arg9[%mul3A_476, %dma_start3A_482] : memref<10240x128xf32, #tpu.memory_space<vmem_shared>> -> memref<640x128xf32, #tpu.memory_space<vmem_shared>>
      tpu.enqueue_dma source(%dma_start3A_483 : memref<640x128xf32, #tpu.memory_space<vmem_shared>>) target(%dma_start3A_481 : memref<640x128xf32, #tpu.memory_space<hbm>>) target_semaphore(%run_scoped3A : memref<!tpu.dma_semaphore, #tpu.memory_space<semaphore_mem>>)
      %dma_wait3A_484 = arith.constant 0 : i32
      %dma_wait3A_485 = tpu.memref_slice %arg5[%arg0, %mul3A_478, %dma_wait3A_484] : memref<2x10240x128xf32, #tpu.memory_space<hbm>> -> memref<1x640x128xf32, #tpu.memory_space<hbm>>
      %dma_wait3A_486 = tpu.memref_squeeze %dma_wait3A_485 : memref<1x640x128xf32, #tpu.memory_space<hbm>> -> memref<640x128xf32, #tpu.memory_space<hbm>>
      %dma_wait3A_487 = arith.constant 0 : i32
      %dma_wait3A_488 = tpu.memref_slice %arg9[%mul3A_476, %dma_wait3A_487] : memref<10240x128xf32, #tpu.memory_space<vmem_shared>> -> memref<640x128xf32, #tpu.memory_space<vmem_shared>>
      tpu.wait_dma2 semaphore(%run_scoped3A : memref<!tpu.dma_semaphore, #tpu.memory_space<semaphore_mem>>) src(%dma_wait3A_488 : memref<640x128xf32, #tpu.memory_space<vmem_shared>>) dst(%dma_wait3A_486 : memref<640x128xf32, #tpu.memory_space<hbm>>)
      tpu.yield
    }) : () -> ()
    return
  }
}

#map = affine_map<(d0, d1) -> (0, 0)>
#map1 = affine_map<(d0, d1) -> (0, 0, 0)>
module attributes {stable_mosaic.version = 14 : i64} {
  func.func @_agg_body(%arg0: i32, %arg1: i32, %arg2: memref<10240x128xf32, #tpu.memory_space<hbm>>, %arg3: memref<32x250x40xi32, #tpu.memory_space<hbm>>, %arg4: memref<32x250x40xi32, #tpu.memory_space<hbm>>, %arg5: memref<2x10240x128xf32, #tpu.memory_space<hbm>>, %arg6: memref<4x40xi32, #tpu.memory_space<vmem>>, %arg7: memref<4x40xi32, #tpu.memory_space<vmem>>, %arg8: memref<4x40x128xf32, #tpu.memory_space<vmem>>, %arg9: memref<10240x128xf32, #tpu.memory_space<vmem_shared>>, %arg10: memref<4x!tpu.dma_semaphore, #tpu.memory_space<semaphore_mem>>, %arg11: memref<4x!tpu.dma_semaphore, #tpu.memory_space<semaphore_mem>>, %arg12: memref<4x!tpu.dma_semaphore, #tpu.memory_space<semaphore_mem>>, %arg13: memref<4x!tpu.dma_semaphore, #tpu.memory_space<semaphore_mem>>) attributes {dimension_semantics = [#tpu.dimension_semantics<core_parallel>, #tpu.dimension_semantics<subcore_parallel>], iteration_bounds = array<i64: 2, 16>, scalar_prefetch = 0 : i64, scratch_operands = 8 : i64, tpu.core_type = #tpu.core_type<sc_vector_subcore>, window_params = [{transform_indices = #map}, {transform_indices = #map1}, {transform_indices = #map1}, {transform_indices = #map1}]} {
    %mul3A = arith.constant 16 : i32
    %mul3A_0 = arith.muli %arg0, %mul3A : i32
    %add3A = arith.addi %mul3A_0, %arg1 : i32
    %dma_start3A = arith.constant 0 : i32
    %dma_start3A_1 = arith.constant 0 : i32
    %dma_start3A_2 = arith.constant 0 : i32
    %dma_start3A_3 = arith.constant 0 : i32
    %dma_start3A_4 = tpu.memref_slice %arg6[%dma_start3A_1, %dma_start3A_3] : memref<4x40xi32, #tpu.memory_space<vmem>> -> memref<1x40xi32, #tpu.memory_space<vmem>>
    %dma_start3A_5 = tpu.memref_squeeze %dma_start3A_4 : memref<1x40xi32, #tpu.memory_space<vmem>> -> memref<40xi32, #tpu.memory_space<vmem>>
    %dma_start3A_6 = arith.constant 0 : i32
    %dma_start3A_7 = tpu.memref_slice %arg3[%add3A, %dma_start3A, %dma_start3A_6] : memref<32x250x40xi32, #tpu.memory_space<hbm>> -> memref<1x1x40xi32, #tpu.memory_space<hbm>>
    %dma_start3A_8 = tpu.memref_squeeze %dma_start3A_7 : memref<1x1x40xi32, #tpu.memory_space<hbm>> -> memref<40xi32, #tpu.memory_space<hbm>>
    %dma_start3A_9 = tpu.memref_slice %arg10[%dma_start3A_2] : memref<4x!tpu.dma_semaphore, #tpu.memory_space<semaphore_mem>> -> memref<1x!tpu.dma_semaphore, #tpu.memory_space<semaphore_mem>>
    %dma_start3A_10 = tpu.memref_squeeze %dma_start3A_9 : memref<1x!tpu.dma_semaphore, #tpu.memory_space<semaphore_mem>> -> memref<!tpu.dma_semaphore, #tpu.memory_space<semaphore_mem>>
    %dma_start3A_11 = arith.constant 0 : i32
    %dma_start3A_12 = tpu.memref_slice %arg6[%dma_start3A_1, %dma_start3A_11] : memref<4x40xi32, #tpu.memory_space<vmem>> -> memref<1x40xi32, #tpu.memory_space<vmem>>
    %dma_start3A_13 = tpu.memref_squeeze %dma_start3A_12 : memref<1x40xi32, #tpu.memory_space<vmem>> -> memref<40xi32, #tpu.memory_space<vmem>>
    %dma_start3A_14 = arith.constant 0 : i32
    %dma_start3A_15 = tpu.memref_slice %arg3[%add3A, %dma_start3A, %dma_start3A_14] : memref<32x250x40xi32, #tpu.memory_space<hbm>> -> memref<1x1x40xi32, #tpu.memory_space<hbm>>
    %dma_start3A_16 = tpu.memref_squeeze %dma_start3A_15 : memref<1x1x40xi32, #tpu.memory_space<hbm>> -> memref<40xi32, #tpu.memory_space<hbm>>
    tpu.enqueue_dma source(%dma_start3A_16 : memref<40xi32, #tpu.memory_space<hbm>>) target(%dma_start3A_13 : memref<40xi32, #tpu.memory_space<vmem>>) target_semaphore(%dma_start3A_10 : memref<!tpu.dma_semaphore, #tpu.memory_space<semaphore_mem>>)
    %dma_start3A_17 = arith.constant 0 : i32
    %dma_start3A_18 = arith.constant 0 : i32
    %dma_start3A_19 = arith.constant 0 : i32
    %dma_start3A_20 = arith.constant 0 : i32
    %dma_start3A_21 = tpu.memref_slice %arg7[%dma_start3A_18, %dma_start3A_20] : memref<4x40xi32, #tpu.memory_space<vmem>> -> memref<1x40xi32, #tpu.memory_space<vmem>>
    %dma_start3A_22 = tpu.memref_squeeze %dma_start3A_21 : memref<1x40xi32, #tpu.memory_space<vmem>> -> memref<40xi32, #tpu.memory_space<vmem>>
    %dma_start3A_23 = arith.constant 0 : i32
    %dma_start3A_24 = tpu.memref_slice %arg4[%add3A, %dma_start3A_17, %dma_start3A_23] : memref<32x250x40xi32, #tpu.memory_space<hbm>> -> memref<1x1x40xi32, #tpu.memory_space<hbm>>
    %dma_start3A_25 = tpu.memref_squeeze %dma_start3A_24 : memref<1x1x40xi32, #tpu.memory_space<hbm>> -> memref<40xi32, #tpu.memory_space<hbm>>
    %dma_start3A_26 = tpu.memref_slice %arg11[%dma_start3A_19] : memref<4x!tpu.dma_semaphore, #tpu.memory_space<semaphore_mem>> -> memref<1x!tpu.dma_semaphore, #tpu.memory_space<semaphore_mem>>
    %dma_start3A_27 = tpu.memref_squeeze %dma_start3A_26 : memref<1x!tpu.dma_semaphore, #tpu.memory_space<semaphore_mem>> -> memref<!tpu.dma_semaphore, #tpu.memory_space<semaphore_mem>>
    %dma_start3A_28 = arith.constant 0 : i32
    %dma_start3A_29 = tpu.memref_slice %arg7[%dma_start3A_18, %dma_start3A_28] : memref<4x40xi32, #tpu.memory_space<vmem>> -> memref<1x40xi32, #tpu.memory_space<vmem>>
    %dma_start3A_30 = tpu.memref_squeeze %dma_start3A_29 : memref<1x40xi32, #tpu.memory_space<vmem>> -> memref<40xi32, #tpu.memory_space<vmem>>
    %dma_start3A_31 = arith.constant 0 : i32
    %dma_start3A_32 = tpu.memref_slice %arg4[%add3A, %dma_start3A_17, %dma_start3A_31] : memref<32x250x40xi32, #tpu.memory_space<hbm>> -> memref<1x1x40xi32, #tpu.memory_space<hbm>>
    %dma_start3A_33 = tpu.memref_squeeze %dma_start3A_32 : memref<1x1x40xi32, #tpu.memory_space<hbm>> -> memref<40xi32, #tpu.memory_space<hbm>>
    tpu.enqueue_dma source(%dma_start3A_33 : memref<40xi32, #tpu.memory_space<hbm>>) target(%dma_start3A_30 : memref<40xi32, #tpu.memory_space<vmem>>) target_semaphore(%dma_start3A_27 : memref<!tpu.dma_semaphore, #tpu.memory_space<semaphore_mem>>)
    %dma_start3A_34 = arith.constant 1 : i32
    %dma_start3A_35 = arith.constant 1 : i32
    %dma_start3A_36 = arith.constant 1 : i32
    %dma_start3A_37 = arith.constant 0 : i32
    %dma_start3A_38 = tpu.memref_slice %arg6[%dma_start3A_35, %dma_start3A_37] : memref<4x40xi32, #tpu.memory_space<vmem>> -> memref<1x40xi32, #tpu.memory_space<vmem>>
    %dma_start3A_39 = tpu.memref_squeeze %dma_start3A_38 : memref<1x40xi32, #tpu.memory_space<vmem>> -> memref<40xi32, #tpu.memory_space<vmem>>
    %dma_start3A_40 = arith.constant 0 : i32
    %dma_start3A_41 = tpu.memref_slice %arg3[%add3A, %dma_start3A_34, %dma_start3A_40] : memref<32x250x40xi32, #tpu.memory_space<hbm>> -> memref<1x1x40xi32, #tpu.memory_space<hbm>>
    %dma_start3A_42 = tpu.memref_squeeze %dma_start3A_41 : memref<1x1x40xi32, #tpu.memory_space<hbm>> -> memref<40xi32, #tpu.memory_space<hbm>>
    %dma_start3A_43 = tpu.memref_slice %arg10[%dma_start3A_36] : memref<4x!tpu.dma_semaphore, #tpu.memory_space<semaphore_mem>> -> memref<1x!tpu.dma_semaphore, #tpu.memory_space<semaphore_mem>>
    %dma_start3A_44 = tpu.memref_squeeze %dma_start3A_43 : memref<1x!tpu.dma_semaphore, #tpu.memory_space<semaphore_mem>> -> memref<!tpu.dma_semaphore, #tpu.memory_space<semaphore_mem>>
    %dma_start3A_45 = arith.constant 0 : i32
    %dma_start3A_46 = tpu.memref_slice %arg6[%dma_start3A_35, %dma_start3A_45] : memref<4x40xi32, #tpu.memory_space<vmem>> -> memref<1x40xi32, #tpu.memory_space<vmem>>
    %dma_start3A_47 = tpu.memref_squeeze %dma_start3A_46 : memref<1x40xi32, #tpu.memory_space<vmem>> -> memref<40xi32, #tpu.memory_space<vmem>>
    %dma_start3A_48 = arith.constant 0 : i32
    %dma_start3A_49 = tpu.memref_slice %arg3[%add3A, %dma_start3A_34, %dma_start3A_48] : memref<32x250x40xi32, #tpu.memory_space<hbm>> -> memref<1x1x40xi32, #tpu.memory_space<hbm>>
    %dma_start3A_50 = tpu.memref_squeeze %dma_start3A_49 : memref<1x1x40xi32, #tpu.memory_space<hbm>> -> memref<40xi32, #tpu.memory_space<hbm>>
    tpu.enqueue_dma source(%dma_start3A_50 : memref<40xi32, #tpu.memory_space<hbm>>) target(%dma_start3A_47 : memref<40xi32, #tpu.memory_space<vmem>>) target_semaphore(%dma_start3A_44 : memref<!tpu.dma_semaphore, #tpu.memory_space<semaphore_mem>>)
    %dma_start3A_51 = arith.constant 1 : i32
    %dma_start3A_52 = arith.constant 1 : i32
    %dma_start3A_53 = arith.constant 1 : i32
    %dma_start3A_54 = arith.constant 0 : i32
    %dma_start3A_55 = tpu.memref_slice %arg7[%dma_start3A_52, %dma_start3A_54] : memref<4x40xi32, #tpu.memory_space<vmem>> -> memref<1x40xi32, #tpu.memory_space<vmem>>
    %dma_start3A_56 = tpu.memref_squeeze %dma_start3A_55 : memref<1x40xi32, #tpu.memory_space<vmem>> -> memref<40xi32, #tpu.memory_space<vmem>>
    %dma_start3A_57 = arith.constant 0 : i32
    %dma_start3A_58 = tpu.memref_slice %arg4[%add3A, %dma_start3A_51, %dma_start3A_57] : memref<32x250x40xi32, #tpu.memory_space<hbm>> -> memref<1x1x40xi32, #tpu.memory_space<hbm>>
    %dma_start3A_59 = tpu.memref_squeeze %dma_start3A_58 : memref<1x1x40xi32, #tpu.memory_space<hbm>> -> memref<40xi32, #tpu.memory_space<hbm>>
    %dma_start3A_60 = tpu.memref_slice %arg11[%dma_start3A_53] : memref<4x!tpu.dma_semaphore, #tpu.memory_space<semaphore_mem>> -> memref<1x!tpu.dma_semaphore, #tpu.memory_space<semaphore_mem>>
    %dma_start3A_61 = tpu.memref_squeeze %dma_start3A_60 : memref<1x!tpu.dma_semaphore, #tpu.memory_space<semaphore_mem>> -> memref<!tpu.dma_semaphore, #tpu.memory_space<semaphore_mem>>
    %dma_start3A_62 = arith.constant 0 : i32
    %dma_start3A_63 = tpu.memref_slice %arg7[%dma_start3A_52, %dma_start3A_62] : memref<4x40xi32, #tpu.memory_space<vmem>> -> memref<1x40xi32, #tpu.memory_space<vmem>>
    %dma_start3A_64 = tpu.memref_squeeze %dma_start3A_63 : memref<1x40xi32, #tpu.memory_space<vmem>> -> memref<40xi32, #tpu.memory_space<vmem>>
    %dma_start3A_65 = arith.constant 0 : i32
    %dma_start3A_66 = tpu.memref_slice %arg4[%add3A, %dma_start3A_51, %dma_start3A_65] : memref<32x250x40xi32, #tpu.memory_space<hbm>> -> memref<1x1x40xi32, #tpu.memory_space<hbm>>
    %dma_start3A_67 = tpu.memref_squeeze %dma_start3A_66 : memref<1x1x40xi32, #tpu.memory_space<hbm>> -> memref<40xi32, #tpu.memory_space<hbm>>
    tpu.enqueue_dma source(%dma_start3A_67 : memref<40xi32, #tpu.memory_space<hbm>>) target(%dma_start3A_64 : memref<40xi32, #tpu.memory_space<vmem>>) target_semaphore(%dma_start3A_61 : memref<!tpu.dma_semaphore, #tpu.memory_space<semaphore_mem>>)
    %dma_start3A_68 = arith.constant 2 : i32
    %dma_start3A_69 = arith.constant 2 : i32
    %dma_start3A_70 = arith.constant 2 : i32
    %dma_start3A_71 = arith.constant 0 : i32
    %dma_start3A_72 = tpu.memref_slice %arg6[%dma_start3A_69, %dma_start3A_71] : memref<4x40xi32, #tpu.memory_space<vmem>> -> memref<1x40xi32, #tpu.memory_space<vmem>>
    %dma_start3A_73 = tpu.memref_squeeze %dma_start3A_72 : memref<1x40xi32, #tpu.memory_space<vmem>> -> memref<40xi32, #tpu.memory_space<vmem>>
    %dma_start3A_74 = arith.constant 0 : i32
    %dma_start3A_75 = tpu.memref_slice %arg3[%add3A, %dma_start3A_68, %dma_start3A_74] : memref<32x250x40xi32, #tpu.memory_space<hbm>> -> memref<1x1x40xi32, #tpu.memory_space<hbm>>
    %dma_start3A_76 = tpu.memref_squeeze %dma_start3A_75 : memref<1x1x40xi32, #tpu.memory_space<hbm>> -> memref<40xi32, #tpu.memory_space<hbm>>
    %dma_start3A_77 = tpu.memref_slice %arg10[%dma_start3A_70] : memref<4x!tpu.dma_semaphore, #tpu.memory_space<semaphore_mem>> -> memref<1x!tpu.dma_semaphore, #tpu.memory_space<semaphore_mem>>
    %dma_start3A_78 = tpu.memref_squeeze %dma_start3A_77 : memref<1x!tpu.dma_semaphore, #tpu.memory_space<semaphore_mem>> -> memref<!tpu.dma_semaphore, #tpu.memory_space<semaphore_mem>>
    %dma_start3A_79 = arith.constant 0 : i32
    %dma_start3A_80 = tpu.memref_slice %arg6[%dma_start3A_69, %dma_start3A_79] : memref<4x40xi32, #tpu.memory_space<vmem>> -> memref<1x40xi32, #tpu.memory_space<vmem>>
    %dma_start3A_81 = tpu.memref_squeeze %dma_start3A_80 : memref<1x40xi32, #tpu.memory_space<vmem>> -> memref<40xi32, #tpu.memory_space<vmem>>
    %dma_start3A_82 = arith.constant 0 : i32
    %dma_start3A_83 = tpu.memref_slice %arg3[%add3A, %dma_start3A_68, %dma_start3A_82] : memref<32x250x40xi32, #tpu.memory_space<hbm>> -> memref<1x1x40xi32, #tpu.memory_space<hbm>>
    %dma_start3A_84 = tpu.memref_squeeze %dma_start3A_83 : memref<1x1x40xi32, #tpu.memory_space<hbm>> -> memref<40xi32, #tpu.memory_space<hbm>>
    tpu.enqueue_dma source(%dma_start3A_84 : memref<40xi32, #tpu.memory_space<hbm>>) target(%dma_start3A_81 : memref<40xi32, #tpu.memory_space<vmem>>) target_semaphore(%dma_start3A_78 : memref<!tpu.dma_semaphore, #tpu.memory_space<semaphore_mem>>)
    %dma_start3A_85 = arith.constant 2 : i32
    %dma_start3A_86 = arith.constant 2 : i32
    %dma_start3A_87 = arith.constant 2 : i32
    %dma_start3A_88 = arith.constant 0 : i32
    %dma_start3A_89 = tpu.memref_slice %arg7[%dma_start3A_86, %dma_start3A_88] : memref<4x40xi32, #tpu.memory_space<vmem>> -> memref<1x40xi32, #tpu.memory_space<vmem>>
    %dma_start3A_90 = tpu.memref_squeeze %dma_start3A_89 : memref<1x40xi32, #tpu.memory_space<vmem>> -> memref<40xi32, #tpu.memory_space<vmem>>
    %dma_start3A_91 = arith.constant 0 : i32
    %dma_start3A_92 = tpu.memref_slice %arg4[%add3A, %dma_start3A_85, %dma_start3A_91] : memref<32x250x40xi32, #tpu.memory_space<hbm>> -> memref<1x1x40xi32, #tpu.memory_space<hbm>>
    %dma_start3A_93 = tpu.memref_squeeze %dma_start3A_92 : memref<1x1x40xi32, #tpu.memory_space<hbm>> -> memref<40xi32, #tpu.memory_space<hbm>>
    %dma_start3A_94 = tpu.memref_slice %arg11[%dma_start3A_87] : memref<4x!tpu.dma_semaphore, #tpu.memory_space<semaphore_mem>> -> memref<1x!tpu.dma_semaphore, #tpu.memory_space<semaphore_mem>>
    %dma_start3A_95 = tpu.memref_squeeze %dma_start3A_94 : memref<1x!tpu.dma_semaphore, #tpu.memory_space<semaphore_mem>> -> memref<!tpu.dma_semaphore, #tpu.memory_space<semaphore_mem>>
    %dma_start3A_96 = arith.constant 0 : i32
    %dma_start3A_97 = tpu.memref_slice %arg7[%dma_start3A_86, %dma_start3A_96] : memref<4x40xi32, #tpu.memory_space<vmem>> -> memref<1x40xi32, #tpu.memory_space<vmem>>
    %dma_start3A_98 = tpu.memref_squeeze %dma_start3A_97 : memref<1x40xi32, #tpu.memory_space<vmem>> -> memref<40xi32, #tpu.memory_space<vmem>>
    %dma_start3A_99 = arith.constant 0 : i32
    %dma_start3A_100 = tpu.memref_slice %arg4[%add3A, %dma_start3A_85, %dma_start3A_99] : memref<32x250x40xi32, #tpu.memory_space<hbm>> -> memref<1x1x40xi32, #tpu.memory_space<hbm>>
    %dma_start3A_101 = tpu.memref_squeeze %dma_start3A_100 : memref<1x1x40xi32, #tpu.memory_space<hbm>> -> memref<40xi32, #tpu.memory_space<hbm>>
    tpu.enqueue_dma source(%dma_start3A_101 : memref<40xi32, #tpu.memory_space<hbm>>) target(%dma_start3A_98 : memref<40xi32, #tpu.memory_space<vmem>>) target_semaphore(%dma_start3A_95 : memref<!tpu.dma_semaphore, #tpu.memory_space<semaphore_mem>>)
    %dma_start3A_102 = arith.constant 3 : i32
    %dma_start3A_103 = arith.constant 3 : i32
    %dma_start3A_104 = arith.constant 3 : i32
    %dma_start3A_105 = arith.constant 0 : i32
    %dma_start3A_106 = tpu.memref_slice %arg6[%dma_start3A_103, %dma_start3A_105] : memref<4x40xi32, #tpu.memory_space<vmem>> -> memref<1x40xi32, #tpu.memory_space<vmem>>
    %dma_start3A_107 = tpu.memref_squeeze %dma_start3A_106 : memref<1x40xi32, #tpu.memory_space<vmem>> -> memref<40xi32, #tpu.memory_space<vmem>>
    %dma_start3A_108 = arith.constant 0 : i32
    %dma_start3A_109 = tpu.memref_slice %arg3[%add3A, %dma_start3A_102, %dma_start3A_108] : memref<32x250x40xi32, #tpu.memory_space<hbm>> -> memref<1x1x40xi32, #tpu.memory_space<hbm>>
    %dma_start3A_110 = tpu.memref_squeeze %dma_start3A_109 : memref<1x1x40xi32, #tpu.memory_space<hbm>> -> memref<40xi32, #tpu.memory_space<hbm>>
    %dma_start3A_111 = tpu.memref_slice %arg10[%dma_start3A_104] : memref<4x!tpu.dma_semaphore, #tpu.memory_space<semaphore_mem>> -> memref<1x!tpu.dma_semaphore, #tpu.memory_space<semaphore_mem>>
    %dma_start3A_112 = tpu.memref_squeeze %dma_start3A_111 : memref<1x!tpu.dma_semaphore, #tpu.memory_space<semaphore_mem>> -> memref<!tpu.dma_semaphore, #tpu.memory_space<semaphore_mem>>
    %dma_start3A_113 = arith.constant 0 : i32
    %dma_start3A_114 = tpu.memref_slice %arg6[%dma_start3A_103, %dma_start3A_113] : memref<4x40xi32, #tpu.memory_space<vmem>> -> memref<1x40xi32, #tpu.memory_space<vmem>>
    %dma_start3A_115 = tpu.memref_squeeze %dma_start3A_114 : memref<1x40xi32, #tpu.memory_space<vmem>> -> memref<40xi32, #tpu.memory_space<vmem>>
    %dma_start3A_116 = arith.constant 0 : i32
    %dma_start3A_117 = tpu.memref_slice %arg3[%add3A, %dma_start3A_102, %dma_start3A_116] : memref<32x250x40xi32, #tpu.memory_space<hbm>> -> memref<1x1x40xi32, #tpu.memory_space<hbm>>
    %dma_start3A_118 = tpu.memref_squeeze %dma_start3A_117 : memref<1x1x40xi32, #tpu.memory_space<hbm>> -> memref<40xi32, #tpu.memory_space<hbm>>
    tpu.enqueue_dma source(%dma_start3A_118 : memref<40xi32, #tpu.memory_space<hbm>>) target(%dma_start3A_115 : memref<40xi32, #tpu.memory_space<vmem>>) target_semaphore(%dma_start3A_112 : memref<!tpu.dma_semaphore, #tpu.memory_space<semaphore_mem>>)
    %dma_start3A_119 = arith.constant 3 : i32
    %dma_start3A_120 = arith.constant 3 : i32
    %dma_start3A_121 = arith.constant 3 : i32
    %dma_start3A_122 = arith.constant 0 : i32
    %dma_start3A_123 = tpu.memref_slice %arg7[%dma_start3A_120, %dma_start3A_122] : memref<4x40xi32, #tpu.memory_space<vmem>> -> memref<1x40xi32, #tpu.memory_space<vmem>>
    %dma_start3A_124 = tpu.memref_squeeze %dma_start3A_123 : memref<1x40xi32, #tpu.memory_space<vmem>> -> memref<40xi32, #tpu.memory_space<vmem>>
    %dma_start3A_125 = arith.constant 0 : i32
    %dma_start3A_126 = tpu.memref_slice %arg4[%add3A, %dma_start3A_119, %dma_start3A_125] : memref<32x250x40xi32, #tpu.memory_space<hbm>> -> memref<1x1x40xi32, #tpu.memory_space<hbm>>
    %dma_start3A_127 = tpu.memref_squeeze %dma_start3A_126 : memref<1x1x40xi32, #tpu.memory_space<hbm>> -> memref<40xi32, #tpu.memory_space<hbm>>
    %dma_start3A_128 = tpu.memref_slice %arg11[%dma_start3A_121] : memref<4x!tpu.dma_semaphore, #tpu.memory_space<semaphore_mem>> -> memref<1x!tpu.dma_semaphore, #tpu.memory_space<semaphore_mem>>
    %dma_start3A_129 = tpu.memref_squeeze %dma_start3A_128 : memref<1x!tpu.dma_semaphore, #tpu.memory_space<semaphore_mem>> -> memref<!tpu.dma_semaphore, #tpu.memory_space<semaphore_mem>>
    %dma_start3A_130 = arith.constant 0 : i32
    %dma_start3A_131 = tpu.memref_slice %arg7[%dma_start3A_120, %dma_start3A_130] : memref<4x40xi32, #tpu.memory_space<vmem>> -> memref<1x40xi32, #tpu.memory_space<vmem>>
    %dma_start3A_132 = tpu.memref_squeeze %dma_start3A_131 : memref<1x40xi32, #tpu.memory_space<vmem>> -> memref<40xi32, #tpu.memory_space<vmem>>
    %dma_start3A_133 = arith.constant 0 : i32
    %dma_start3A_134 = tpu.memref_slice %arg4[%add3A, %dma_start3A_119, %dma_start3A_133] : memref<32x250x40xi32, #tpu.memory_space<hbm>> -> memref<1x1x40xi32, #tpu.memory_space<hbm>>
    %dma_start3A_135 = tpu.memref_squeeze %dma_start3A_134 : memref<1x1x40xi32, #tpu.memory_space<hbm>> -> memref<40xi32, #tpu.memory_space<hbm>>
    tpu.enqueue_dma source(%dma_start3A_135 : memref<40xi32, #tpu.memory_space<hbm>>) target(%dma_start3A_132 : memref<40xi32, #tpu.memory_space<vmem>>) target_semaphore(%dma_start3A_129 : memref<!tpu.dma_semaphore, #tpu.memory_space<semaphore_mem>>)
    %scan3A = arith.constant 0 : i32
    %scan3A_136 = arith.constant 0 : i32
    %scan3A_137 = arith.constant 320 : i32
    %scan3A_138 = arith.addi %scan3A_136, %scan3A_137 : i32
    %scan3A_139 = arith.constant 1 : i32
    scf.for %scan3A_479 = %scan3A_136 to %scan3A_138 step %scan3A_139  : i32 {
      %broadcast_in_dim3A = arith.constant 0.000000e+00 : f32
      %broadcast_in_dim3A_480 = vector.broadcast %broadcast_in_dim3A : f32 to vector<16xf32>
      %jit3A = arith.constant 8 : i32
      %div3A = arith.divsi %scan3A_479, %jit3A : i32
      %sign3A = arith.constant 0 : i32
      %sign3A_481 = arith.cmpi sgt, %scan3A_479, %sign3A : i32
      %sign3A_482 = arith.extui %sign3A_481 : i1 to i32
      %sign3A_483 = arith.constant 0 : i32
      %sign3A_484 = arith.cmpi slt, %scan3A_479, %sign3A_483 : i32
      %sign3A_485 = arith.extui %sign3A_484 : i1 to i32
      %sign3A_486 = arith.subi %sign3A_482, %sign3A_485 : i32
      %sign3A_487 = arith.constant 0 : i32
      %sign3A_488 = arith.cmpi sgt, %jit3A, %sign3A_487 : i32
      %sign3A_489 = arith.extui %sign3A_488 : i1 to i32
      %sign3A_490 = arith.constant 0 : i32
      %sign3A_491 = arith.cmpi slt, %jit3A, %sign3A_490 : i32
      %sign3A_492 = arith.extui %sign3A_491 : i1 to i32
      %sign3A_493 = arith.subi %sign3A_489, %sign3A_492 : i32
      %ne3A = arith.cmpi ne, %sign3A_486, %sign3A_493 : i32
      %rem3A = arith.remsi %scan3A_479, %jit3A : i32
      %ne3A_494 = arith.constant 0 : i32
      %ne3A_495 = arith.cmpi ne, %rem3A, %ne3A_494 : i32
      %and3A = arith.andi %ne3A, %ne3A_495 : i1
      %sub3A = arith.constant 1 : i32
      %sub3A_496 = arith.subi %div3A, %sub3A : i32
      %select_n3A = arith.select %and3A, %sub3A_496, %div3A : i32
      %jit3A_497 = arith.constant 8 : i32
      %eq3A = arith.constant 0 : i32
      %eq3A_498 = arith.cmpi eq, %jit3A_497, %eq3A : i32
      %jit3A_499 = arith.constant 1 : i32
      %select_n3A_500 = arith.select %eq3A_498, %jit3A_499, %jit3A_497 : i32
      %rem3A_501 = arith.remsi %scan3A_479, %select_n3A_500 : i32
      %ne3A_502 = arith.constant 0 : i32
      %ne3A_503 = arith.cmpi ne, %rem3A_501, %ne3A_502 : i32
      %lt3A = arith.constant 0 : i32
      %lt3A_504 = arith.cmpi slt, %rem3A_501, %lt3A : i32
      %lt3A_505 = arith.constant 0 : i32
      %lt3A_506 = arith.cmpi slt, %select_n3A_500, %lt3A_505 : i32
      %ne3A_507 = arith.xori %lt3A_504, %lt3A_506 : i1
      %and3A_508 = arith.andi %ne3A_507, %ne3A_503 : i1
      %add3A_509 = arith.addi %rem3A_501, %select_n3A_500 : i32
      %select_n3A_510 = arith.select %and3A_508, %add3A_509, %rem3A_501 : i32
      %mul3A_511 = arith.constant 16 : i32
      %mul3A_512 = arith.muli %select_n3A_510, %mul3A_511 : i32
      %swap3A = arith.constant 0 : i32
      %swap3A_513 = arith.index_cast %swap3A : i32 to index
      %swap3A_514 = arith.index_cast %select_n3A : i32 to index
      %swap3A_515 = arith.index_cast %mul3A_512 : i32 to index
      %swap3A_516 = tpu.vector_load %arg8[%swap3A_513, %swap3A_514, %swap3A_515] {strides = array<i32>} : memref<4x40x128xf32, #tpu.memory_space<vmem>>, vector<1x1x16xf32>,
      %swap3A_517 = vector.shape_cast %swap3A_516 : vector<1x1x16xf32> to vector<16xf32>
      %swap3A_518 = vector.shape_cast %broadcast_in_dim3A_480 : vector<16xf32> to vector<1x1x16xf32>
      tpu.vector_store %arg8[%swap3A_513, %swap3A_514, %swap3A_515], %swap3A_518 {strides = array<i32>} : memref<4x40x128xf32, #tpu.memory_space<vmem>>, vector<1x1x16xf32>,
    }
    %scan3A_140 = arith.constant 320 : i32
    %scan3A_141 = arith.constant 0 : i32
    %scan3A_142 = arith.constant 0 : i32
    %scan3A_143 = arith.constant 16 : i32
    %scan3A_144 = arith.addi %scan3A_142, %scan3A_143 : i32
    %scan3A_145 = arith.constant 1 : i32
    scf.for %scan3A_479 = %scan3A_142 to %scan3A_144 step %scan3A_145  : i32 {
      %mul3A_480 = arith.constant 640 : i32
      %mul3A_481 = arith.muli %arg1, %mul3A_480 : i32
      %mul3A_482 = arith.constant 40 : i32
      %mul3A_483 = arith.muli %scan3A_479, %mul3A_482 : i32
      %add3A_484 = arith.addi %mul3A_481, %mul3A_483 : i32
      %dma_start3A_485 = arith.constant 0 : i32
      %dma_start3A_486 = arith.constant 0 : i32
      %dma_start3A_487 = arith.constant 0 : i32
      %dma_start3A_488 = arith.constant 0 : i32
      %dma_start3A_489 = tpu.memref_slice %arg8[%dma_start3A_485, %dma_start3A_487, %dma_start3A_488] : memref<4x40x128xf32, #tpu.memory_space<vmem>> -> memref<1x40x128xf32, #tpu.memory_space<vmem>>
      %dma_start3A_490 = tpu.memref_squeeze %dma_start3A_489 : memref<1x40x128xf32, #tpu.memory_space<vmem>> -> memref<40x128xf32, #tpu.memory_space<vmem>>
      %dma_start3A_491 = arith.constant 0 : i32
      %dma_start3A_492 = tpu.memref_slice %arg9[%add3A_484, %dma_start3A_491] : memref<10240x128xf32, #tpu.memory_space<vmem_shared>> -> memref<40x128xf32, #tpu.memory_space<vmem_shared>>
      %dma_start3A_493 = tpu.memref_slice %arg13[%dma_start3A_486] : memref<4x!tpu.dma_semaphore, #tpu.memory_space<semaphore_mem>> -> memref<1x!tpu.dma_semaphore, #tpu.memory_space<semaphore_mem>>
      %dma_start3A_494 = tpu.memref_squeeze %dma_start3A_493 : memref<1x!tpu.dma_semaphore, #tpu.memory_space<semaphore_mem>> -> memref<!tpu.dma_semaphore, #tpu.memory_space<semaphore_mem>>
      %dma_start3A_495 = arith.constant 0 : i32
      %dma_start3A_496 = tpu.memref_slice %arg9[%add3A_484, %dma_start3A_495] : memref<10240x128xf32, #tpu.memory_space<vmem_shared>> -> memref<40x128xf32, #tpu.memory_space<vmem_shared>>
      %dma_start3A_497 = arith.constant 0 : i32
      %dma_start3A_498 = arith.constant 0 : i32
      %dma_start3A_499 = tpu.memref_slice %arg8[%dma_start3A_485, %dma_start3A_497, %dma_start3A_498] : memref<4x40x128xf32, #tpu.memory_space<vmem>> -> memref<1x40x128xf32, #tpu.memory_space<vmem>>
      %dma_start3A_500 = tpu.memref_squeeze %dma_start3A_499 : memref<1x40x128xf32, #tpu.memory_space<vmem>> -> memref<40x128xf32, #tpu.memory_space<vmem>>
      tpu.enqueue_dma source(%dma_start3A_500 : memref<40x128xf32, #tpu.memory_space<vmem>>) target(%dma_start3A_496 : memref<40x128xf32, #tpu.memory_space<vmem_shared>>) target_semaphore(%dma_start3A_494 : memref<!tpu.dma_semaphore, #tpu.memory_space<semaphore_mem>>)
    }
    %scan3A_146 = arith.constant 16 : i32
    %scan3A_147 = arith.constant 0 : i32
    %scan3A_148 = arith.constant 0 : i32
    %scan3A_149 = arith.constant 16 : i32
    %scan3A_150 = arith.addi %scan3A_148, %scan3A_149 : i32
    %scan3A_151 = arith.constant 1 : i32
    scf.for %scan3A_479 = %scan3A_148 to %scan3A_150 step %scan3A_151  : i32 {
      %mul3A_480 = arith.constant 640 : i32
      %mul3A_481 = arith.muli %arg1, %mul3A_480 : i32
      %mul3A_482 = arith.constant 40 : i32
      %mul3A_483 = arith.muli %scan3A_479, %mul3A_482 : i32
      %add3A_484 = arith.addi %mul3A_481, %mul3A_483 : i32
      %dma_wait3A_485 = arith.constant 0 : i32
      %dma_wait3A_486 = arith.constant 0 : i32
      %dma_wait3A_487 = arith.constant 0 : i32
      %dma_wait3A_488 = arith.constant 0 : i32
      %dma_wait3A_489 = tpu.memref_slice %arg8[%dma_wait3A_485, %dma_wait3A_487, %dma_wait3A_488] : memref<4x40x128xf32, #tpu.memory_space<vmem>> -> memref<1x40x128xf32, #tpu.memory_space<vmem>>
      %dma_wait3A_490 = tpu.memref_squeeze %dma_wait3A_489 : memref<1x40x128xf32, #tpu.memory_space<vmem>> -> memref<40x128xf32, #tpu.memory_space<vmem>>
      %dma_wait3A_491 = arith.constant 0 : i32
      %dma_wait3A_492 = tpu.memref_slice %arg9[%add3A_484, %dma_wait3A_491] : memref<10240x128xf32, #tpu.memory_space<vmem_shared>> -> memref<40x128xf32, #tpu.memory_space<vmem_shared>>
      %dma_wait3A_493 = tpu.memref_slice %arg13[%dma_wait3A_486] : memref<4x!tpu.dma_semaphore, #tpu.memory_space<semaphore_mem>> -> memref<1x!tpu.dma_semaphore, #tpu.memory_space<semaphore_mem>>
      %dma_wait3A_494 = tpu.memref_squeeze %dma_wait3A_493 : memref<1x!tpu.dma_semaphore, #tpu.memory_space<semaphore_mem>> -> memref<!tpu.dma_semaphore, #tpu.memory_space<semaphore_mem>>
      %dma_wait3A_495 = arith.constant 0 : i32
      %dma_wait3A_496 = tpu.memref_slice %arg9[%add3A_484, %dma_wait3A_495] : memref<10240x128xf32, #tpu.memory_space<vmem_shared>> -> memref<40x128xf32, #tpu.memory_space<vmem_shared>>
      %dma_wait3A_497 = arith.constant 0 : i32
      %dma_wait3A_498 = arith.constant 0 : i32
      %dma_wait3A_499 = tpu.memref_slice %arg8[%dma_wait3A_485, %dma_wait3A_497, %dma_wait3A_498] : memref<4x40x128xf32, #tpu.memory_space<vmem>> -> memref<1x40x128xf32, #tpu.memory_space<vmem>>
      %dma_wait3A_500 = tpu.memref_squeeze %dma_wait3A_499 : memref<1x40x128xf32, #tpu.memory_space<vmem>> -> memref<40x128xf32, #tpu.memory_space<vmem>>
      tpu.wait_dma2 semaphore(%dma_wait3A_494 : memref<!tpu.dma_semaphore, #tpu.memory_space<semaphore_mem>>) src(%dma_wait3A_500 : memref<40x128xf32, #tpu.memory_space<vmem>>) dst(%dma_wait3A_496 : memref<40x128xf32, #tpu.memory_space<vmem_shared>>)
    }
    %scan3A_152 = arith.constant 16 : i32
    %barrier3A = arith.constant 0 : index
    tpu.barrier barrier_id(%barrier3A)
    %scan3A_153 = arith.constant 0 : i32
    %scan3A_154 = arith.constant 0 : i32
    %scan3A_155 = arith.constant 62 : i32
    %scan3A_156 = arith.addi %scan3A_154, %scan3A_155 : i32
    %scan3A_157 = arith.constant 1 : i32
    scf.for %scan3A_479 = %scan3A_154 to %scan3A_156 step %scan3A_157  : i32 {
      %mul3A_480 = arith.constant 4 : i32
      %mul3A_481 = arith.muli %scan3A_479, %mul3A_480 : i32
      %gt3A = arith.constant 0 : i32
      %gt3A_482 = arith.cmpi sgt, %scan3A_479, %gt3A : i32
      %convert_element_type3A = arith.extui %gt3A_482 : i1 to i32
      %cond3A = arith.constant 0 : i32
      %cond3A_483 = arith.cmpi ne, %convert_element_type3A, %cond3A : i32
      scf.if %cond3A_483 {
        %dma_wait3A_850 = arith.constant 0 : i32
        %dma_wait3A_851 = arith.constant 0 : i32
        %dma_wait3A_852 = arith.constant 0 : i32
        %dma_wait3A_853 = arith.constant 0 : i32
        %dma_wait3A_854 = arith.constant 0 : i32
        %dma_wait3A_855 = tpu.memref_slice %arg8[%dma_wait3A_850, %dma_wait3A_853, %dma_wait3A_854] : memref<4x40x128xf32, #tpu.memory_space<vmem>> -> memref<1x40x128xf32, #tpu.memory_space<vmem>>
        %dma_wait3A_856 = tpu.memref_squeeze %dma_wait3A_855 : memref<1x40x128xf32, #tpu.memory_space<vmem>> -> memref<40x128xf32, #tpu.memory_space<vmem>>
        %dma_wait3A_857 = arith.constant 0 : i32
        %dma_wait3A_858 = tpu.memref_slice %arg7[%dma_wait3A_851, %dma_wait3A_857] : memref<4x40xi32, #tpu.memory_space<vmem>> -> memref<1x40xi32, #tpu.memory_space<vmem>>
        %dma_wait3A_859 = tpu.memref_squeeze %dma_wait3A_858 : memref<1x40xi32, #tpu.memory_space<vmem>> -> memref<40xi32, #tpu.memory_space<vmem>>
        %dma_wait3A_860 = arith.constant 0 : i32
        %dma_wait3A_861 = arith.constant 0 : i32
        %dma_wait3A_862 = tpu.memref_slice %arg9[%dma_wait3A_860, %dma_wait3A_861] : memref<10240x128xf32, #tpu.memory_space<vmem_shared>> -> memref<10240x128xf32, #tpu.memory_space<vmem_shared>>
        %dma_wait3A_863 = tpu.memref_slice %arg13[%dma_wait3A_852] : memref<4x!tpu.dma_semaphore, #tpu.memory_space<semaphore_mem>> -> memref<1x!tpu.dma_semaphore, #tpu.memory_space<semaphore_mem>>
        %dma_wait3A_864 = tpu.memref_squeeze %dma_wait3A_863 : memref<1x!tpu.dma_semaphore, #tpu.memory_space<semaphore_mem>> -> memref<!tpu.dma_semaphore, #tpu.memory_space<semaphore_mem>>
        tpu.wait_indirect_dma semaphore(%dma_wait3A_864 : memref<!tpu.dma_semaphore, #tpu.memory_space<semaphore_mem>>) src(%dma_wait3A_856 : memref<40x128xf32, #tpu.memory_space<vmem>>) dst(%dma_wait3A_862 : memref<10240x128xf32, #tpu.memory_space<vmem_shared>>)
        %add3A_865 = arith.constant 0 : i32
        %add3A_866 = arith.addi %mul3A_481, %add3A_865 : i32
        %dma_start3A_867 = arith.constant 0 : i32
        %dma_start3A_868 = arith.constant 0 : i32
        %dma_start3A_869 = arith.constant 0 : i32
        %dma_start3A_870 = tpu.memref_slice %arg7[%dma_start3A_867, %dma_start3A_869] : memref<4x40xi32, #tpu.memory_space<vmem>> -> memref<1x40xi32, #tpu.memory_space<vmem>>
        %dma_start3A_871 = tpu.memref_squeeze %dma_start3A_870 : memref<1x40xi32, #tpu.memory_space<vmem>> -> memref<40xi32, #tpu.memory_space<vmem>>
        %dma_start3A_872 = arith.constant 0 : i32
        %dma_start3A_873 = tpu.memref_slice %arg4[%add3A, %add3A_866, %dma_start3A_872] : memref<32x250x40xi32, #tpu.memory_space<hbm>> -> memref<1x1x40xi32, #tpu.memory_space<hbm>>
        %dma_start3A_874 = tpu.memref_squeeze %dma_start3A_873 : memref<1x1x40xi32, #tpu.memory_space<hbm>> -> memref<40xi32, #tpu.memory_space<hbm>>
        %dma_start3A_875 = tpu.memref_slice %arg11[%dma_start3A_868] : memref<4x!tpu.dma_semaphore, #tpu.memory_space<semaphore_mem>> -> memref<1x!tpu.dma_semaphore, #tpu.memory_space<semaphore_mem>>
        %dma_start3A_876 = tpu.memref_squeeze %dma_start3A_875 : memref<1x!tpu.dma_semaphore, #tpu.memory_space<semaphore_mem>> -> memref<!tpu.dma_semaphore, #tpu.memory_space<semaphore_mem>>
        %dma_start3A_877 = arith.constant 0 : i32
        %dma_start3A_878 = tpu.memref_slice %arg7[%dma_start3A_867, %dma_start3A_877] : memref<4x40xi32, #tpu.memory_space<vmem>> -> memref<1x40xi32, #tpu.memory_space<vmem>>
        %dma_start3A_879 = tpu.memref_squeeze %dma_start3A_878 : memref<1x40xi32, #tpu.memory_space<vmem>> -> memref<40xi32, #tpu.memory_space<vmem>>
        %dma_start3A_880 = arith.constant 0 : i32
        %dma_start3A_881 = tpu.memref_slice %arg4[%add3A, %add3A_866, %dma_start3A_880] : memref<32x250x40xi32, #tpu.memory_space<hbm>> -> memref<1x1x40xi32, #tpu.memory_space<hbm>>
        %dma_start3A_882 = tpu.memref_squeeze %dma_start3A_881 : memref<1x1x40xi32, #tpu.memory_space<hbm>> -> memref<40xi32, #tpu.memory_space<hbm>>
        tpu.enqueue_dma source(%dma_start3A_882 : memref<40xi32, #tpu.memory_space<hbm>>) target(%dma_start3A_879 : memref<40xi32, #tpu.memory_space<vmem>>) target_semaphore(%dma_start3A_876 : memref<!tpu.dma_semaphore, #tpu.memory_space<semaphore_mem>>)
      } else {
      }
      %add3A_484 = arith.constant 0 : i32
      %add3A_485 = arith.addi %mul3A_481, %add3A_484 : i32
      %dma_wait3A_486 = arith.constant 0 : i32
      %dma_wait3A_487 = arith.constant 0 : i32
      %dma_wait3A_488 = arith.constant 0 : i32
      %dma_wait3A_489 = tpu.memref_slice %arg6[%dma_wait3A_486, %dma_wait3A_488] : memref<4x40xi32, #tpu.memory_space<vmem>> -> memref<1x40xi32, #tpu.memory_space<vmem>>
      %dma_wait3A_490 = tpu.memref_squeeze %dma_wait3A_489 : memref<1x40xi32, #tpu.memory_space<vmem>> -> memref<40xi32, #tpu.memory_space<vmem>>
      %dma_wait3A_491 = arith.constant 0 : i32
      %dma_wait3A_492 = tpu.memref_slice %arg3[%add3A, %add3A_485, %dma_wait3A_491] : memref<32x250x40xi32, #tpu.memory_space<hbm>> -> memref<1x1x40xi32, #tpu.memory_space<hbm>>
      %dma_wait3A_493 = tpu.memref_squeeze %dma_wait3A_492 : memref<1x1x40xi32, #tpu.memory_space<hbm>> -> memref<40xi32, #tpu.memory_space<hbm>>
      %dma_wait3A_494 = tpu.memref_slice %arg10[%dma_wait3A_487] : memref<4x!tpu.dma_semaphore, #tpu.memory_space<semaphore_mem>> -> memref<1x!tpu.dma_semaphore, #tpu.memory_space<semaphore_mem>>
      %dma_wait3A_495 = tpu.memref_squeeze %dma_wait3A_494 : memref<1x!tpu.dma_semaphore, #tpu.memory_space<semaphore_mem>> -> memref<!tpu.dma_semaphore, #tpu.memory_space<semaphore_mem>>
      %dma_wait3A_496 = arith.constant 0 : i32
      %dma_wait3A_497 = tpu.memref_slice %arg6[%dma_wait3A_486, %dma_wait3A_496] : memref<4x40xi32, #tpu.memory_space<vmem>> -> memref<1x40xi32, #tpu.memory_space<vmem>>
      %dma_wait3A_498 = tpu.memref_squeeze %dma_wait3A_497 : memref<1x40xi32, #tpu.memory_space<vmem>> -> memref<40xi32, #tpu.memory_space<vmem>>
      %dma_wait3A_499 = arith.constant 0 : i32
      %dma_wait3A_500 = tpu.memref_slice %arg3[%add3A, %add3A_485, %dma_wait3A_499] : memref<32x250x40xi32, #tpu.memory_space<hbm>> -> memref<1x1x40xi32, #tpu.memory_space<hbm>>
      %dma_wait3A_501 = tpu.memref_squeeze %dma_wait3A_500 : memref<1x1x40xi32, #tpu.memory_space<hbm>> -> memref<40xi32, #tpu.memory_space<hbm>>
      tpu.wait_dma2 semaphore(%dma_wait3A_495 : memref<!tpu.dma_semaphore, #tpu.memory_space<semaphore_mem>>) src(%dma_wait3A_501 : memref<40xi32, #tpu.memory_space<hbm>>) dst(%dma_wait3A_498 : memref<40xi32, #tpu.memory_space<vmem>>)
      %dma_start3A_502 = arith.constant 0 : i32
      %dma_start3A_503 = arith.constant 0 : i32
      %dma_start3A_504 = arith.constant 0 : i32
      %dma_start3A_505 = arith.constant 0 : i32
      %dma_start3A_506 = arith.constant 0 : i32
      %dma_start3A_507 = tpu.memref_slice %arg8[%dma_start3A_503, %dma_start3A_505, %dma_start3A_506] : memref<4x40x128xf32, #tpu.memory_space<vmem>> -> memref<1x40x128xf32, #tpu.memory_space<vmem>>
      %dma_start3A_508 = tpu.memref_squeeze %dma_start3A_507 : memref<1x40x128xf32, #tpu.memory_space<vmem>> -> memref<40x128xf32, #tpu.memory_space<vmem>>
      %dma_start3A_509 = arith.constant 0 : i32
      %dma_start3A_510 = tpu.memref_slice %arg6[%dma_start3A_502, %dma_start3A_509] : memref<4x40xi32, #tpu.memory_space<vmem>> -> memref<1x40xi32, #tpu.memory_space<vmem>>
      %dma_start3A_511 = tpu.memref_squeeze %dma_start3A_510 : memref<1x40xi32, #tpu.memory_space<vmem>> -> memref<40xi32, #tpu.memory_space<vmem>>
      %dma_start3A_512 = arith.constant 0 : i32
      %dma_start3A_513 = arith.constant 0 : i32
      %dma_start3A_514 = tpu.memref_slice %arg2[%dma_start3A_512, %dma_start3A_513] : memref<10240x128xf32, #tpu.memory_space<hbm>> -> memref<10240x128xf32, #tpu.memory_space<hbm>>
      %dma_start3A_515 = tpu.memref_slice %arg12[%dma_start3A_504] : memref<4x!tpu.dma_semaphore, #tpu.memory_space<semaphore_mem>> -> memref<1x!tpu.dma_semaphore, #tpu.memory_space<semaphore_mem>>
      %dma_start3A_516 = tpu.memref_squeeze %dma_start3A_515 : memref<1x!tpu.dma_semaphore, #tpu.memory_space<semaphore_mem>> -> memref<!tpu.dma_semaphore, #tpu.memory_space<semaphore_mem>>
      tpu.enqueue_indirect_dma source(%dma_start3A_514 : memref<10240x128xf32, #tpu.memory_space<hbm>>) target(%dma_start3A_508 : memref<40x128xf32, #tpu.memory_space<vmem>>) offsets(%dma_start3A_511 : memref<40xi32, #tpu.memory_space<vmem>>) semaphore(%dma_start3A_516 : memref<!tpu.dma_semaphore, #tpu.memory_space<semaphore_mem>>)
      %gt3A_517 = arith.constant 0 : i32
      %gt3A_518 = arith.cmpi sgt, %scan3A_479, %gt3A_517 : i32
      %convert_element_type3A_519 = arith.extui %gt3A_518 : i1 to i32
      %cond3A_520 = arith.constant 0 : i32
      %cond3A_521 = arith.cmpi ne, %convert_element_type3A_519, %cond3A_520 : i32
      scf.if %cond3A_521 {
        %dma_wait3A_850 = arith.constant 1 : i32
        %dma_wait3A_851 = arith.constant 1 : i32
        %dma_wait3A_852 = arith.constant 1 : i32
        %dma_wait3A_853 = arith.constant 0 : i32
        %dma_wait3A_854 = arith.constant 0 : i32
        %dma_wait3A_855 = tpu.memref_slice %arg8[%dma_wait3A_850, %dma_wait3A_853, %dma_wait3A_854] : memref<4x40x128xf32, #tpu.memory_space<vmem>> -> memref<1x40x128xf32, #tpu.memory_space<vmem>>
        %dma_wait3A_856 = tpu.memref_squeeze %dma_wait3A_855 : memref<1x40x128xf32, #tpu.memory_space<vmem>> -> memref<40x128xf32, #tpu.memory_space<vmem>>
        %dma_wait3A_857 = arith.constant 0 : i32
        %dma_wait3A_858 = tpu.memref_slice %arg7[%dma_wait3A_851, %dma_wait3A_857] : memref<4x40xi32, #tpu.memory_space<vmem>> -> memref<1x40xi32, #tpu.memory_space<vmem>>
        %dma_wait3A_859 = tpu.memref_squeeze %dma_wait3A_858 : memref<1x40xi32, #tpu.memory_space<vmem>> -> memref<40xi32, #tpu.memory_space<vmem>>
        %dma_wait3A_860 = arith.constant 0 : i32
        %dma_wait3A_861 = arith.constant 0 : i32
        %dma_wait3A_862 = tpu.memref_slice %arg9[%dma_wait3A_860, %dma_wait3A_861] : memref<10240x128xf32, #tpu.memory_space<vmem_shared>> -> memref<10240x128xf32, #tpu.memory_space<vmem_shared>>
        %dma_wait3A_863 = tpu.memref_slice %arg13[%dma_wait3A_852] : memref<4x!tpu.dma_semaphore, #tpu.memory_space<semaphore_mem>> -> memref<1x!tpu.dma_semaphore, #tpu.memory_space<semaphore_mem>>
        %dma_wait3A_864 = tpu.memref_squeeze %dma_wait3A_863 : memref<1x!tpu.dma_semaphore, #tpu.memory_space<semaphore_mem>> -> memref<!tpu.dma_semaphore, #tpu.memory_space<semaphore_mem>>
        tpu.wait_indirect_dma semaphore(%dma_wait3A_864 : memref<!tpu.dma_semaphore, #tpu.memory_space<semaphore_mem>>) src(%dma_wait3A_856 : memref<40x128xf32, #tpu.memory_space<vmem>>) dst(%dma_wait3A_862 : memref<10240x128xf32, #tpu.memory_space<vmem_shared>>)
        %add3A_865 = arith.constant 1 : i32
        %add3A_866 = arith.addi %mul3A_481, %add3A_865 : i32
        %dma_start3A_867 = arith.constant 1 : i32
        %dma_start3A_868 = arith.constant 1 : i32
        %dma_start3A_869 = arith.constant 0 : i32
        %dma_start3A_870 = tpu.memref_slice %arg7[%dma_start3A_867, %dma_start3A_869] : memref<4x40xi32, #tpu.memory_space<vmem>> -> memref<1x40xi32, #tpu.memory_space<vmem>>
        %dma_start3A_871 = tpu.memref_squeeze %dma_start3A_870 : memref<1x40xi32, #tpu.memory_space<vmem>> -> memref<40xi32, #tpu.memory_space<vmem>>
        %dma_start3A_872 = arith.constant 0 : i32
        %dma_start3A_873 = tpu.memref_slice %arg4[%add3A, %add3A_866, %dma_start3A_872] : memref<32x250x40xi32, #tpu.memory_space<hbm>> -> memref<1x1x40xi32, #tpu.memory_space<hbm>>
        %dma_start3A_874 = tpu.memref_squeeze %dma_start3A_873 : memref<1x1x40xi32, #tpu.memory_space<hbm>> -> memref<40xi32, #tpu.memory_space<hbm>>
        %dma_start3A_875 = tpu.memref_slice %arg11[%dma_start3A_868] : memref<4x!tpu.dma_semaphore, #tpu.memory_space<semaphore_mem>> -> memref<1x!tpu.dma_semaphore, #tpu.memory_space<semaphore_mem>>
        %dma_start3A_876 = tpu.memref_squeeze %dma_start3A_875 : memref<1x!tpu.dma_semaphore, #tpu.memory_space<semaphore_mem>> -> memref<!tpu.dma_semaphore, #tpu.memory_space<semaphore_mem>>
        %dma_start3A_877 = arith.constant 0 : i32
        %dma_start3A_878 = tpu.memref_slice %arg7[%dma_start3A_867, %dma_start3A_877] : memref<4x40xi32, #tpu.memory_space<vmem>> -> memref<1x40xi32, #tpu.memory_space<vmem>>
        %dma_start3A_879 = tpu.memref_squeeze %dma_start3A_878 : memref<1x40xi32, #tpu.memory_space<vmem>> -> memref<40xi32, #tpu.memory_space<vmem>>
        %dma_start3A_880 = arith.constant 0 : i32
        %dma_start3A_881 = tpu.memref_slice %arg4[%add3A, %add3A_866, %dma_start3A_880] : memref<32x250x40xi32, #tpu.memory_space<hbm>> -> memref<1x1x40xi32, #tpu.memory_space<hbm>>
        %dma_start3A_882 = tpu.memref_squeeze %dma_start3A_881 : memref<1x1x40xi32, #tpu.memory_space<hbm>> -> memref<40xi32, #tpu.memory_space<hbm>>
        tpu.enqueue_dma source(%dma_start3A_882 : memref<40xi32, #tpu.memory_space<hbm>>) target(%dma_start3A_879 : memref<40xi32, #tpu.memory_space<vmem>>) target_semaphore(%dma_start3A_876 : memref<!tpu.dma_semaphore, #tpu.memory_space<semaphore_mem>>)
      } else {
      }
      %add3A_522 = arith.constant 1 : i32
      %add3A_523 = arith.addi %mul3A_481, %add3A_522 : i32
      %dma_wait3A_524 = arith.constant 1 : i32
      %dma_wait3A_525 = arith.constant 1 : i32
      %dma_wait3A_526 = arith.constant 0 : i32
      %dma_wait3A_527 = tpu.memref_slice %arg6[%dma_wait3A_524, %dma_wait3A_526] : memref<4x40xi32, #tpu.memory_space<vmem>> -> memref<1x40xi32, #tpu.memory_space<vmem>>
      %dma_wait3A_528 = tpu.memref_squeeze %dma_wait3A_527 : memref<1x40xi32, #tpu.memory_space<vmem>> -> memref<40xi32, #tpu.memory_space<vmem>>
      %dma_wait3A_529 = arith.constant 0 : i32
      %dma_wait3A_530 = tpu.memref_slice %arg3[%add3A, %add3A_523, %dma_wait3A_529] : memref<32x250x40xi32, #tpu.memory_space<hbm>> -> memref<1x1x40xi32, #tpu.memory_space<hbm>>
      %dma_wait3A_531 = tpu.memref_squeeze %dma_wait3A_530 : memref<1x1x40xi32, #tpu.memory_space<hbm>> -> memref<40xi32, #tpu.memory_space<hbm>>
      %dma_wait3A_532 = tpu.memref_slice %arg10[%dma_wait3A_525] : memref<4x!tpu.dma_semaphore, #tpu.memory_space<semaphore_mem>> -> memref<1x!tpu.dma_semaphore, #tpu.memory_space<semaphore_mem>>
      %dma_wait3A_533 = tpu.memref_squeeze %dma_wait3A_532 : memref<1x!tpu.dma_semaphore, #tpu.memory_space<semaphore_mem>> -> memref<!tpu.dma_semaphore, #tpu.memory_space<semaphore_mem>>
      %dma_wait3A_534 = arith.constant 0 : i32
      %dma_wait3A_535 = tpu.memref_slice %arg6[%dma_wait3A_524, %dma_wait3A_534] : memref<4x40xi32, #tpu.memory_space<vmem>> -> memref<1x40xi32, #tpu.memory_space<vmem>>
      %dma_wait3A_536 = tpu.memref_squeeze %dma_wait3A_535 : memref<1x40xi32, #tpu.memory_space<vmem>> -> memref<40xi32, #tpu.memory_space<vmem>>
      %dma_wait3A_537 = arith.constant 0 : i32
      %dma_wait3A_538 = tpu.memref_slice %arg3[%add3A, %add3A_523, %dma_wait3A_537] : memref<32x250x40xi32, #tpu.memory_space<hbm>> -> memref<1x1x40xi32, #tpu.memory_space<hbm>>
      %dma_wait3A_539 = tpu.memref_squeeze %dma_wait3A_538 : memref<1x1x40xi32, #tpu.memory_space<hbm>> -> memref<40xi32, #tpu.memory_space<hbm>>
      tpu.wait_dma2 semaphore(%dma_wait3A_533 : memref<!tpu.dma_semaphore, #tpu.memory_space<semaphore_mem>>) src(%dma_wait3A_539 : memref<40xi32, #tpu.memory_space<hbm>>) dst(%dma_wait3A_536 : memref<40xi32, #tpu.memory_space<vmem>>)
      %dma_start3A_540 = arith.constant 1 : i32
      %dma_start3A_541 = arith.constant 1 : i32
      %dma_start3A_542 = arith.constant 1 : i32
      %dma_start3A_543 = arith.constant 0 : i32
      %dma_start3A_544 = arith.constant 0 : i32
      %dma_start3A_545 = tpu.memref_slice %arg8[%dma_start3A_541, %dma_start3A_543, %dma_start3A_544] : memref<4x40x128xf32, #tpu.memory_space<vmem>> -> memref<1x40x128xf32, #tpu.memory_space<vmem>>
      %dma_start3A_546 = tpu.memref_squeeze %dma_start3A_545 : memref<1x40x128xf32, #tpu.memory_space<vmem>> -> memref<40x128xf32, #tpu.memory_space<vmem>>
      %dma_start3A_547 = arith.constant 0 : i32
      %dma_start3A_548 = tpu.memref_slice %arg6[%dma_start3A_540, %dma_start3A_547] : memref<4x40xi32, #tpu.memory_space<vmem>> -> memref<1x40xi32, #tpu.memory_space<vmem>>
      %dma_start3A_549 = tpu.memref_squeeze %dma_start3A_548 : memref<1x40xi32, #tpu.memory_space<vmem>> -> memref<40xi32, #tpu.memory_space<vmem>>
      %dma_start3A_550 = arith.constant 0 : i32
      %dma_start3A_551 = arith.constant 0 : i32
      %dma_start3A_552 = tpu.memref_slice %arg2[%dma_start3A_550, %dma_start3A_551] : memref<10240x128xf32, #tpu.memory_space<hbm>> -> memref<10240x128xf32, #tpu.memory_space<hbm>>
      %dma_start3A_553 = tpu.memref_slice %arg12[%dma_start3A_542] : memref<4x!tpu.dma_semaphore, #tpu.memory_space<semaphore_mem>> -> memref<1x!tpu.dma_semaphore, #tpu.memory_space<semaphore_mem>>
      %dma_start3A_554 = tpu.memref_squeeze %dma_start3A_553 : memref<1x!tpu.dma_semaphore, #tpu.memory_space<semaphore_mem>> -> memref<!tpu.dma_semaphore, #tpu.memory_space<semaphore_mem>>
      tpu.enqueue_indirect_dma source(%dma_start3A_552 : memref<10240x128xf32, #tpu.memory_space<hbm>>) target(%dma_start3A_546 : memref<40x128xf32, #tpu.memory_space<vmem>>) offsets(%dma_start3A_549 : memref<40xi32, #tpu.memory_space<vmem>>) semaphore(%dma_start3A_554 : memref<!tpu.dma_semaphore, #tpu.memory_space<semaphore_mem>>)
      %gt3A_555 = arith.constant 0 : i32
      %gt3A_556 = arith.cmpi sgt, %scan3A_479, %gt3A_555 : i32
      %convert_element_type3A_557 = arith.extui %gt3A_556 : i1 to i32
      %cond3A_558 = arith.constant 0 : i32
      %cond3A_559 = arith.cmpi ne, %convert_element_type3A_557, %cond3A_558 : i32
      scf.if %cond3A_559 {
        %dma_wait3A_850 = arith.constant 2 : i32
        %dma_wait3A_851 = arith.constant 2 : i32
        %dma_wait3A_852 = arith.constant 2 : i32
        %dma_wait3A_853 = arith.constant 0 : i32
        %dma_wait3A_854 = arith.constant 0 : i32
        %dma_wait3A_855 = tpu.memref_slice %arg8[%dma_wait3A_850, %dma_wait3A_853, %dma_wait3A_854] : memref<4x40x128xf32, #tpu.memory_space<vmem>> -> memref<1x40x128xf32, #tpu.memory_space<vmem>>
        %dma_wait3A_856 = tpu.memref_squeeze %dma_wait3A_855 : memref<1x40x128xf32, #tpu.memory_space<vmem>> -> memref<40x128xf32, #tpu.memory_space<vmem>>
        %dma_wait3A_857 = arith.constant 0 : i32
        %dma_wait3A_858 = tpu.memref_slice %arg7[%dma_wait3A_851, %dma_wait3A_857] : memref<4x40xi32, #tpu.memory_space<vmem>> -> memref<1x40xi32, #tpu.memory_space<vmem>>
        %dma_wait3A_859 = tpu.memref_squeeze %dma_wait3A_858 : memref<1x40xi32, #tpu.memory_space<vmem>> -> memref<40xi32, #tpu.memory_space<vmem>>
        %dma_wait3A_860 = arith.constant 0 : i32
        %dma_wait3A_861 = arith.constant 0 : i32
        %dma_wait3A_862 = tpu.memref_slice %arg9[%dma_wait3A_860, %dma_wait3A_861] : memref<10240x128xf32, #tpu.memory_space<vmem_shared>> -> memref<10240x128xf32, #tpu.memory_space<vmem_shared>>
        %dma_wait3A_863 = tpu.memref_slice %arg13[%dma_wait3A_852] : memref<4x!tpu.dma_semaphore, #tpu.memory_space<semaphore_mem>> -> memref<1x!tpu.dma_semaphore, #tpu.memory_space<semaphore_mem>>
        %dma_wait3A_864 = tpu.memref_squeeze %dma_wait3A_863 : memref<1x!tpu.dma_semaphore, #tpu.memory_space<semaphore_mem>> -> memref<!tpu.dma_semaphore, #tpu.memory_space<semaphore_mem>>
        tpu.wait_indirect_dma semaphore(%dma_wait3A_864 : memref<!tpu.dma_semaphore, #tpu.memory_space<semaphore_mem>>) src(%dma_wait3A_856 : memref<40x128xf32, #tpu.memory_space<vmem>>) dst(%dma_wait3A_862 : memref<10240x128xf32, #tpu.memory_space<vmem_shared>>)
        %add3A_865 = arith.constant 2 : i32
        %add3A_866 = arith.addi %mul3A_481, %add3A_865 : i32
        %dma_start3A_867 = arith.constant 2 : i32
        %dma_start3A_868 = arith.constant 2 : i32
        %dma_start3A_869 = arith.constant 0 : i32
        %dma_start3A_870 = tpu.memref_slice %arg7[%dma_start3A_867, %dma_start3A_869] : memref<4x40xi32, #tpu.memory_space<vmem>> -> memref<1x40xi32, #tpu.memory_space<vmem>>
        %dma_start3A_871 = tpu.memref_squeeze %dma_start3A_870 : memref<1x40xi32, #tpu.memory_space<vmem>> -> memref<40xi32, #tpu.memory_space<vmem>>
        %dma_start3A_872 = arith.constant 0 : i32
        %dma_start3A_873 = tpu.memref_slice %arg4[%add3A, %add3A_866, %dma_start3A_872] : memref<32x250x40xi32, #tpu.memory_space<hbm>> -> memref<1x1x40xi32, #tpu.memory_space<hbm>>
        %dma_start3A_874 = tpu.memref_squeeze %dma_start3A_873 : memref<1x1x40xi32, #tpu.memory_space<hbm>> -> memref<40xi32, #tpu.memory_space<hbm>>
        %dma_start3A_875 = tpu.memref_slice %arg11[%dma_start3A_868] : memref<4x!tpu.dma_semaphore, #tpu.memory_space<semaphore_mem>> -> memref<1x!tpu.dma_semaphore, #tpu.memory_space<semaphore_mem>>
        %dma_start3A_876 = tpu.memref_squeeze %dma_start3A_875 : memref<1x!tpu.dma_semaphore, #tpu.memory_space<semaphore_mem>> -> memref<!tpu.dma_semaphore, #tpu.memory_space<semaphore_mem>>
        %dma_start3A_877 = arith.constant 0 : i32
        %dma_start3A_878 = tpu.memref_slice %arg7[%dma_start3A_867, %dma_start3A_877] : memref<4x40xi32, #tpu.memory_space<vmem>> -> memref<1x40xi32, #tpu.memory_space<vmem>>
        %dma_start3A_879 = tpu.memref_squeeze %dma_start3A_878 : memref<1x40xi32, #tpu.memory_space<vmem>> -> memref<40xi32, #tpu.memory_space<vmem>>
        %dma_start3A_880 = arith.constant 0 : i32
        %dma_start3A_881 = tpu.memref_slice %arg4[%add3A, %add3A_866, %dma_start3A_880] : memref<32x250x40xi32, #tpu.memory_space<hbm>> -> memref<1x1x40xi32, #tpu.memory_space<hbm>>
        %dma_start3A_882 = tpu.memref_squeeze %dma_start3A_881 : memref<1x1x40xi32, #tpu.memory_space<hbm>> -> memref<40xi32, #tpu.memory_space<hbm>>
        tpu.enqueue_dma source(%dma_start3A_882 : memref<40xi32, #tpu.memory_space<hbm>>) target(%dma_start3A_879 : memref<40xi32, #tpu.memory_space<vmem>>) target_semaphore(%dma_start3A_876 : memref<!tpu.dma_semaphore, #tpu.memory_space<semaphore_mem>>)
      } else {
      }
      %add3A_560 = arith.constant 2 : i32
      %add3A_561 = arith.addi %mul3A_481, %add3A_560 : i32
      %dma_wait3A_562 = arith.constant 2 : i32
      %dma_wait3A_563 = arith.constant 2 : i32
      %dma_wait3A_564 = arith.constant 0 : i32
      %dma_wait3A_565 = tpu.memref_slice %arg6[%dma_wait3A_562, %dma_wait3A_564] : memref<4x40xi32, #tpu.memory_space<vmem>> -> memref<1x40xi32, #tpu.memory_space<vmem>>
      %dma_wait3A_566 = tpu.memref_squeeze %dma_wait3A_565 : memref<1x40xi32, #tpu.memory_space<vmem>> -> memref<40xi32, #tpu.memory_space<vmem>>
      %dma_wait3A_567 = arith.constant 0 : i32
      %dma_wait3A_568 = tpu.memref_slice %arg3[%add3A, %add3A_561, %dma_wait3A_567] : memref<32x250x40xi32, #tpu.memory_space<hbm>> -> memref<1x1x40xi32, #tpu.memory_space<hbm>>
      %dma_wait3A_569 = tpu.memref_squeeze %dma_wait3A_568 : memref<1x1x40xi32, #tpu.memory_space<hbm>> -> memref<40xi32, #tpu.memory_space<hbm>>
      %dma_wait3A_570 = tpu.memref_slice %arg10[%dma_wait3A_563] : memref<4x!tpu.dma_semaphore, #tpu.memory_space<semaphore_mem>> -> memref<1x!tpu.dma_semaphore, #tpu.memory_space<semaphore_mem>>
      %dma_wait3A_571 = tpu.memref_squeeze %dma_wait3A_570 : memref<1x!tpu.dma_semaphore, #tpu.memory_space<semaphore_mem>> -> memref<!tpu.dma_semaphore, #tpu.memory_space<semaphore_mem>>
      %dma_wait3A_572 = arith.constant 0 : i32
      %dma_wait3A_573 = tpu.memref_slice %arg6[%dma_wait3A_562, %dma_wait3A_572] : memref<4x40xi32, #tpu.memory_space<vmem>> -> memref<1x40xi32, #tpu.memory_space<vmem>>
      %dma_wait3A_574 = tpu.memref_squeeze %dma_wait3A_573 : memref<1x40xi32, #tpu.memory_space<vmem>> -> memref<40xi32, #tpu.memory_space<vmem>>
      %dma_wait3A_575 = arith.constant 0 : i32
      %dma_wait3A_576 = tpu.memref_slice %arg3[%add3A, %add3A_561, %dma_wait3A_575] : memref<32x250x40xi32, #tpu.memory_space<hbm>> -> memref<1x1x40xi32, #tpu.memory_space<hbm>>
      %dma_wait3A_577 = tpu.memref_squeeze %dma_wait3A_576 : memref<1x1x40xi32, #tpu.memory_space<hbm>> -> memref<40xi32, #tpu.memory_space<hbm>>
      tpu.wait_dma2 semaphore(%dma_wait3A_571 : memref<!tpu.dma_semaphore, #tpu.memory_space<semaphore_mem>>) src(%dma_wait3A_577 : memref<40xi32, #tpu.memory_space<hbm>>) dst(%dma_wait3A_574 : memref<40xi32, #tpu.memory_space<vmem>>)
      %dma_start3A_578 = arith.constant 2 : i32
      %dma_start3A_579 = arith.constant 2 : i32
      %dma_start3A_580 = arith.constant 2 : i32
      %dma_start3A_581 = arith.constant 0 : i32
      %dma_start3A_582 = arith.constant 0 : i32
      %dma_start3A_583 = tpu.memref_slice %arg8[%dma_start3A_579, %dma_start3A_581, %dma_start3A_582] : memref<4x40x128xf32, #tpu.memory_space<vmem>> -> memref<1x40x128xf32, #tpu.memory_space<vmem>>
      %dma_start3A_584 = tpu.memref_squeeze %dma_start3A_583 : memref<1x40x128xf32, #tpu.memory_space<vmem>> -> memref<40x128xf32, #tpu.memory_space<vmem>>
      %dma_start3A_585 = arith.constant 0 : i32
      %dma_start3A_586 = tpu.memref_slice %arg6[%dma_start3A_578, %dma_start3A_585] : memref<4x40xi32, #tpu.memory_space<vmem>> -> memref<1x40xi32, #tpu.memory_space<vmem>>
      %dma_start3A_587 = tpu.memref_squeeze %dma_start3A_586 : memref<1x40xi32, #tpu.memory_space<vmem>> -> memref<40xi32, #tpu.memory_space<vmem>>
      %dma_start3A_588 = arith.constant 0 : i32
      %dma_start3A_589 = arith.constant 0 : i32
      %dma_start3A_590 = tpu.memref_slice %arg2[%dma_start3A_588, %dma_start3A_589] : memref<10240x128xf32, #tpu.memory_space<hbm>> -> memref<10240x128xf32, #tpu.memory_space<hbm>>
      %dma_start3A_591 = tpu.memref_slice %arg12[%dma_start3A_580] : memref<4x!tpu.dma_semaphore, #tpu.memory_space<semaphore_mem>> -> memref<1x!tpu.dma_semaphore, #tpu.memory_space<semaphore_mem>>
      %dma_start3A_592 = tpu.memref_squeeze %dma_start3A_591 : memref<1x!tpu.dma_semaphore, #tpu.memory_space<semaphore_mem>> -> memref<!tpu.dma_semaphore, #tpu.memory_space<semaphore_mem>>
      tpu.enqueue_indirect_dma source(%dma_start3A_590 : memref<10240x128xf32, #tpu.memory_space<hbm>>) target(%dma_start3A_584 : memref<40x128xf32, #tpu.memory_space<vmem>>) offsets(%dma_start3A_587 : memref<40xi32, #tpu.memory_space<vmem>>) semaphore(%dma_start3A_592 : memref<!tpu.dma_semaphore, #tpu.memory_space<semaphore_mem>>)
      %gt3A_593 = arith.constant 0 : i32
      %gt3A_594 = arith.cmpi sgt, %scan3A_479, %gt3A_593 : i32
      %convert_element_type3A_595 = arith.extui %gt3A_594 : i1 to i32
      %cond3A_596 = arith.constant 0 : i32
      %cond3A_597 = arith.cmpi ne, %convert_element_type3A_595, %cond3A_596 : i32
      scf.if %cond3A_597 {
        %dma_wait3A_850 = arith.constant 3 : i32
        %dma_wait3A_851 = arith.constant 3 : i32
        %dma_wait3A_852 = arith.constant 3 : i32
        %dma_wait3A_853 = arith.constant 0 : i32
        %dma_wait3A_854 = arith.constant 0 : i32
        %dma_wait3A_855 = tpu.memref_slice %arg8[%dma_wait3A_850, %dma_wait3A_853, %dma_wait3A_854] : memref<4x40x128xf32, #tpu.memory_space<vmem>> -> memref<1x40x128xf32, #tpu.memory_space<vmem>>
        %dma_wait3A_856 = tpu.memref_squeeze %dma_wait3A_855 : memref<1x40x128xf32, #tpu.memory_space<vmem>> -> memref<40x128xf32, #tpu.memory_space<vmem>>
        %dma_wait3A_857 = arith.constant 0 : i32
        %dma_wait3A_858 = tpu.memref_slice %arg7[%dma_wait3A_851, %dma_wait3A_857] : memref<4x40xi32, #tpu.memory_space<vmem>> -> memref<1x40xi32, #tpu.memory_space<vmem>>
        %dma_wait3A_859 = tpu.memref_squeeze %dma_wait3A_858 : memref<1x40xi32, #tpu.memory_space<vmem>> -> memref<40xi32, #tpu.memory_space<vmem>>
        %dma_wait3A_860 = arith.constant 0 : i32
        %dma_wait3A_861 = arith.constant 0 : i32
        %dma_wait3A_862 = tpu.memref_slice %arg9[%dma_wait3A_860, %dma_wait3A_861] : memref<10240x128xf32, #tpu.memory_space<vmem_shared>> -> memref<10240x128xf32, #tpu.memory_space<vmem_shared>>
        %dma_wait3A_863 = tpu.memref_slice %arg13[%dma_wait3A_852] : memref<4x!tpu.dma_semaphore, #tpu.memory_space<semaphore_mem>> -> memref<1x!tpu.dma_semaphore, #tpu.memory_space<semaphore_mem>>
        %dma_wait3A_864 = tpu.memref_squeeze %dma_wait3A_863 : memref<1x!tpu.dma_semaphore, #tpu.memory_space<semaphore_mem>> -> memref<!tpu.dma_semaphore, #tpu.memory_space<semaphore_mem>>
        tpu.wait_indirect_dma semaphore(%dma_wait3A_864 : memref<!tpu.dma_semaphore, #tpu.memory_space<semaphore_mem>>) src(%dma_wait3A_856 : memref<40x128xf32, #tpu.memory_space<vmem>>) dst(%dma_wait3A_862 : memref<10240x128xf32, #tpu.memory_space<vmem_shared>>)
        %add3A_865 = arith.constant 3 : i32
        %add3A_866 = arith.addi %mul3A_481, %add3A_865 : i32
        %dma_start3A_867 = arith.constant 3 : i32
        %dma_start3A_868 = arith.constant 3 : i32
        %dma_start3A_869 = arith.constant 0 : i32
        %dma_start3A_870 = tpu.memref_slice %arg7[%dma_start3A_867, %dma_start3A_869] : memref<4x40xi32, #tpu.memory_space<vmem>> -> memref<1x40xi32, #tpu.memory_space<vmem>>
        %dma_start3A_871 = tpu.memref_squeeze %dma_start3A_870 : memref<1x40xi32, #tpu.memory_space<vmem>> -> memref<40xi32, #tpu.memory_space<vmem>>
        %dma_start3A_872 = arith.constant 0 : i32
        %dma_start3A_873 = tpu.memref_slice %arg4[%add3A, %add3A_866, %dma_start3A_872] : memref<32x250x40xi32, #tpu.memory_space<hbm>> -> memref<1x1x40xi32, #tpu.memory_space<hbm>>
        %dma_start3A_874 = tpu.memref_squeeze %dma_start3A_873 : memref<1x1x40xi32, #tpu.memory_space<hbm>> -> memref<40xi32, #tpu.memory_space<hbm>>
        %dma_start3A_875 = tpu.memref_slice %arg11[%dma_start3A_868] : memref<4x!tpu.dma_semaphore, #tpu.memory_space<semaphore_mem>> -> memref<1x!tpu.dma_semaphore, #tpu.memory_space<semaphore_mem>>
        %dma_start3A_876 = tpu.memref_squeeze %dma_start3A_875 : memref<1x!tpu.dma_semaphore, #tpu.memory_space<semaphore_mem>> -> memref<!tpu.dma_semaphore, #tpu.memory_space<semaphore_mem>>
        %dma_start3A_877 = arith.constant 0 : i32
        %dma_start3A_878 = tpu.memref_slice %arg7[%dma_start3A_867, %dma_start3A_877] : memref<4x40xi32, #tpu.memory_space<vmem>> -> memref<1x40xi32, #tpu.memory_space<vmem>>
        %dma_start3A_879 = tpu.memref_squeeze %dma_start3A_878 : memref<1x40xi32, #tpu.memory_space<vmem>> -> memref<40xi32, #tpu.memory_space<vmem>>
        %dma_start3A_880 = arith.constant 0 : i32
        %dma_start3A_881 = tpu.memref_slice %arg4[%add3A, %add3A_866, %dma_start3A_880] : memref<32x250x40xi32, #tpu.memory_space<hbm>> -> memref<1x1x40xi32, #tpu.memory_space<hbm>>
        %dma_start3A_882 = tpu.memref_squeeze %dma_start3A_881 : memref<1x1x40xi32, #tpu.memory_space<hbm>> -> memref<40xi32, #tpu.memory_space<hbm>>
        tpu.enqueue_dma source(%dma_start3A_882 : memref<40xi32, #tpu.memory_space<hbm>>) target(%dma_start3A_879 : memref<40xi32, #tpu.memory_space<vmem>>) target_semaphore(%dma_start3A_876 : memref<!tpu.dma_semaphore, #tpu.memory_space<semaphore_mem>>)
      } else {
      }
      %add3A_598 = arith.constant 3 : i32
      %add3A_599 = arith.addi %mul3A_481, %add3A_598 : i32
      %dma_wait3A_600 = arith.constant 3 : i32
      %dma_wait3A_601 = arith.constant 3 : i32
      %dma_wait3A_602 = arith.constant 0 : i32
      %dma_wait3A_603 = tpu.memref_slice %arg6[%dma_wait3A_600, %dma_wait3A_602] : memref<4x40xi32, #tpu.memory_space<vmem>> -> memref<1x40xi32, #tpu.memory_space<vmem>>
      %dma_wait3A_604 = tpu.memref_squeeze %dma_wait3A_603 : memref<1x40xi32, #tpu.memory_space<vmem>> -> memref<40xi32, #tpu.memory_space<vmem>>
      %dma_wait3A_605 = arith.constant 0 : i32
      %dma_wait3A_606 = tpu.memref_slice %arg3[%add3A, %add3A_599, %dma_wait3A_605] : memref<32x250x40xi32, #tpu.memory_space<hbm>> -> memref<1x1x40xi32, #tpu.memory_space<hbm>>
      %dma_wait3A_607 = tpu.memref_squeeze %dma_wait3A_606 : memref<1x1x40xi32, #tpu.memory_space<hbm>> -> memref<40xi32, #tpu.memory_space<hbm>>
      %dma_wait3A_608 = tpu.memref_slice %arg10[%dma_wait3A_601] : memref<4x!tpu.dma_semaphore, #tpu.memory_space<semaphore_mem>> -> memref<1x!tpu.dma_semaphore, #tpu.memory_space<semaphore_mem>>
      %dma_wait3A_609 = tpu.memref_squeeze %dma_wait3A_608 : memref<1x!tpu.dma_semaphore, #tpu.memory_space<semaphore_mem>> -> memref<!tpu.dma_semaphore, #tpu.memory_space<semaphore_mem>>
      %dma_wait3A_610 = arith.constant 0 : i32
      %dma_wait3A_611 = tpu.memref_slice %arg6[%dma_wait3A_600, %dma_wait3A_610] : memref<4x40xi32, #tpu.memory_space<vmem>> -> memref<1x40xi32, #tpu.memory_space<vmem>>
      %dma_wait3A_612 = tpu.memref_squeeze %dma_wait3A_611 : memref<1x40xi32, #tpu.memory_space<vmem>> -> memref<40xi32, #tpu.memory_space<vmem>>
      %dma_wait3A_613 = arith.constant 0 : i32
      %dma_wait3A_614 = tpu.memref_slice %arg3[%add3A, %add3A_599, %dma_wait3A_613] : memref<32x250x40xi32, #tpu.memory_space<hbm>> -> memref<1x1x40xi32, #tpu.memory_space<hbm>>
      %dma_wait3A_615 = tpu.memref_squeeze %dma_wait3A_614 : memref<1x1x40xi32, #tpu.memory_space<hbm>> -> memref<40xi32, #tpu.memory_space<hbm>>
      tpu.wait_dma2 semaphore(%dma_wait3A_609 : memref<!tpu.dma_semaphore, #tpu.memory_space<semaphore_mem>>) src(%dma_wait3A_615 : memref<40xi32, #tpu.memory_space<hbm>>) dst(%dma_wait3A_612 : memref<40xi32, #tpu.memory_space<vmem>>)
      %dma_start3A_616 = arith.constant 3 : i32
      %dma_start3A_617 = arith.constant 3 : i32
      %dma_start3A_618 = arith.constant 3 : i32
      %dma_start3A_619 = arith.constant 0 : i32
      %dma_start3A_620 = arith.constant 0 : i32
      %dma_start3A_621 = tpu.memref_slice %arg8[%dma_start3A_617, %dma_start3A_619, %dma_start3A_620] : memref<4x40x128xf32, #tpu.memory_space<vmem>> -> memref<1x40x128xf32, #tpu.memory_space<vmem>>
      %dma_start3A_622 = tpu.memref_squeeze %dma_start3A_621 : memref<1x40x128xf32, #tpu.memory_space<vmem>> -> memref<40x128xf32, #tpu.memory_space<vmem>>
      %dma_start3A_623 = arith.constant 0 : i32
      %dma_start3A_624 = tpu.memref_slice %arg6[%dma_start3A_616, %dma_start3A_623] : memref<4x40xi32, #tpu.memory_space<vmem>> -> memref<1x40xi32, #tpu.memory_space<vmem>>
      %dma_start3A_625 = tpu.memref_squeeze %dma_start3A_624 : memref<1x40xi32, #tpu.memory_space<vmem>> -> memref<40xi32, #tpu.memory_space<vmem>>
      %dma_start3A_626 = arith.constant 0 : i32
      %dma_start3A_627 = arith.constant 0 : i32
      %dma_start3A_628 = tpu.memref_slice %arg2[%dma_start3A_626, %dma_start3A_627] : memref<10240x128xf32, #tpu.memory_space<hbm>> -> memref<10240x128xf32, #tpu.memory_space<hbm>>
      %dma_start3A_629 = tpu.memref_slice %arg12[%dma_start3A_618] : memref<4x!tpu.dma_semaphore, #tpu.memory_space<semaphore_mem>> -> memref<1x!tpu.dma_semaphore, #tpu.memory_space<semaphore_mem>>
      %dma_start3A_630 = tpu.memref_squeeze %dma_start3A_629 : memref<1x!tpu.dma_semaphore, #tpu.memory_space<semaphore_mem>> -> memref<!tpu.dma_semaphore, #tpu.memory_space<semaphore_mem>>
      tpu.enqueue_indirect_dma source(%dma_start3A_628 : memref<10240x128xf32, #tpu.memory_space<hbm>>) target(%dma_start3A_622 : memref<40x128xf32, #tpu.memory_space<vmem>>) offsets(%dma_start3A_625 : memref<40xi32, #tpu.memory_space<vmem>>) semaphore(%dma_start3A_630 : memref<!tpu.dma_semaphore, #tpu.memory_space<semaphore_mem>>)
      %dma_wait3A_631 = arith.constant 0 : i32
      %dma_wait3A_632 = arith.constant 0 : i32
      %dma_wait3A_633 = arith.constant 0 : i32
      %dma_wait3A_634 = arith.constant 0 : i32
      %dma_wait3A_635 = arith.constant 0 : i32
      %dma_wait3A_636 = tpu.memref_slice %arg8[%dma_wait3A_632, %dma_wait3A_634, %dma_wait3A_635] : memref<4x40x128xf32, #tpu.memory_space<vmem>> -> memref<1x40x128xf32, #tpu.memory_space<vmem>>
      %dma_wait3A_637 = tpu.memref_squeeze %dma_wait3A_636 : memref<1x40x128xf32, #tpu.memory_space<vmem>> -> memref<40x128xf32, #tpu.memory_space<vmem>>
      %dma_wait3A_638 = arith.constant 0 : i32
      %dma_wait3A_639 = tpu.memref_slice %arg6[%dma_wait3A_631, %dma_wait3A_638] : memref<4x40xi32, #tpu.memory_space<vmem>> -> memref<1x40xi32, #tpu.memory_space<vmem>>
      %dma_wait3A_640 = tpu.memref_squeeze %dma_wait3A_639 : memref<1x40xi32, #tpu.memory_space<vmem>> -> memref<40xi32, #tpu.memory_space<vmem>>
      %dma_wait3A_641 = arith.constant 0 : i32
      %dma_wait3A_642 = arith.constant 0 : i32
      %dma_wait3A_643 = tpu.memref_slice %arg2[%dma_wait3A_641, %dma_wait3A_642] : memref<10240x128xf32, #tpu.memory_space<hbm>> -> memref<10240x128xf32, #tpu.memory_space<hbm>>
      %dma_wait3A_644 = tpu.memref_slice %arg12[%dma_wait3A_633] : memref<4x!tpu.dma_semaphore, #tpu.memory_space<semaphore_mem>> -> memref<1x!tpu.dma_semaphore, #tpu.memory_space<semaphore_mem>>
      %dma_wait3A_645 = tpu.memref_squeeze %dma_wait3A_644 : memref<1x!tpu.dma_semaphore, #tpu.memory_space<semaphore_mem>> -> memref<!tpu.dma_semaphore, #tpu.memory_space<semaphore_mem>>
      tpu.wait_indirect_dma semaphore(%dma_wait3A_645 : memref<!tpu.dma_semaphore, #tpu.memory_space<semaphore_mem>>) src(%dma_wait3A_643 : memref<10240x128xf32, #tpu.memory_space<hbm>>) dst(%dma_wait3A_637 : memref<40x128xf32, #tpu.memory_space<vmem>>)
      %add3A_646 = arith.constant 0 : i32
      %add3A_647 = arith.addi %mul3A_481, %add3A_646 : i32
      %dma_wait3A_648 = arith.constant 0 : i32
      %dma_wait3A_649 = arith.constant 0 : i32
      %dma_wait3A_650 = arith.constant 0 : i32
      %dma_wait3A_651 = tpu.memref_slice %arg7[%dma_wait3A_648, %dma_wait3A_650] : memref<4x40xi32, #tpu.memory_space<vmem>> -> memref<1x40xi32, #tpu.memory_space<vmem>>
      %dma_wait3A_652 = tpu.memref_squeeze %dma_wait3A_651 : memref<1x40xi32, #tpu.memory_space<vmem>> -> memref<40xi32, #tpu.memory_space<vmem>>
      %dma_wait3A_653 = arith.constant 0 : i32
      %dma_wait3A_654 = tpu.memref_slice %arg4[%add3A, %add3A_647, %dma_wait3A_653] : memref<32x250x40xi32, #tpu.memory_space<hbm>> -> memref<1x1x40xi32, #tpu.memory_space<hbm>>
      %dma_wait3A_655 = tpu.memref_squeeze %dma_wait3A_654 : memref<1x1x40xi32, #tpu.memory_space<hbm>> -> memref<40xi32, #tpu.memory_space<hbm>>
      %dma_wait3A_656 = tpu.memref_slice %arg11[%dma_wait3A_649] : memref<4x!tpu.dma_semaphore, #tpu.memory_space<semaphore_mem>> -> memref<1x!tpu.dma_semaphore, #tpu.memory_space<semaphore_mem>>
      %dma_wait3A_657 = tpu.memref_squeeze %dma_wait3A_656 : memref<1x!tpu.dma_semaphore, #tpu.memory_space<semaphore_mem>> -> memref<!tpu.dma_semaphore, #tpu.memory_space<semaphore_mem>>
      %dma_wait3A_658 = arith.constant 0 : i32
      %dma_wait3A_659 = tpu.memref_slice %arg7[%dma_wait3A_648, %dma_wait3A_658] : memref<4x40xi32, #tpu.memory_space<vmem>> -> memref<1x40xi32, #tpu.memory_space<vmem>>
      %dma_wait3A_660 = tpu.memref_squeeze %dma_wait3A_659 : memref<1x40xi32, #tpu.memory_space<vmem>> -> memref<40xi32, #tpu.memory_space<vmem>>
      %dma_wait3A_661 = arith.constant 0 : i32
      %dma_wait3A_662 = tpu.memref_slice %arg4[%add3A, %add3A_647, %dma_wait3A_661] : memref<32x250x40xi32, #tpu.memory_space<hbm>> -> memref<1x1x40xi32, #tpu.memory_space<hbm>>
      %dma_wait3A_663 = tpu.memref_squeeze %dma_wait3A_662 : memref<1x1x40xi32, #tpu.memory_space<hbm>> -> memref<40xi32, #tpu.memory_space<hbm>>
      tpu.wait_dma2 semaphore(%dma_wait3A_657 : memref<!tpu.dma_semaphore, #tpu.memory_space<semaphore_mem>>) src(%dma_wait3A_663 : memref<40xi32, #tpu.memory_space<hbm>>) dst(%dma_wait3A_660 : memref<40xi32, #tpu.memory_space<vmem>>)
      %dma_start3A_664 = arith.constant 0 : i32
      %dma_start3A_665 = arith.constant 0 : i32
      %dma_start3A_666 = arith.constant 0 : i32
      %dma_start3A_667 = arith.constant 0 : i32
      %dma_start3A_668 = arith.constant 0 : i32
      %dma_start3A_669 = tpu.memref_slice %arg8[%dma_start3A_664, %dma_start3A_667, %dma_start3A_668] : memref<4x40x128xf32, #tpu.memory_space<vmem>> -> memref<1x40x128xf32, #tpu.memory_space<vmem>>
      %dma_start3A_670 = tpu.memref_squeeze %dma_start3A_669 : memref<1x40x128xf32, #tpu.memory_space<vmem>> -> memref<40x128xf32, #tpu.memory_space<vmem>>
      %dma_start3A_671 = arith.constant 0 : i32
      %dma_start3A_672 = tpu.memref_slice %arg7[%dma_start3A_665, %dma_start3A_671] : memref<4x40xi32, #tpu.memory_space<vmem>> -> memref<1x40xi32, #tpu.memory_space<vmem>>
      %dma_start3A_673 = tpu.memref_squeeze %dma_start3A_672 : memref<1x40xi32, #tpu.memory_space<vmem>> -> memref<40xi32, #tpu.memory_space<vmem>>
      %dma_start3A_674 = arith.constant 0 : i32
      %dma_start3A_675 = arith.constant 0 : i32
      %dma_start3A_676 = tpu.memref_slice %arg9[%dma_start3A_674, %dma_start3A_675] : memref<10240x128xf32, #tpu.memory_space<vmem_shared>> -> memref<10240x128xf32, #tpu.memory_space<vmem_shared>>
      %dma_start3A_677 = tpu.memref_slice %arg13[%dma_start3A_666] : memref<4x!tpu.dma_semaphore, #tpu.memory_space<semaphore_mem>> -> memref<1x!tpu.dma_semaphore, #tpu.memory_space<semaphore_mem>>
      %dma_start3A_678 = tpu.memref_squeeze %dma_start3A_677 : memref<1x!tpu.dma_semaphore, #tpu.memory_space<semaphore_mem>> -> memref<!tpu.dma_semaphore, #tpu.memory_space<semaphore_mem>>
      tpu.enqueue_indirect_dma source(%dma_start3A_670 : memref<40x128xf32, #tpu.memory_space<vmem>>) target(%dma_start3A_676 : memref<10240x128xf32, #tpu.memory_space<vmem_shared>>) offsets(%dma_start3A_673 : memref<40xi32, #tpu.memory_space<vmem>>) semaphore(%dma_start3A_678 : memref<!tpu.dma_semaphore, #tpu.memory_space<semaphore_mem>>) {add = true}
      %add3A_679 = arith.constant 1 : i32
      %add3A_680 = arith.addi %scan3A_479, %add3A_679 : i32
      %lt3A = arith.constant 62 : i32
      %lt3A_681 = arith.cmpi slt, %add3A_680, %lt3A : i32
      %convert_element_type3A_682 = arith.extui %lt3A_681 : i1 to i32
      %cond3A_683 = arith.constant 0 : i32
      %cond3A_684 = arith.cmpi ne, %convert_element_type3A_682, %cond3A_683 : i32
      scf.if %cond3A_684 {
        %add3A_850 = arith.constant 4 : i32
        %add3A_851 = arith.addi %mul3A_481, %add3A_850 : i32
        %add3A_852 = arith.constant 0 : i32
        %add3A_853 = arith.addi %add3A_851, %add3A_852 : i32
        %dma_start3A_854 = arith.constant 0 : i32
        %dma_start3A_855 = arith.constant 0 : i32
        %dma_start3A_856 = arith.constant 0 : i32
        %dma_start3A_857 = tpu.memref_slice %arg6[%dma_start3A_854, %dma_start3A_856] : memref<4x40xi32, #tpu.memory_space<vmem>> -> memref<1x40xi32, #tpu.memory_space<vmem>>
        %dma_start3A_858 = tpu.memref_squeeze %dma_start3A_857 : memref<1x40xi32, #tpu.memory_space<vmem>> -> memref<40xi32, #tpu.memory_space<vmem>>
        %dma_start3A_859 = arith.constant 0 : i32
        %dma_start3A_860 = tpu.memref_slice %arg3[%add3A, %add3A_853, %dma_start3A_859] : memref<32x250x40xi32, #tpu.memory_space<hbm>> -> memref<1x1x40xi32, #tpu.memory_space<hbm>>
        %dma_start3A_861 = tpu.memref_squeeze %dma_start3A_860 : memref<1x1x40xi32, #tpu.memory_space<hbm>> -> memref<40xi32, #tpu.memory_space<hbm>>
        %dma_start3A_862 = tpu.memref_slice %arg10[%dma_start3A_855] : memref<4x!tpu.dma_semaphore, #tpu.memory_space<semaphore_mem>> -> memref<1x!tpu.dma_semaphore, #tpu.memory_space<semaphore_mem>>
        %dma_start3A_863 = tpu.memref_squeeze %dma_start3A_862 : memref<1x!tpu.dma_semaphore, #tpu.memory_space<semaphore_mem>> -> memref<!tpu.dma_semaphore, #tpu.memory_space<semaphore_mem>>
        %dma_start3A_864 = arith.constant 0 : i32
        %dma_start3A_865 = tpu.memref_slice %arg6[%dma_start3A_854, %dma_start3A_864] : memref<4x40xi32, #tpu.memory_space<vmem>> -> memref<1x40xi32, #tpu.memory_space<vmem>>
        %dma_start3A_866 = tpu.memref_squeeze %dma_start3A_865 : memref<1x40xi32, #tpu.memory_space<vmem>> -> memref<40xi32, #tpu.memory_space<vmem>>
        %dma_start3A_867 = arith.constant 0 : i32
        %dma_start3A_868 = tpu.memref_slice %arg3[%add3A, %add3A_853, %dma_start3A_867] : memref<32x250x40xi32, #tpu.memory_space<hbm>> -> memref<1x1x40xi32, #tpu.memory_space<hbm>>
        %dma_start3A_869 = tpu.memref_squeeze %dma_start3A_868 : memref<1x1x40xi32, #tpu.memory_space<hbm>> -> memref<40xi32, #tpu.memory_space<hbm>>
        tpu.enqueue_dma source(%dma_start3A_869 : memref<40xi32, #tpu.memory_space<hbm>>) target(%dma_start3A_866 : memref<40xi32, #tpu.memory_space<vmem>>) target_semaphore(%dma_start3A_863 : memref<!tpu.dma_semaphore, #tpu.memory_space<semaphore_mem>>)
      } else {
      }
      %dma_wait3A_685 = arith.constant 1 : i32
      %dma_wait3A_686 = arith.constant 1 : i32
      %dma_wait3A_687 = arith.constant 1 : i32
      %dma_wait3A_688 = arith.constant 0 : i32
      %dma_wait3A_689 = arith.constant 0 : i32
      %dma_wait3A_690 = tpu.memref_slice %arg8[%dma_wait3A_686, %dma_wait3A_688, %dma_wait3A_689] : memref<4x40x128xf32, #tpu.memory_space<vmem>> -> memref<1x40x128xf32, #tpu.memory_space<vmem>>
      %dma_wait3A_691 = tpu.memref_squeeze %dma_wait3A_690 : memref<1x40x128xf32, #tpu.memory_space<vmem>> -> memref<40x128xf32, #tpu.memory_space<vmem>>
      %dma_wait3A_692 = arith.constant 0 : i32
      %dma_wait3A_693 = tpu.memref_slice %arg6[%dma_wait3A_685, %dma_wait3A_692] : memref<4x40xi32, #tpu.memory_space<vmem>> -> memref<1x40xi32, #tpu.memory_space<vmem>>
      %dma_wait3A_694 = tpu.memref_squeeze %dma_wait3A_693 : memref<1x40xi32, #tpu.memory_space<vmem>> -> memref<40xi32, #tpu.memory_space<vmem>>
      %dma_wait3A_695 = arith.constant 0 : i32
      %dma_wait3A_696 = arith.constant 0 : i32
      %dma_wait3A_697 = tpu.memref_slice %arg2[%dma_wait3A_695, %dma_wait3A_696] : memref<10240x128xf32, #tpu.memory_space<hbm>> -> memref<10240x128xf32, #tpu.memory_space<hbm>>
      %dma_wait3A_698 = tpu.memref_slice %arg12[%dma_wait3A_687] : memref<4x!tpu.dma_semaphore, #tpu.memory_space<semaphore_mem>> -> memref<1x!tpu.dma_semaphore, #tpu.memory_space<semaphore_mem>>
      %dma_wait3A_699 = tpu.memref_squeeze %dma_wait3A_698 : memref<1x!tpu.dma_semaphore, #tpu.memory_space<semaphore_mem>> -> memref<!tpu.dma_semaphore, #tpu.memory_space<semaphore_mem>>
      tpu.wait_indirect_dma semaphore(%dma_wait3A_699 : memref<!tpu.dma_semaphore, #tpu.memory_space<semaphore_mem>>) src(%dma_wait3A_697 : memref<10240x128xf32, #tpu.memory_space<hbm>>) dst(%dma_wait3A_691 : memref<40x128xf32, #tpu.memory_space<vmem>>)
      %add3A_700 = arith.constant 1 : i32
      %add3A_701 = arith.addi %mul3A_481, %add3A_700 : i32
      %dma_wait3A_702 = arith.constant 1 : i32
      %dma_wait3A_703 = arith.constant 1 : i32
      %dma_wait3A_704 = arith.constant 0 : i32
      %dma_wait3A_705 = tpu.memref_slice %arg7[%dma_wait3A_702, %dma_wait3A_704] : memref<4x40xi32, #tpu.memory_space<vmem>> -> memref<1x40xi32, #tpu.memory_space<vmem>>
      %dma_wait3A_706 = tpu.memref_squeeze %dma_wait3A_705 : memref<1x40xi32, #tpu.memory_space<vmem>> -> memref<40xi32, #tpu.memory_space<vmem>>
      %dma_wait3A_707 = arith.constant 0 : i32
      %dma_wait3A_708 = tpu.memref_slice %arg4[%add3A, %add3A_701, %dma_wait3A_707] : memref<32x250x40xi32, #tpu.memory_space<hbm>> -> memref<1x1x40xi32, #tpu.memory_space<hbm>>
      %dma_wait3A_709 = tpu.memref_squeeze %dma_wait3A_708 : memref<1x1x40xi32, #tpu.memory_space<hbm>> -> memref<40xi32, #tpu.memory_space<hbm>>
      %dma_wait3A_710 = tpu.memref_slice %arg11[%dma_wait3A_703] : memref<4x!tpu.dma_semaphore, #tpu.memory_space<semaphore_mem>> -> memref<1x!tpu.dma_semaphore, #tpu.memory_space<semaphore_mem>>
      %dma_wait3A_711 = tpu.memref_squeeze %dma_wait3A_710 : memref<1x!tpu.dma_semaphore, #tpu.memory_space<semaphore_mem>> -> memref<!tpu.dma_semaphore, #tpu.memory_space<semaphore_mem>>
      %dma_wait3A_712 = arith.constant 0 : i32
      %dma_wait3A_713 = tpu.memref_slice %arg7[%dma_wait3A_702, %dma_wait3A_712] : memref<4x40xi32, #tpu.memory_space<vmem>> -> memref<1x40xi32, #tpu.memory_space<vmem>>
      %dma_wait3A_714 = tpu.memref_squeeze %dma_wait3A_713 : memref<1x40xi32, #tpu.memory_space<vmem>> -> memref<40xi32, #tpu.memory_space<vmem>>
      %dma_wait3A_715 = arith.constant 0 : i32
      %dma_wait3A_716 = tpu.memref_slice %arg4[%add3A, %add3A_701, %dma_wait3A_715] : memref<32x250x40xi32, #tpu.memory_space<hbm>> -> memref<1x1x40xi32, #tpu.memory_space<hbm>>
      %dma_wait3A_717 = tpu.memref_squeeze %dma_wait3A_716 : memref<1x1x40xi32, #tpu.memory_space<hbm>> -> memref<40xi32, #tpu.memory_space<hbm>>
      tpu.wait_dma2 semaphore(%dma_wait3A_711 : memref<!tpu.dma_semaphore, #tpu.memory_space<semaphore_mem>>) src(%dma_wait3A_717 : memref<40xi32, #tpu.memory_space<hbm>>) dst(%dma_wait3A_714 : memref<40xi32, #tpu.memory_space<vmem>>)
      %dma_start3A_718 = arith.constant 1 : i32
      %dma_start3A_719 = arith.constant 1 : i32
      %dma_start3A_720 = arith.constant 1 : i32
      %dma_start3A_721 = arith.constant 0 : i32
      %dma_start3A_722 = arith.constant 0 : i32
      %dma_start3A_723 = tpu.memref_slice %arg8[%dma_start3A_718, %dma_start3A_721, %dma_start3A_722] : memref<4x40x128xf32, #tpu.memory_space<vmem>> -> memref<1x40x128xf32, #tpu.memory_space<vmem>>
      %dma_start3A_724 = tpu.memref_squeeze %dma_start3A_723 : memref<1x40x128xf32, #tpu.memory_space<vmem>> -> memref<40x128xf32, #tpu.memory_space<vmem>>
      %dma_start3A_725 = arith.constant 0 : i32
      %dma_start3A_726 = tpu.memref_slice %arg7[%dma_start3A_719, %dma_start3A_725] : memref<4x40xi32, #tpu.memory_space<vmem>> -> memref<1x40xi32, #tpu.memory_space<vmem>>
      %dma_start3A_727 = tpu.memref_squeeze %dma_start3A_726 : memref<1x40xi32, #tpu.memory_space<vmem>> -> memref<40xi32, #tpu.memory_space<vmem>>
      %dma_start3A_728 = arith.constant 0 : i32
      %dma_start3A_729 = arith.constant 0 : i32
      %dma_start3A_730 = tpu.memref_slice %arg9[%dma_start3A_728, %dma_start3A_729] : memref<10240x128xf32, #tpu.memory_space<vmem_shared>> -> memref<10240x128xf32, #tpu.memory_space<vmem_shared>>
      %dma_start3A_731 = tpu.memref_slice %arg13[%dma_start3A_720] : memref<4x!tpu.dma_semaphore, #tpu.memory_space<semaphore_mem>> -> memref<1x!tpu.dma_semaphore, #tpu.memory_space<semaphore_mem>>
      %dma_start3A_732 = tpu.memref_squeeze %dma_start3A_731 : memref<1x!tpu.dma_semaphore, #tpu.memory_space<semaphore_mem>> -> memref<!tpu.dma_semaphore, #tpu.memory_space<semaphore_mem>>
      tpu.enqueue_indirect_dma source(%dma_start3A_724 : memref<40x128xf32, #tpu.memory_space<vmem>>) target(%dma_start3A_730 : memref<10240x128xf32, #tpu.memory_space<vmem_shared>>) offsets(%dma_start3A_727 : memref<40xi32, #tpu.memory_space<vmem>>) semaphore(%dma_start3A_732 : memref<!tpu.dma_semaphore, #tpu.memory_space<semaphore_mem>>) {add = true}
      %add3A_733 = arith.constant 1 : i32
      %add3A_734 = arith.addi %scan3A_479, %add3A_733 : i32
      %lt3A_735 = arith.constant 62 : i32
      %lt3A_736 = arith.cmpi slt, %add3A_734, %lt3A_735 : i32
      %convert_element_type3A_737 = arith.extui %lt3A_736 : i1 to i32
      %cond3A_738 = arith.constant 0 : i32
      %cond3A_739 = arith.cmpi ne, %convert_element_type3A_737, %cond3A_738 : i32
      scf.if %cond3A_739 {
        %add3A_850 = arith.constant 4 : i32
        %add3A_851 = arith.addi %mul3A_481, %add3A_850 : i32
        %add3A_852 = arith.constant 1 : i32
        %add3A_853 = arith.addi %add3A_851, %add3A_852 : i32
        %dma_start3A_854 = arith.constant 1 : i32
        %dma_start3A_855 = arith.constant 1 : i32
        %dma_start3A_856 = arith.constant 0 : i32
        %dma_start3A_857 = tpu.memref_slice %arg6[%dma_start3A_854, %dma_start3A_856] : memref<4x40xi32, #tpu.memory_space<vmem>> -> memref<1x40xi32, #tpu.memory_space<vmem>>
        %dma_start3A_858 = tpu.memref_squeeze %dma_start3A_857 : memref<1x40xi32, #tpu.memory_space<vmem>> -> memref<40xi32, #tpu.memory_space<vmem>>
        %dma_start3A_859 = arith.constant 0 : i32
        %dma_start3A_860 = tpu.memref_slice %arg3[%add3A, %add3A_853, %dma_start3A_859] : memref<32x250x40xi32, #tpu.memory_space<hbm>> -> memref<1x1x40xi32, #tpu.memory_space<hbm>>
        %dma_start3A_861 = tpu.memref_squeeze %dma_start3A_860 : memref<1x1x40xi32, #tpu.memory_space<hbm>> -> memref<40xi32, #tpu.memory_space<hbm>>
        %dma_start3A_862 = tpu.memref_slice %arg10[%dma_start3A_855] : memref<4x!tpu.dma_semaphore, #tpu.memory_space<semaphore_mem>> -> memref<1x!tpu.dma_semaphore, #tpu.memory_space<semaphore_mem>>
        %dma_start3A_863 = tpu.memref_squeeze %dma_start3A_862 : memref<1x!tpu.dma_semaphore, #tpu.memory_space<semaphore_mem>> -> memref<!tpu.dma_semaphore, #tpu.memory_space<semaphore_mem>>
        %dma_start3A_864 = arith.constant 0 : i32
        %dma_start3A_865 = tpu.memref_slice %arg6[%dma_start3A_854, %dma_start3A_864] : memref<4x40xi32, #tpu.memory_space<vmem>> -> memref<1x40xi32, #tpu.memory_space<vmem>>
        %dma_start3A_866 = tpu.memref_squeeze %dma_start3A_865 : memref<1x40xi32, #tpu.memory_space<vmem>> -> memref<40xi32, #tpu.memory_space<vmem>>
        %dma_start3A_867 = arith.constant 0 : i32
        %dma_start3A_868 = tpu.memref_slice %arg3[%add3A, %add3A_853, %dma_start3A_867] : memref<32x250x40xi32, #tpu.memory_space<hbm>> -> memref<1x1x40xi32, #tpu.memory_space<hbm>>
        %dma_start3A_869 = tpu.memref_squeeze %dma_start3A_868 : memref<1x1x40xi32, #tpu.memory_space<hbm>> -> memref<40xi32, #tpu.memory_space<hbm>>
        tpu.enqueue_dma source(%dma_start3A_869 : memref<40xi32, #tpu.memory_space<hbm>>) target(%dma_start3A_866 : memref<40xi32, #tpu.memory_space<vmem>>) target_semaphore(%dma_start3A_863 : memref<!tpu.dma_semaphore, #tpu.memory_space<semaphore_mem>>)
      } else {
      }
      %dma_wait3A_740 = arith.constant 2 : i32
      %dma_wait3A_741 = arith.constant 2 : i32
      %dma_wait3A_742 = arith.constant 2 : i32
      %dma_wait3A_743 = arith.constant 0 : i32
      %dma_wait3A_744 = arith.constant 0 : i32
      %dma_wait3A_745 = tpu.memref_slice %arg8[%dma_wait3A_741, %dma_wait3A_743, %dma_wait3A_744] : memref<4x40x128xf32, #tpu.memory_space<vmem>> -> memref<1x40x128xf32, #tpu.memory_space<vmem>>
      %dma_wait3A_746 = tpu.memref_squeeze %dma_wait3A_745 : memref<1x40x128xf32, #tpu.memory_space<vmem>> -> memref<40x128xf32, #tpu.memory_space<vmem>>
      %dma_wait3A_747 = arith.constant 0 : i32
      %dma_wait3A_748 = tpu.memref_slice %arg6[%dma_wait3A_740, %dma_wait3A_747] : memref<4x40xi32, #tpu.memory_space<vmem>> -> memref<1x40xi32, #tpu.memory_space<vmem>>
      %dma_wait3A_749 = tpu.memref_squeeze %dma_wait3A_748 : memref<1x40xi32, #tpu.memory_space<vmem>> -> memref<40xi32, #tpu.memory_space<vmem>>
      %dma_wait3A_750 = arith.constant 0 : i32
      %dma_wait3A_751 = arith.constant 0 : i32
      %dma_wait3A_752 = tpu.memref_slice %arg2[%dma_wait3A_750, %dma_wait3A_751] : memref<10240x128xf32, #tpu.memory_space<hbm>> -> memref<10240x128xf32, #tpu.memory_space<hbm>>
      %dma_wait3A_753 = tpu.memref_slice %arg12[%dma_wait3A_742] : memref<4x!tpu.dma_semaphore, #tpu.memory_space<semaphore_mem>> -> memref<1x!tpu.dma_semaphore, #tpu.memory_space<semaphore_mem>>
      %dma_wait3A_754 = tpu.memref_squeeze %dma_wait3A_753 : memref<1x!tpu.dma_semaphore, #tpu.memory_space<semaphore_mem>> -> memref<!tpu.dma_semaphore, #tpu.memory_space<semaphore_mem>>
      tpu.wait_indirect_dma semaphore(%dma_wait3A_754 : memref<!tpu.dma_semaphore, #tpu.memory_space<semaphore_mem>>) src(%dma_wait3A_752 : memref<10240x128xf32, #tpu.memory_space<hbm>>) dst(%dma_wait3A_746 : memref<40x128xf32, #tpu.memory_space<vmem>>)
      %add3A_755 = arith.constant 2 : i32
      %add3A_756 = arith.addi %mul3A_481, %add3A_755 : i32
      %dma_wait3A_757 = arith.constant 2 : i32
      %dma_wait3A_758 = arith.constant 2 : i32
      %dma_wait3A_759 = arith.constant 0 : i32
      %dma_wait3A_760 = tpu.memref_slice %arg7[%dma_wait3A_757, %dma_wait3A_759] : memref<4x40xi32, #tpu.memory_space<vmem>> -> memref<1x40xi32, #tpu.memory_space<vmem>>
      %dma_wait3A_761 = tpu.memref_squeeze %dma_wait3A_760 : memref<1x40xi32, #tpu.memory_space<vmem>> -> memref<40xi32, #tpu.memory_space<vmem>>
      %dma_wait3A_762 = arith.constant 0 : i32
      %dma_wait3A_763 = tpu.memref_slice %arg4[%add3A, %add3A_756, %dma_wait3A_762] : memref<32x250x40xi32, #tpu.memory_space<hbm>> -> memref<1x1x40xi32, #tpu.memory_space<hbm>>
      %dma_wait3A_764 = tpu.memref_squeeze %dma_wait3A_763 : memref<1x1x40xi32, #tpu.memory_space<hbm>> -> memref<40xi32, #tpu.memory_space<hbm>>
      %dma_wait3A_765 = tpu.memref_slice %arg11[%dma_wait3A_758] : memref<4x!tpu.dma_semaphore, #tpu.memory_space<semaphore_mem>> -> memref<1x!tpu.dma_semaphore, #tpu.memory_space<semaphore_mem>>
      %dma_wait3A_766 = tpu.memref_squeeze %dma_wait3A_765 : memref<1x!tpu.dma_semaphore, #tpu.memory_space<semaphore_mem>> -> memref<!tpu.dma_semaphore, #tpu.memory_space<semaphore_mem>>
      %dma_wait3A_767 = arith.constant 0 : i32
      %dma_wait3A_768 = tpu.memref_slice %arg7[%dma_wait3A_757, %dma_wait3A_767] : memref<4x40xi32, #tpu.memory_space<vmem>> -> memref<1x40xi32, #tpu.memory_space<vmem>>
      %dma_wait3A_769 = tpu.memref_squeeze %dma_wait3A_768 : memref<1x40xi32, #tpu.memory_space<vmem>> -> memref<40xi32, #tpu.memory_space<vmem>>
      %dma_wait3A_770 = arith.constant 0 : i32
      %dma_wait3A_771 = tpu.memref_slice %arg4[%add3A, %add3A_756, %dma_wait3A_770] : memref<32x250x40xi32, #tpu.memory_space<hbm>> -> memref<1x1x40xi32, #tpu.memory_space<hbm>>
      %dma_wait3A_772 = tpu.memref_squeeze %dma_wait3A_771 : memref<1x1x40xi32, #tpu.memory_space<hbm>> -> memref<40xi32, #tpu.memory_space<hbm>>
      tpu.wait_dma2 semaphore(%dma_wait3A_766 : memref<!tpu.dma_semaphore, #tpu.memory_space<semaphore_mem>>) src(%dma_wait3A_772 : memref<40xi32, #tpu.memory_space<hbm>>) dst(%dma_wait3A_769 : memref<40xi32, #tpu.memory_space<vmem>>)
      %dma_start3A_773 = arith.constant 2 : i32
      %dma_start3A_774 = arith.constant 2 : i32
      %dma_start3A_775 = arith.constant 2 : i32
      %dma_start3A_776 = arith.constant 0 : i32
      %dma_start3A_777 = arith.constant 0 : i32
      %dma_start3A_778 = tpu.memref_slice %arg8[%dma_start3A_773, %dma_start3A_776, %dma_start3A_777] : memref<4x40x128xf32, #tpu.memory_space<vmem>> -> memref<1x40x128xf32, #tpu.memory_space<vmem>>
      %dma_start3A_779 = tpu.memref_squeeze %dma_start3A_778 : memref<1x40x128xf32, #tpu.memory_space<vmem>> -> memref<40x128xf32, #tpu.memory_space<vmem>>
      %dma_start3A_780 = arith.constant 0 : i32
      %dma_start3A_781 = tpu.memref_slice %arg7[%dma_start3A_774, %dma_start3A_780] : memref<4x40xi32, #tpu.memory_space<vmem>> -> memref<1x40xi32, #tpu.memory_space<vmem>>
      %dma_start3A_782 = tpu.memref_squeeze %dma_start3A_781 : memref<1x40xi32, #tpu.memory_space<vmem>> -> memref<40xi32, #tpu.memory_space<vmem>>
      %dma_start3A_783 = arith.constant 0 : i32
      %dma_start3A_784 = arith.constant 0 : i32
      %dma_start3A_785 = tpu.memref_slice %arg9[%dma_start3A_783, %dma_start3A_784] : memref<10240x128xf32, #tpu.memory_space<vmem_shared>> -> memref<10240x128xf32, #tpu.memory_space<vmem_shared>>
      %dma_start3A_786 = tpu.memref_slice %arg13[%dma_start3A_775] : memref<4x!tpu.dma_semaphore, #tpu.memory_space<semaphore_mem>> -> memref<1x!tpu.dma_semaphore, #tpu.memory_space<semaphore_mem>>
      %dma_start3A_787 = tpu.memref_squeeze %dma_start3A_786 : memref<1x!tpu.dma_semaphore, #tpu.memory_space<semaphore_mem>> -> memref<!tpu.dma_semaphore, #tpu.memory_space<semaphore_mem>>
      tpu.enqueue_indirect_dma source(%dma_start3A_779 : memref<40x128xf32, #tpu.memory_space<vmem>>) target(%dma_start3A_785 : memref<10240x128xf32, #tpu.memory_space<vmem_shared>>) offsets(%dma_start3A_782 : memref<40xi32, #tpu.memory_space<vmem>>) semaphore(%dma_start3A_787 : memref<!tpu.dma_semaphore, #tpu.memory_space<semaphore_mem>>) {add = true}
      %add3A_788 = arith.constant 1 : i32
      %add3A_789 = arith.addi %scan3A_479, %add3A_788 : i32
      %lt3A_790 = arith.constant 62 : i32
      %lt3A_791 = arith.cmpi slt, %add3A_789, %lt3A_790 : i32
      %convert_element_type3A_792 = arith.extui %lt3A_791 : i1 to i32
      %cond3A_793 = arith.constant 0 : i32
      %cond3A_794 = arith.cmpi ne, %convert_element_type3A_792, %cond3A_793 : i32
      scf.if %cond3A_794 {
        %add3A_850 = arith.constant 4 : i32
        %add3A_851 = arith.addi %mul3A_481, %add3A_850 : i32
        %add3A_852 = arith.constant 2 : i32
        %add3A_853 = arith.addi %add3A_851, %add3A_852 : i32
        %dma_start3A_854 = arith.constant 2 : i32
        %dma_start3A_855 = arith.constant 2 : i32
        %dma_start3A_856 = arith.constant 0 : i32
        %dma_start3A_857 = tpu.memref_slice %arg6[%dma_start3A_854, %dma_start3A_856] : memref<4x40xi32, #tpu.memory_space<vmem>> -> memref<1x40xi32, #tpu.memory_space<vmem>>
        %dma_start3A_858 = tpu.memref_squeeze %dma_start3A_857 : memref<1x40xi32, #tpu.memory_space<vmem>> -> memref<40xi32, #tpu.memory_space<vmem>>
        %dma_start3A_859 = arith.constant 0 : i32
        %dma_start3A_860 = tpu.memref_slice %arg3[%add3A, %add3A_853, %dma_start3A_859] : memref<32x250x40xi32, #tpu.memory_space<hbm>> -> memref<1x1x40xi32, #tpu.memory_space<hbm>>
        %dma_start3A_861 = tpu.memref_squeeze %dma_start3A_860 : memref<1x1x40xi32, #tpu.memory_space<hbm>> -> memref<40xi32, #tpu.memory_space<hbm>>
        %dma_start3A_862 = tpu.memref_slice %arg10[%dma_start3A_855] : memref<4x!tpu.dma_semaphore, #tpu.memory_space<semaphore_mem>> -> memref<1x!tpu.dma_semaphore, #tpu.memory_space<semaphore_mem>>
        %dma_start3A_863 = tpu.memref_squeeze %dma_start3A_862 : memref<1x!tpu.dma_semaphore, #tpu.memory_space<semaphore_mem>> -> memref<!tpu.dma_semaphore, #tpu.memory_space<semaphore_mem>>
        %dma_start3A_864 = arith.constant 0 : i32
        %dma_start3A_865 = tpu.memref_slice %arg6[%dma_start3A_854, %dma_start3A_864] : memref<4x40xi32, #tpu.memory_space<vmem>> -> memref<1x40xi32, #tpu.memory_space<vmem>>
        %dma_start3A_866 = tpu.memref_squeeze %dma_start3A_865 : memref<1x40xi32, #tpu.memory_space<vmem>> -> memref<40xi32, #tpu.memory_space<vmem>>
        %dma_start3A_867 = arith.constant 0 : i32
        %dma_start3A_868 = tpu.memref_slice %arg3[%add3A, %add3A_853, %dma_start3A_867] : memref<32x250x40xi32, #tpu.memory_space<hbm>> -> memref<1x1x40xi32, #tpu.memory_space<hbm>>
        %dma_start3A_869 = tpu.memref_squeeze %dma_start3A_868 : memref<1x1x40xi32, #tpu.memory_space<hbm>> -> memref<40xi32, #tpu.memory_space<hbm>>
        tpu.enqueue_dma source(%dma_start3A_869 : memref<40xi32, #tpu.memory_space<hbm>>) target(%dma_start3A_866 : memref<40xi32, #tpu.memory_space<vmem>>) target_semaphore(%dma_start3A_863 : memref<!tpu.dma_semaphore, #tpu.memory_space<semaphore_mem>>)
      } else {
      }
      %dma_wait3A_795 = arith.constant 3 : i32
      %dma_wait3A_796 = arith.constant 3 : i32
      %dma_wait3A_797 = arith.constant 3 : i32
      %dma_wait3A_798 = arith.constant 0 : i32
      %dma_wait3A_799 = arith.constant 0 : i32
      %dma_wait3A_800 = tpu.memref_slice %arg8[%dma_wait3A_796, %dma_wait3A_798, %dma_wait3A_799] : memref<4x40x128xf32, #tpu.memory_space<vmem>> -> memref<1x40x128xf32, #tpu.memory_space<vmem>>
      %dma_wait3A_801 = tpu.memref_squeeze %dma_wait3A_800 : memref<1x40x128xf32, #tpu.memory_space<vmem>> -> memref<40x128xf32, #tpu.memory_space<vmem>>
      %dma_wait3A_802 = arith.constant 0 : i32
      %dma_wait3A_803 = tpu.memref_slice %arg6[%dma_wait3A_795, %dma_wait3A_802] : memref<4x40xi32, #tpu.memory_space<vmem>> -> memref<1x40xi32, #tpu.memory_space<vmem>>
      %dma_wait3A_804 = tpu.memref_squeeze %dma_wait3A_803 : memref<1x40xi32, #tpu.memory_space<vmem>> -> memref<40xi32, #tpu.memory_space<vmem>>
      %dma_wait3A_805 = arith.constant 0 : i32
      %dma_wait3A_806 = arith.constant 0 : i32
      %dma_wait3A_807 = tpu.memref_slice %arg2[%dma_wait3A_805, %dma_wait3A_806] : memref<10240x128xf32, #tpu.memory_space<hbm>> -> memref<10240x128xf32, #tpu.memory_space<hbm>>
      %dma_wait3A_808 = tpu.memref_slice %arg12[%dma_wait3A_797] : memref<4x!tpu.dma_semaphore, #tpu.memory_space<semaphore_mem>> -> memref<1x!tpu.dma_semaphore, #tpu.memory_space<semaphore_mem>>
      %dma_wait3A_809 = tpu.memref_squeeze %dma_wait3A_808 : memref<1x!tpu.dma_semaphore, #tpu.memory_space<semaphore_mem>> -> memref<!tpu.dma_semaphore, #tpu.memory_space<semaphore_mem>>
      tpu.wait_indirect_dma semaphore(%dma_wait3A_809 : memref<!tpu.dma_semaphore, #tpu.memory_space<semaphore_mem>>) src(%dma_wait3A_807 : memref<10240x128xf32, #tpu.memory_space<hbm>>) dst(%dma_wait3A_801 : memref<40x128xf32, #tpu.memory_space<vmem>>)
      %add3A_810 = arith.constant 3 : i32
      %add3A_811 = arith.addi %mul3A_481, %add3A_810 : i32
      %dma_wait3A_812 = arith.constant 3 : i32
      %dma_wait3A_813 = arith.constant 3 : i32
      %dma_wait3A_814 = arith.constant 0 : i32
      %dma_wait3A_815 = tpu.memref_slice %arg7[%dma_wait3A_812, %dma_wait3A_814] : memref<4x40xi32, #tpu.memory_space<vmem>> -> memref<1x40xi32, #tpu.memory_space<vmem>>
      %dma_wait3A_816 = tpu.memref_squeeze %dma_wait3A_815 : memref<1x40xi32, #tpu.memory_space<vmem>> -> memref<40xi32, #tpu.memory_space<vmem>>
      %dma_wait3A_817 = arith.constant 0 : i32
      %dma_wait3A_818 = tpu.memref_slice %arg4[%add3A, %add3A_811, %dma_wait3A_817] : memref<32x250x40xi32, #tpu.memory_space<hbm>> -> memref<1x1x40xi32, #tpu.memory_space<hbm>>
      %dma_wait3A_819 = tpu.memref_squeeze %dma_wait3A_818 : memref<1x1x40xi32, #tpu.memory_space<hbm>> -> memref<40xi32, #tpu.memory_space<hbm>>
      %dma_wait3A_820 = tpu.memref_slice %arg11[%dma_wait3A_813] : memref<4x!tpu.dma_semaphore, #tpu.memory_space<semaphore_mem>> -> memref<1x!tpu.dma_semaphore, #tpu.memory_space<semaphore_mem>>
      %dma_wait3A_821 = tpu.memref_squeeze %dma_wait3A_820 : memref<1x!tpu.dma_semaphore, #tpu.memory_space<semaphore_mem>> -> memref<!tpu.dma_semaphore, #tpu.memory_space<semaphore_mem>>
      %dma_wait3A_822 = arith.constant 0 : i32
      %dma_wait3A_823 = tpu.memref_slice %arg7[%dma_wait3A_812, %dma_wait3A_822] : memref<4x40xi32, #tpu.memory_space<vmem>> -> memref<1x40xi32, #tpu.memory_space<vmem>>
      %dma_wait3A_824 = tpu.memref_squeeze %dma_wait3A_823 : memref<1x40xi32, #tpu.memory_space<vmem>> -> memref<40xi32, #tpu.memory_space<vmem>>
      %dma_wait3A_825 = arith.constant 0 : i32
      %dma_wait3A_826 = tpu.memref_slice %arg4[%add3A, %add3A_811, %dma_wait3A_825] : memref<32x250x40xi32, #tpu.memory_space<hbm>> -> memref<1x1x40xi32, #tpu.memory_space<hbm>>
      %dma_wait3A_827 = tpu.memref_squeeze %dma_wait3A_826 : memref<1x1x40xi32, #tpu.memory_space<hbm>> -> memref<40xi32, #tpu.memory_space<hbm>>
      tpu.wait_dma2 semaphore(%dma_wait3A_821 : memref<!tpu.dma_semaphore, #tpu.memory_space<semaphore_mem>>) src(%dma_wait3A_827 : memref<40xi32, #tpu.memory_space<hbm>>) dst(%dma_wait3A_824 : memref<40xi32, #tpu.memory_space<vmem>>)
      %dma_start3A_828 = arith.constant 3 : i32
      %dma_start3A_829 = arith.constant 3 : i32
      %dma_start3A_830 = arith.constant 3 : i32
      %dma_start3A_831 = arith.constant 0 : i32
      %dma_start3A_832 = arith.constant 0 : i32
      %dma_start3A_833 = tpu.memref_slice %arg8[%dma_start3A_828, %dma_start3A_831, %dma_start3A_832] : memref<4x40x128xf32, #tpu.memory_space<vmem>> -> memref<1x40x128xf32, #tpu.memory_space<vmem>>
      %dma_start3A_834 = tpu.memref_squeeze %dma_start3A_833 : memref<1x40x128xf32, #tpu.memory_space<vmem>> -> memref<40x128xf32, #tpu.memory_space<vmem>>
      %dma_start3A_835 = arith.constant 0 : i32
      %dma_start3A_836 = tpu.memref_slice %arg7[%dma_start3A_829, %dma_start3A_835] : memref<4x40xi32, #tpu.memory_space<vmem>> -> memref<1x40xi32, #tpu.memory_space<vmem>>
      %dma_start3A_837 = tpu.memref_squeeze %dma_start3A_836 : memref<1x40xi32, #tpu.memory_space<vmem>> -> memref<40xi32, #tpu.memory_space<vmem>>
      %dma_start3A_838 = arith.constant 0 : i32
      %dma_start3A_839 = arith.constant 0 : i32
      %dma_start3A_840 = tpu.memref_slice %arg9[%dma_start3A_838, %dma_start3A_839] : memref<10240x128xf32, #tpu.memory_space<vmem_shared>> -> memref<10240x128xf32, #tpu.memory_space<vmem_shared>>
      %dma_start3A_841 = tpu.memref_slice %arg13[%dma_start3A_830] : memref<4x!tpu.dma_semaphore, #tpu.memory_space<semaphore_mem>> -> memref<1x!tpu.dma_semaphore, #tpu.memory_space<semaphore_mem>>
      %dma_start3A_842 = tpu.memref_squeeze %dma_start3A_841 : memref<1x!tpu.dma_semaphore, #tpu.memory_space<semaphore_mem>> -> memref<!tpu.dma_semaphore, #tpu.memory_space<semaphore_mem>>
      tpu.enqueue_indirect_dma source(%dma_start3A_834 : memref<40x128xf32, #tpu.memory_space<vmem>>) target(%dma_start3A_840 : memref<10240x128xf32, #tpu.memory_space<vmem_shared>>) offsets(%dma_start3A_837 : memref<40xi32, #tpu.memory_space<vmem>>) semaphore(%dma_start3A_842 : memref<!tpu.dma_semaphore, #tpu.memory_space<semaphore_mem>>) {add = true}
      %add3A_843 = arith.constant 1 : i32
      %add3A_844 = arith.addi %scan3A_479, %add3A_843 : i32
      %lt3A_845 = arith.constant 62 : i32
      %lt3A_846 = arith.cmpi slt, %add3A_844, %lt3A_845 : i32
      %convert_element_type3A_847 = arith.extui %lt3A_846 : i1 to i32
      %cond3A_848 = arith.constant 0 : i32
      %cond3A_849 = arith.cmpi ne, %convert_element_type3A_847, %cond3A_848 : i32
      scf.if %cond3A_849 {
        %add3A_850 = arith.constant 4 : i32
        %add3A_851 = arith.addi %mul3A_481, %add3A_850 : i32
        %add3A_852 = arith.constant 3 : i32
        %add3A_853 = arith.addi %add3A_851, %add3A_852 : i32
        %dma_start3A_854 = arith.constant 3 : i32
        %dma_start3A_855 = arith.constant 3 : i32
        %dma_start3A_856 = arith.constant 0 : i32
        %dma_start3A_857 = tpu.memref_slice %arg6[%dma_start3A_854, %dma_start3A_856] : memref<4x40xi32, #tpu.memory_space<vmem>> -> memref<1x40xi32, #tpu.memory_space<vmem>>
        %dma_start3A_858 = tpu.memref_squeeze %dma_start3A_857 : memref<1x40xi32, #tpu.memory_space<vmem>> -> memref<40xi32, #tpu.memory_space<vmem>>
        %dma_start3A_859 = arith.constant 0 : i32
        %dma_start3A_860 = tpu.memref_slice %arg3[%add3A, %add3A_853, %dma_start3A_859] : memref<32x250x40xi32, #tpu.memory_space<hbm>> -> memref<1x1x40xi32, #tpu.memory_space<hbm>>
        %dma_start3A_861 = tpu.memref_squeeze %dma_start3A_860 : memref<1x1x40xi32, #tpu.memory_space<hbm>> -> memref<40xi32, #tpu.memory_space<hbm>>
        %dma_start3A_862 = tpu.memref_slice %arg10[%dma_start3A_855] : memref<4x!tpu.dma_semaphore, #tpu.memory_space<semaphore_mem>> -> memref<1x!tpu.dma_semaphore, #tpu.memory_space<semaphore_mem>>
        %dma_start3A_863 = tpu.memref_squeeze %dma_start3A_862 : memref<1x!tpu.dma_semaphore, #tpu.memory_space<semaphore_mem>> -> memref<!tpu.dma_semaphore, #tpu.memory_space<semaphore_mem>>
        %dma_start3A_864 = arith.constant 0 : i32
        %dma_start3A_865 = tpu.memref_slice %arg6[%dma_start3A_854, %dma_start3A_864] : memref<4x40xi32, #tpu.memory_space<vmem>> -> memref<1x40xi32, #tpu.memory_space<vmem>>
        %dma_start3A_866 = tpu.memref_squeeze %dma_start3A_865 : memref<1x40xi32, #tpu.memory_space<vmem>> -> memref<40xi32, #tpu.memory_space<vmem>>
        %dma_start3A_867 = arith.constant 0 : i32
        %dma_start3A_868 = tpu.memref_slice %arg3[%add3A, %add3A_853, %dma_start3A_867] : memref<32x250x40xi32, #tpu.memory_space<hbm>> -> memref<1x1x40xi32, #tpu.memory_space<hbm>>
        %dma_start3A_869 = tpu.memref_squeeze %dma_start3A_868 : memref<1x1x40xi32, #tpu.memory_space<hbm>> -> memref<40xi32, #tpu.memory_space<hbm>>
        tpu.enqueue_dma source(%dma_start3A_869 : memref<40xi32, #tpu.memory_space<hbm>>) target(%dma_start3A_866 : memref<40xi32, #tpu.memory_space<vmem>>) target_semaphore(%dma_start3A_863 : memref<!tpu.dma_semaphore, #tpu.memory_space<semaphore_mem>>)
      } else {
      }
    }
    %scan3A_158 = arith.constant 62 : i32
    %dma_wait3A = arith.constant 0 : i32
    %dma_wait3A_159 = arith.constant 0 : i32
    %dma_wait3A_160 = arith.constant 0 : i32
    %dma_wait3A_161 = arith.constant 0 : i32
    %dma_wait3A_162 = arith.constant 0 : i32
    %dma_wait3A_163 = tpu.memref_slice %arg8[%dma_wait3A, %dma_wait3A_161, %dma_wait3A_162] : memref<4x40x128xf32, #tpu.memory_space<vmem>> -> memref<1x40x128xf32, #tpu.memory_space<vmem>>
    %dma_wait3A_164 = tpu.memref_squeeze %dma_wait3A_163 : memref<1x40x128xf32, #tpu.memory_space<vmem>> -> memref<40x128xf32, #tpu.memory_space<vmem>>
    %dma_wait3A_165 = arith.constant 0 : i32
    %dma_wait3A_166 = tpu.memref_slice %arg7[%dma_wait3A_159, %dma_wait3A_165] : memref<4x40xi32, #tpu.memory_space<vmem>> -> memref<1x40xi32, #tpu.memory_space<vmem>>
    %dma_wait3A_167 = tpu.memref_squeeze %dma_wait3A_166 : memref<1x40xi32, #tpu.memory_space<vmem>> -> memref<40xi32, #tpu.memory_space<vmem>>
    %dma_wait3A_168 = arith.constant 0 : i32
    %dma_wait3A_169 = arith.constant 0 : i32
    %dma_wait3A_170 = tpu.memref_slice %arg9[%dma_wait3A_168, %dma_wait3A_169] : memref<10240x128xf32, #tpu.memory_space<vmem_shared>> -> memref<10240x128xf32, #tpu.memory_space<vmem_shared>>
    %dma_wait3A_171 = tpu.memref_slice %arg13[%dma_wait3A_160] : memref<4x!tpu.dma_semaphore, #tpu.memory_space<semaphore_mem>> -> memref<1x!tpu.dma_semaphore, #tpu.memory_space<semaphore_mem>>
    %dma_wait3A_172 = tpu.memref_squeeze %dma_wait3A_171 : memref<1x!tpu.dma_semaphore, #tpu.memory_space<semaphore_mem>> -> memref<!tpu.dma_semaphore, #tpu.memory_space<semaphore_mem>>
    tpu.wait_indirect_dma semaphore(%dma_wait3A_172 : memref<!tpu.dma_semaphore, #tpu.memory_space<semaphore_mem>>) src(%dma_wait3A_164 : memref<40x128xf32, #tpu.memory_space<vmem>>) dst(%dma_wait3A_170 : memref<10240x128xf32, #tpu.memory_space<vmem_shared>>)
    %dma_wait3A_173 = arith.constant 1 : i32
    %dma_wait3A_174 = arith.constant 1 : i32
    %dma_wait3A_175 = arith.constant 1 : i32
    %dma_wait3A_176 = arith.constant 0 : i32
    %dma_wait3A_177 = arith.constant 0 : i32
    %dma_wait3A_178 = tpu.memref_slice %arg8[%dma_wait3A_173, %dma_wait3A_176, %dma_wait3A_177] : memref<4x40x128xf32, #tpu.memory_space<vmem>> -> memref<1x40x128xf32, #tpu.memory_space<vmem>>
    %dma_wait3A_179 = tpu.memref_squeeze %dma_wait3A_178 : memref<1x40x128xf32, #tpu.memory_space<vmem>> -> memref<40x128xf32, #tpu.memory_space<vmem>>
    %dma_wait3A_180 = arith.constant 0 : i32
    %dma_wait3A_181 = tpu.memref_slice %arg7[%dma_wait3A_174, %dma_wait3A_180] : memref<4x40xi32, #tpu.memory_space<vmem>> -> memref<1x40xi32, #tpu.memory_space<vmem>>
    %dma_wait3A_182 = tpu.memref_squeeze %dma_wait3A_181 : memref<1x40xi32, #tpu.memory_space<vmem>> -> memref<40xi32, #tpu.memory_space<vmem>>
    %dma_wait3A_183 = arith.constant 0 : i32
    %dma_wait3A_184 = arith.constant 0 : i32
    %dma_wait3A_185 = tpu.memref_slice %arg9[%dma_wait3A_183, %dma_wait3A_184] : memref<10240x128xf32, #tpu.memory_space<vmem_shared>> -> memref<10240x128xf32, #tpu.memory_space<vmem_shared>>
    %dma_wait3A_186 = tpu.memref_slice %arg13[%dma_wait3A_175] : memref<4x!tpu.dma_semaphore, #tpu.memory_space<semaphore_mem>> -> memref<1x!tpu.dma_semaphore, #tpu.memory_space<semaphore_mem>>
    %dma_wait3A_187 = tpu.memref_squeeze %dma_wait3A_186 : memref<1x!tpu.dma_semaphore, #tpu.memory_space<semaphore_mem>> -> memref<!tpu.dma_semaphore, #tpu.memory_space<semaphore_mem>>
    tpu.wait_indirect_dma semaphore(%dma_wait3A_187 : memref<!tpu.dma_semaphore, #tpu.memory_space<semaphore_mem>>) src(%dma_wait3A_179 : memref<40x128xf32, #tpu.memory_space<vmem>>) dst(%dma_wait3A_185 : memref<10240x128xf32, #tpu.memory_space<vmem_shared>>)
    %dma_wait3A_188 = arith.constant 2 : i32
    %dma_wait3A_189 = arith.constant 2 : i32
    %dma_wait3A_190 = arith.constant 2 : i32
    %dma_wait3A_191 = arith.constant 0 : i32
    %dma_wait3A_192 = arith.constant 0 : i32
    %dma_wait3A_193 = tpu.memref_slice %arg8[%dma_wait3A_188, %dma_wait3A_191, %dma_wait3A_192] : memref<4x40x128xf32, #tpu.memory_space<vmem>> -> memref<1x40x128xf32, #tpu.memory_space<vmem>>
    %dma_wait3A_194 = tpu.memref_squeeze %dma_wait3A_193 : memref<1x40x128xf32, #tpu.memory_space<vmem>> -> memref<40x128xf32, #tpu.memory_space<vmem>>
    %dma_wait3A_195 = arith.constant 0 : i32
    %dma_wait3A_196 = tpu.memref_slice %arg7[%dma_wait3A_189, %dma_wait3A_195] : memref<4x40xi32, #tpu.memory_space<vmem>> -> memref<1x40xi32, #tpu.memory_space<vmem>>
    %dma_wait3A_197 = tpu.memref_squeeze %dma_wait3A_196 : memref<1x40xi32, #tpu.memory_space<vmem>> -> memref<40xi32, #tpu.memory_space<vmem>>
    %dma_wait3A_198 = arith.constant 0 : i32
    %dma_wait3A_199 = arith.constant 0 : i32
    %dma_wait3A_200 = tpu.memref_slice %arg9[%dma_wait3A_198, %dma_wait3A_199] : memref<10240x128xf32, #tpu.memory_space<vmem_shared>> -> memref<10240x128xf32, #tpu.memory_space<vmem_shared>>
    %dma_wait3A_201 = tpu.memref_slice %arg13[%dma_wait3A_190] : memref<4x!tpu.dma_semaphore, #tpu.memory_space<semaphore_mem>> -> memref<1x!tpu.dma_semaphore, #tpu.memory_space<semaphore_mem>>
    %dma_wait3A_202 = tpu.memref_squeeze %dma_wait3A_201 : memref<1x!tpu.dma_semaphore, #tpu.memory_space<semaphore_mem>> -> memref<!tpu.dma_semaphore, #tpu.memory_space<semaphore_mem>>
    tpu.wait_indirect_dma semaphore(%dma_wait3A_202 : memref<!tpu.dma_semaphore, #tpu.memory_space<semaphore_mem>>) src(%dma_wait3A_194 : memref<40x128xf32, #tpu.memory_space<vmem>>) dst(%dma_wait3A_200 : memref<10240x128xf32, #tpu.memory_space<vmem_shared>>)
    %dma_wait3A_203 = arith.constant 3 : i32
    %dma_wait3A_204 = arith.constant 3 : i32
    %dma_wait3A_205 = arith.constant 3 : i32
    %dma_wait3A_206 = arith.constant 0 : i32
    %dma_wait3A_207 = arith.constant 0 : i32
    %dma_wait3A_208 = tpu.memref_slice %arg8[%dma_wait3A_203, %dma_wait3A_206, %dma_wait3A_207] : memref<4x40x128xf32, #tpu.memory_space<vmem>> -> memref<1x40x128xf32, #tpu.memory_space<vmem>>
    %dma_wait3A_209 = tpu.memref_squeeze %dma_wait3A_208 : memref<1x40x128xf32, #tpu.memory_space<vmem>> -> memref<40x128xf32, #tpu.memory_space<vmem>>
    %dma_wait3A_210 = arith.constant 0 : i32
    %dma_wait3A_211 = tpu.memref_slice %arg7[%dma_wait3A_204, %dma_wait3A_210] : memref<4x40xi32, #tpu.memory_space<vmem>> -> memref<1x40xi32, #tpu.memory_space<vmem>>
    %dma_wait3A_212 = tpu.memref_squeeze %dma_wait3A_211 : memref<1x40xi32, #tpu.memory_space<vmem>> -> memref<40xi32, #tpu.memory_space<vmem>>
    %dma_wait3A_213 = arith.constant 0 : i32
    %dma_wait3A_214 = arith.constant 0 : i32
    %dma_wait3A_215 = tpu.memref_slice %arg9[%dma_wait3A_213, %dma_wait3A_214] : memref<10240x128xf32, #tpu.memory_space<vmem_shared>> -> memref<10240x128xf32, #tpu.memory_space<vmem_shared>>
    %dma_wait3A_216 = tpu.memref_slice %arg13[%dma_wait3A_205] : memref<4x!tpu.dma_semaphore, #tpu.memory_space<semaphore_mem>> -> memref<1x!tpu.dma_semaphore, #tpu.memory_space<semaphore_mem>>
    %dma_wait3A_217 = tpu.memref_squeeze %dma_wait3A_216 : memref<1x!tpu.dma_semaphore, #tpu.memory_space<semaphore_mem>> -> memref<!tpu.dma_semaphore, #tpu.memory_space<semaphore_mem>>
    tpu.wait_indirect_dma semaphore(%dma_wait3A_217 : memref<!tpu.dma_semaphore, #tpu.memory_space<semaphore_mem>>) src(%dma_wait3A_209 : memref<40x128xf32, #tpu.memory_space<vmem>>) dst(%dma_wait3A_215 : memref<10240x128xf32, #tpu.memory_space<vmem_shared>>)
    %dma_start3A_218 = arith.constant 248 : i32
    %dma_start3A_219 = arith.constant 0 : i32
    %dma_start3A_220 = arith.constant 0 : i32
    %dma_start3A_221 = arith.constant 0 : i32
    %dma_start3A_222 = tpu.memref_slice %arg6[%dma_start3A_219, %dma_start3A_221] : memref<4x40xi32, #tpu.memory_space<vmem>> -> memref<1x40xi32, #tpu.memory_space<vmem>>
    %dma_start3A_223 = tpu.memref_squeeze %dma_start3A_222 : memref<1x40xi32, #tpu.memory_space<vmem>> -> memref<40xi32, #tpu.memory_space<vmem>>
    %dma_start3A_224 = arith.constant 0 : i32
    %dma_start3A_225 = tpu.memref_slice %arg3[%add3A, %dma_start3A_218, %dma_start3A_224] : memref<32x250x40xi32, #tpu.memory_space<hbm>> -> memref<1x1x40xi32, #tpu.memory_space<hbm>>
    %dma_start3A_226 = tpu.memref_squeeze %dma_start3A_225 : memref<1x1x40xi32, #tpu.memory_space<hbm>> -> memref<40xi32, #tpu.memory_space<hbm>>
    %dma_start3A_227 = tpu.memref_slice %arg10[%dma_start3A_220] : memref<4x!tpu.dma_semaphore, #tpu.memory_space<semaphore_mem>> -> memref<1x!tpu.dma_semaphore, #tpu.memory_space<semaphore_mem>>
    %dma_start3A_228 = tpu.memref_squeeze %dma_start3A_227 : memref<1x!tpu.dma_semaphore, #tpu.memory_space<semaphore_mem>> -> memref<!tpu.dma_semaphore, #tpu.memory_space<semaphore_mem>>
    %dma_start3A_229 = arith.constant 0 : i32
    %dma_start3A_230 = tpu.memref_slice %arg6[%dma_start3A_219, %dma_start3A_229] : memref<4x40xi32, #tpu.memory_space<vmem>> -> memref<1x40xi32, #tpu.memory_space<vmem>>
    %dma_start3A_231 = tpu.memref_squeeze %dma_start3A_230 : memref<1x40xi32, #tpu.memory_space<vmem>> -> memref<40xi32, #tpu.memory_space<vmem>>
    %dma_start3A_232 = arith.constant 0 : i32
    %dma_start3A_233 = tpu.memref_slice %arg3[%add3A, %dma_start3A_218, %dma_start3A_232] : memref<32x250x40xi32, #tpu.memory_space<hbm>> -> memref<1x1x40xi32, #tpu.memory_space<hbm>>
    %dma_start3A_234 = tpu.memref_squeeze %dma_start3A_233 : memref<1x1x40xi32, #tpu.memory_space<hbm>> -> memref<40xi32, #tpu.memory_space<hbm>>
    tpu.enqueue_dma source(%dma_start3A_234 : memref<40xi32, #tpu.memory_space<hbm>>) target(%dma_start3A_231 : memref<40xi32, #tpu.memory_space<vmem>>) target_semaphore(%dma_start3A_228 : memref<!tpu.dma_semaphore, #tpu.memory_space<semaphore_mem>>)
    %dma_start3A_235 = arith.constant 248 : i32
    %dma_start3A_236 = arith.constant 0 : i32
    %dma_start3A_237 = arith.constant 0 : i32
    %dma_start3A_238 = arith.constant 0 : i32
    %dma_start3A_239 = tpu.memref_slice %arg7[%dma_start3A_236, %dma_start3A_238] : memref<4x40xi32, #tpu.memory_space<vmem>> -> memref<1x40xi32, #tpu.memory_space<vmem>>
    %dma_start3A_240 = tpu.memref_squeeze %dma_start3A_239 : memref<1x40xi32, #tpu.memory_space<vmem>> -> memref<40xi32, #tpu.memory_space<vmem>>
    %dma_start3A_241 = arith.constant 0 : i32
    %dma_start3A_242 = tpu.memref_slice %arg4[%add3A, %dma_start3A_235, %dma_start3A_241] : memref<32x250x40xi32, #tpu.memory_space<hbm>> -> memref<1x1x40xi32, #tpu.memory_space<hbm>>
    %dma_start3A_243 = tpu.memref_squeeze %dma_start3A_242 : memref<1x1x40xi32, #tpu.memory_space<hbm>> -> memref<40xi32, #tpu.memory_space<hbm>>
    %dma_start3A_244 = tpu.memref_slice %arg11[%dma_start3A_237] : memref<4x!tpu.dma_semaphore, #tpu.memory_space<semaphore_mem>> -> memref<1x!tpu.dma_semaphore, #tpu.memory_space<semaphore_mem>>
    %dma_start3A_245 = tpu.memref_squeeze %dma_start3A_244 : memref<1x!tpu.dma_semaphore, #tpu.memory_space<semaphore_mem>> -> memref<!tpu.dma_semaphore, #tpu.memory_space<semaphore_mem>>
    %dma_start3A_246 = arith.constant 0 : i32
    %dma_start3A_247 = tpu.memref_slice %arg7[%dma_start3A_236, %dma_start3A_246] : memref<4x40xi32, #tpu.memory_space<vmem>> -> memref<1x40xi32, #tpu.memory_space<vmem>>
    %dma_start3A_248 = tpu.memref_squeeze %dma_start3A_247 : memref<1x40xi32, #tpu.memory_space<vmem>> -> memref<40xi32, #tpu.memory_space<vmem>>
    %dma_start3A_249 = arith.constant 0 : i32
    %dma_start3A_250 = tpu.memref_slice %arg4[%add3A, %dma_start3A_235, %dma_start3A_249] : memref<32x250x40xi32, #tpu.memory_space<hbm>> -> memref<1x1x40xi32, #tpu.memory_space<hbm>>
    %dma_start3A_251 = tpu.memref_squeeze %dma_start3A_250 : memref<1x1x40xi32, #tpu.memory_space<hbm>> -> memref<40xi32, #tpu.memory_space<hbm>>
    tpu.enqueue_dma source(%dma_start3A_251 : memref<40xi32, #tpu.memory_space<hbm>>) target(%dma_start3A_248 : memref<40xi32, #tpu.memory_space<vmem>>) target_semaphore(%dma_start3A_245 : memref<!tpu.dma_semaphore, #tpu.memory_space<semaphore_mem>>)
    %dma_wait3A_252 = arith.constant 248 : i32
    %dma_wait3A_253 = arith.constant 0 : i32
    %dma_wait3A_254 = arith.constant 0 : i32
    %dma_wait3A_255 = arith.constant 0 : i32
    %dma_wait3A_256 = tpu.memref_slice %arg6[%dma_wait3A_253, %dma_wait3A_255] : memref<4x40xi32, #tpu.memory_space<vmem>> -> memref<1x40xi32, #tpu.memory_space<vmem>>
    %dma_wait3A_257 = tpu.memref_squeeze %dma_wait3A_256 : memref<1x40xi32, #tpu.memory_space<vmem>> -> memref<40xi32, #tpu.memory_space<vmem>>
    %dma_wait3A_258 = arith.constant 0 : i32
    %dma_wait3A_259 = tpu.memref_slice %arg3[%add3A, %dma_wait3A_252, %dma_wait3A_258] : memref<32x250x40xi32, #tpu.memory_space<hbm>> -> memref<1x1x40xi32, #tpu.memory_space<hbm>>
    %dma_wait3A_260 = tpu.memref_squeeze %dma_wait3A_259 : memref<1x1x40xi32, #tpu.memory_space<hbm>> -> memref<40xi32, #tpu.memory_space<hbm>>
    %dma_wait3A_261 = tpu.memref_slice %arg10[%dma_wait3A_254] : memref<4x!tpu.dma_semaphore, #tpu.memory_space<semaphore_mem>> -> memref<1x!tpu.dma_semaphore, #tpu.memory_space<semaphore_mem>>
    %dma_wait3A_262 = tpu.memref_squeeze %dma_wait3A_261 : memref<1x!tpu.dma_semaphore, #tpu.memory_space<semaphore_mem>> -> memref<!tpu.dma_semaphore, #tpu.memory_space<semaphore_mem>>
    %dma_wait3A_263 = arith.constant 0 : i32
    %dma_wait3A_264 = tpu.memref_slice %arg6[%dma_wait3A_253, %dma_wait3A_263] : memref<4x40xi32, #tpu.memory_space<vmem>> -> memref<1x40xi32, #tpu.memory_space<vmem>>
    %dma_wait3A_265 = tpu.memref_squeeze %dma_wait3A_264 : memref<1x40xi32, #tpu.memory_space<vmem>> -> memref<40xi32, #tpu.memory_space<vmem>>
    %dma_wait3A_266 = arith.constant 0 : i32
    %dma_wait3A_267 = tpu.memref_slice %arg3[%add3A, %dma_wait3A_252, %dma_wait3A_266] : memref<32x250x40xi32, #tpu.memory_space<hbm>> -> memref<1x1x40xi32, #tpu.memory_space<hbm>>
    %dma_wait3A_268 = tpu.memref_squeeze %dma_wait3A_267 : memref<1x1x40xi32, #tpu.memory_space<hbm>> -> memref<40xi32, #tpu.memory_space<hbm>>
    tpu.wait_dma2 semaphore(%dma_wait3A_262 : memref<!tpu.dma_semaphore, #tpu.memory_space<semaphore_mem>>) src(%dma_wait3A_268 : memref<40xi32, #tpu.memory_space<hbm>>) dst(%dma_wait3A_265 : memref<40xi32, #tpu.memory_space<vmem>>)
    %dma_start3A_269 = arith.constant 0 : i32
    %dma_start3A_270 = arith.constant 0 : i32
    %dma_start3A_271 = arith.constant 0 : i32
    %dma_start3A_272 = arith.constant 0 : i32
    %dma_start3A_273 = arith.constant 0 : i32
    %dma_start3A_274 = tpu.memref_slice %arg8[%dma_start3A_270, %dma_start3A_272, %dma_start3A_273] : memref<4x40x128xf32, #tpu.memory_space<vmem>> -> memref<1x40x128xf32, #tpu.memory_space<vmem>>
    %dma_start3A_275 = tpu.memref_squeeze %dma_start3A_274 : memref<1x40x128xf32, #tpu.memory_space<vmem>> -> memref<40x128xf32, #tpu.memory_space<vmem>>
    %dma_start3A_276 = arith.constant 0 : i32
    %dma_start3A_277 = tpu.memref_slice %arg6[%dma_start3A_269, %dma_start3A_276] : memref<4x40xi32, #tpu.memory_space<vmem>> -> memref<1x40xi32, #tpu.memory_space<vmem>>
    %dma_start3A_278 = tpu.memref_squeeze %dma_start3A_277 : memref<1x40xi32, #tpu.memory_space<vmem>> -> memref<40xi32, #tpu.memory_space<vmem>>
    %dma_start3A_279 = arith.constant 0 : i32
    %dma_start3A_280 = arith.constant 0 : i32
    %dma_start3A_281 = tpu.memref_slice %arg2[%dma_start3A_279, %dma_start3A_280] : memref<10240x128xf32, #tpu.memory_space<hbm>> -> memref<10240x128xf32, #tpu.memory_space<hbm>>
    %dma_start3A_282 = tpu.memref_slice %arg12[%dma_start3A_271] : memref<4x!tpu.dma_semaphore, #tpu.memory_space<semaphore_mem>> -> memref<1x!tpu.dma_semaphore, #tpu.memory_space<semaphore_mem>>
    %dma_start3A_283 = tpu.memref_squeeze %dma_start3A_282 : memref<1x!tpu.dma_semaphore, #tpu.memory_space<semaphore_mem>> -> memref<!tpu.dma_semaphore, #tpu.memory_space<semaphore_mem>>
    tpu.enqueue_indirect_dma source(%dma_start3A_281 : memref<10240x128xf32, #tpu.memory_space<hbm>>) target(%dma_start3A_275 : memref<40x128xf32, #tpu.memory_space<vmem>>) offsets(%dma_start3A_278 : memref<40xi32, #tpu.memory_space<vmem>>) semaphore(%dma_start3A_283 : memref<!tpu.dma_semaphore, #tpu.memory_space<semaphore_mem>>)
    %dma_start3A_284 = arith.constant 249 : i32
    %dma_start3A_285 = arith.constant 1 : i32
    %dma_start3A_286 = arith.constant 1 : i32
    %dma_start3A_287 = arith.constant 0 : i32
    %dma_start3A_288 = tpu.memref_slice %arg6[%dma_start3A_285, %dma_start3A_287] : memref<4x40xi32, #tpu.memory_space<vmem>> -> memref<1x40xi32, #tpu.memory_space<vmem>>
    %dma_start3A_289 = tpu.memref_squeeze %dma_start3A_288 : memref<1x40xi32, #tpu.memory_space<vmem>> -> memref<40xi32, #tpu.memory_space<vmem>>
    %dma_start3A_290 = arith.constant 0 : i32
    %dma_start3A_291 = tpu.memref_slice %arg3[%add3A, %dma_start3A_284, %dma_start3A_290] : memref<32x250x40xi32, #tpu.memory_space<hbm>> -> memref<1x1x40xi32, #tpu.memory_space<hbm>>
    %dma_start3A_292 = tpu.memref_squeeze %dma_start3A_291 : memref<1x1x40xi32, #tpu.memory_space<hbm>> -> memref<40xi32, #tpu.memory_space<hbm>>
    %dma_start3A_293 = tpu.memref_slice %arg10[%dma_start3A_286] : memref<4x!tpu.dma_semaphore, #tpu.memory_space<semaphore_mem>> -> memref<1x!tpu.dma_semaphore, #tpu.memory_space<semaphore_mem>>
    %dma_start3A_294 = tpu.memref_squeeze %dma_start3A_293 : memref<1x!tpu.dma_semaphore, #tpu.memory_space<semaphore_mem>> -> memref<!tpu.dma_semaphore, #tpu.memory_space<semaphore_mem>>
    %dma_start3A_295 = arith.constant 0 : i32
    %dma_start3A_296 = tpu.memref_slice %arg6[%dma_start3A_285, %dma_start3A_295] : memref<4x40xi32, #tpu.memory_space<vmem>> -> memref<1x40xi32, #tpu.memory_space<vmem>>
    %dma_start3A_297 = tpu.memref_squeeze %dma_start3A_296 : memref<1x40xi32, #tpu.memory_space<vmem>> -> memref<40xi32, #tpu.memory_space<vmem>>
    %dma_start3A_298 = arith.constant 0 : i32
    %dma_start3A_299 = tpu.memref_slice %arg3[%add3A, %dma_start3A_284, %dma_start3A_298] : memref<32x250x40xi32, #tpu.memory_space<hbm>> -> memref<1x1x40xi32, #tpu.memory_space<hbm>>
    %dma_start3A_300 = tpu.memref_squeeze %dma_start3A_299 : memref<1x1x40xi32, #tpu.memory_space<hbm>> -> memref<40xi32, #tpu.memory_space<hbm>>
    tpu.enqueue_dma source(%dma_start3A_300 : memref<40xi32, #tpu.memory_space<hbm>>) target(%dma_start3A_297 : memref<40xi32, #tpu.memory_space<vmem>>) target_semaphore(%dma_start3A_294 : memref<!tpu.dma_semaphore, #tpu.memory_space<semaphore_mem>>)
    %dma_start3A_301 = arith.constant 249 : i32
    %dma_start3A_302 = arith.constant 1 : i32
    %dma_start3A_303 = arith.constant 1 : i32
    %dma_start3A_304 = arith.constant 0 : i32
    %dma_start3A_305 = tpu.memref_slice %arg7[%dma_start3A_302, %dma_start3A_304] : memref<4x40xi32, #tpu.memory_space<vmem>> -> memref<1x40xi32, #tpu.memory_space<vmem>>
    %dma_start3A_306 = tpu.memref_squeeze %dma_start3A_305 : memref<1x40xi32, #tpu.memory_space<vmem>> -> memref<40xi32, #tpu.memory_space<vmem>>
    %dma_start3A_307 = arith.constant 0 : i32
    %dma_start3A_308 = tpu.memref_slice %arg4[%add3A, %dma_start3A_301, %dma_start3A_307] : memref<32x250x40xi32, #tpu.memory_space<hbm>> -> memref<1x1x40xi32, #tpu.memory_space<hbm>>
    %dma_start3A_309 = tpu.memref_squeeze %dma_start3A_308 : memref<1x1x40xi32, #tpu.memory_space<hbm>> -> memref<40xi32, #tpu.memory_space<hbm>>
    %dma_start3A_310 = tpu.memref_slice %arg11[%dma_start3A_303] : memref<4x!tpu.dma_semaphore, #tpu.memory_space<semaphore_mem>> -> memref<1x!tpu.dma_semaphore, #tpu.memory_space<semaphore_mem>>
    %dma_start3A_311 = tpu.memref_squeeze %dma_start3A_310 : memref<1x!tpu.dma_semaphore, #tpu.memory_space<semaphore_mem>> -> memref<!tpu.dma_semaphore, #tpu.memory_space<semaphore_mem>>
    %dma_start3A_312 = arith.constant 0 : i32
    %dma_start3A_313 = tpu.memref_slice %arg7[%dma_start3A_302, %dma_start3A_312] : memref<4x40xi32, #tpu.memory_space<vmem>> -> memref<1x40xi32, #tpu.memory_space<vmem>>
    %dma_start3A_314 = tpu.memref_squeeze %dma_start3A_313 : memref<1x40xi32, #tpu.memory_space<vmem>> -> memref<40xi32, #tpu.memory_space<vmem>>
    %dma_start3A_315 = arith.constant 0 : i32
    %dma_start3A_316 = tpu.memref_slice %arg4[%add3A, %dma_start3A_301, %dma_start3A_315] : memref<32x250x40xi32, #tpu.memory_space<hbm>> -> memref<1x1x40xi32, #tpu.memory_space<hbm>>
    %dma_start3A_317 = tpu.memref_squeeze %dma_start3A_316 : memref<1x1x40xi32, #tpu.memory_space<hbm>> -> memref<40xi32, #tpu.memory_space<hbm>>
    tpu.enqueue_dma source(%dma_start3A_317 : memref<40xi32, #tpu.memory_space<hbm>>) target(%dma_start3A_314 : memref<40xi32, #tpu.memory_space<vmem>>) target_semaphore(%dma_start3A_311 : memref<!tpu.dma_semaphore, #tpu.memory_space<semaphore_mem>>)
    %dma_wait3A_318 = arith.constant 249 : i32
    %dma_wait3A_319 = arith.constant 1 : i32
    %dma_wait3A_320 = arith.constant 1 : i32
    %dma_wait3A_321 = arith.constant 0 : i32
    %dma_wait3A_322 = tpu.memref_slice %arg6[%dma_wait3A_319, %dma_wait3A_321] : memref<4x40xi32, #tpu.memory_space<vmem>> -> memref<1x40xi32, #tpu.memory_space<vmem>>
    %dma_wait3A_323 = tpu.memref_squeeze %dma_wait3A_322 : memref<1x40xi32, #tpu.memory_space<vmem>> -> memref<40xi32, #tpu.memory_space<vmem>>
    %dma_wait3A_324 = arith.constant 0 : i32
    %dma_wait3A_325 = tpu.memref_slice %arg3[%add3A, %dma_wait3A_318, %dma_wait3A_324] : memref<32x250x40xi32, #tpu.memory_space<hbm>> -> memref<1x1x40xi32, #tpu.memory_space<hbm>>
    %dma_wait3A_326 = tpu.memref_squeeze %dma_wait3A_325 : memref<1x1x40xi32, #tpu.memory_space<hbm>> -> memref<40xi32, #tpu.memory_space<hbm>>
    %dma_wait3A_327 = tpu.memref_slice %arg10[%dma_wait3A_320] : memref<4x!tpu.dma_semaphore, #tpu.memory_space<semaphore_mem>> -> memref<1x!tpu.dma_semaphore, #tpu.memory_space<semaphore_mem>>
    %dma_wait3A_328 = tpu.memref_squeeze %dma_wait3A_327 : memref<1x!tpu.dma_semaphore, #tpu.memory_space<semaphore_mem>> -> memref<!tpu.dma_semaphore, #tpu.memory_space<semaphore_mem>>
    %dma_wait3A_329 = arith.constant 0 : i32
    %dma_wait3A_330 = tpu.memref_slice %arg6[%dma_wait3A_319, %dma_wait3A_329] : memref<4x40xi32, #tpu.memory_space<vmem>> -> memref<1x40xi32, #tpu.memory_space<vmem>>
    %dma_wait3A_331 = tpu.memref_squeeze %dma_wait3A_330 : memref<1x40xi32, #tpu.memory_space<vmem>> -> memref<40xi32, #tpu.memory_space<vmem>>
    %dma_wait3A_332 = arith.constant 0 : i32
    %dma_wait3A_333 = tpu.memref_slice %arg3[%add3A, %dma_wait3A_318, %dma_wait3A_332] : memref<32x250x40xi32, #tpu.memory_space<hbm>> -> memref<1x1x40xi32, #tpu.memory_space<hbm>>
    %dma_wait3A_334 = tpu.memref_squeeze %dma_wait3A_333 : memref<1x1x40xi32, #tpu.memory_space<hbm>> -> memref<40xi32, #tpu.memory_space<hbm>>
    tpu.wait_dma2 semaphore(%dma_wait3A_328 : memref<!tpu.dma_semaphore, #tpu.memory_space<semaphore_mem>>) src(%dma_wait3A_334 : memref<40xi32, #tpu.memory_space<hbm>>) dst(%dma_wait3A_331 : memref<40xi32, #tpu.memory_space<vmem>>)
    %dma_start3A_335 = arith.constant 1 : i32
    %dma_start3A_336 = arith.constant 1 : i32
    %dma_start3A_337 = arith.constant 1 : i32
    %dma_start3A_338 = arith.constant 0 : i32
    %dma_start3A_339 = arith.constant 0 : i32
    %dma_start3A_340 = tpu.memref_slice %arg8[%dma_start3A_336, %dma_start3A_338, %dma_start3A_339] : memref<4x40x128xf32, #tpu.memory_space<vmem>> -> memref<1x40x128xf32, #tpu.memory_space<vmem>>
    %dma_start3A_341 = tpu.memref_squeeze %dma_start3A_340 : memref<1x40x128xf32, #tpu.memory_space<vmem>> -> memref<40x128xf32, #tpu.memory_space<vmem>>
    %dma_start3A_342 = arith.constant 0 : i32
    %dma_start3A_343 = tpu.memref_slice %arg6[%dma_start3A_335, %dma_start3A_342] : memref<4x40xi32, #tpu.memory_space<vmem>> -> memref<1x40xi32, #tpu.memory_space<vmem>>
    %dma_start3A_344 = tpu.memref_squeeze %dma_start3A_343 : memref<1x40xi32, #tpu.memory_space<vmem>> -> memref<40xi32, #tpu.memory_space<vmem>>
    %dma_start3A_345 = arith.constant 0 : i32
    %dma_start3A_346 = arith.constant 0 : i32
    %dma_start3A_347 = tpu.memref_slice %arg2[%dma_start3A_345, %dma_start3A_346] : memref<10240x128xf32, #tpu.memory_space<hbm>> -> memref<10240x128xf32, #tpu.memory_space<hbm>>
    %dma_start3A_348 = tpu.memref_slice %arg12[%dma_start3A_337] : memref<4x!tpu.dma_semaphore, #tpu.memory_space<semaphore_mem>> -> memref<1x!tpu.dma_semaphore, #tpu.memory_space<semaphore_mem>>
    %dma_start3A_349 = tpu.memref_squeeze %dma_start3A_348 : memref<1x!tpu.dma_semaphore, #tpu.memory_space<semaphore_mem>> -> memref<!tpu.dma_semaphore, #tpu.memory_space<semaphore_mem>>
    tpu.enqueue_indirect_dma source(%dma_start3A_347 : memref<10240x128xf32, #tpu.memory_space<hbm>>) target(%dma_start3A_341 : memref<40x128xf32, #tpu.memory_space<vmem>>) offsets(%dma_start3A_344 : memref<40xi32, #tpu.memory_space<vmem>>) semaphore(%dma_start3A_349 : memref<!tpu.dma_semaphore, #tpu.memory_space<semaphore_mem>>)
    %dma_wait3A_350 = arith.constant 0 : i32
    %dma_wait3A_351 = arith.constant 0 : i32
    %dma_wait3A_352 = arith.constant 0 : i32
    %dma_wait3A_353 = arith.constant 0 : i32
    %dma_wait3A_354 = arith.constant 0 : i32
    %dma_wait3A_355 = tpu.memref_slice %arg8[%dma_wait3A_351, %dma_wait3A_353, %dma_wait3A_354] : memref<4x40x128xf32, #tpu.memory_space<vmem>> -> memref<1x40x128xf32, #tpu.memory_space<vmem>>
    %dma_wait3A_356 = tpu.memref_squeeze %dma_wait3A_355 : memref<1x40x128xf32, #tpu.memory_space<vmem>> -> memref<40x128xf32, #tpu.memory_space<vmem>>
    %dma_wait3A_357 = arith.constant 0 : i32
    %dma_wait3A_358 = tpu.memref_slice %arg6[%dma_wait3A_350, %dma_wait3A_357] : memref<4x40xi32, #tpu.memory_space<vmem>> -> memref<1x40xi32, #tpu.memory_space<vmem>>
    %dma_wait3A_359 = tpu.memref_squeeze %dma_wait3A_358 : memref<1x40xi32, #tpu.memory_space<vmem>> -> memref<40xi32, #tpu.memory_space<vmem>>
    %dma_wait3A_360 = arith.constant 0 : i32
    %dma_wait3A_361 = arith.constant 0 : i32
    %dma_wait3A_362 = tpu.memref_slice %arg2[%dma_wait3A_360, %dma_wait3A_361] : memref<10240x128xf32, #tpu.memory_space<hbm>> -> memref<10240x128xf32, #tpu.memory_space<hbm>>
    %dma_wait3A_363 = tpu.memref_slice %arg12[%dma_wait3A_352] : memref<4x!tpu.dma_semaphore, #tpu.memory_space<semaphore_mem>> -> memref<1x!tpu.dma_semaphore, #tpu.memory_space<semaphore_mem>>
    %dma_wait3A_364 = tpu.memref_squeeze %dma_wait3A_363 : memref<1x!tpu.dma_semaphore, #tpu.memory_space<semaphore_mem>> -> memref<!tpu.dma_semaphore, #tpu.memory_space<semaphore_mem>>
    tpu.wait_indirect_dma semaphore(%dma_wait3A_364 : memref<!tpu.dma_semaphore, #tpu.memory_space<semaphore_mem>>) src(%dma_wait3A_362 : memref<10240x128xf32, #tpu.memory_space<hbm>>) dst(%dma_wait3A_356 : memref<40x128xf32, #tpu.memory_space<vmem>>)
    %dma_wait3A_365 = arith.constant 248 : i32
    %dma_wait3A_366 = arith.constant 0 : i32
    %dma_wait3A_367 = arith.constant 0 : i32
    %dma_wait3A_368 = arith.constant 0 : i32
    %dma_wait3A_369 = tpu.memref_slice %arg7[%dma_wait3A_366, %dma_wait3A_368] : memref<4x40xi32, #tpu.memory_space<vmem>> -> memref<1x40xi32, #tpu.memory_space<vmem>>
    %dma_wait3A_370 = tpu.memref_squeeze %dma_wait3A_369 : memref<1x40xi32, #tpu.memory_space<vmem>> -> memref<40xi32, #tpu.memory_space<vmem>>
    %dma_wait3A_371 = arith.constant 0 : i32
    %dma_wait3A_372 = tpu.memref_slice %arg4[%add3A, %dma_wait3A_365, %dma_wait3A_371] : memref<32x250x40xi32, #tpu.memory_space<hbm>> -> memref<1x1x40xi32, #tpu.memory_space<hbm>>
    %dma_wait3A_373 = tpu.memref_squeeze %dma_wait3A_372 : memref<1x1x40xi32, #tpu.memory_space<hbm>> -> memref<40xi32, #tpu.memory_space<hbm>>
    %dma_wait3A_374 = tpu.memref_slice %arg11[%dma_wait3A_367] : memref<4x!tpu.dma_semaphore, #tpu.memory_space<semaphore_mem>> -> memref<1x!tpu.dma_semaphore, #tpu.memory_space<semaphore_mem>>
    %dma_wait3A_375 = tpu.memref_squeeze %dma_wait3A_374 : memref<1x!tpu.dma_semaphore, #tpu.memory_space<semaphore_mem>> -> memref<!tpu.dma_semaphore, #tpu.memory_space<semaphore_mem>>
    %dma_wait3A_376 = arith.constant 0 : i32
    %dma_wait3A_377 = tpu.memref_slice %arg7[%dma_wait3A_366, %dma_wait3A_376] : memref<4x40xi32, #tpu.memory_space<vmem>> -> memref<1x40xi32, #tpu.memory_space<vmem>>
    %dma_wait3A_378 = tpu.memref_squeeze %dma_wait3A_377 : memref<1x40xi32, #tpu.memory_space<vmem>> -> memref<40xi32, #tpu.memory_space<vmem>>
    %dma_wait3A_379 = arith.constant 0 : i32
    %dma_wait3A_380 = tpu.memref_slice %arg4[%add3A, %dma_wait3A_365, %dma_wait3A_379] : memref<32x250x40xi32, #tpu.memory_space<hbm>> -> memref<1x1x40xi32, #tpu.memory_space<hbm>>
    %dma_wait3A_381 = tpu.memref_squeeze %dma_wait3A_380 : memref<1x1x40xi32, #tpu.memory_space<hbm>> -> memref<40xi32, #tpu.memory_space<hbm>>
    tpu.wait_dma2 semaphore(%dma_wait3A_375 : memref<!tpu.dma_semaphore, #tpu.memory_space<semaphore_mem>>) src(%dma_wait3A_381 : memref<40xi32, #tpu.memory_space<hbm>>) dst(%dma_wait3A_378 : memref<40xi32, #tpu.memory_space<vmem>>)
    %dma_start3A_382 = arith.constant 0 : i32
    %dma_start3A_383 = arith.constant 0 : i32
    %dma_start3A_384 = arith.constant 0 : i32
    %dma_start3A_385 = arith.constant 0 : i32
    %dma_start3A_386 = arith.constant 0 : i32
    %dma_start3A_387 = tpu.memref_slice %arg8[%dma_start3A_382, %dma_start3A_385, %dma_start3A_386] : memref<4x40x128xf32, #tpu.memory_space<vmem>> -> memref<1x40x128xf32, #tpu.memory_space<vmem>>
    %dma_start3A_388 = tpu.memref_squeeze %dma_start3A_387 : memref<1x40x128xf32, #tpu.memory_space<vmem>> -> memref<40x128xf32, #tpu.memory_space<vmem>>
    %dma_start3A_389 = arith.constant 0 : i32
    %dma_start3A_390 = tpu.memref_slice %arg7[%dma_start3A_383, %dma_start3A_389] : memref<4x40xi32, #tpu.memory_space<vmem>> -> memref<1x40xi32, #tpu.memory_space<vmem>>
    %dma_start3A_391 = tpu.memref_squeeze %dma_start3A_390 : memref<1x40xi32, #tpu.memory_space<vmem>> -> memref<40xi32, #tpu.memory_space<vmem>>
    %dma_start3A_392 = arith.constant 0 : i32
    %dma_start3A_393 = arith.constant 0 : i32
    %dma_start3A_394 = tpu.memref_slice %arg9[%dma_start3A_392, %dma_start3A_393] : memref<10240x128xf32, #tpu.memory_space<vmem_shared>> -> memref<10240x128xf32, #tpu.memory_space<vmem_shared>>
    %dma_start3A_395 = tpu.memref_slice %arg13[%dma_start3A_384] : memref<4x!tpu.dma_semaphore, #tpu.memory_space<semaphore_mem>> -> memref<1x!tpu.dma_semaphore, #tpu.memory_space<semaphore_mem>>
    %dma_start3A_396 = tpu.memref_squeeze %dma_start3A_395 : memref<1x!tpu.dma_semaphore, #tpu.memory_space<semaphore_mem>> -> memref<!tpu.dma_semaphore, #tpu.memory_space<semaphore_mem>>
    tpu.enqueue_indirect_dma source(%dma_start3A_388 : memref<40x128xf32, #tpu.memory_space<vmem>>) target(%dma_start3A_394 : memref<10240x128xf32, #tpu.memory_space<vmem_shared>>) offsets(%dma_start3A_391 : memref<40xi32, #tpu.memory_space<vmem>>) semaphore(%dma_start3A_396 : memref<!tpu.dma_semaphore, #tpu.memory_space<semaphore_mem>>) {add = true}
    %dma_wait3A_397 = arith.constant 1 : i32
    %dma_wait3A_398 = arith.constant 1 : i32
    %dma_wait3A_399 = arith.constant 1 : i32
    %dma_wait3A_400 = arith.constant 0 : i32
    %dma_wait3A_401 = arith.constant 0 : i32
    %dma_wait3A_402 = tpu.memref_slice %arg8[%dma_wait3A_398, %dma_wait3A_400, %dma_wait3A_401] : memref<4x40x128xf32, #tpu.memory_space<vmem>> -> memref<1x40x128xf32, #tpu.memory_space<vmem>>
    %dma_wait3A_403 = tpu.memref_squeeze %dma_wait3A_402 : memref<1x40x128xf32, #tpu.memory_space<vmem>> -> memref<40x128xf32, #tpu.memory_space<vmem>>
    %dma_wait3A_404 = arith.constant 0 : i32
    %dma_wait3A_405 = tpu.memref_slice %arg6[%dma_wait3A_397, %dma_wait3A_404] : memref<4x40xi32, #tpu.memory_space<vmem>> -> memref<1x40xi32, #tpu.memory_space<vmem>>
    %dma_wait3A_406 = tpu.memref_squeeze %dma_wait3A_405 : memref<1x40xi32, #tpu.memory_space<vmem>> -> memref<40xi32, #tpu.memory_space<vmem>>
    %dma_wait3A_407 = arith.constant 0 : i32
    %dma_wait3A_408 = arith.constant 0 : i32
    %dma_wait3A_409 = tpu.memref_slice %arg2[%dma_wait3A_407, %dma_wait3A_408] : memref<10240x128xf32, #tpu.memory_space<hbm>> -> memref<10240x128xf32, #tpu.memory_space<hbm>>
    %dma_wait3A_410 = tpu.memref_slice %arg12[%dma_wait3A_399] : memref<4x!tpu.dma_semaphore, #tpu.memory_space<semaphore_mem>> -> memref<1x!tpu.dma_semaphore, #tpu.memory_space<semaphore_mem>>
    %dma_wait3A_411 = tpu.memref_squeeze %dma_wait3A_410 : memref<1x!tpu.dma_semaphore, #tpu.memory_space<semaphore_mem>> -> memref<!tpu.dma_semaphore, #tpu.memory_space<semaphore_mem>>
    tpu.wait_indirect_dma semaphore(%dma_wait3A_411 : memref<!tpu.dma_semaphore, #tpu.memory_space<semaphore_mem>>) src(%dma_wait3A_409 : memref<10240x128xf32, #tpu.memory_space<hbm>>) dst(%dma_wait3A_403 : memref<40x128xf32, #tpu.memory_space<vmem>>)
    %dma_wait3A_412 = arith.constant 249 : i32
    %dma_wait3A_413 = arith.constant 1 : i32
    %dma_wait3A_414 = arith.constant 1 : i32
    %dma_wait3A_415 = arith.constant 0 : i32
    %dma_wait3A_416 = tpu.memref_slice %arg7[%dma_wait3A_413, %dma_wait3A_415] : memref<4x40xi32, #tpu.memory_space<vmem>> -> memref<1x40xi32, #tpu.memory_space<vmem>>
    %dma_wait3A_417 = tpu.memref_squeeze %dma_wait3A_416 : memref<1x40xi32, #tpu.memory_space<vmem>> -> memref<40xi32, #tpu.memory_space<vmem>>
    %dma_wait3A_418 = arith.constant 0 : i32
    %dma_wait3A_419 = tpu.memref_slice %arg4[%add3A, %dma_wait3A_412, %dma_wait3A_418] : memref<32x250x40xi32, #tpu.memory_space<hbm>> -> memref<1x1x40xi32, #tpu.memory_space<hbm>>
    %dma_wait3A_420 = tpu.memref_squeeze %dma_wait3A_419 : memref<1x1x40xi32, #tpu.memory_space<hbm>> -> memref<40xi32, #tpu.memory_space<hbm>>
    %dma_wait3A_421 = tpu.memref_slice %arg11[%dma_wait3A_414] : memref<4x!tpu.dma_semaphore, #tpu.memory_space<semaphore_mem>> -> memref<1x!tpu.dma_semaphore, #tpu.memory_space<semaphore_mem>>
    %dma_wait3A_422 = tpu.memref_squeeze %dma_wait3A_421 : memref<1x!tpu.dma_semaphore, #tpu.memory_space<semaphore_mem>> -> memref<!tpu.dma_semaphore, #tpu.memory_space<semaphore_mem>>
    %dma_wait3A_423 = arith.constant 0 : i32
    %dma_wait3A_424 = tpu.memref_slice %arg7[%dma_wait3A_413, %dma_wait3A_423] : memref<4x40xi32, #tpu.memory_space<vmem>> -> memref<1x40xi32, #tpu.memory_space<vmem>>
    %dma_wait3A_425 = tpu.memref_squeeze %dma_wait3A_424 : memref<1x40xi32, #tpu.memory_space<vmem>> -> memref<40xi32, #tpu.memory_space<vmem>>
    %dma_wait3A_426 = arith.constant 0 : i32
    %dma_wait3A_427 = tpu.memref_slice %arg4[%add3A, %dma_wait3A_412, %dma_wait3A_426] : memref<32x250x40xi32, #tpu.memory_space<hbm>> -> memref<1x1x40xi32, #tpu.memory_space<hbm>>
    %dma_wait3A_428 = tpu.memref_squeeze %dma_wait3A_427 : memref<1x1x40xi32, #tpu.memory_space<hbm>> -> memref<40xi32, #tpu.memory_space<hbm>>
    tpu.wait_dma2 semaphore(%dma_wait3A_422 : memref<!tpu.dma_semaphore, #tpu.memory_space<semaphore_mem>>) src(%dma_wait3A_428 : memref<40xi32, #tpu.memory_space<hbm>>) dst(%dma_wait3A_425 : memref<40xi32, #tpu.memory_space<vmem>>)
    %dma_start3A_429 = arith.constant 1 : i32
    %dma_start3A_430 = arith.constant 1 : i32
    %dma_start3A_431 = arith.constant 1 : i32
    %dma_start3A_432 = arith.constant 0 : i32
    %dma_start3A_433 = arith.constant 0 : i32
    %dma_start3A_434 = tpu.memref_slice %arg8[%dma_start3A_429, %dma_start3A_432, %dma_start3A_433] : memref<4x40x128xf32, #tpu.memory_space<vmem>> -> memref<1x40x128xf32, #tpu.memory_space<vmem>>
    %dma_start3A_435 = tpu.memref_squeeze %dma_start3A_434 : memref<1x40x128xf32, #tpu.memory_space<vmem>> -> memref<40x128xf32, #tpu.memory_space<vmem>>
    %dma_start3A_436 = arith.constant 0 : i32
    %dma_start3A_437 = tpu.memref_slice %arg7[%dma_start3A_430, %dma_start3A_436] : memref<4x40xi32, #tpu.memory_space<vmem>> -> memref<1x40xi32, #tpu.memory_space<vmem>>
    %dma_start3A_438 = tpu.memref_squeeze %dma_start3A_437 : memref<1x40xi32, #tpu.memory_space<vmem>> -> memref<40xi32, #tpu.memory_space<vmem>>
    %dma_start3A_439 = arith.constant 0 : i32
    %dma_start3A_440 = arith.constant 0 : i32
    %dma_start3A_441 = tpu.memref_slice %arg9[%dma_start3A_439, %dma_start3A_440] : memref<10240x128xf32, #tpu.memory_space<vmem_shared>> -> memref<10240x128xf32, #tpu.memory_space<vmem_shared>>
    %dma_start3A_442 = tpu.memref_slice %arg13[%dma_start3A_431] : memref<4x!tpu.dma_semaphore, #tpu.memory_space<semaphore_mem>> -> memref<1x!tpu.dma_semaphore, #tpu.memory_space<semaphore_mem>>
    %dma_start3A_443 = tpu.memref_squeeze %dma_start3A_442 : memref<1x!tpu.dma_semaphore, #tpu.memory_space<semaphore_mem>> -> memref<!tpu.dma_semaphore, #tpu.memory_space<semaphore_mem>>
    tpu.enqueue_indirect_dma source(%dma_start3A_435 : memref<40x128xf32, #tpu.memory_space<vmem>>) target(%dma_start3A_441 : memref<10240x128xf32, #tpu.memory_space<vmem_shared>>) offsets(%dma_start3A_438 : memref<40xi32, #tpu.memory_space<vmem>>) semaphore(%dma_start3A_443 : memref<!tpu.dma_semaphore, #tpu.memory_space<semaphore_mem>>) {add = true}
    %dma_wait3A_444 = arith.constant 0 : i32
    %dma_wait3A_445 = arith.constant 0 : i32
    %dma_wait3A_446 = arith.constant 0 : i32
    %dma_wait3A_447 = arith.constant 0 : i32
    %dma_wait3A_448 = arith.constant 0 : i32
    %dma_wait3A_449 = tpu.memref_slice %arg8[%dma_wait3A_444, %dma_wait3A_447, %dma_wait3A_448] : memref<4x40x128xf32, #tpu.memory_space<vmem>> -> memref<1x40x128xf32, #tpu.memory_space<vmem>>
    %dma_wait3A_450 = tpu.memref_squeeze %dma_wait3A_449 : memref<1x40x128xf32, #tpu.memory_space<vmem>> -> memref<40x128xf32, #tpu.memory_space<vmem>>
    %dma_wait3A_451 = arith.constant 0 : i32
    %dma_wait3A_452 = tpu.memref_slice %arg7[%dma_wait3A_445, %dma_wait3A_451] : memref<4x40xi32, #tpu.memory_space<vmem>> -> memref<1x40xi32, #tpu.memory_space<vmem>>
    %dma_wait3A_453 = tpu.memref_squeeze %dma_wait3A_452 : memref<1x40xi32, #tpu.memory_space<vmem>> -> memref<40xi32, #tpu.memory_space<vmem>>
    %dma_wait3A_454 = arith.constant 0 : i32
    %dma_wait3A_455 = arith.constant 0 : i32
    %dma_wait3A_456 = tpu.memref_slice %arg9[%dma_wait3A_454, %dma_wait3A_455] : memref<10240x128xf32, #tpu.memory_space<vmem_shared>> -> memref<10240x128xf32, #tpu.memory_space<vmem_shared>>
    %dma_wait3A_457 = tpu.memref_slice %arg13[%dma_wait3A_446] : memref<4x!tpu.dma_semaphore, #tpu.memory_space<semaphore_mem>> -> memref<1x!tpu.dma_semaphore, #tpu.memory_space<semaphore_mem>>
    %dma_wait3A_458 = tpu.memref_squeeze %dma_wait3A_457 : memref<1x!tpu.dma_semaphore, #tpu.memory_space<semaphore_mem>> -> memref<!tpu.dma_semaphore, #tpu.memory_space<semaphore_mem>>
    tpu.wait_indirect_dma semaphore(%dma_wait3A_458 : memref<!tpu.dma_semaphore, #tpu.memory_space<semaphore_mem>>) src(%dma_wait3A_450 : memref<40x128xf32, #tpu.memory_space<vmem>>) dst(%dma_wait3A_456 : memref<10240x128xf32, #tpu.memory_space<vmem_shared>>)
    %dma_wait3A_459 = arith.constant 1 : i32
    %dma_wait3A_460 = arith.constant 1 : i32
    %dma_wait3A_461 = arith.constant 1 : i32
    %dma_wait3A_462 = arith.constant 0 : i32
    %dma_wait3A_463 = arith.constant 0 : i32
    %dma_wait3A_464 = tpu.memref_slice %arg8[%dma_wait3A_459, %dma_wait3A_462, %dma_wait3A_463] : memref<4x40x128xf32, #tpu.memory_space<vmem>> -> memref<1x40x128xf32, #tpu.memory_space<vmem>>
    %dma_wait3A_465 = tpu.memref_squeeze %dma_wait3A_464 : memref<1x40x128xf32, #tpu.memory_space<vmem>> -> memref<40x128xf32, #tpu.memory_space<vmem>>
    %dma_wait3A_466 = arith.constant 0 : i32
    %dma_wait3A_467 = tpu.memref_slice %arg7[%dma_wait3A_460, %dma_wait3A_466] : memref<4x40xi32, #tpu.memory_space<vmem>> -> memref<1x40xi32, #tpu.memory_space<vmem>>
    %dma_wait3A_468 = tpu.memref_squeeze %dma_wait3A_467 : memref<1x40xi32, #tpu.memory_space<vmem>> -> memref<40xi32, #tpu.memory_space<vmem>>
    %dma_wait3A_469 = arith.constant 0 : i32
    %dma_wait3A_470 = arith.constant 0 : i32
    %dma_wait3A_471 = tpu.memref_slice %arg9[%dma_wait3A_469, %dma_wait3A_470] : memref<10240x128xf32, #tpu.memory_space<vmem_shared>> -> memref<10240x128xf32, #tpu.memory_space<vmem_shared>>
    %dma_wait3A_472 = tpu.memref_slice %arg13[%dma_wait3A_461] : memref<4x!tpu.dma_semaphore, #tpu.memory_space<semaphore_mem>> -> memref<1x!tpu.dma_semaphore, #tpu.memory_space<semaphore_mem>>
    %dma_wait3A_473 = tpu.memref_squeeze %dma_wait3A_472 : memref<1x!tpu.dma_semaphore, #tpu.memory_space<semaphore_mem>> -> memref<!tpu.dma_semaphore, #tpu.memory_space<semaphore_mem>>
    tpu.wait_indirect_dma semaphore(%dma_wait3A_473 : memref<!tpu.dma_semaphore, #tpu.memory_space<semaphore_mem>>) src(%dma_wait3A_465 : memref<40x128xf32, #tpu.memory_space<vmem>>) dst(%dma_wait3A_471 : memref<10240x128xf32, #tpu.memory_space<vmem_shared>>)
    %barrier3A_474 = arith.constant 0 : index
    tpu.barrier barrier_id(%barrier3A_474)
    %mul3A_475 = arith.constant 640 : i32
    %mul3A_476 = arith.muli %arg1, %mul3A_475 : i32
    %mul3A_477 = arith.constant 640 : i32
    %mul3A_478 = arith.muli %arg1, %mul3A_477 : i32
    "tpu.region"() ({
      %run_scoped3A = tpu.sem_alloc : memref<!tpu.dma_semaphore, #tpu.memory_space<semaphore_mem>>
      %dma_start3A_479 = arith.constant 0 : i32
      %dma_start3A_480 = tpu.memref_slice %arg5[%arg0, %mul3A_478, %dma_start3A_479] : memref<2x10240x128xf32, #tpu.memory_space<hbm>> -> memref<1x640x128xf32, #tpu.memory_space<hbm>>
      %dma_start3A_481 = tpu.memref_squeeze %dma_start3A_480 : memref<1x640x128xf32, #tpu.memory_space<hbm>> -> memref<640x128xf32, #tpu.memory_space<hbm>>
      %dma_start3A_482 = arith.constant 0 : i32
      %dma_start3A_483 = tpu.memref_slice %arg9[%mul3A_476, %dma_start3A_482] : memref<10240x128xf32, #tpu.memory_space<vmem_shared>> -> memref<640x128xf32, #tpu.memory_space<vmem_shared>>
      tpu.enqueue_dma source(%dma_start3A_483 : memref<640x128xf32, #tpu.memory_space<vmem_shared>>) target(%dma_start3A_481 : memref<640x128xf32, #tpu.memory_space<hbm>>) target_semaphore(%run_scoped3A : memref<!tpu.dma_semaphore, #tpu.memory_space<semaphore_mem>>)
      %dma_wait3A_484 = arith.constant 0 : i32
      %dma_wait3A_485 = tpu.memref_slice %arg5[%arg0, %mul3A_478, %dma_wait3A_484] : memref<2x10240x128xf32, #tpu.memory_space<hbm>> -> memref<1x640x128xf32, #tpu.memory_space<hbm>>
      %dma_wait3A_486 = tpu.memref_squeeze %dma_wait3A_485 : memref<1x640x128xf32, #tpu.memory_space<hbm>> -> memref<640x128xf32, #tpu.memory_space<hbm>>
      %dma_wait3A_487 = arith.constant 0 : i32
      %dma_wait3A_488 = tpu.memref_slice %arg9[%mul3A_476, %dma_wait3A_487] : memref<10240x128xf32, #tpu.memory_space<vmem_shared>> -> memref<640x128xf32, #tpu.memory_space<vmem_shared>>
      tpu.wait_dma2 semaphore(%run_scoped3A : memref<!tpu.dma_semaphore, #tpu.memory_space<semaphore_mem>>) src(%dma_wait3A_488 : memref<640x128xf32, #tpu.memory_space<vmem_shared>>) dst(%dma_wait3A_486 : memref<640x128xf32, #tpu.memory_space<hbm>>)
      tpu.yield
    }) : () -> ()
    return
  }
}

#map = affine_map<(d0, d1) -> (0, 0, 0)>
#map1 = affine_map<(d0, d1) -> (0, 0)>
module attributes {stable_mosaic.version = 14 : i64} {
  func.func @_deg_body(%arg0: i32, %arg1: i32, %arg2: memref<32x250x40xi32, #tpu.memory_space<hbm>>, %arg3: memref<2x10240xf32, #tpu.memory_space<hbm>>, %arg4: memref<250x40xi32, #tpu.memory_space<vmem>>, %arg5: memref<40xf32, #tpu.memory_space<vmem>>, %arg6: memref<640xf32, #tpu.memory_space<vmem>>, %arg7: memref<10240xf32, #tpu.memory_space<vmem_shared>>, %arg8: memref<!tpu.dma_semaphore, #tpu.memory_space<semaphore_mem>>) attributes {dimension_semantics = [#tpu.dimension_semantics<core_parallel>, #tpu.dimension_semantics<subcore_parallel>], iteration_bounds = array<i64: 2, 16>, scalar_prefetch = 0 : i64, scratch_operands = 5 : i64, tpu.core_type = #tpu.core_type<sc_vector_subcore>, window_params = [{transform_indices = #map}, {transform_indices = #map1}]} {
    %mul3A = arith.constant 16 : i32
    %mul3A_0 = arith.muli %arg0, %mul3A : i32
    %add3A = arith.addi %mul3A_0, %arg1 : i32
    %scan3A = arith.constant 0 : i32
    %scan3A_1 = arith.constant 0 : i32
    %scan3A_2 = arith.constant 40 : i32
    %scan3A_3 = arith.addi %scan3A_1, %scan3A_2 : i32
    %scan3A_4 = arith.constant 1 : i32
    scf.for %scan3A_41 = %scan3A_1 to %scan3A_3 step %scan3A_4  : i32 {
      %broadcast_in_dim3A_42 = arith.constant 0.000000e+00 : f32
      %broadcast_in_dim3A_43 = vector.broadcast %broadcast_in_dim3A_42 : f32 to vector<16xf32>
      %mul3A_44 = arith.constant 16 : i32
      %mul3A_45 = arith.muli %scan3A_41, %mul3A_44 : i32
      %swap3A_46 = arith.index_cast %mul3A_45 : i32 to index
      %swap3A_47 = tpu.vector_load %arg6[%swap3A_46] {strides = array<i32>} : memref<640xf32, #tpu.memory_space<vmem>>, vector<16xf32>,
      %swap3A_48 = vector.shape_cast %swap3A_47 : vector<16xf32> to vector<16xf32>
      %swap3A_49 = vector.shape_cast %broadcast_in_dim3A_43 : vector<16xf32> to vector<16xf32>
      tpu.vector_store %arg6[%swap3A_46], %swap3A_49 {strides = array<i32>} : memref<640xf32, #tpu.memory_space<vmem>>, vector<16xf32>,
    }
    %scan3A_5 = arith.constant 40 : i32
    %broadcast_in_dim3A = arith.constant 1.000000e+00 : f32
    %broadcast_in_dim3A_6 = vector.broadcast %broadcast_in_dim3A : f32 to vector<16xf32>
    %swap3A = arith.constant 0 : index
    %swap3A_7 = tpu.vector_load %arg5[%swap3A] {strides = array<i32>} : memref<40xf32, #tpu.memory_space<vmem>>, vector<16xf32>,
    %swap3A_8 = vector.shape_cast %swap3A_7 : vector<16xf32> to vector<16xf32>
    %swap3A_9 = vector.shape_cast %broadcast_in_dim3A_6 : vector<16xf32> to vector<16xf32>
    tpu.vector_store %arg5[%swap3A], %swap3A_9 {strides = array<i32>} : memref<40xf32, #tpu.memory_space<vmem>>, vector<16xf32>,
    %broadcast_in_dim3A_10 = arith.constant 1.000000e+00 : f32
    %broadcast_in_dim3A_11 = vector.broadcast %broadcast_in_dim3A_10 : f32 to vector<16xf32>
    %swap3A_12 = arith.constant 16 : index
    %swap3A_13 = tpu.vector_load %arg5[%swap3A_12] {strides = array<i32>} : memref<40xf32, #tpu.memory_space<vmem>>, vector<16xf32>,
    %swap3A_14 = vector.shape_cast %swap3A_13 : vector<16xf32> to vector<16xf32>
    %swap3A_15 = vector.shape_cast %broadcast_in_dim3A_11 : vector<16xf32> to vector<16xf32>
    tpu.vector_store %arg5[%swap3A_12], %swap3A_15 {strides = array<i32>} : memref<40xf32, #tpu.memory_space<vmem>>, vector<16xf32>,
    %broadcast_in_dim3A_16 = arith.constant 1.000000e+00 : f32
    %broadcast_in_dim3A_17 = vector.broadcast %broadcast_in_dim3A_16 : f32 to vector<16xf32>
    %swap3A_18 = arith.constant 24 : index
    %swap3A_19 = tpu.vector_load %arg5[%swap3A_18] {strides = array<i32>} : memref<40xf32, #tpu.memory_space<vmem>>, vector<16xf32>,
    %swap3A_20 = vector.shape_cast %swap3A_19 : vector<16xf32> to vector<16xf32>
    %swap3A_21 = vector.shape_cast %broadcast_in_dim3A_17 : vector<16xf32> to vector<16xf32>
    tpu.vector_store %arg5[%swap3A_18], %swap3A_21 {strides = array<i32>} : memref<40xf32, #tpu.memory_space<vmem>>, vector<16xf32>,
    "tpu.region"() ({
      %run_scoped3A = tpu.sem_alloc : memref<!tpu.dma_semaphore, #tpu.memory_space<semaphore_mem>>
      %dma_start3A = arith.constant 0 : i32
      %dma_start3A_41 = arith.constant 0 : i32
      %dma_start3A_42 = tpu.memref_slice %arg2[%add3A, %dma_start3A, %dma_start3A_41] : memref<32x250x40xi32, #tpu.memory_space<hbm>> -> memref<1x250x40xi32, #tpu.memory_space<hbm>>
      %dma_start3A_43 = tpu.memref_squeeze %dma_start3A_42 : memref<1x250x40xi32, #tpu.memory_space<hbm>> -> memref<250x40xi32, #tpu.memory_space<hbm>>
      %dma_start3A_44 = arith.constant 0 : i32
      %dma_start3A_45 = arith.constant 0 : i32
      %dma_start3A_46 = tpu.memref_slice %arg2[%add3A, %dma_start3A_44, %dma_start3A_45] : memref<32x250x40xi32, #tpu.memory_space<hbm>> -> memref<1x250x40xi32, #tpu.memory_space<hbm>>
      %dma_start3A_47 = tpu.memref_squeeze %dma_start3A_46 : memref<1x250x40xi32, #tpu.memory_space<hbm>> -> memref<250x40xi32, #tpu.memory_space<hbm>>
      tpu.enqueue_dma source(%dma_start3A_47 : memref<250x40xi32, #tpu.memory_space<hbm>>) target(%arg4 : memref<250x40xi32, #tpu.memory_space<vmem>>) target_semaphore(%run_scoped3A : memref<!tpu.dma_semaphore, #tpu.memory_space<semaphore_mem>>)
      %dma_wait3A = arith.constant 0 : i32
      %dma_wait3A_48 = arith.constant 0 : i32
      %dma_wait3A_49 = tpu.memref_slice %arg2[%add3A, %dma_wait3A, %dma_wait3A_48] : memref<32x250x40xi32, #tpu.memory_space<hbm>> -> memref<1x250x40xi32, #tpu.memory_space<hbm>>
      %dma_wait3A_50 = tpu.memref_squeeze %dma_wait3A_49 : memref<1x250x40xi32, #tpu.memory_space<hbm>> -> memref<250x40xi32, #tpu.memory_space<hbm>>
      %dma_wait3A_51 = arith.constant 0 : i32
      %dma_wait3A_52 = arith.constant 0 : i32
      %dma_wait3A_53 = tpu.memref_slice %arg2[%add3A, %dma_wait3A_51, %dma_wait3A_52] : memref<32x250x40xi32, #tpu.memory_space<hbm>> -> memref<1x250x40xi32, #tpu.memory_space<hbm>>
      %dma_wait3A_54 = tpu.memref_squeeze %dma_wait3A_53 : memref<1x250x40xi32, #tpu.memory_space<hbm>> -> memref<250x40xi32, #tpu.memory_space<hbm>>
      tpu.wait_dma2 semaphore(%run_scoped3A : memref<!tpu.dma_semaphore, #tpu.memory_space<semaphore_mem>>) src(%dma_wait3A_54 : memref<250x40xi32, #tpu.memory_space<hbm>>) dst(%arg4 : memref<250x40xi32, #tpu.memory_space<vmem>>)
      tpu.yield
    }) : () -> ()
    %mul3A_22 = arith.constant 640 : i32
    %mul3A_23 = arith.muli %arg1, %mul3A_22 : i32
    "tpu.region"() ({
      %run_scoped3A = tpu.sem_alloc : memref<!tpu.dma_semaphore, #tpu.memory_space<semaphore_mem>>
      %dma_start3A = tpu.memref_slice %arg7[%mul3A_23] : memref<10240xf32, #tpu.memory_space<vmem_shared>> -> memref<640xf32, #tpu.memory_space<vmem_shared>>
      %dma_start3A_41 = tpu.memref_slice %arg7[%mul3A_23] : memref<10240xf32, #tpu.memory_space<vmem_shared>> -> memref<640xf32, #tpu.memory_space<vmem_shared>>
      tpu.enqueue_dma source(%arg6 : memref<640xf32, #tpu.memory_space<vmem>>) target(%dma_start3A_41 : memref<640xf32, #tpu.memory_space<vmem_shared>>) target_semaphore(%run_scoped3A : memref<!tpu.dma_semaphore, #tpu.memory_space<semaphore_mem>>)
      %dma_wait3A = tpu.memref_slice %arg7[%mul3A_23] : memref<10240xf32, #tpu.memory_space<vmem_shared>> -> memref<640xf32, #tpu.memory_space<vmem_shared>>
      %dma_wait3A_42 = tpu.memref_slice %arg7[%mul3A_23] : memref<10240xf32, #tpu.memory_space<vmem_shared>> -> memref<640xf32, #tpu.memory_space<vmem_shared>>
      tpu.wait_dma2 semaphore(%run_scoped3A : memref<!tpu.dma_semaphore, #tpu.memory_space<semaphore_mem>>) src(%arg6 : memref<640xf32, #tpu.memory_space<vmem>>) dst(%dma_wait3A_42 : memref<640xf32, #tpu.memory_space<vmem_shared>>)
      tpu.yield
    }) : () -> ()
    %barrier3A = arith.constant 0 : index
    tpu.barrier barrier_id(%barrier3A)
    %scan3A_24 = arith.constant 0 : i32
    %scan3A_25 = arith.constant 0 : i32
    %scan3A_26 = arith.constant 250 : i32
    %scan3A_27 = arith.addi %scan3A_25, %scan3A_26 : i32
    %scan3A_28 = arith.constant 1 : i32
    scf.for %scan3A_41 = %scan3A_25 to %scan3A_27 step %scan3A_28  : i32 {
      %dma_start3A = arith.constant 0 : i32
      %dma_start3A_42 = tpu.memref_slice %arg4[%scan3A_41, %dma_start3A] : memref<250x40xi32, #tpu.memory_space<vmem>> -> memref<1x40xi32, #tpu.memory_space<vmem>>
      %dma_start3A_43 = tpu.memref_squeeze %dma_start3A_42 : memref<1x40xi32, #tpu.memory_space<vmem>> -> memref<40xi32, #tpu.memory_space<vmem>>
      %dma_start3A_44 = arith.constant 0 : i32
      %dma_start3A_45 = tpu.memref_slice %arg7[%dma_start3A_44] : memref<10240xf32, #tpu.memory_space<vmem_shared>> -> memref<10240xf32, #tpu.memory_space<vmem_shared>>
      tpu.enqueue_indirect_dma source(%arg5 : memref<40xf32, #tpu.memory_space<vmem>>) target(%dma_start3A_45 : memref<10240xf32, #tpu.memory_space<vmem_shared>>) offsets(%dma_start3A_43 : memref<40xi32, #tpu.memory_space<vmem>>) semaphore(%arg8 : memref<!tpu.dma_semaphore, #tpu.memory_space<semaphore_mem>>) {add = true}
    }
    %scan3A_29 = arith.constant 250 : i32
    %scan3A_30 = arith.constant 0 : i32
    %scan3A_31 = arith.constant 0 : i32
    %scan3A_32 = arith.constant 250 : i32
    %scan3A_33 = arith.addi %scan3A_31, %scan3A_32 : i32
    %scan3A_34 = arith.constant 1 : i32
    scf.for %scan3A_41 = %scan3A_31 to %scan3A_33 step %scan3A_34  : i32 {
      %dma_wait3A = arith.constant 0 : i32
      %dma_wait3A_42 = tpu.memref_slice %arg4[%scan3A_41, %dma_wait3A] : memref<250x40xi32, #tpu.memory_space<vmem>> -> memref<1x40xi32, #tpu.memory_space<vmem>>
      %dma_wait3A_43 = tpu.memref_squeeze %dma_wait3A_42 : memref<1x40xi32, #tpu.memory_space<vmem>> -> memref<40xi32, #tpu.memory_space<vmem>>
      %dma_wait3A_44 = arith.constant 0 : i32
      %dma_wait3A_45 = tpu.memref_slice %arg7[%dma_wait3A_44] : memref<10240xf32, #tpu.memory_space<vmem_shared>> -> memref<10240xf32, #tpu.memory_space<vmem_shared>>
      tpu.wait_indirect_dma semaphore(%arg8 : memref<!tpu.dma_semaphore, #tpu.memory_space<semaphore_mem>>) src(%arg5 : memref<40xf32, #tpu.memory_space<vmem>>) dst(%dma_wait3A_45 : memref<10240xf32, #tpu.memory_space<vmem_shared>>)
    }
    %scan3A_35 = arith.constant 250 : i32
    %barrier3A_36 = arith.constant 0 : index
    tpu.barrier barrier_id(%barrier3A_36)
    %mul3A_37 = arith.constant 640 : i32
    %mul3A_38 = arith.muli %arg1, %mul3A_37 : i32
    %mul3A_39 = arith.constant 640 : i32
    %mul3A_40 = arith.muli %arg1, %mul3A_39 : i32
    "tpu.region"() ({
      %run_scoped3A = tpu.sem_alloc : memref<!tpu.dma_semaphore, #tpu.memory_space<semaphore_mem>>
      %dma_start3A = tpu.memref_slice %arg3[%arg0, %mul3A_40] : memref<2x10240xf32, #tpu.memory_space<hbm>> -> memref<1x640xf32, #tpu.memory_space<hbm>>
      %dma_start3A_41 = tpu.memref_squeeze %dma_start3A : memref<1x640xf32, #tpu.memory_space<hbm>> -> memref<640xf32, #tpu.memory_space<hbm>>
      %dma_start3A_42 = tpu.memref_slice %arg7[%mul3A_38] : memref<10240xf32, #tpu.memory_space<vmem_shared>> -> memref<640xf32, #tpu.memory_space<vmem_shared>>
      tpu.enqueue_dma source(%dma_start3A_42 : memref<640xf32, #tpu.memory_space<vmem_shared>>) target(%dma_start3A_41 : memref<640xf32, #tpu.memory_space<hbm>>) target_semaphore(%run_scoped3A : memref<!tpu.dma_semaphore, #tpu.memory_space<semaphore_mem>>)
      %dma_wait3A = tpu.memref_slice %arg3[%arg0, %mul3A_40] : memref<2x10240xf32, #tpu.memory_space<hbm>> -> memref<1x640xf32, #tpu.memory_space<hbm>>
      %dma_wait3A_43 = tpu.memref_squeeze %dma_wait3A : memref<1x640xf32, #tpu.memory_space<hbm>> -> memref<640xf32, #tpu.memory_space<hbm>>
      %dma_wait3A_44 = tpu.memref_slice %arg7[%mul3A_38] : memref<10240xf32, #tpu.memory_space<vmem_shared>> -> memref<640xf32, #tpu.memory_space<vmem_shared>>
      tpu.wait_dma2 semaphore(%run_scoped3A : memref<!tpu.dma_semaphore, #tpu.memory_space<semaphore_mem>>) src(%dma_wait3A_44 : memref<640xf32, #tpu.memory_space<vmem_shared>>) dst(%dma_wait3A_43 : memref<640xf32, #tpu.memory_space<hbm>>)
      tpu.yield
    }) : () -> ()
    return
  }
}

module attributes {stable_mosaic.version = 14 : i64} {
  func.func @_tc1_body(%arg0: i32, %arg1: memref<2x1024xf32, #tpu.memory_space<vmem>>, %arg2: memref<1024x128xf32, #tpu.memory_space<vmem>>, %arg3: memref<128x128xf32, #tpu.memory_space<vmem>>, %arg4: memref<1024x128xf32, #tpu.memory_space<vmem>>) attributes {dimension_semantics = [#tpu.dimension_semantics<arbitrary>], iteration_bounds = array<i64: 10>, scalar_prefetch = 0 : i64, scratch_operands = 0 : i64, tpu.core_type = #tpu.core_type<tc>, window_params = [{transform_indices = @transform_0, window_bounds = array<i64: 2, 1024>}, {transform_indices = @transform_1, window_bounds = array<i64: 1024, 128>}, {pipeline_mode = #tpu.pipeline_mode<synchronous>, transform_indices = @transform_2, window_bounds = array<i64: 128, 128>}, {transform_indices = @transform_3, window_bounds = array<i64: 1024, 128>}]} {
    %get3A = arith.constant 0 : index
    %get3A_0 = arith.constant 0 : index
    %get3A_1 = vector.load %arg1[%get3A, %get3A_0] : memref<2x1024xf32, #tpu.memory_space<vmem>>, vector<2x1024xf32>
    %reduce_sum3A = arith.constant dense<0.000000e+00> : vector<1024xf32>
    %reduce_sum3A_2 = vector.multi_reduction <add>, %get3A_1, %reduce_sum3A [0] : vector<2x1024xf32> to vector<1024xf32>
    %add3A = arith.constant 1.000000e+00 : f32
    %add3A_3 = vector.broadcast %add3A : f32 to vector<1024xf32>
    %add3A_4 = arith.addf %reduce_sum3A_2, %add3A_3 : vector<1024xf32>
    %rsqrt3A = math.rsqrt %add3A_4 : vector<1024xf32>
    %get3A_5 = arith.constant 0 : index
    %get3A_6 = arith.constant 0 : index
    %get3A_7 = vector.load %arg2[%get3A_5, %get3A_6] : memref<1024x128xf32, #tpu.memory_space<vmem>>, vector<1024x128xf32>
    %get3A_8 = arith.constant 0 : index
    %get3A_9 = arith.constant 0 : index
    %get3A_10 = vector.load %arg3[%get3A_8, %get3A_9] : memref<128x128xf32, #tpu.memory_space<vmem>>, vector<128x128xf32>
    %dot_general3A = arith.constant dense<0.000000e+00> : vector<1024x128xf32>
    %dot_general3A_11 = tpu.matmul %get3A_7, %get3A_10, %dot_general3A {dimension_numbers = #tpu.dot_dimension_numbers<[1], [0], [0], [1], [0, 0, 1, 1], [], []>, transpose_lhs_hint = false} : vector<1024x128xf32>, vector<128x128xf32>, vector<1024x128xf32> -> vector<1024x128xf32>
    %broadcast_in_dim3A = vector.shape_cast %rsqrt3A : vector<1024xf32> to vector<1024x1xf32>
    %mul3A = vector.broadcast %broadcast_in_dim3A : vector<1024x1xf32> to vector<1024x128xf32>
    %mul3A_12 = arith.mulf %dot_general3A_11, %mul3A : vector<1024x128xf32>
    %swap3A = arith.constant 0 : index
    %swap3A_13 = arith.constant 0 : index
    %swap3A_14 = vector.load %arg4[%swap3A, %swap3A_13] : memref<1024x128xf32, #tpu.memory_space<vmem>>, vector<1024x128xf32>
    tpu.vector_store %arg4[%swap3A, %swap3A_13], %mul3A_12 {strides = array<i32>} : memref<1024x128xf32, #tpu.memory_space<vmem>>, vector<1024x128xf32>,
    return
  }
  func.func @transform_0(%arg0: i32) -> (i32, i32) {
    %c0_i32 = arith.constant 0 : i32
    %c0_i32_0 = arith.constant 0 : i32
    return %c0_i32, %arg0 : i32, i32
  }
  func.func @transform_1(%arg0: i32) -> (i32, i32) {
    %c0_i32 = arith.constant 0 : i32
    %c0_i32_0 = arith.constant 0 : i32
    return %arg0, %c0_i32 : i32, i32
  }
  func.func @transform_2(%arg0: i32) -> (i32, i32) {
    %c0_i32 = arith.constant 0 : i32
    %c0_i32_0 = arith.constant 0 : i32
    %c0_i32_1 = arith.constant 0 : i32
    return %c0_i32, %c0_i32_0 : i32, i32
  }
  func.func @transform_3(%arg0: i32) -> (i32, i32) {
    %c0_i32 = arith.constant 0 : i32
    %c0_i32_0 = arith.constant 0 : i32
    return %arg0, %c0_i32 : i32, i32
  }
}

module attributes {stable_mosaic.version = 14 : i64} {
  func.func @_tc2_body(%arg0: i32, %arg1: memref<2x1024xf32, #tpu.memory_space<vmem>>, %arg2: memref<2x1024x128xf32, #tpu.memory_space<vmem>>, %arg3: memref<1024x128xf32, #tpu.memory_space<vmem>>, %arg4: memref<1x128xf32, #tpu.memory_space<vmem>>, %arg5: memref<1024x128xf32, #tpu.memory_space<vmem>>) attributes {dimension_semantics = [#tpu.dimension_semantics<arbitrary>], iteration_bounds = array<i64: 10>, scalar_prefetch = 0 : i64, scratch_operands = 0 : i64, tpu.core_type = #tpu.core_type<tc>, window_params = [{transform_indices = @transform_0, window_bounds = array<i64: 2, 1024>}, {transform_indices = @transform_1, window_bounds = array<i64: 2, 1024, 128>}, {transform_indices = @transform_2, window_bounds = array<i64: 1024, 128>}, {pipeline_mode = #tpu.pipeline_mode<synchronous>, transform_indices = @transform_3, window_bounds = array<i64: 1, 128>}, {transform_indices = @transform_4, window_bounds = array<i64: 1024, 128>}]} {
    %get3A = arith.constant 0 : index
    %get3A_0 = arith.constant 0 : index
    %get3A_1 = vector.load %arg1[%get3A, %get3A_0] : memref<2x1024xf32, #tpu.memory_space<vmem>>, vector<2x1024xf32>
    %reduce_sum3A = arith.constant dense<0.000000e+00> : vector<1024xf32>
    %reduce_sum3A_2 = vector.multi_reduction <add>, %get3A_1, %reduce_sum3A [0] : vector<2x1024xf32> to vector<1024xf32>
    %add3A = arith.constant 1.000000e+00 : f32
    %add3A_3 = vector.broadcast %add3A : f32 to vector<1024xf32>
    %add3A_4 = arith.addf %reduce_sum3A_2, %add3A_3 : vector<1024xf32>
    %rsqrt3A = math.rsqrt %add3A_4 : vector<1024xf32>
    %get3A_5 = arith.constant 0 : index
    %get3A_6 = arith.constant 0 : index
    %get3A_7 = arith.constant 0 : index
    %get3A_8 = vector.load %arg2[%get3A_5, %get3A_6, %get3A_7] : memref<2x1024x128xf32, #tpu.memory_space<vmem>>, vector<1x1024x128xf32>
    %get3A_9 = vector.shape_cast %get3A_8 : vector<1x1024x128xf32> to vector<1024x128xf32>
    %get3A_10 = arith.constant 1 : index
    %get3A_11 = arith.constant 0 : index
    %get3A_12 = arith.constant 0 : index
    %get3A_13 = vector.load %arg2[%get3A_10, %get3A_11, %get3A_12] : memref<2x1024x128xf32, #tpu.memory_space<vmem>>, vector<1x1024x128xf32>
    %get3A_14 = vector.shape_cast %get3A_13 : vector<1x1024x128xf32> to vector<1024x128xf32>
    %add3A_15 = arith.addf %get3A_9, %get3A_14 : vector<1024x128xf32>
    %get3A_16 = arith.constant 0 : index
    %get3A_17 = arith.constant 0 : index
    %get3A_18 = vector.load %arg3[%get3A_16, %get3A_17] : memref<1024x128xf32, #tpu.memory_space<vmem>>, vector<1024x128xf32>
    %add3A_19 = arith.addf %add3A_15, %get3A_18 : vector<1024x128xf32>
    %broadcast_in_dim3A = vector.shape_cast %rsqrt3A : vector<1024xf32> to vector<1024x1xf32>
    %mul3A = vector.broadcast %broadcast_in_dim3A : vector<1024x1xf32> to vector<1024x128xf32>
    %mul3A_20 = arith.mulf %add3A_19, %mul3A : vector<1024x128xf32>
    %get3A_21 = arith.constant 0 : index
    %get3A_22 = arith.constant 0 : index
    %get3A_23 = vector.load %arg4[%get3A_21, %get3A_22] : memref<1x128xf32, #tpu.memory_space<vmem>>, vector<1x128xf32>
    %add3A_24 = vector.broadcast %get3A_23 : vector<1x128xf32> to vector<1024x128xf32>
    %add3A_25 = arith.addf %mul3A_20, %add3A_24 : vector<1024x128xf32>
    %max3A = arith.constant 0.000000e+00 : f32
    %max3A_26 = vector.broadcast %max3A : f32 to vector<1024x128xf32>
    %max3A_27 = arith.maximumf %add3A_25, %max3A_26 : vector<1024x128xf32>
    %broadcast_in_dim3A_28 = vector.shape_cast %rsqrt3A : vector<1024xf32> to vector<1024x1xf32>
    %mul3A_29 = vector.broadcast %broadcast_in_dim3A_28 : vector<1024x1xf32> to vector<1024x128xf32>
    %mul3A_30 = arith.mulf %max3A_27, %mul3A_29 : vector<1024x128xf32>
    %swap3A = arith.constant 0 : index
    %swap3A_31 = arith.constant 0 : index
    %swap3A_32 = vector.load %arg5[%swap3A, %swap3A_31] : memref<1024x128xf32, #tpu.memory_space<vmem>>, vector<1024x128xf32>
    tpu.vector_store %arg5[%swap3A, %swap3A_31], %mul3A_30 {strides = array<i32>} : memref<1024x128xf32, #tpu.memory_space<vmem>>, vector<1024x128xf32>,
    return
  }
  func.func @transform_0(%arg0: i32) -> (i32, i32) {
    %c0_i32 = arith.constant 0 : i32
    %c0_i32_0 = arith.constant 0 : i32
    return %c0_i32, %arg0 : i32, i32
  }
  func.func @transform_1(%arg0: i32) -> (i32, i32, i32) {
    %c0_i32 = arith.constant 0 : i32
    %c0_i32_0 = arith.constant 0 : i32
    %c0_i32_1 = arith.constant 0 : i32
    return %c0_i32, %arg0, %c0_i32_0 : i32, i32, i32
  }
  func.func @transform_2(%arg0: i32) -> (i32, i32) {
    %c0_i32 = arith.constant 0 : i32
    %c0_i32_0 = arith.constant 0 : i32
    return %arg0, %c0_i32 : i32, i32
  }
  func.func @transform_3(%arg0: i32) -> (i32, i32) {
    %c0_i32 = arith.constant 0 : i32
    %c0_i32_0 = arith.constant 0 : i32
    %c0_i32_1 = arith.constant 0 : i32
    return %c0_i32, %c0_i32_0 : i32, i32
  }
  func.func @transform_4(%arg0: i32) -> (i32, i32) {
    %c0_i32 = arith.constant 0 : i32
    %c0_i32_0 = arith.constant 0 : i32
    return %arg0, %c0_i32 : i32, i32
  }
}

module attributes {stable_mosaic.version = 14 : i64} {
  func.func @_tc3_body(%arg0: i32, %arg1: memref<2x1024xf32, #tpu.memory_space<vmem>>, %arg2: memref<2x1024x128xf32, #tpu.memory_space<vmem>>, %arg3: memref<1024x128xf32, #tpu.memory_space<vmem>>, %arg4: memref<128x16xf32, #tpu.memory_space<vmem>>, %arg5: memref<1x16xf32, #tpu.memory_space<vmem>>, %arg6: memref<16x12xf32, #tpu.memory_space<vmem>>, %arg7: memref<1x12xf32, #tpu.memory_space<vmem>>, %arg8: memref<1024x12xf32, #tpu.memory_space<vmem>>) attributes {dimension_semantics = [#tpu.dimension_semantics<arbitrary>], iteration_bounds = array<i64: 10>, scalar_prefetch = 0 : i64, scratch_operands = 0 : i64, tpu.core_type = #tpu.core_type<tc>, window_params = [{transform_indices = @transform_0, window_bounds = array<i64: 2, 1024>}, {transform_indices = @transform_1, window_bounds = array<i64: 2, 1024, 128>}, {transform_indices = @transform_2, window_bounds = array<i64: 1024, 128>}, {pipeline_mode = #tpu.pipeline_mode<synchronous>, transform_indices = @transform_3, window_bounds = array<i64: 128, 16>}, {pipeline_mode = #tpu.pipeline_mode<synchronous>, transform_indices = @transform_4, window_bounds = array<i64: 1, 16>}, {pipeline_mode = #tpu.pipeline_mode<synchronous>, transform_indices = @transform_5, window_bounds = array<i64: 16, 12>}, {pipeline_mode = #tpu.pipeline_mode<synchronous>, transform_indices = @transform_6, window_bounds = array<i64: 1, 12>}, {transform_indices = @transform_7, window_bounds = array<i64: 1024, 12>}]} {
    %get3A = arith.constant 0 : index
    %get3A_0 = arith.constant 0 : index
    %get3A_1 = vector.load %arg1[%get3A, %get3A_0] : memref<2x1024xf32, #tpu.memory_space<vmem>>, vector<2x1024xf32>
    %reduce_sum3A = arith.constant dense<0.000000e+00> : vector<1024xf32>
    %reduce_sum3A_2 = vector.multi_reduction <add>, %get3A_1, %reduce_sum3A [0] : vector<2x1024xf32> to vector<1024xf32>
    %add3A = arith.constant 1.000000e+00 : f32
    %add3A_3 = vector.broadcast %add3A : f32 to vector<1024xf32>
    %add3A_4 = arith.addf %reduce_sum3A_2, %add3A_3 : vector<1024xf32>
    %rsqrt3A = math.rsqrt %add3A_4 : vector<1024xf32>
    %get3A_5 = arith.constant 0 : index
    %get3A_6 = arith.constant 0 : index
    %get3A_7 = arith.constant 0 : index
    %get3A_8 = vector.load %arg2[%get3A_5, %get3A_6, %get3A_7] : memref<2x1024x128xf32, #tpu.memory_space<vmem>>, vector<1x1024x128xf32>
    %get3A_9 = vector.shape_cast %get3A_8 : vector<1x1024x128xf32> to vector<1024x128xf32>
    %get3A_10 = arith.constant 1 : index
    %get3A_11 = arith.constant 0 : index
    %get3A_12 = arith.constant 0 : index
    %get3A_13 = vector.load %arg2[%get3A_10, %get3A_11, %get3A_12] : memref<2x1024x128xf32, #tpu.memory_space<vmem>>, vector<1x1024x128xf32>
    %get3A_14 = vector.shape_cast %get3A_13 : vector<1x1024x128xf32> to vector<1024x128xf32>
    %add3A_15 = arith.addf %get3A_9, %get3A_14 : vector<1024x128xf32>
    %get3A_16 = arith.constant 0 : index
    %get3A_17 = arith.constant 0 : index
    %get3A_18 = vector.load %arg3[%get3A_16, %get3A_17] : memref<1024x128xf32, #tpu.memory_space<vmem>>, vector<1024x128xf32>
    %add3A_19 = arith.addf %add3A_15, %get3A_18 : vector<1024x128xf32>
    %get3A_20 = arith.constant 0 : index
    %get3A_21 = arith.constant 0 : index
    %get3A_22 = vector.load %arg4[%get3A_20, %get3A_21] : memref<128x16xf32, #tpu.memory_space<vmem>>, vector<128x16xf32>
    %dot_general3A = arith.constant dense<0.000000e+00> : vector<1024x16xf32>
    %dot_general3A_23 = tpu.matmul %add3A_19, %get3A_22, %dot_general3A {dimension_numbers = #tpu.dot_dimension_numbers<[1], [0], [0], [1], [0, 0, 1, 1], [], []>, transpose_lhs_hint = false} : vector<1024x128xf32>, vector<128x16xf32>, vector<1024x16xf32> -> vector<1024x16xf32>
    %broadcast_in_dim3A = vector.shape_cast %rsqrt3A : vector<1024xf32> to vector<1024x1xf32>
    %mul3A = vector.broadcast %broadcast_in_dim3A : vector<1024x1xf32> to vector<1024x16xf32>
    %mul3A_24 = arith.mulf %dot_general3A_23, %mul3A : vector<1024x16xf32>
    %get3A_25 = arith.constant 0 : index
    %get3A_26 = arith.constant 0 : index
    %get3A_27 = vector.load %arg5[%get3A_25, %get3A_26] : memref<1x16xf32, #tpu.memory_space<vmem>>, vector<1x16xf32>
    %add3A_28 = vector.broadcast %get3A_27 : vector<1x16xf32> to vector<1024x16xf32>
    %add3A_29 = arith.addf %mul3A_24, %add3A_28 : vector<1024x16xf32>
    %get3A_30 = arith.constant 0 : index
    %get3A_31 = arith.constant 0 : index
    %get3A_32 = vector.load %arg6[%get3A_30, %get3A_31] : memref<16x12xf32, #tpu.memory_space<vmem>>, vector<16x12xf32>
    %dot_general3A_33 = arith.constant dense<0.000000e+00> : vector<1024x12xf32>
    %dot_general3A_34 = tpu.matmul %add3A_29, %get3A_32, %dot_general3A_33 {dimension_numbers = #tpu.dot_dimension_numbers<[1], [0], [0], [1], [0, 0, 1, 1], [], []>, transpose_lhs_hint = false} : vector<1024x16xf32>, vector<16x12xf32>, vector<1024x12xf32> -> vector<1024x12xf32>
    %get3A_35 = arith.constant 0 : index
    %get3A_36 = arith.constant 0 : index
    %get3A_37 = vector.load %arg7[%get3A_35, %get3A_36] : memref<1x12xf32, #tpu.memory_space<vmem>>, vector<1x12xf32>
    %add3A_38 = vector.broadcast %get3A_37 : vector<1x12xf32> to vector<1024x12xf32>
    %add3A_39 = arith.addf %dot_general3A_34, %add3A_38 : vector<1024x12xf32>
    %reduce_max3A = arith.constant dense<0xFF800000> : vector<1024xf32>
    %reduce_max3A_40 = vector.multi_reduction <maximumf>, %add3A_39, %reduce_max3A [1] : vector<1024x12xf32> to vector<1024xf32>
    %broadcast_in_dim3A_41 = vector.shape_cast %reduce_max3A_40 : vector<1024xf32> to vector<1024x1xf32>
    %sub3A = vector.broadcast %broadcast_in_dim3A_41 : vector<1024x1xf32> to vector<1024x12xf32>
    %sub3A_42 = arith.subf %add3A_39, %sub3A : vector<1024x12xf32>
    %exp3A = math.exp %sub3A_42 : vector<1024x12xf32>
    %reduce_sum3A_43 = arith.constant dense<0.000000e+00> : vector<1024xf32>
    %reduce_sum3A_44 = vector.multi_reduction <add>, %exp3A, %reduce_sum3A_43 [1] : vector<1024x12xf32> to vector<1024xf32>
    %broadcast_in_dim3A_45 = vector.shape_cast %reduce_sum3A_44 : vector<1024xf32> to vector<1024x1xf32>
    %div3A = vector.broadcast %broadcast_in_dim3A_45 : vector<1024x1xf32> to vector<1024x12xf32>
    %div3A_46 = arith.divf %exp3A, %div3A : vector<1024x12xf32>
    %swap3A = arith.constant 0 : index
    %swap3A_47 = arith.constant 0 : index
    %swap3A_48 = vector.load %arg8[%swap3A, %swap3A_47] : memref<1024x12xf32, #tpu.memory_space<vmem>>, vector<1024x12xf32>
    tpu.vector_store %arg8[%swap3A, %swap3A_47], %div3A_46 {strides = array<i32>} : memref<1024x12xf32, #tpu.memory_space<vmem>>, vector<1024x12xf32>,
    return
  }
  func.func @transform_0(%arg0: i32) -> (i32, i32) {
    %c0_i32 = arith.constant 0 : i32
    %c0_i32_0 = arith.constant 0 : i32
    return %c0_i32, %arg0 : i32, i32
  }
  func.func @transform_1(%arg0: i32) -> (i32, i32, i32) {
    %c0_i32 = arith.constant 0 : i32
    %c0_i32_0 = arith.constant 0 : i32
    %c0_i32_1 = arith.constant 0 : i32
    return %c0_i32, %arg0, %c0_i32_0 : i32, i32, i32
  }
  func.func @transform_2(%arg0: i32) -> (i32, i32) {
    %c0_i32 = arith.constant 0 : i32
    %c0_i32_0 = arith.constant 0 : i32
    return %arg0, %c0_i32 : i32, i32
  }
  func.func @transform_3(%arg0: i32) -> (i32, i32) {
    %c0_i32 = arith.constant 0 : i32
    %c0_i32_0 = arith.constant 0 : i32
    %c0_i32_1 = arith.constant 0 : i32
    return %c0_i32, %c0_i32_0 : i32, i32
  }
  func.func @transform_4(%arg0: i32) -> (i32, i32) {
    %c0_i32 = arith.constant 0 : i32
    %c0_i32_0 = arith.constant 0 : i32
    %c0_i32_1 = arith.constant 0 : i32
    return %c0_i32, %c0_i32_0 : i32, i32
  }
  func.func @transform_5(%arg0: i32) -> (i32, i32) {
    %c0_i32 = arith.constant 0 : i32
    %c0_i32_0 = arith.constant 0 : i32
    %c0_i32_1 = arith.constant 0 : i32
    return %c0_i32, %c0_i32_0 : i32, i32
  }
  func.func @transform_6(%arg0: i32) -> (i32, i32) {
    %c0_i32 = arith.constant 0 : i32
    %c0_i32_0 = arith.constant 0 : i32
    %c0_i32_1 = arith.constant 0 : i32
    return %c0_i32, %c0_i32_0 : i32, i32
  }
  func.func @transform_7(%arg0: i32) -> (i32, i32) {
    %c0_i32 = arith.constant 0 : i32
    %c0_i32_0 = arith.constant 0 : i32
    return %arg0, %c0_i32 : i32, i32
  }
}

</mosaic_0001>

<sc_bundles>
// kernel: kernel.11.cloned.1.call-start
scs
__scs_entry_jumppad:
0x0: {  	(pc) =	sbr.rel $0x88, $3  }
0x1: {  	(tag) =	ssettag $0x0;
	lr =	simm.s32 $0x1  }
0x2: {  	[smem:$0x3F99] =	sst lr;
	_ =	strace $0xD0000000  }
0x3: {  	_ = 	snop  }
0x4: {  	_ = 	snop  }
0x5: {  	_ = 	snop  }
0x6: {  	_ = 	snop  }
0x7: {  	_ = 	snop  }
__scs_overlays_trampoline_lowered:
0x8: {  	[smem:$0x3FA8] =	sst s0  }
0x9: {  	[smem:$0x3FA9] =	sst s1  }
0xa: {  	[smem:$0x3FAA] =	sst s2  }
0xb: {  	[smem:$0x3FAB] =	sst s3  }
0xc: {  	[smem:$0x3FAC] =	sst s4  }
0xd: {  	[smem:$0x3FAD] =	sst s5  }
0xe: {  	[smem:$0x3FAE] =	sst s6  }
0xf: {  	[smem:$0x3FAF] =	sst s7  }
0x10: {  	[smem:$0x3FB0] =	sst s8  }
0x11: {  	[smem:$0x3FB1] =	sst s9;
	s0 =	simm.s32 @!p0 $0x0  }
0x12: {  	s1 =	sld [smem:$0x3F97];
	s0 =	simm.s32 @p0 $0x1  }
0x13: {  	[smem:$0x3FB2] =	sst s0;
	s0 =	simm.s32 @!p1 $0x0  }
0x14: {  	s2 =	sld [smem:$0x3F96];
	s0 =	simm.s32 @p1 $0x1  }
0x15: {  	[smem:$0x3FB3] =	sst s0;
	s0 =	simm.s32 @!p2 $0x0  }
0x16: {  	s3 =	sld [smem:$0x3FDB];
	s0 =	simm.s32 @p2 $0x1  }
0x17: {  	s4 =	simm.s32 $0x1BF5;
	[smem:$0x3FB5] =	sst s0  }
0x18: {  	s0 =	sld [smem:$0x3F98];
	_ =	swait.ge [sflag:s4], $0x0  }
0x19: {  	s7 =	sld [smem:$0x3F99]  }
0x1a: {  	s8 =	sadd.s32 $0xFFFFE003, lr  }
0x1b: {  	s9 =	sadd.s32 $0xFFFFFEF7, lr;
	s5 =	simm.s32 $0xFFFFFFFF;
	p2 =	slt.u32 s8, $0xFFFFF086  }
0x1c: {  	p1 =	slt.u32 s9, $0xF7A;
	s5 =	simm.s32 @!p2 $0x0  }
0x1d: {  	s5 =	simm.s32 @p1 $0x1;
	p0 =	seq.s32 s7, s2  }
0x1e: {  	s7 =	smul.u32 @!p0 $0xF7A, s2;
	p2 =	seq.s32 @!p0 s5, $0x0  }
0x1f: {  	s9 =	smul.u32 $0xF7A, s1;
	s8 =	simm.s32 @!p0 $0x1BF5;
	p2 =	por !p2, p0  }
0x20: {  	[sflag:s8] =	ssyncset.s32 @!p0 $0xFFFFF086;
	s6 =	sadd.s32 @!p0 s3, s7;
	s7 =	simm.s32 @!p0 $0x108  }
0x21: {  	s3 =	sadd.s32 s3, s9;
	s6 =	sadd.s32 @!p0 $0x88, s6;
	s7 =	simm.s32 @p2 $0x1082  }
0x22: {  	[simem:s7], [sflag:s8] =	dma.local @!p0 [hbm:s6], $0xF7A  }
0x23: {  	s9 =	sor.u32 $0xD0000000, s2;
	s6 =	simm.s32 $0x108;
	_ =	swait.ge @!p0 [sflag:s8], $0x0  }
0x24: {  	s3 =	sadd.s32 $0x88, s3;
	s6 =	simm.s32 @!p1 $0x1082;
	[sflag:s4] =	ssyncset.s32 $0xFFFFF086  }
0x25: {  	[simem:s6], [sflag:s4] =	dma.local [hbm:s3], $0xF7A  }
0x26: {  	[smem:$0x3F99] =	sst s1;
	(tag) =	ssettag s2;
	_ =	strace s9  }
0x27: {  	s1 =	sld [smem:$0x3FA9]  }
0x28: {  	s2 =	sld [smem:$0x3FAA]  }
0x29: {  	s4 =	sld [smem:$0x3FAC]  }
0x2a: {  	p0 =	seq.s32 s5, $0x0;
	s5 =	sld [smem:$0x3FAD]  }
0x2b: {  	s6 =	sld [smem:$0x3FAE]  }
0x2c: {  	s7 =	sld [smem:$0x3FAF]  }
0x2d: {  	s3 =	simm.s32 $0x108;
	s8 =	sld [smem:$0x3FB0]  }
0x2e: {  	s3 =	simm.s32 @!p0 $0x1082;
	s9 =	sld [smem:$0x3FB1]  }
0x2f: {  	lr =	sadd.s32 s0, s3;
	s0 =	sld [smem:$0x3FA8]  }
0x30: {  	s3 =	sld [smem:$0x3FAB]  }
0x31: {  	[smem:$0x3FB4] =	sst s10  }
0x32: {  	s10 =	sld [smem:$0x3FB2];
	_ =	sdelay $0x3  }
0x33: {  	p0 =	seq.s32 s10, $0x1;
	s10 =	sld [smem:$0x3FB4];
	_ =	sdelay $0x3  }
0x34: {  	[smem:$0x3FB4] =	sst s10  }
0x35: {  	s10 =	sld [smem:$0x3FB3];
	_ =	sdelay $0x3  }
0x36: {  	p1 =	seq.s32 s10, $0x1;
	s10 =	sld [smem:$0x3FB4];
	_ =	sdelay $0x3  }
0x37: {  	[smem:$0x3FB4] =	sst s10  }
0x38: {  	s10 =	sld [smem:$0x3FB5]  }
0x39: {  	_ = 	snop;
	(pc) =	sbr.ind lr, $3  }
0x3a: {  	_ = 	snop  }
0x3b: {  	_ = 	snop  }
0x3c: {  	p2 =	seq.s32 s10, $0x1;
	s10 =	sld [smem:$0x3FB4]  }
0x3d: {  	_ =	shalt  }
0x3e: {  	_ =	shalt  }
0x3f: {  	_ =	shalt  }
0x40: {  	_ =	shalt  }
0x41: {  	_ =	shalt  }
0x42: {  	_ =	shalt  }
0x43: {  	_ =	shalt  }
0x44: {  	_ =	shalt  }
0x45: {  	_ =	shalt  }
0x46: {  	_ =	shalt  }
0x47: {  	_ =	shalt  }
0x48: {  	_ =	shalt  }
0x49: {  	_ =	shalt  }
0x4a: {  	_ =	shalt  }
0x4b: {  	_ =	shalt  }
0x4c: {  	_ =	shalt  }
0x4d: {  	_ =	shalt  }
0x4e: {  	_ =	shalt  }
0x4f: {  	_ =	shalt  }
0x50: {  	_ =	shalt  }
0x51: {  	_ =	shalt  }
0x52: {  	_ =	shalt  }
0x53: {  	_ =	shalt  }
0x54: {  	_ =	shalt  }
0x55: {  	_ =	shalt  }
0x56: {  	_ =	shalt  }
0x57: {  	_ =	shalt  }
0x58: {  	_ =	shalt  }
0x59: {  	_ =	shalt  }
0x5a: {  	_ =	shalt  }
0x5b: {  	_ =	shalt  }
0x5c: {  	_ =	shalt  }
0x5d: {  	_ =	shalt  }
0x5e: {  	_ =	shalt  }
0x5f: {  	_ =	shalt  }
0x60: {  	_ =	shalt  }
0x61: {  	_ =	shalt  }
0x62: {  	_ =	shalt  }
0x63: {  	_ =	shalt  }
0x64: {  	_ =	shalt  }
0x65: {  	_ =	shalt  }
0x66: {  	_ =	shalt  }
0x67: {  	_ =	shalt  }
0x68: {  	_ =	shalt  }
0x69: {  	_ =	shalt  }
0x6a: {  	_ =	shalt  }
0x6b: {  	_ =	shalt  }
0x6c: {  	_ =	shalt  }
0x6d: {  	_ =	shalt  }
0x6e: {  	_ =	shalt  }
0x6f: {  	_ =	shalt  }
0x70: {  	_ =	shalt  }
0x71: {  	_ =	shalt  }
0x72: {  	_ =	shalt  }
0x73: {  	_ =	shalt  }
0x74: {  	_ =	shalt  }
0x75: {  	_ =	shalt  }
0x76: {  	_ =	shalt  }
0x77: {  	_ =	shalt  }
0x78: {  	_ =	shalt  }
0x79: {  	_ =	shalt  }
0x7a: {  	_ =	shalt  }
0x7b: {  	_ =	shalt  }
0x7c: {  	_ =	shalt  }
0x7d: {  	_ =	shalt  }
0x7e: {  	_ =	shalt  }
0x7f: {  	_ =	shalt  }
0x80: {  	_ =	shalt  }
0x81: {  	_ =	shalt  }
0x82: {  	_ =	shalt  }
0x83: {  	_ =	shalt  }
0x84: {  	_ =	shalt  }
0x85: {  	_ =	shalt  }
0x86: {  	_ =	shalt  }
0x87: {  	_ =	shalt  }
.Lfunc_end0:
.L_simem_size_0:
called_computation.1_lowered:
.L_overlay_start_0:
0x88: {  	s2 =	sld [smem:$0x3FD9]  }
0x89: {  	s3 =	sld [smem:$0x3FFE];
	_ =	sdelay $0x1  }
0x8a: {  	s1 =	srdreg.scid  }
0x8b: {  	s0 =	sand.u32 $0x1, s1  }
0x8c: {  	s16 =	sshll.u32 s0, $0xA;
	s2 =	sadd.s32 s3, s2  }
0x8d: {  	s2 =	sadd.s32 s2, s16  }
0x8e: {  	[smem:$0x3FC0] =	sst s2  }
0x8f: {  	_ = 	snop  }
0x90: {  	(tm) =	ssettm $0x1  }
0x91: {  	s17 =	sld [smem:$0x3FFB];
	_ =	sdelay $0x3  }
0x92: {  	_ =	strace s17  }
0x93: {  	s2 =	sld [smem:$0x3FFC];
	_ =	sdelay $0x3  }
0x94: {  	_ =	strace s2  }
0x95: {  	s2 =	sld [smem:$0x3FFD];
	_ =	sdelay $0x3  }
0x96: {  	_ =	strace s2  }
0x97: {  	_ =	strace $0x8FFFFFFF  }
0x98: {  	s18 =	sld [smem:$0x3FDB];
	_ =	sdelay $0x1  }
0x99: {  	s19 =	simm.s32 $_scs_section_size  }
0x9a: {  	s4 =	simm.s32 $_size__tile_overlayer_lowered;
	s5 =	simm.s32 $_tile_overlayer_lowered  }
0x9b: {  	s22 =	simm.s32 $0x1BFF;
	s21 =	sshll.u32 s5, $0x1;
	s2 =	sadd.s32 s19, s18  }
0x9c: {  	s6 =	simm.s32 $0x0;
	s20 =	sshll.u32 s4, $0x1;
	s4 =	sadd.s32 s21, s2  }
0x9d: {  	[timem:s6], [sflag:s22] =	dma.local [hbm:s4], s20  }
0x9e: {  	_ =	swait.ge [sflag:s22], s20  }
0x9f: {  	s3 =	ssub.s32 $0x0, s20;
	[sflag:s22] =	ssyncset.done $0x0  }
0xa0: {  	[sflag:s22] =	ssyncadd.s32 s3;
	_ =	sdelay $0x1  }
0xa1: {  	s23 =	simm.s32 $0x1B8B  }
0xa2: {  	_ =	swait.ge [sflag:s23], $0x1  }
0xa3: {  	[sflag:s23] =	ssyncset.done $0x0  }
0xa4: {  	s25 =	simm.s32 $0x1B8E;
	s24 =	sld [smem:$0x3FFE];
	[sflag:s23] =	ssyncadd.s32 $0xFFFFFFFF  }
0xa5: {  	s26 =	simm.s32 $execute0_lowered;
	[smem:$0x3FD2] =	sst s25  }
0xa6: {  	s4 =	sshll.u32 s26, $0x1;
	_ =	strace $0x80000049;
	[dreg:$0x1] =	wrdreg $0xFFFFFFFF  }
0xa7: {  	s28 =	simm.s32 $_size_execute0_lowered;
	s2 =	sadd.s32 s2, s4;
	[dreg:$0x0] =	wrdreg $0x0  }
0xa8: {  	s4 =	sshll.u32 s28, $0x1;
	[dreg:$0x2] =	wrdreg s2  }
0xa9: {  	[dreg:$0x3] =	wrdreg s4  }
0xaa: {  	[dreg:$0x4] =	wrdreg $0xC0  }
0xab: {  	_ =	task [dreg:s6], $0x5FFFF  }
0xac: {  	[dreg:$0x1] =	wrdreg $0xFFFFFFFF  }
0xad: {  	[dreg:$0x0] =	wrdreg $0x60  }
0xae: {  	[dreg:$0x2] =	wrdreg s24  }
0xaf: {  	[dreg:$0x3] =	wrdreg $0x54000  }
0xb0: {  	[dreg:$0x4] =	wrdreg $0x9  }
0xb1: {  	_ =	task.clear_ibuf [dreg:s6], $0x5FFFF;
	_ =	strace $0x90000049  }
0xb2: {  	s29 =	simm.s32 $0x9;
	_ =	strace $0x8000004B  }
0xb3: {  	_ =	swait.ge [sflag:s29], $0x1  }
0xb4: {  	[sflag:s29] =	ssyncadd.s32 $0xFFFFFFFF  }
0xb5: {  	_ =	strace $0x9000004B  }
0xb6: {  	_ =	sfence  }
0xb7: {  	s30 =	sld [smem:$0x0];
	_ =	sdelay $0x2  }
0xb8: {  	s31 =	sshll.u32 s1, $0xD;
	s1 =	sshrl.u32 s1, $0x2  }
0xb9: {  	s3 =	sand.u32 $0x4000, s31;
	s1 =	sadd.s32 s1, s30  }
0xba: {  	s0 =	sor.u32 s3, s0;
	s1 =	sshll.u32 s1, $0x11  }
0xbb: {  	s0 =	sor.u32 s1, s0  }
0xbc: {  	s0 =	sadd.s32 $0x8F2B, s0  }
0xbd: {  	[sflag:s0] =	ssyncadd.remote.s32 $0x1  }
0xbe: {  	_ =	sfence.sel $0xFFFF  }
0xbf: {  	[dreg:$0x0] =	wrdreg $0xFFFFFFFF;
	(pc) =	sbr.abs _section_cstart, $3  }
0xc0: {  	[dreg:$0x1] =	wrdreg $0xFFFFFFFF  }
0xc1: {  	_ =	task.clear_ibuf [dreg:s6], $0x2FFFF;
	_ =	strace $0x9FFFFFFF  }
0xc2: {  	(tm) =	ssettm $0x7FFFFFFF  }
0xc3: {  	_ =	shalt  }
tec
execute0_lowered:
.L_overlay_start_1:
0x0: {  	(tag) =	ssettag $0x1  }
0x1: {  	s3 =	srdreg.scid;
	s11 =	stileid.u32  }
0x2: {  	s0 =	rddreg [dreg:$0x0];
	s3 =	sand.u32 $0x1, s3;
	s7 =	smul.u32 $0x14000, s11  }
0x3: {  	s1 =	rddreg [dreg:$0x1];
	s2 =	simm.s32 $0x0;
	s6 =	smul.u32 $0x140000, s3  }
0x4: {  	[smem:$0x7FF] =	sst s2;
	s10 =	sshll.u32 s11, $0xF;
	s9 =	sshll.u32 s3, $0x13  }
0x5: {  	s4 =	sadd.s32 $0x42600, s0;
	s7 =	sadd.s32 s7, s6;
	s6 =	sor.u32 s10, s9  }
0x6: {  	s5 =	sadd.s32 $0x22600, s0;
	s8 =	sadd.s32 $0x2600, s0;
	s10 =	sshrl.u32 s6, $0x3  }
0x7: {  	_ =	strace $0x8000004A;
	s7 =	sshrl.u32 s7, $0x3;
	s16 =	sadd.s32 s5, s10  }
0x8: {  	s15 =	sor.u32 $0x10, s10;
	s12 =	sadd.s32 s10, s8;
	[dreg:$0x3] =	wrdreg s16  }
0x9: {  	s0 =	sadd.s32 s7, s0;
	s17 =	sadd.s32 s5, s15;
	[dreg:$0x4] =	wrdreg s12  }
0xa: {  	s18 =	sor.u32 $0x20, s10;
	s7 =	sadd.s32 s8, s15;
	[dreg:$0x5] =	wrdreg s17  }
0xb: {  	s19 =	sor.u32 $0x30, s10;
	s13 =	sadd.s32 s5, s18;
	[dreg:$0x6] =	wrdreg s7  }
0xc: {  	s23 =	smul.u32 $0x50000, s11;
	s20 =	sadd.s32 s5, s19;
	[dreg:$0x7] =	wrdreg s13  }
0xd: {  	s22 =	sor.u32 $0xF80, s10;
	s21 =	sadd.s32 s8, s19;
	[dreg:$0x9] =	wrdreg s20  }
0xe: {  	s25 =	sor.u32 $0xF90, s10;
	s24 =	sadd.s32 s5, s22;
	[dreg:$0xa] =	wrdreg s21  }
0xf: {  	s10 =	sadd.s32 s5, s25;
	[dreg:$0xb] =	wrdreg s24  }
0x10: {  	s26 =	sshrl.u32 s23, $0x2;
	s0 =	sadd.s32 $0x6A600, s0;
	[dreg:$0xd] =	wrdreg s10  }
0x11: {  	s16 =	sadd.s32 s26, s1;
	s26 =	sadd.s32 $0x30, s12;
	[dreg:$0xf] =	wrdreg s0  }
0x12: {  	[smem:$0x7FD] =	sst s26  }
0x13: {  	s7 =	sadd.s32 s8, s18;
	[dreg:$0x10] =	wrdreg s16  }
0x14: {  	s9 =	sadd.s32 $0x1400, s16;
	[dreg:$0x8] =	wrdreg s7  }
0x15: {  	s28 =	simm.s32 $0x9;
	s10 =	sadd.s32 $0x2800, s16;
	[dreg:$0x12] =	wrdreg s9  }
0x16: {  	s3 =	ssub.s32 $0x2, s3;
	s11 =	sadd.s32 $0x3C00, s16;
	[dreg:$0x13] =	wrdreg s10  }
0x17: {  	s14 =	sshrl.u32 s3, $0x1;
	s13 =	sadd.s32 $0x5000, s16;
	[dreg:$0x14] =	wrdreg s11  }
0x18: {  	s3 =	ssub.s32 s3, s14;
	s14 =	sadd.s32 $0x6400, s16;
	[dreg:$0x15] =	wrdreg s13  }
0x19: {  	s29 =	simm.s32 $0x5;
	s15 =	sadd.s32 $0x7800, s16;
	[dreg:$0x16] =	wrdreg s14  }
0x1a: {  	s30 =	simm.s32 $0xB;
	s17 =	sadd.s32 $0x8C00, s16;
	[dreg:$0x17] =	wrdreg s15  }
0x1b: {  	s31 =	simm.s32 $0x7;
	s18 =	sadd.s32 $0xA000, s16;
	[dreg:$0x18] =	wrdreg s17  }
0x1c: {  	s12 =	simm.s32 $0x280;
	s19 =	sadd.s32 $0xB400, s16;
	[dreg:$0x19] =	wrdreg s18  }
0x1d: {  	s20 =	sadd.s32 $0xC800, s16;
	s21 =	sadd.s32 $0xDC00, s16;
	[dreg:$0x1a] =	wrdreg s19  }
0x1e: {  	s23 =	sadd.s32 $0x10400, s16;
	s24 =	sadd.s32 $0x11800, s16;
	[dreg:$0x1b] =	wrdreg s20  }
0x1f: {  	s26 =	simm.s32 $0x4000;
	s0 =	simm.s32 $0x2C00;
	[dreg:$0x1c] =	wrdreg s21  }
0x20: {  	s7 =	sadd.s32 s8, s22;
	s22 =	sadd.s32 $0xF000, s16;
	[dreg:$0x1e] =	wrdreg s23  }
0x21: {  	[dreg:$0x1f] =	wrdreg s24;
	s13 =	simm.s32 $0x200;
	s14 =	simm.s32 $0x80  }
0x22: {  	s17 =	simm.s32 $0x180;
	s18 =	simm.s32 $0x380;
	s19 =	simm.s32 $0x400  }
0x23: {  	s21 =	simm.s32 $0xD;
	s23 =	simm.s32 $0x28;
	[dreg:$0xc] =	wrdreg s7  }
.Ltmp0:
0x24: {  	s7 =	sadd.s32 s8, s25;
	[dreg:$0x1d] =	wrdreg s22;
	(pc) =	sbr.rel .LBB2_1-.Ltmp0, $4  }
0x25: {  	s24 =	simm.s32 $0x1800;
	s8 =	smax.u32 s3, $0x1;
	[dreg:$0xe] =	wrdreg s7  }
0x26: {  	s11 =	simm.s32 $0x0;
	s25 =	sadd.s32 $0x12C00, s16;
	[dreg:$0x11] =	wrdreg s8  }
0x27: {  	s22 =	simm.s32 $0x2;
	s3 =	simm.s32 $0xC;
	[smem:$0x7FC] =	sst s25  }
0x28: {  	v0 =	vimm.f32 $0.0e+00;
	s8 =	simm.s32 $0x300;
	s25 =	simm.s32 $0x4;
	s7 =	simm.s32 $0x8  }
.LBB2_5:
0x29: {  	_ =	swait.ge [sflag:s3], $0x1400  }
0x2a: {  	[sflag:s3] =	ssyncset.done $0x0  }
0x2b: {  	[sflag:s3] =	ssyncadd.s32 $0xFFFFEC00  }
0x2c: {  	_ =	swait.ge [sflag:s7], $0x80  }
0x2d: {  	[sflag:s7] =	ssyncset.done $0x0  }
0x2e: {  	[sflag:s7] =	ssyncadd.s32 $0xFFFFFF80  }
0x2f: {  	[spmem:s1] =	stream.indirect.scatter.add.f32 [tilespmem:s26], [sflag:$0x10], $0x80, s18, s23, $0xb8;
	[tilespmem:$0x19400] =	vst v63  }
.LBB2_7:
0x30: {  	_ =	swait.ge [sflag:s21], $0x1400  }
0x31: {  	[sflag:s21] =	ssyncset.done $0x0  }
0x32: {  	s10 =	simm.s32 $0xE;
	[sflag:s21] =	ssyncadd.s32 $0xFFFFEC00  }
0x33: {  	_ =	swait.ge [sflag:s10], $0x1400  }
0x34: {  	[sflag:s10] =	ssyncset.done $0x0  }
0x35: {  	s9 =	simm.s32 $0xF;
	[sflag:s10] =	ssyncadd.s32 $0xFFFFEC00  }
0x36: {  	_ =	swait.ge [sflag:s9], $0x1400  }
0x37: {  	[sflag:s9] =	ssyncset.done $0x0  }
0x38: {  	s20 =	simm.s32 $0x10;
	[sflag:s9] =	ssyncadd.s32 $0xFFFFEC00  }
0x39: {  	_ =	swait.ge [sflag:s20], $0x1400  }
0x3a: {  	[sflag:s20] =	ssyncset.done $0x0  }
0x3b: {  	s11 =	rddreg [dreg:$0xb];
	[sflag:s20] =	ssyncadd.s32 $0xFFFFEC00  }
0x3c: {  	[tilespmem:s2], [sflag:$0x1] =	stream.linear.gather [hbm4b:s11+s2], $0x80, $0x38;
	[tilespmem:$0x19400] =	vst v63  }
0x3d: {  	s15 =	simm.s32 $0x1;
	s12 =	rddreg [dreg:$0xc]  }
0x3e: {  	[tilespmem:s13], [sflag:$0x5] =	stream.linear.gather [hbm4b:s12+s2], $0x80, $0x38;
	[tilespmem:$0x19400] =	vst v63  }
0x3f: {  	_ =	swait.ge [sflag:s15], $0x80  }
0x40: {  	[sflag:s15] =	ssyncset.done $0x0  }
0x41: {  	[sflag:s15] =	ssyncadd.s32 $0xFFFFFF80  }
0x42: {  	[tilespmem:s19], [sflag:$0x9] =	stream.indirect.gather [hbm4b:s4+s23], $0x80, s2, s23, $0xb8;
	[tilespmem:$0x19400] =	vst v63  }
0x43: {  	s16 =	rddreg [dreg:$0xd]  }
0x44: {  	[tilespmem:s14], [sflag:$0x2] =	stream.linear.gather [hbm4b:s16+s2], $0x80, $0x38;
	[tilespmem:$0x19400] =	vst v63  }
0x45: {  	s12 =	simm.s32 $0x280;
	s20 =	rddreg [dreg:$0xe]  }
0x46: {  	[tilespmem:s12], [sflag:$0x6] =	stream.linear.gather [hbm4b:s20+s2], $0x80, $0x38;
	[tilespmem:$0x19400] =	vst v63  }
0x47: {  	_ =	swait.ge [sflag:s22], $0x80  }
0x48: {  	[sflag:s22] =	ssyncset.done $0x0  }
0x49: {  	[sflag:s22] =	ssyncadd.s32 $0xFFFFFF80  }
0x4a: {  	[tilespmem:s24], [sflag:$0xA] =	stream.indirect.gather [hbm4b:s4+s23], $0x80, s14, s23, $0xb8;
	[tilespmem:$0x19400] =	vst v63  }
0x4b: {  	_ =	swait.ge [sflag:s28], $0x1400  }
0x4c: {  	[sflag:s28] =	ssyncset.done $0x0  }
0x4d: {  	[sflag:s28] =	ssyncadd.s32 $0xFFFFEC00  }
0x4e: {  	_ =	swait.ge [sflag:s29], $0x80  }
0x4f: {  	[sflag:s29] =	ssyncset.done $0x0  }
0x50: {  	s11 =	simm.s32 $0xA;
	[sflag:s29] =	ssyncadd.s32 $0xFFFFFF80  }
0x51: {  	[spmem:s1] =	stream.indirect.scatter.add.f32 [tilespmem:s19], [sflag:$0xD], $0x80, s13, s23, $0xb8;
	[tilespmem:$0x19400] =	vst v63  }
0x52: {  	_ =	swait.ge [sflag:s11], $0x1400  }
0x53: {  	[sflag:s11] =	ssyncset.done $0x0  }
0x54: {  	s15 =	simm.s32 $0x6;
	[sflag:s11] =	ssyncadd.s32 $0xFFFFEC00  }
0x55: {  	_ =	swait.ge [sflag:s15], $0x80  }
0x56: {  	[sflag:s15] =	ssyncset.done $0x0  }
0x57: {  	[sflag:s15] =	ssyncadd.s32 $0xFFFFFF80  }
0x58: {  	[spmem:s1] =	stream.indirect.scatter.add.f32 [tilespmem:s24], [sflag:$0xE], $0x80, s12, s23, $0xb8;
	[tilespmem:$0x19400] =	vst v63  }
0x59: {  	_ =	swait.ge [sflag:s21], $0x1400  }
0x5a: {  	[sflag:s21] =	ssyncset.done $0x0  }
0x5b: {  	[sflag:s21] =	ssyncadd.s32 $0xFFFFEC00  }
0x5c: {  	_ =	swait.ge [sflag:s10], $0x1400  }
0x5d: {  	[sflag:s10] =	ssyncset.done $0x0  }
0x5e: {  	s16 =	stileid.u32;
	[sflag:s10] =	ssyncadd.s32 $0xFFFFEC00  }
0x5f: {  	s9 =	sshll.u32 s16, $0x6;
	[bflag:$0x0] =	sbarrier.arrive $0xFFFF  }
0x60: {  	s9 =	sor.u32 $0x1C11, s9;
	s16 =	rddreg [dreg:$0x10]  }
0x61: {  	s10 =	simm.s32 $0x11;
	s11 =	rddreg [dreg:$0xf];
	s20 =	sshrl.u32 s16, $0x3  }
0x62: {  	[hbm:s11], [sflag:s9] =	dma.local [spmem:s20], $0x2800  }
0x63: {  	_ =	swait.ge [sflag:s10], $0x2800  }
0x64: {  	s15 =	sld [smem:$0x7FB];
	_ =	sdelay $0x2  }
0x65: {  	s20 =	rddreg [dreg:$0x11];
	s11 =	sadd.s32 $0x1, s15  }
0x66: {  	p0 =	sne.s32 s11, s20  }
.Ltmp1:
0x67: {  	_ = 	snop;
	(pc) =	sbr.rel @!p0 .LBB2_8-.Ltmp1, $3  }
0x68: {  	_ =	sdelay $0x1  }
0x69: {  	[sflag:s10] =	ssyncset.done $0x0  }
0x6a: {  	[sflag:s10] =	ssyncadd.s32 $0xFFFFD800  }
.LBB2_1:
0x6b: {  	[smem:$0x7FB] =	sst s11  }
0x6c: {  	s9 =	rddreg [dreg:$0x3]  }
0x6d: {  	s10 =	rddreg [dreg:$0x4]  }
0x6e: {  	[tilespmem:s2], [sflag:$0x1] =	stream.linear.gather [hbm4b:s9+s2], $0x80, $0x38;
	[tilespmem:$0x19400] =	vst v63  }
0x6f: {  	s11 =	rddreg [dreg:$0x5]  }
0x70: {  	[tilespmem:s13], [sflag:$0x5] =	stream.linear.gather [hbm4b:s10+s2], $0x80, $0x38;
	[tilespmem:$0x19400] =	vst v63  }
0x71: {  	s15 =	rddreg [dreg:$0x6]  }
0x72: {  	[tilespmem:s14], [sflag:$0x2] =	stream.linear.gather [hbm4b:s11+s2], $0x80, $0x38;
	[tilespmem:$0x19400] =	vst v63  }
0x73: {  	s20 =	rddreg [dreg:$0x7]  }
0x74: {  	[tilespmem:s12], [sflag:$0x6] =	stream.linear.gather [hbm4b:s15+s2], $0x80, $0x38;
	[tilespmem:$0x19400] =	vst v63  }
0x75: {  	s10 =	simm.s32 $0x100;
	s11 =	rddreg [dreg:$0x9]  }
0x76: {  	[tilespmem:s10], [sflag:$0x3] =	stream.linear.gather [hbm4b:s20+s2], $0x80, $0x38;
	[tilespmem:$0x19400] =	vst v63  }
0x77: {  	s15 =	sand.u32 $0x7E00, s2;
	s10 =	rddreg [dreg:$0x8]  }
0x78: {  	[tilespmem:s8], [sflag:$0x7] =	stream.linear.gather [hbm4b:s10+s2], $0x80, $0x38;
	[tilespmem:$0x19400] =	vst v63  }
0x79: {  	s12 =	rddreg [dreg:$0xa];
	s15 =	sshrl.u32 s15, $0x2;
	s20 =	sand.u32 $0x70, s2  }
0x7a: {  	[tilespmem:s17], [sflag:$0x4] =	stream.linear.gather [hbm4b:s11+s2], $0x80, $0x38;
	[tilespmem:$0x19400] =	vst v63  }
0x7b: {  	s10 =	simm.s32 $0x40;
	s11 =	sor.u32 s20, s15;
	s15 =	simm.s32 $0x0  }
0x7c: {  	[tilespmem:s18], [sflag:$0x8] =	stream.linear.gather [hbm4b:s12+s2], $0x80, $0x38;
	[tilespmem:$0x19400] =	vst v63  }
.LBB2_2:
0x7d: {  	p0 =	sne.s32 s10, $0x4FC0  }
0x7e: {  	[tilespmem:s11+$0x400] =	vst v0;
	s15 =	sadd.s32 $0x10, s15;
	s11 =	smov.u32 s10;
	s10 =	sadd.s32 $0x40, s10  }
.Ltmp2:
0x7f: {  	(pc) =	sbr.rel @p0 .LBB2_2-.Ltmp2, $4  }
0x80: {  	_ = 	snop  }
0x81: {  	s11 =	sand.u32 $0x7E00, s11  }
0x82: {  	s20 =	sand.u32 $0x70, s15;
	s11 =	sshrl.u32 s11, $0x2  }
0x83: {  	s11 =	sor.u32 s20, s11  }
0x84: {  	[tilespmem:s11+$0x400] =	vst v0;
	s9 =	rddreg [dreg:$0x12]  }
0x85: {  	[spmem:s16] =	stream.linear.scatter [tilespmem:s19], [sflag:$0xD], $0x1400, $0x38;
	[tilespmem:$0x19400] =	vst v63  }
0x86: {  	s20 =	rddreg [dreg:$0x14]  }
0x87: {  	[spmem:s9] =	stream.linear.scatter [tilespmem:s19], [sflag:$0xD], $0x1400, $0x38;
	[tilespmem:$0x19400] =	vst v63  }
0x88: {  	s16 =	rddreg [dreg:$0x13]  }
0x89: {  	[spmem:s16] =	stream.linear.scatter [tilespmem:s19], [sflag:$0xD], $0x1400, $0x38;
	[tilespmem:$0x19400] =	vst v63  }
0x8a: {  	s10 =	rddreg [dreg:$0x15]  }
0x8b: {  	[spmem:s20] =	stream.linear.scatter [tilespmem:s19], [sflag:$0xD], $0x1400, $0x38;
	[tilespmem:$0x19400] =	vst v63  }
0x8c: {  	s11 =	rddreg [dreg:$0x16]  }
0x8d: {  	[spmem:s10] =	stream.linear.scatter [tilespmem:s19], [sflag:$0xD], $0x1400, $0x38;
	[tilespmem:$0x19400] =	vst v63  }
0x8e: {  	s12 =	rddreg [dreg:$0x17]  }
0x8f: {  	[spmem:s11] =	stream.linear.scatter [tilespmem:s19], [sflag:$0xD], $0x1400, $0x38;
	[tilespmem:$0x19400] =	vst v63  }
0x90: {  	s15 =	rddreg [dreg:$0x18]  }
0x91: {  	[spmem:s12] =	stream.linear.scatter [tilespmem:s19], [sflag:$0xD], $0x1400, $0x38;
	[tilespmem:$0x19400] =	vst v63  }
0x92: {  	s16 =	rddreg [dreg:$0x19]  }
0x93: {  	[spmem:s15] =	stream.linear.scatter [tilespmem:s19], [sflag:$0xD], $0x1400, $0x38;
	[tilespmem:$0x19400] =	vst v63  }
0x94: {  	s20 =	rddreg [dreg:$0x1a]  }
0x95: {  	[spmem:s16] =	stream.linear.scatter [tilespmem:s19], [sflag:$0xD], $0x1400, $0x38;
	[tilespmem:$0x19400] =	vst v63  }
0x96: {  	s10 =	rddreg [dreg:$0x1b]  }
0x97: {  	[spmem:s20] =	stream.linear.scatter [tilespmem:s19], [sflag:$0xD], $0x1400, $0x38;
	[tilespmem:$0x19400] =	vst v63  }
0x98: {  	s11 =	rddreg [dreg:$0x1c]  }
0x99: {  	[spmem:s10] =	stream.linear.scatter [tilespmem:s19], [sflag:$0xD], $0x1400, $0x38;
	[tilespmem:$0x19400] =	vst v63  }
0x9a: {  	s12 =	rddreg [dreg:$0x1d]  }
0x9b: {  	[spmem:s11] =	stream.linear.scatter [tilespmem:s19], [sflag:$0xD], $0x1400, $0x38;
	[tilespmem:$0x19400] =	vst v63  }
0x9c: {  	s15 =	rddreg [dreg:$0x1e]  }
0x9d: {  	[spmem:s12] =	stream.linear.scatter [tilespmem:s19], [sflag:$0xD], $0x1400, $0x38;
	[tilespmem:$0x19400] =	vst v63  }
0x9e: {  	s16 =	rddreg [dreg:$0x1f]  }
0x9f: {  	[spmem:s15] =	stream.linear.scatter [tilespmem:s19], [sflag:$0xD], $0x1400, $0x38;
	[tilespmem:$0x19400] =	vst v63  }
0xa0: {  	s20 =	sld [smem:$0x7FC]  }
0xa1: {  	[spmem:s16] =	stream.linear.scatter [tilespmem:s19], [sflag:$0xD], $0x1400, $0x38;
	[tilespmem:$0x19400] =	vst v63  }
0xa2: {  	_ = 	snop  }
0xa3: {  	[spmem:s20] =	stream.linear.scatter [tilespmem:s19], [sflag:$0xD], $0x1400, $0x38;
	[tilespmem:$0x19400] =	vst v63  }
0xa4: {  	_ =	swait.ge [sflag:s21], $0x1400  }
0xa5: {  	[sflag:s21] =	ssyncset.done $0x0  }
0xa6: {  	[sflag:s21] =	ssyncadd.s32 $0xFFFFEC00  }
0xa7: {  	_ =	swait.ge [sflag:s21], $0x1400  }
0xa8: {  	[sflag:s21] =	ssyncset.done $0x0  }
0xa9: {  	[sflag:s21] =	ssyncadd.s32 $0xFFFFEC00  }
0xaa: {  	_ =	swait.ge [sflag:s21], $0x1400  }
0xab: {  	[sflag:s21] =	ssyncset.done $0x0  }
0xac: {  	[sflag:s21] =	ssyncadd.s32 $0xFFFFEC00  }
0xad: {  	_ =	swait.ge [sflag:s21], $0x1400  }
0xae: {  	[sflag:s21] =	ssyncset.done $0x0  }
0xaf: {  	[sflag:s21] =	ssyncadd.s32 $0xFFFFEC00  }
0xb0: {  	_ =	swait.ge [sflag:s21], $0x1400  }
0xb1: {  	[sflag:s21] =	ssyncset.done $0x0  }
0xb2: {  	[sflag:s21] =	ssyncadd.s32 $0xFFFFEC00  }
0xb3: {  	_ =	swait.ge [sflag:s21], $0x1400  }
0xb4: {  	[sflag:s21] =	ssyncset.done $0x0  }
0xb5: {  	[sflag:s21] =	ssyncadd.s32 $0xFFFFEC00  }
0xb6: {  	_ =	swait.ge [sflag:s21], $0x1400  }
0xb7: {  	[sflag:s21] =	ssyncset.done $0x0  }
0xb8: {  	[sflag:s21] =	ssyncadd.s32 $0xFFFFEC00  }
0xb9: {  	_ =	swait.ge [sflag:s21], $0x1400  }
0xba: {  	[sflag:s21] =	ssyncset.done $0x0  }
0xbb: {  	[sflag:s21] =	ssyncadd.s32 $0xFFFFEC00  }
0xbc: {  	_ =	swait.ge [sflag:s21], $0x1400  }
0xbd: {  	[sflag:s21] =	ssyncset.done $0x0  }
0xbe: {  	[sflag:s21] =	ssyncadd.s32 $0xFFFFEC00  }
0xbf: {  	_ =	swait.ge [sflag:s21], $0x1400  }
0xc0: {  	[sflag:s21] =	ssyncset.done $0x0  }
0xc1: {  	[sflag:s21] =	ssyncadd.s32 $0xFFFFEC00  }
0xc2: {  	_ =	swait.ge [sflag:s21], $0x1400  }
0xc3: {  	[sflag:s21] =	ssyncset.done $0x0  }
0xc4: {  	[sflag:s21] =	ssyncadd.s32 $0xFFFFEC00  }
0xc5: {  	_ =	swait.ge [sflag:s21], $0x1400  }
0xc6: {  	[sflag:s21] =	ssyncset.done $0x0  }
0xc7: {  	[sflag:s21] =	ssyncadd.s32 $0xFFFFEC00  }
0xc8: {  	_ =	swait.ge [sflag:s21], $0x1400  }
0xc9: {  	[sflag:s21] =	ssyncset.done $0x0  }
0xca: {  	[sflag:s21] =	ssyncadd.s32 $0xFFFFEC00  }
0xcb: {  	_ =	swait.ge [sflag:s21], $0x1400  }
0xcc: {  	[sflag:s21] =	ssyncset.done $0x0  }
0xcd: {  	[sflag:s21] =	ssyncadd.s32 $0xFFFFEC00  }
0xce: {  	_ =	swait.ge [sflag:s21], $0x1400  }
0xcf: {  	[sflag:s21] =	ssyncset.done $0x0  }
0xd0: {  	[sflag:s21] =	ssyncadd.s32 $0xFFFFEC00  }
0xd1: {  	_ =	swait.ge [sflag:s21], $0x1400  }
0xd2: {  	[sflag:s21] =	ssyncset.done $0x0  }
0xd3: {  	[sflag:s21] =	ssyncadd.s32 $0xFFFFEC00  }
0xd4: {  	[bflag:$0x0] =	sbarrier.arrive $0xFFFF  }
0xd5: {  	s15 =	simm.s32 $0x380;
	s10 =	sld [smem:$0x7FD]  }
.LBB2_4:
0xd6: {  	p0 =	seq.s32 s15, $0x380  }
0xd7: {  	s11 =	simm.s32 @p0 $0x1  }
0xd8: {  	_ =	swait.ge @p0 [sflag:s11], $0x80  }
0xd9: {  	s20 =	simm.s32 @p0 $0x0;
	[sflag:s11] =	ssyncset.done @p0 $0x0  }
0xda: {  	s9 =	simm.s32 @p0 $0x400;
	[sflag:s11] =	ssyncadd.s32 @p0 $0xFFFFFF80;
	s11 =	simm.s32 @p0 $0x28  }
0xdb: {  	[tilespmem:s9], [sflag:$0x9] =	stream.indirect.gather @p0 [hbm4b:s4+s11], $0x80, s20, s11, $0xb8;
	[tilespmem:$0x19400] =	vst v63  }
0xdc: {  	s9 =	simm.s32 @!p0 $0xD  }
0xdd: {  	_ =	swait.ge @!p0 [sflag:s9], $0x1400  }
0xde: {  	s12 =	simm.s32 @!p0 $0x200;
	[sflag:s9] =	ssyncset.done @!p0 $0x0  }
0xdf: {  	s20 =	simm.s32 @!p0 $0x0;
	[sflag:s9] =	ssyncadd.s32 @!p0 $0xFFFFEC00;
	s9 =	sadd.s32 @!p0 $0xFFFFFFD0, s10  }
0xe0: {  	[tilespmem:s12], [sflag:$0x5] =	stream.linear.gather @!p0 [hbm4b:s9+s20], $0x80, $0x38;
	[tilespmem:$0x19400] =	vst v63  }
0xe1: {  	s9 =	simm.s32 @!p0 $0x1  }
0xe2: {  	_ =	swait.ge @!p0 [sflag:s9], $0x80  }
0xe3: {  	[sflag:s9] =	ssyncset.done @!p0 $0x0  }
0xe4: {  	s12 =	simm.s32 @!p0 $0x400;
	[sflag:s9] =	ssyncadd.s32 @!p0 $0xFFFFFF80;
	s9 =	simm.s32 @!p0 $0x28  }
0xe5: {  	[tilespmem:s12], [sflag:$0x9] =	stream.indirect.gather @!p0 [hbm4b:s4+s9], $0x80, s20, s9, $0xb8;
	[tilespmem:$0x19400] =	vst v63  }
0xe6: {  	s12 =	simm.s32 @!p0 $0xE  }
0xe7: {  	_ =	swait.ge @!p0 [sflag:s12], $0x1400  }
0xe8: {  	[sflag:s12] =	ssyncset.done @!p0 $0x0  }
0xe9: {  	s16 =	simm.s32 @!p0 $0x280;
	[sflag:s12] =	ssyncadd.s32 @!p0 $0xFFFFEC00;
	s12 =	sadd.s32 @!p0 $0xFFFFFFE0, s10  }
0xea: {  	[tilespmem:s16], [sflag:$0x6] =	stream.linear.gather @!p0 [hbm4b:s12+s20], $0x80, $0x38;
	[tilespmem:$0x19400] =	vst v63  }
0xeb: {  	_ =	swait.ge [sflag:s22], $0x80  }
0xec: {  	[sflag:s22] =	ssyncset.done $0x0  }
0xed: {  	s12 =	simm.s32 @p0 $0x3;
	[sflag:s22] =	ssyncadd.s32 $0xFFFFFF80  }
0xee: {  	[tilespmem:s24], [sflag:$0xA] =	stream.indirect.gather [hbm4b:s4+s23], $0x80, s14, s23, $0xb8;
	[tilespmem:$0x19400] =	vst v63  }
0xef: {  	_ =	swait.ge @p0 [sflag:s12], $0x80  }
0xf0: {  	[sflag:s12] =	ssyncset.done @p0 $0x0  }
0xf1: {  	s16 =	simm.s32 @p0 $0x2C00;
	[sflag:s12] =	ssyncadd.s32 @p0 $0xFFFFFF80;
	s12 =	simm.s32 @p0 $0x100  }
0xf2: {  	[tilespmem:s16], [sflag:$0xB] =	stream.indirect.gather @p0 [hbm4b:s4+s11], $0x80, s12, s11, $0xb8;
	[tilespmem:$0x19400] =	vst v63  }
0xf3: {  	s11 =	simm.s32 @!p0 $0xF  }
0xf4: {  	_ =	swait.ge @!p0 [sflag:s11], $0x1400  }
0xf5: {  	[sflag:s11] =	ssyncset.done @!p0 $0x0  }
0xf6: {  	s12 =	simm.s32 @!p0 $0x300;
	[sflag:s11] =	ssyncadd.s32 @!p0 $0xFFFFEC00;
	s11 =	sadd.s32 @!p0 $0xFFFFFFF0, s10  }
0xf7: {  	[tilespmem:s12], [sflag:$0x7] =	stream.linear.gather @!p0 [hbm4b:s11+s20], $0x80, $0x38;
	[tilespmem:$0x19400] =	vst v63  }
0xf8: {  	s11 =	simm.s32 @!p0 $0x3  }
0xf9: {  	_ =	swait.ge @!p0 [sflag:s11], $0x80  }
0xfa: {  	[sflag:s11] =	ssyncset.done @!p0 $0x0  }
0xfb: {  	s12 =	simm.s32 @!p0 $0x2C00;
	[sflag:s11] =	ssyncadd.s32 @!p0 $0xFFFFFF80;
	s11 =	simm.s32 @!p0 $0x100  }
0xfc: {  	[tilespmem:s12], [sflag:$0xB] =	stream.indirect.gather @!p0 [hbm4b:s4+s9], $0x80, s11, s9, $0xb8;
	[tilespmem:$0x19400] =	vst v63  }
0xfd: {  	s9 =	simm.s32 @!p0 $0x10  }
0xfe: {  	_ =	swait.ge @!p0 [sflag:s9], $0x1400  }
0xff: {  	[sflag:s9] =	ssyncset.done @!p0 $0x0  }
0x100: {  	[sflag:s9] =	ssyncadd.s32 @!p0 $0xFFFFEC00;
	s9 =	simm.s32 @!p0 $0x380  }
0x101: {  	[tilespmem:s9], [sflag:$0x8] =	stream.linear.gather @!p0 [hbm4b:s10+s20], $0x80, $0x38;
	[tilespmem:$0x19400] =	vst v63  }
0x102: {  	_ =	swait.ge [sflag:s25], $0x80  }
0x103: {  	[sflag:s25] =	ssyncset.done $0x0  }
0x104: {  	[sflag:s25] =	ssyncadd.s32 $0xFFFFFF80  }
0x105: {  	[tilespmem:s26], [sflag:$0xC] =	stream.indirect.gather [hbm4b:s4+s23], $0x80, s17, s23, $0xb8;
	[tilespmem:$0x19400] =	vst v63  }
0x106: {  	_ =	swait.ge [sflag:s28], $0x1400  }
0x107: {  	[sflag:s28] =	ssyncset.done $0x0  }
0x108: {  	[sflag:s28] =	ssyncadd.s32 $0xFFFFEC00  }
0x109: {  	_ =	swait.ge [sflag:s29], $0x80  }
0x10a: {  	p0 =	seq.s32 s15, $0x7D80;
	[sflag:s29] =	ssyncset.done $0x0  }
0x10b: {  	s9 =	simm.s32 @p0 $0xA;
	[sflag:s29] =	ssyncadd.s32 $0xFFFFFF80  }
0x10c: {  	[spmem:s1] =	stream.indirect.scatter.add.f32 [tilespmem:s19], [sflag:$0xD], $0x80, s13, s23, $0xb8;
	[tilespmem:$0x19400] =	vst v63  }
0x10d: {  	_ =	swait.ge @p0 [sflag:s9], $0x1400  }
0x10e: {  	[sflag:s9] =	ssyncset.done @p0 $0x0  }
0x10f: {  	[sflag:s9] =	ssyncadd.s32 @p0 $0xFFFFEC00;
	s9 =	simm.s32 @p0 $0x6  }
0x110: {  	_ =	swait.ge @p0 [sflag:s9], $0x80  }
0x111: {  	s11 =	simm.s32 @p0 $0x280;
	[sflag:s9] =	ssyncset.done @p0 $0x0  }
0x112: {  	s12 =	simm.s32 @p0 $0x1800;
	[sflag:s9] =	ssyncadd.s32 @p0 $0xFFFFFF80;
	s9 =	simm.s32 @p0 $0x28  }
0x113: {  	[spmem:s1] =	stream.indirect.scatter.add.f32 @p0 [tilespmem:s12], [sflag:$0xE], $0x80, s11, s9, $0xb8;
	[tilespmem:$0x19400] =	vst v63  }
0x114: {  	s9 =	sadd.s32 @!p0 $0xFFFFFE80, s15  }
0x115: {  	s11 =	sand.u32 @!p0 $0xFC00, s9  }
0x116: {  	s9 =	sand.u32 @!p0 $0x200, s9;
	s11 =	sadd.s32 @!p0 s6, s11  }
0x117: {  	s9 =	sor.u32 @!p0 s9, s11  }
0x118: {  	s9 =	sshrl.u32 @!p0 s9, $0x3  }
0x119: {  	s11 =	simm.s32 @!p0 $0x0;
	s9 =	sadd.s32 @!p0 s5, s9  }
0x11a: {  	[tilespmem:s11], [sflag:$0x1] =	stream.linear.gather @!p0 [hbm4b:s9+s11], $0x80, $0x38;
	[tilespmem:$0x19400] =	vst v63  }
0x11b: {  	s9 =	simm.s32 @!p0 $0xA  }
0x11c: {  	_ =	swait.ge @!p0 [sflag:s9], $0x1400  }
0x11d: {  	[sflag:s9] =	ssyncset.done @!p0 $0x0  }
0x11e: {  	[sflag:s9] =	ssyncadd.s32 @!p0 $0xFFFFEC00;
	s9 =	simm.s32 @!p0 $0x6  }
0x11f: {  	_ =	swait.ge @!p0 [sflag:s9], $0x80  }
0x120: {  	s16 =	simm.s32 @!p0 $0x1800;
	[sflag:s9] =	ssyncset.done @!p0 $0x0  }
0x121: {  	s12 =	simm.s32 @!p0 $0x280;
	[sflag:s9] =	ssyncadd.s32 @!p0 $0xFFFFFF80;
	s9 =	simm.s32 @!p0 $0x28  }
0x122: {  	[spmem:s1] =	stream.indirect.scatter.add.f32 @!p0 [tilespmem:s16], [sflag:$0xE], $0x80, s12, s9, $0xb8;
	[tilespmem:$0x19400] =	vst v63  }
0x123: {  	s9 =	sadd.s32 @!p0 $0xFFFFFF00, s15  }
0x124: {  	s12 =	sand.u32 @!p0 $0xFC00, s9  }
0x125: {  	s9 =	sand.u32 @!p0 $0x280, s9;
	s12 =	sadd.s32 @!p0 s6, s12  }
0x126: {  	s9 =	sor.u32 @!p0 s9, s12  }
0x127: {  	s9 =	sshrl.u32 @!p0 s9, $0x3  }
0x128: {  	s12 =	simm.s32 @!p0 $0x80;
	s9 =	sadd.s32 @!p0 s5, s9  }
0x129: {  	[tilespmem:s12], [sflag:$0x2] =	stream.linear.gather @!p0 [hbm4b:s9+s11], $0x80, $0x38;
	[tilespmem:$0x19400] =	vst v63  }
0x12a: {  	_ =	swait.ge [sflag:s30], $0x1400  }
0x12b: {  	p0 =	sne.s32 s15, $0x7D80;
	[sflag:s30] =	ssyncset.done $0x0  }
.Ltmp3:
0x12c: {  	[sflag:s30] =	ssyncadd.s32 $0xFFFFEC00;
	(pc) =	sbr.rel @!p0 .LBB2_5-.Ltmp3, $4  }
0x12d: {  	_ =	swait.ge [sflag:s31], $0x80  }
0x12e: {  	[sflag:s31] =	ssyncset.done $0x0  }
0x12f: {  	[sflag:s31] =	ssyncadd.s32 $0xFFFFFF80  }
0x130: {  	[spmem:s1] =	stream.indirect.scatter.add.f32 [tilespmem:s0], [sflag:$0xF], $0x80, s8, s23, $0xb8;
	[tilespmem:$0x19400] =	vst v63  }
0x131: {  	s9 =	sadd.s32 $0xFFFFFF80, s15  }
0x132: {  	s11 =	sand.u32 $0xFC00, s9  }
0x133: {  	s9 =	sand.u32 $0x300, s9;
	s11 =	sadd.s32 s6, s11  }
0x134: {  	s9 =	sor.u32 s9, s11  }
0x135: {  	s9 =	sshrl.u32 s9, $0x3  }
0x136: {  	s12 =	simm.s32 $0x100;
	s9 =	sadd.s32 s5, s9  }
0x137: {  	[tilespmem:s12], [sflag:$0x3] =	stream.linear.gather [hbm4b:s9+s2], $0x80, $0x38;
	[tilespmem:$0x19400] =	vst v63  }
0x138: {  	_ =	swait.ge [sflag:s3], $0x1400  }
0x139: {  	s16 =	sand.u32 $0xFC00, s15;
	[sflag:s3] =	ssyncset.done $0x0  }
0x13a: {  	s20 =	sand.u32 $0x380, s15;
	s15 =	sadd.s32 $0x200, s15;
	[sflag:s3] =	ssyncadd.s32 $0xFFFFEC00  }
0x13b: {  	p0 =	sne.s32 s15, $0x7F80;
	s9 =	sadd.s32 s6, s16;
	_ =	swait.ge [sflag:s7], $0x80  }
.Ltmp4:
0x13c: {  	s9 =	sor.u32 s20, s9;
	[sflag:s7] =	ssyncset.done $0x0;
	(pc) =	sbr.rel @p0 .LBB2_4-.Ltmp4, $4  }
.Ltmp5:
0x13d: {  	s9 =	sshrl.u32 s9, $0x3;
	[sflag:s7] =	ssyncadd.s32 $0xFFFFFF80;
	(pc) =	sbr.rel @!p0 .LBB2_7-.Ltmp5, $4  }
0x13e: {  	[spmem:s1] =	stream.indirect.scatter.add.f32 [tilespmem:s26], [sflag:$0x10], $0x80, s18, s23, $0xb8;
	[tilespmem:$0x19400] =	vst v63  }
0x13f: {  	s10 =	sadd.s32 $0x40, s10;
	s9 =	sadd.s32 s5, s9  }
0x140: {  	[tilespmem:s17], [sflag:$0x4] =	stream.linear.gather [hbm4b:s9+s2], $0x80, $0x38;
	[tilespmem:$0x19400] =	vst v63  }
0x141: {  	_ = 	snop  }
.LBB2_8:
0x142: {  	_ =	sfence.sel $0x180000  }
0x143: {  	[bflag:$0x0] =	sbarrier.arrive $0xFFFF  }
0x144: {  	_ =	strace $0x9000004A  }
0x145: {  	s0 =	stileid.u32;
	[bflag:$0x2] =	sbarrier.arrive $0xFFFF  }
0x146: {  	p0 =	sne.s32 s0, $0x0;
	s0 =	rddreg [dreg:$0x2]  }
0x147: {  	s0 =	sadd.s32 @!p0 $0x100000, s0  }
0x148: {  	[sflag:s0] =	ssyncadd.tile.s32 @!p0 $0x1;
	_ =	shalt  }
.Lfunc_end2:
_tile_overlayer_lowered:
.L_overlay_start_2:
0x149: {  	(tag) =	ssettag $0x2  }
0x14a: {  	s0 =	rddreg [dreg:$0x0];
	s2 =	stileid.u32  }
0x14b: {  	s1 =	rddreg [dreg:$0x1];
	p0 =	sne.s32 s2, $0x0  }
0x14c: {  	s3 =	rddreg [dreg:$0x2];
	[bflag:$0x3] =	sbarrier.arrive $0xFFFF;
	s2 =	simm.s32 @!p0 $0x1C11  }
0x14d: {  	[timem:s3], [sflag:s2] =	dma.local @!p0 [hbm:s0], s1  }
0x14e: {  	s0 =	simm.s32 @!p0 $0x11  }
0x14f: {  	_ =	swait.ge @!p0 [sflag:s0], s1  }
0x150: {  	s1 =	ssub.s32 @!p0 $0x0, s1;
	[sflag:s0] =	ssyncset.done @!p0 $0x0  }
0x151: {  	[sflag:s0] =	ssyncadd.s32 @!p0 s1  }
0x152: {  	[bflag:$0x3] =	sbarrier.arrive $0xFFFF  }
0x153: {  	_ =	shalt  }

// kernel: kernel.14.cloned.1.call-start
scs
__scs_entry_jumppad:
0x0: {  	(pc) =	sbr.rel $0x88, $3  }
0x1: {  	(tag) =	ssettag $0x0;
	lr =	simm.s32 $0x1  }
0x2: {  	[smem:$0x3F99] =	sst lr;
	_ =	strace $0xD0000000  }
0x3: {  	_ = 	snop  }
0x4: {  	_ = 	snop  }
0x5: {  	_ = 	snop  }
0x6: {  	_ = 	snop  }
0x7: {  	_ = 	snop  }
__scs_overlays_trampoline_lowered:
0x8: {  	[smem:$0x3FA8] =	sst s0  }
0x9: {  	[smem:$0x3FA9] =	sst s1  }
0xa: {  	[smem:$0x3FAA] =	sst s2  }
0xb: {  	[smem:$0x3FAB] =	sst s3  }
0xc: {  	[smem:$0x3FAC] =	sst s4  }
0xd: {  	[smem:$0x3FAD] =	sst s5  }
0xe: {  	[smem:$0x3FAE] =	sst s6  }
0xf: {  	[smem:$0x3FAF] =	sst s7  }
0x10: {  	[smem:$0x3FB0] =	sst s8  }
0x11: {  	[smem:$0x3FB1] =	sst s9;
	s0 =	simm.s32 @!p0 $0x0  }
0x12: {  	s1 =	sld [smem:$0x3F97];
	s0 =	simm.s32 @p0 $0x1  }
0x13: {  	[smem:$0x3FB2] =	sst s0;
	s0 =	simm.s32 @!p1 $0x0  }
0x14: {  	s2 =	sld [smem:$0x3F96];
	s0 =	simm.s32 @p1 $0x1  }
0x15: {  	[smem:$0x3FB3] =	sst s0;
	s0 =	simm.s32 @!p2 $0x0  }
0x16: {  	s3 =	sld [smem:$0x3FDB];
	s0 =	simm.s32 @p2 $0x1  }
0x17: {  	s4 =	simm.s32 $0x1BF5;
	[smem:$0x3FB5] =	sst s0  }
0x18: {  	s0 =	sld [smem:$0x3F98];
	_ =	swait.ge [sflag:s4], $0x0  }
0x19: {  	s7 =	sld [smem:$0x3F99]  }
0x1a: {  	s8 =	sadd.s32 $0xFFFFE003, lr  }
0x1b: {  	s9 =	sadd.s32 $0xFFFFFEF7, lr;
	s5 =	simm.s32 $0xFFFFFFFF;
	p2 =	slt.u32 s8, $0xFFFFF086  }
0x1c: {  	p1 =	slt.u32 s9, $0xF7A;
	s5 =	simm.s32 @!p2 $0x0  }
0x1d: {  	s5 =	simm.s32 @p1 $0x1;
	p0 =	seq.s32 s7, s2  }
0x1e: {  	s7 =	smul.u32 @!p0 $0xF7A, s2;
	p2 =	seq.s32 @!p0 s5, $0x0  }
0x1f: {  	s9 =	smul.u32 $0xF7A, s1;
	s8 =	simm.s32 @!p0 $0x1BF5;
	p2 =	por !p2, p0  }
0x20: {  	[sflag:s8] =	ssyncset.s32 @!p0 $0xFFFFF086;
	s6 =	sadd.s32 @!p0 s3, s7;
	s7 =	simm.s32 @!p0 $0x108  }
0x21: {  	s3 =	sadd.s32 s3, s9;
	s6 =	sadd.s32 @!p0 $0x88, s6;
	s7 =	simm.s32 @p2 $0x1082  }
0x22: {  	[simem:s7], [sflag:s8] =	dma.local @!p0 [hbm:s6], $0xF7A  }
0x23: {  	s9 =	sor.u32 $0xD0000000, s2;
	s6 =	simm.s32 $0x108;
	_ =	swait.ge @!p0 [sflag:s8], $0x0  }
0x24: {  	s3 =	sadd.s32 $0x88, s3;
	s6 =	simm.s32 @!p1 $0x1082;
	[sflag:s4] =	ssyncset.s32 $0xFFFFF086  }
0x25: {  	[simem:s6], [sflag:s4] =	dma.local [hbm:s3], $0xF7A  }
0x26: {  	[smem:$0x3F99] =	sst s1;
	(tag) =	ssettag s2;
	_ =	strace s9  }
0x27: {  	s1 =	sld [smem:$0x3FA9]  }
0x28: {  	s2 =	sld [smem:$0x3FAA]  }
0x29: {  	s4 =	sld [smem:$0x3FAC]  }
0x2a: {  	p0 =	seq.s32 s5, $0x0;
	s5 =	sld [smem:$0x3FAD]  }
0x2b: {  	s6 =	sld [smem:$0x3FAE]  }
0x2c: {  	s7 =	sld [smem:$0x3FAF]  }
0x2d: {  	s3 =	simm.s32 $0x108;
	s8 =	sld [smem:$0x3FB0]  }
0x2e: {  	s3 =	simm.s32 @!p0 $0x1082;
	s9 =	sld [smem:$0x3FB1]  }
0x2f: {  	lr =	sadd.s32 s0, s3;
	s0 =	sld [smem:$0x3FA8]  }
0x30: {  	s3 =	sld [smem:$0x3FAB]  }
0x31: {  	[smem:$0x3FB4] =	sst s10  }
0x32: {  	s10 =	sld [smem:$0x3FB2];
	_ =	sdelay $0x3  }
0x33: {  	p0 =	seq.s32 s10, $0x1;
	s10 =	sld [smem:$0x3FB4];
	_ =	sdelay $0x3  }
0x34: {  	[smem:$0x3FB4] =	sst s10  }
0x35: {  	s10 =	sld [smem:$0x3FB3];
	_ =	sdelay $0x3  }
0x36: {  	p1 =	seq.s32 s10, $0x1;
	s10 =	sld [smem:$0x3FB4];
	_ =	sdelay $0x3  }
0x37: {  	[smem:$0x3FB4] =	sst s10  }
0x38: {  	s10 =	sld [smem:$0x3FB5]  }
0x39: {  	_ = 	snop;
	(pc) =	sbr.ind lr, $3  }
0x3a: {  	_ = 	snop  }
0x3b: {  	_ = 	snop  }
0x3c: {  	p2 =	seq.s32 s10, $0x1;
	s10 =	sld [smem:$0x3FB4]  }
0x3d: {  	_ =	shalt  }
0x3e: {  	_ =	shalt  }
0x3f: {  	_ =	shalt  }
0x40: {  	_ =	shalt  }
0x41: {  	_ =	shalt  }
0x42: {  	_ =	shalt  }
0x43: {  	_ =	shalt  }
0x44: {  	_ =	shalt  }
0x45: {  	_ =	shalt  }
0x46: {  	_ =	shalt  }
0x47: {  	_ =	shalt  }
0x48: {  	_ =	shalt  }
0x49: {  	_ =	shalt  }
0x4a: {  	_ =	shalt  }
0x4b: {  	_ =	shalt  }
0x4c: {  	_ =	shalt  }
0x4d: {  	_ =	shalt  }
0x4e: {  	_ =	shalt  }
0x4f: {  	_ =	shalt  }
0x50: {  	_ =	shalt  }
0x51: {  	_ =	shalt  }
0x52: {  	_ =	shalt  }
0x53: {  	_ =	shalt  }
0x54: {  	_ =	shalt  }
0x55: {  	_ =	shalt  }
0x56: {  	_ =	shalt  }
0x57: {  	_ =	shalt  }
0x58: {  	_ =	shalt  }
0x59: {  	_ =	shalt  }
0x5a: {  	_ =	shalt  }
0x5b: {  	_ =	shalt  }
0x5c: {  	_ =	shalt  }
0x5d: {  	_ =	shalt  }
0x5e: {  	_ =	shalt  }
0x5f: {  	_ =	shalt  }
0x60: {  	_ =	shalt  }
0x61: {  	_ =	shalt  }
0x62: {  	_ =	shalt  }
0x63: {  	_ =	shalt  }
0x64: {  	_ =	shalt  }
0x65: {  	_ =	shalt  }
0x66: {  	_ =	shalt  }
0x67: {  	_ =	shalt  }
0x68: {  	_ =	shalt  }
0x69: {  	_ =	shalt  }
0x6a: {  	_ =	shalt  }
0x6b: {  	_ =	shalt  }
0x6c: {  	_ =	shalt  }
0x6d: {  	_ =	shalt  }
0x6e: {  	_ =	shalt  }
0x6f: {  	_ =	shalt  }
0x70: {  	_ =	shalt  }
0x71: {  	_ =	shalt  }
0x72: {  	_ =	shalt  }
0x73: {  	_ =	shalt  }
0x74: {  	_ =	shalt  }
0x75: {  	_ =	shalt  }
0x76: {  	_ =	shalt  }
0x77: {  	_ =	shalt  }
0x78: {  	_ =	shalt  }
0x79: {  	_ =	shalt  }
0x7a: {  	_ =	shalt  }
0x7b: {  	_ =	shalt  }
0x7c: {  	_ =	shalt  }
0x7d: {  	_ =	shalt  }
0x7e: {  	_ =	shalt  }
0x7f: {  	_ =	shalt  }
0x80: {  	_ =	shalt  }
0x81: {  	_ =	shalt  }
0x82: {  	_ =	shalt  }
0x83: {  	_ =	shalt  }
0x84: {  	_ =	shalt  }
0x85: {  	_ =	shalt  }
0x86: {  	_ =	shalt  }
0x87: {  	_ =	shalt  }
.Lfunc_end0:
.L_simem_size_0:
called_computation.2_lowered:
.L_overlay_start_0:
0x88: {  	s2 =	sld [smem:$0x3FD9]  }
0x89: {  	s3 =	sld [smem:$0x3FFE];
	_ =	sdelay $0x1  }
0x8a: {  	s1 =	srdreg.scid  }
0x8b: {  	s0 =	sand.u32 $0x1, s1  }
0x8c: {  	s16 =	sshll.u32 s0, $0xA;
	s2 =	sadd.s32 s3, s2  }
0x8d: {  	s2 =	sadd.s32 s2, s16  }
0x8e: {  	[smem:$0x3FC0] =	sst s2  }
0x8f: {  	_ = 	snop  }
0x90: {  	(tm) =	ssettm $0x1  }
0x91: {  	s17 =	sld [smem:$0x3FFB];
	_ =	sdelay $0x3  }
0x92: {  	_ =	strace s17  }
0x93: {  	s2 =	sld [smem:$0x3FFC];
	_ =	sdelay $0x3  }
0x94: {  	_ =	strace s2  }
0x95: {  	s2 =	sld [smem:$0x3FFD];
	_ =	sdelay $0x3  }
0x96: {  	_ =	strace s2  }
0x97: {  	_ =	strace $0x8FFFFFFF  }
0x98: {  	s18 =	sld [smem:$0x3FDB];
	_ =	sdelay $0x1  }
0x99: {  	s19 =	simm.s32 $_scs_section_size  }
0x9a: {  	s4 =	simm.s32 $_size__tile_overlayer_lowered;
	s5 =	simm.s32 $_tile_overlayer_lowered  }
0x9b: {  	s22 =	simm.s32 $0x1BFF;
	s21 =	sshll.u32 s5, $0x1;
	s2 =	sadd.s32 s19, s18  }
0x9c: {  	s6 =	simm.s32 $0x0;
	s20 =	sshll.u32 s4, $0x1;
	s4 =	sadd.s32 s21, s2  }
0x9d: {  	[timem:s6], [sflag:s22] =	dma.local [hbm:s4], s20  }
0x9e: {  	_ =	swait.ge [sflag:s22], s20  }
0x9f: {  	s3 =	ssub.s32 $0x0, s20;
	[sflag:s22] =	ssyncset.done $0x0  }
0xa0: {  	[sflag:s22] =	ssyncadd.s32 s3;
	_ =	sdelay $0x1  }
0xa1: {  	s23 =	simm.s32 $0x1B8B  }
0xa2: {  	_ =	swait.ge [sflag:s23], $0x1  }
0xa3: {  	[sflag:s23] =	ssyncset.done $0x0  }
0xa4: {  	s25 =	simm.s32 $0x1B8E;
	s24 =	sld [smem:$0x3FFE];
	[sflag:s23] =	ssyncadd.s32 $0xFFFFFFFF  }
0xa5: {  	s26 =	simm.s32 $execute0_lowered;
	[smem:$0x3FD2] =	sst s25  }
0xa6: {  	s4 =	sshll.u32 s26, $0x1;
	_ =	strace $0x8000004C;
	[dreg:$0x1] =	wrdreg $0xFFFFFFFF  }
0xa7: {  	s28 =	simm.s32 $_size_execute0_lowered;
	s2 =	sadd.s32 s2, s4;
	[dreg:$0x0] =	wrdreg $0x0  }
0xa8: {  	s4 =	sshll.u32 s28, $0x1;
	[dreg:$0x2] =	wrdreg s2  }
0xa9: {  	[dreg:$0x3] =	wrdreg s4  }
0xaa: {  	[dreg:$0x4] =	wrdreg $0xC0  }
0xab: {  	_ =	task [dreg:s6], $0x5FFFF  }
0xac: {  	[dreg:$0x1] =	wrdreg $0xFFFFFFFF  }
0xad: {  	[dreg:$0x0] =	wrdreg $0x60  }
0xae: {  	[dreg:$0x2] =	wrdreg s24  }
0xaf: {  	[dreg:$0x3] =	wrdreg $0x54000  }
0xb0: {  	[dreg:$0x4] =	wrdreg $0x9  }
0xb1: {  	_ =	task.clear_ibuf [dreg:s6], $0x5FFFF;
	_ =	strace $0x9000004C  }
0xb2: {  	s29 =	simm.s32 $0x9;
	_ =	strace $0x8000004E  }
0xb3: {  	_ =	swait.ge [sflag:s29], $0x1  }
0xb4: {  	[sflag:s29] =	ssyncadd.s32 $0xFFFFFFFF  }
0xb5: {  	_ =	strace $0x9000004E  }
0xb6: {  	_ =	sfence  }
0xb7: {  	s30 =	sld [smem:$0x0];
	_ =	sdelay $0x2  }
0xb8: {  	s31 =	sshll.u32 s1, $0xD;
	s1 =	sshrl.u32 s1, $0x2  }
0xb9: {  	s3 =	sand.u32 $0x4000, s31;
	s1 =	sadd.s32 s1, s30  }
0xba: {  	s0 =	sor.u32 s3, s0;
	s1 =	sshll.u32 s1, $0x11  }
0xbb: {  	s0 =	sor.u32 s1, s0  }
0xbc: {  	s0 =	sadd.s32 $0x8F2B, s0  }
0xbd: {  	[sflag:s0] =	ssyncadd.remote.s32 $0x1  }
0xbe: {  	_ =	sfence.sel $0xFFFF  }
0xbf: {  	[dreg:$0x0] =	wrdreg $0xFFFFFFFF;
	(pc) =	sbr.abs _section_cstart, $3  }
0xc0: {  	[dreg:$0x1] =	wrdreg $0xFFFFFFFF  }
0xc1: {  	_ =	task.clear_ibuf [dreg:s6], $0x2FFFF;
	_ =	strace $0x9FFFFFFF  }
0xc2: {  	(tm) =	ssettm $0x7FFFFFFF  }
0xc3: {  	_ =	shalt  }
tec
execute0_lowered:
.L_overlay_start_1:
0x0: {  	(tag) =	ssettag $0x1  }
0x1: {  	s3 =	srdreg.scid;
	s11 =	stileid.u32  }
0x2: {  	s0 =	rddreg [dreg:$0x0];
	s3 =	sand.u32 $0x1, s3;
	s7 =	smul.u32 $0x14000, s11  }
0x3: {  	s1 =	rddreg [dreg:$0x1];
	s2 =	simm.s32 $0x0;
	s6 =	smul.u32 $0x140000, s3  }
0x4: {  	[smem:$0x7FF] =	sst s2;
	s10 =	sshll.u32 s11, $0xF;
	s9 =	sshll.u32 s3, $0x13  }
0x5: {  	s4 =	sadd.s32 $0x42600, s0;
	s7 =	sadd.s32 s7, s6;
	s6 =	sor.u32 s10, s9  }
0x6: {  	s5 =	sadd.s32 $0x22600, s0;
	s8 =	sadd.s32 $0x2600, s0;
	s10 =	sshrl.u32 s6, $0x3  }
0x7: {  	_ =	strace $0x8000004D;
	s7 =	sshrl.u32 s7, $0x3;
	s16 =	sadd.s32 s5, s10  }
0x8: {  	s15 =	sor.u32 $0x10, s10;
	s12 =	sadd.s32 s10, s8;
	[dreg:$0x3] =	wrdreg s16  }
0x9: {  	s0 =	sadd.s32 s7, s0;
	s17 =	sadd.s32 s5, s15;
	[dreg:$0x4] =	wrdreg s12  }
0xa: {  	s18 =	sor.u32 $0x20, s10;
	s7 =	sadd.s32 s8, s15;
	[dreg:$0x5] =	wrdreg s17  }
0xb: {  	s19 =	sor.u32 $0x30, s10;
	s13 =	sadd.s32 s5, s18;
	[dreg:$0x6] =	wrdreg s7  }
0xc: {  	s23 =	smul.u32 $0x50000, s11;
	s20 =	sadd.s32 s5, s19;
	[dreg:$0x7] =	wrdreg s13  }
0xd: {  	s22 =	sor.u32 $0xF80, s10;
	s21 =	sadd.s32 s8, s19;
	[dreg:$0x9] =	wrdreg s20  }
0xe: {  	s25 =	sor.u32 $0xF90, s10;
	s24 =	sadd.s32 s5, s22;
	[dreg:$0xa] =	wrdreg s21  }
0xf: {  	s10 =	sadd.s32 s5, s25;
	[dreg:$0xb] =	wrdreg s24  }
0x10: {  	s26 =	sshrl.u32 s23, $0x2;
	s0 =	sadd.s32 $0x6A600, s0;
	[dreg:$0xd] =	wrdreg s10  }
0x11: {  	s16 =	sadd.s32 s26, s1;
	s26 =	sadd.s32 $0x30, s12;
	[dreg:$0xf] =	wrdreg s0  }
0x12: {  	[smem:$0x7FD] =	sst s26  }
0x13: {  	s7 =	sadd.s32 s8, s18;
	[dreg:$0x10] =	wrdreg s16  }
0x14: {  	s9 =	sadd.s32 $0x1400, s16;
	[dreg:$0x8] =	wrdreg s7  }
0x15: {  	s28 =	simm.s32 $0x9;
	s10 =	sadd.s32 $0x2800, s16;
	[dreg:$0x12] =	wrdreg s9  }
0x16: {  	s3 =	ssub.s32 $0x2, s3;
	s11 =	sadd.s32 $0x3C00, s16;
	[dreg:$0x13] =	wrdreg s10  }
0x17: {  	s14 =	sshrl.u32 s3, $0x1;
	s13 =	sadd.s32 $0x5000, s16;
	[dreg:$0x14] =	wrdreg s11  }
0x18: {  	s3 =	ssub.s32 s3, s14;
	s14 =	sadd.s32 $0x6400, s16;
	[dreg:$0x15] =	wrdreg s13  }
0x19: {  	s29 =	simm.s32 $0x5;
	s15 =	sadd.s32 $0x7800, s16;
	[dreg:$0x16] =	wrdreg s14  }
0x1a: {  	s30 =	simm.s32 $0xB;
	s17 =	sadd.s32 $0x8C00, s16;
	[dreg:$0x17] =	wrdreg s15  }
0x1b: {  	s31 =	simm.s32 $0x7;
	s18 =	sadd.s32 $0xA000, s16;
	[dreg:$0x18] =	wrdreg s17  }
0x1c: {  	s12 =	simm.s32 $0x280;
	s19 =	sadd.s32 $0xB400, s16;
	[dreg:$0x19] =	wrdreg s18  }
0x1d: {  	s20 =	sadd.s32 $0xC800, s16;
	s21 =	sadd.s32 $0xDC00, s16;
	[dreg:$0x1a] =	wrdreg s19  }
0x1e: {  	s23 =	sadd.s32 $0x10400, s16;
	s24 =	sadd.s32 $0x11800, s16;
	[dreg:$0x1b] =	wrdreg s20  }
0x1f: {  	s26 =	simm.s32 $0x4000;
	s0 =	simm.s32 $0x2C00;
	[dreg:$0x1c] =	wrdreg s21  }
0x20: {  	s7 =	sadd.s32 s8, s22;
	s22 =	sadd.s32 $0xF000, s16;
	[dreg:$0x1e] =	wrdreg s23  }
0x21: {  	[dreg:$0x1f] =	wrdreg s24;
	s13 =	simm.s32 $0x200;
	s14 =	simm.s32 $0x80  }
0x22: {  	s17 =	simm.s32 $0x180;
	s18 =	simm.s32 $0x380;
	s19 =	simm.s32 $0x400  }
0x23: {  	s21 =	simm.s32 $0xD;
	s23 =	simm.s32 $0x28;
	[dreg:$0xc] =	wrdreg s7  }
.Ltmp0:
0x24: {  	s7 =	sadd.s32 s8, s25;
	[dreg:$0x1d] =	wrdreg s22;
	(pc) =	sbr.rel .LBB2_1-.Ltmp0, $4  }
0x25: {  	s24 =	simm.s32 $0x1800;
	s8 =	smax.u32 s3, $0x1;
	[dreg:$0xe] =	wrdreg s7  }
0x26: {  	s11 =	simm.s32 $0x0;
	s25 =	sadd.s32 $0x12C00, s16;
	[dreg:$0x11] =	wrdreg s8  }
0x27: {  	s22 =	simm.s32 $0x2;
	s3 =	simm.s32 $0xC;
	[smem:$0x7FC] =	sst s25  }
0x28: {  	v0 =	vimm.f32 $0.0e+00;
	s8 =	simm.s32 $0x300;
	s25 =	simm.s32 $0x4;
	s7 =	simm.s32 $0x8  }
.LBB2_5:
0x29: {  	_ =	swait.ge [sflag:s3], $0x1400  }
0x2a: {  	[sflag:s3] =	ssyncset.done $0x0  }
0x2b: {  	[sflag:s3] =	ssyncadd.s32 $0xFFFFEC00  }
0x2c: {  	_ =	swait.ge [sflag:s7], $0x80  }
0x2d: {  	[sflag:s7] =	ssyncset.done $0x0  }
0x2e: {  	[sflag:s7] =	ssyncadd.s32 $0xFFFFFF80  }
0x2f: {  	[spmem:s1] =	stream.indirect.scatter.add.f32 [tilespmem:s26], [sflag:$0x10], $0x80, s18, s23, $0xb8;
	[tilespmem:$0x19400] =	vst v63  }
.LBB2_7:
0x30: {  	_ =	swait.ge [sflag:s21], $0x1400  }
0x31: {  	[sflag:s21] =	ssyncset.done $0x0  }
0x32: {  	s10 =	simm.s32 $0xE;
	[sflag:s21] =	ssyncadd.s32 $0xFFFFEC00  }
0x33: {  	_ =	swait.ge [sflag:s10], $0x1400  }
0x34: {  	[sflag:s10] =	ssyncset.done $0x0  }
0x35: {  	s9 =	simm.s32 $0xF;
	[sflag:s10] =	ssyncadd.s32 $0xFFFFEC00  }
0x36: {  	_ =	swait.ge [sflag:s9], $0x1400  }
0x37: {  	[sflag:s9] =	ssyncset.done $0x0  }
0x38: {  	s20 =	simm.s32 $0x10;
	[sflag:s9] =	ssyncadd.s32 $0xFFFFEC00  }
0x39: {  	_ =	swait.ge [sflag:s20], $0x1400  }
0x3a: {  	[sflag:s20] =	ssyncset.done $0x0  }
0x3b: {  	s11 =	rddreg [dreg:$0xb];
	[sflag:s20] =	ssyncadd.s32 $0xFFFFEC00  }
0x3c: {  	[tilespmem:s2], [sflag:$0x1] =	stream.linear.gather [hbm4b:s11+s2], $0x80, $0x38;
	[tilespmem:$0x19400] =	vst v63  }
0x3d: {  	s15 =	simm.s32 $0x1;
	s12 =	rddreg [dreg:$0xc]  }
0x3e: {  	[tilespmem:s13], [sflag:$0x5] =	stream.linear.gather [hbm4b:s12+s2], $0x80, $0x38;
	[tilespmem:$0x19400] =	vst v63  }
0x3f: {  	_ =	swait.ge [sflag:s15], $0x80  }
0x40: {  	[sflag:s15] =	ssyncset.done $0x0  }
0x41: {  	[sflag:s15] =	ssyncadd.s32 $0xFFFFFF80  }
0x42: {  	[tilespmem:s19], [sflag:$0x9] =	stream.indirect.gather [hbm4b:s4+s23], $0x80, s2, s23, $0xb8;
	[tilespmem:$0x19400] =	vst v63  }
0x43: {  	s16 =	rddreg [dreg:$0xd]  }
0x44: {  	[tilespmem:s14], [sflag:$0x2] =	stream.linear.gather [hbm4b:s16+s2], $0x80, $0x38;
	[tilespmem:$0x19400] =	vst v63  }
0x45: {  	s12 =	simm.s32 $0x280;
	s20 =	rddreg [dreg:$0xe]  }
0x46: {  	[tilespmem:s12], [sflag:$0x6] =	stream.linear.gather [hbm4b:s20+s2], $0x80, $0x38;
	[tilespmem:$0x19400] =	vst v63  }
0x47: {  	_ =	swait.ge [sflag:s22], $0x80  }
0x48: {  	[sflag:s22] =	ssyncset.done $0x0  }
0x49: {  	[sflag:s22] =	ssyncadd.s32 $0xFFFFFF80  }
0x4a: {  	[tilespmem:s24], [sflag:$0xA] =	stream.indirect.gather [hbm4b:s4+s23], $0x80, s14, s23, $0xb8;
	[tilespmem:$0x19400] =	vst v63  }
0x4b: {  	_ =	swait.ge [sflag:s28], $0x1400  }
0x4c: {  	[sflag:s28] =	ssyncset.done $0x0  }
0x4d: {  	[sflag:s28] =	ssyncadd.s32 $0xFFFFEC00  }
0x4e: {  	_ =	swait.ge [sflag:s29], $0x80  }
0x4f: {  	[sflag:s29] =	ssyncset.done $0x0  }
0x50: {  	s11 =	simm.s32 $0xA;
	[sflag:s29] =	ssyncadd.s32 $0xFFFFFF80  }
0x51: {  	[spmem:s1] =	stream.indirect.scatter.add.f32 [tilespmem:s19], [sflag:$0xD], $0x80, s13, s23, $0xb8;
	[tilespmem:$0x19400] =	vst v63  }
0x52: {  	_ =	swait.ge [sflag:s11], $0x1400  }
0x53: {  	[sflag:s11] =	ssyncset.done $0x0  }
0x54: {  	s15 =	simm.s32 $0x6;
	[sflag:s11] =	ssyncadd.s32 $0xFFFFEC00  }
0x55: {  	_ =	swait.ge [sflag:s15], $0x80  }
0x56: {  	[sflag:s15] =	ssyncset.done $0x0  }
0x57: {  	[sflag:s15] =	ssyncadd.s32 $0xFFFFFF80  }
0x58: {  	[spmem:s1] =	stream.indirect.scatter.add.f32 [tilespmem:s24], [sflag:$0xE], $0x80, s12, s23, $0xb8;
	[tilespmem:$0x19400] =	vst v63  }
0x59: {  	_ =	swait.ge [sflag:s21], $0x1400  }
0x5a: {  	[sflag:s21] =	ssyncset.done $0x0  }
0x5b: {  	[sflag:s21] =	ssyncadd.s32 $0xFFFFEC00  }
0x5c: {  	_ =	swait.ge [sflag:s10], $0x1400  }
0x5d: {  	[sflag:s10] =	ssyncset.done $0x0  }
0x5e: {  	s16 =	stileid.u32;
	[sflag:s10] =	ssyncadd.s32 $0xFFFFEC00  }
0x5f: {  	s9 =	sshll.u32 s16, $0x6;
	[bflag:$0x0] =	sbarrier.arrive $0xFFFF  }
0x60: {  	s9 =	sor.u32 $0x1C11, s9;
	s16 =	rddreg [dreg:$0x10]  }
0x61: {  	s10 =	simm.s32 $0x11;
	s11 =	rddreg [dreg:$0xf];
	s20 =	sshrl.u32 s16, $0x3  }
0x62: {  	[hbm:s11], [sflag:s9] =	dma.local [spmem:s20], $0x2800  }
0x63: {  	_ =	swait.ge [sflag:s10], $0x2800  }
0x64: {  	s15 =	sld [smem:$0x7FB];
	_ =	sdelay $0x2  }
0x65: {  	s20 =	rddreg [dreg:$0x11];
	s11 =	sadd.s32 $0x1, s15  }
0x66: {  	p0 =	sne.s32 s11, s20  }
.Ltmp1:
0x67: {  	_ = 	snop;
	(pc) =	sbr.rel @!p0 .LBB2_8-.Ltmp1, $3  }
0x68: {  	_ =	sdelay $0x1  }
0x69: {  	[sflag:s10] =	ssyncset.done $0x0  }
0x6a: {  	[sflag:s10] =	ssyncadd.s32 $0xFFFFD800  }
.LBB2_1:
0x6b: {  	[smem:$0x7FB] =	sst s11  }
0x6c: {  	s9 =	rddreg [dreg:$0x3]  }
0x6d: {  	s10 =	rddreg [dreg:$0x4]  }
0x6e: {  	[tilespmem:s2], [sflag:$0x1] =	stream.linear.gather [hbm4b:s9+s2], $0x80, $0x38;
	[tilespmem:$0x19400] =	vst v63  }
0x6f: {  	s11 =	rddreg [dreg:$0x5]  }
0x70: {  	[tilespmem:s13], [sflag:$0x5] =	stream.linear.gather [hbm4b:s10+s2], $0x80, $0x38;
	[tilespmem:$0x19400] =	vst v63  }
0x71: {  	s15 =	rddreg [dreg:$0x6]  }
0x72: {  	[tilespmem:s14], [sflag:$0x2] =	stream.linear.gather [hbm4b:s11+s2], $0x80, $0x38;
	[tilespmem:$0x19400] =	vst v63  }
0x73: {  	s20 =	rddreg [dreg:$0x7]  }
0x74: {  	[tilespmem:s12], [sflag:$0x6] =	stream.linear.gather [hbm4b:s15+s2], $0x80, $0x38;
	[tilespmem:$0x19400] =	vst v63  }
0x75: {  	s10 =	simm.s32 $0x100;
	s11 =	rddreg [dreg:$0x9]  }
0x76: {  	[tilespmem:s10], [sflag:$0x3] =	stream.linear.gather [hbm4b:s20+s2], $0x80, $0x38;
	[tilespmem:$0x19400] =	vst v63  }
0x77: {  	s15 =	sand.u32 $0x7E00, s2;
	s10 =	rddreg [dreg:$0x8]  }
0x78: {  	[tilespmem:s8], [sflag:$0x7] =	stream.linear.gather [hbm4b:s10+s2], $0x80, $0x38;
	[tilespmem:$0x19400] =	vst v63  }
0x79: {  	s12 =	rddreg [dreg:$0xa];
	s15 =	sshrl.u32 s15, $0x2;
	s20 =	sand.u32 $0x70, s2  }
0x7a: {  	[tilespmem:s17], [sflag:$0x4] =	stream.linear.gather [hbm4b:s11+s2], $0x80, $0x38;
	[tilespmem:$0x19400] =	vst v63  }
0x7b: {  	s10 =	simm.s32 $0x40;
	s11 =	sor.u32 s20, s15;
	s15 =	simm.s32 $0x0  }
0x7c: {  	[tilespmem:s18], [sflag:$0x8] =	stream.linear.gather [hbm4b:s12+s2], $0x80, $0x38;
	[tilespmem:$0x19400] =	vst v63  }
.LBB2_2:
0x7d: {  	p0 =	sne.s32 s10, $0x4FC0  }
0x7e: {  	[tilespmem:s11+$0x400] =	vst v0;
	s15 =	sadd.s32 $0x10, s15;
	s11 =	smov.u32 s10;
	s10 =	sadd.s32 $0x40, s10  }
.Ltmp2:
0x7f: {  	(pc) =	sbr.rel @p0 .LBB2_2-.Ltmp2, $4  }
0x80: {  	_ = 	snop  }
0x81: {  	s11 =	sand.u32 $0x7E00, s11  }
0x82: {  	s20 =	sand.u32 $0x70, s15;
	s11 =	sshrl.u32 s11, $0x2  }
0x83: {  	s11 =	sor.u32 s20, s11  }
0x84: {  	[tilespmem:s11+$0x400] =	vst v0;
	s9 =	rddreg [dreg:$0x12]  }
0x85: {  	[spmem:s16] =	stream.linear.scatter [tilespmem:s19], [sflag:$0xD], $0x1400, $0x38;
	[tilespmem:$0x19400] =	vst v63  }
0x86: {  	s20 =	rddreg [dreg:$0x14]  }
0x87: {  	[spmem:s9] =	stream.linear.scatter [tilespmem:s19], [sflag:$0xD], $0x1400, $0x38;
	[tilespmem:$0x19400] =	vst v63  }
0x88: {  	s16 =	rddreg [dreg:$0x13]  }
0x89: {  	[spmem:s16] =	stream.linear.scatter [tilespmem:s19], [sflag:$0xD], $0x1400, $0x38;
	[tilespmem:$0x19400] =	vst v63  }
0x8a: {  	s10 =	rddreg [dreg:$0x15]  }
0x8b: {  	[spmem:s20] =	stream.linear.scatter [tilespmem:s19], [sflag:$0xD], $0x1400, $0x38;
	[tilespmem:$0x19400] =	vst v63  }
0x8c: {  	s11 =	rddreg [dreg:$0x16]  }
0x8d: {  	[spmem:s10] =	stream.linear.scatter [tilespmem:s19], [sflag:$0xD], $0x1400, $0x38;
	[tilespmem:$0x19400] =	vst v63  }
0x8e: {  	s12 =	rddreg [dreg:$0x17]  }
0x8f: {  	[spmem:s11] =	stream.linear.scatter [tilespmem:s19], [sflag:$0xD], $0x1400, $0x38;
	[tilespmem:$0x19400] =	vst v63  }
0x90: {  	s15 =	rddreg [dreg:$0x18]  }
0x91: {  	[spmem:s12] =	stream.linear.scatter [tilespmem:s19], [sflag:$0xD], $0x1400, $0x38;
	[tilespmem:$0x19400] =	vst v63  }
0x92: {  	s16 =	rddreg [dreg:$0x19]  }
0x93: {  	[spmem:s15] =	stream.linear.scatter [tilespmem:s19], [sflag:$0xD], $0x1400, $0x38;
	[tilespmem:$0x19400] =	vst v63  }
0x94: {  	s20 =	rddreg [dreg:$0x1a]  }
0x95: {  	[spmem:s16] =	stream.linear.scatter [tilespmem:s19], [sflag:$0xD], $0x1400, $0x38;
	[tilespmem:$0x19400] =	vst v63  }
0x96: {  	s10 =	rddreg [dreg:$0x1b]  }
0x97: {  	[spmem:s20] =	stream.linear.scatter [tilespmem:s19], [sflag:$0xD], $0x1400, $0x38;
	[tilespmem:$0x19400] =	vst v63  }
0x98: {  	s11 =	rddreg [dreg:$0x1c]  }
0x99: {  	[spmem:s10] =	stream.linear.scatter [tilespmem:s19], [sflag:$0xD], $0x1400, $0x38;
	[tilespmem:$0x19400] =	vst v63  }
0x9a: {  	s12 =	rddreg [dreg:$0x1d]  }
0x9b: {  	[spmem:s11] =	stream.linear.scatter [tilespmem:s19], [sflag:$0xD], $0x1400, $0x38;
	[tilespmem:$0x19400] =	vst v63  }
0x9c: {  	s15 =	rddreg [dreg:$0x1e]  }
0x9d: {  	[spmem:s12] =	stream.linear.scatter [tilespmem:s19], [sflag:$0xD], $0x1400, $0x38;
	[tilespmem:$0x19400] =	vst v63  }
0x9e: {  	s16 =	rddreg [dreg:$0x1f]  }
0x9f: {  	[spmem:s15] =	stream.linear.scatter [tilespmem:s19], [sflag:$0xD], $0x1400, $0x38;
	[tilespmem:$0x19400] =	vst v63  }
0xa0: {  	s20 =	sld [smem:$0x7FC]  }
0xa1: {  	[spmem:s16] =	stream.linear.scatter [tilespmem:s19], [sflag:$0xD], $0x1400, $0x38;
	[tilespmem:$0x19400] =	vst v63  }
0xa2: {  	_ = 	snop  }
0xa3: {  	[spmem:s20] =	stream.linear.scatter [tilespmem:s19], [sflag:$0xD], $0x1400, $0x38;
	[tilespmem:$0x19400] =	vst v63  }
0xa4: {  	_ =	swait.ge [sflag:s21], $0x1400  }
0xa5: {  	[sflag:s21] =	ssyncset.done $0x0  }
0xa6: {  	[sflag:s21] =	ssyncadd.s32 $0xFFFFEC00  }
0xa7: {  	_ =	swait.ge [sflag:s21], $0x1400  }
0xa8: {  	[sflag:s21] =	ssyncset.done $0x0  }
0xa9: {  	[sflag:s21] =	ssyncadd.s32 $0xFFFFEC00  }
0xaa: {  	_ =	swait.ge [sflag:s21], $0x1400  }
0xab: {  	[sflag:s21] =	ssyncset.done $0x0  }
0xac: {  	[sflag:s21] =	ssyncadd.s32 $0xFFFFEC00  }
0xad: {  	_ =	swait.ge [sflag:s21], $0x1400  }
0xae: {  	[sflag:s21] =	ssyncset.done $0x0  }
0xaf: {  	[sflag:s21] =	ssyncadd.s32 $0xFFFFEC00  }
0xb0: {  	_ =	swait.ge [sflag:s21], $0x1400  }
0xb1: {  	[sflag:s21] =	ssyncset.done $0x0  }
0xb2: {  	[sflag:s21] =	ssyncadd.s32 $0xFFFFEC00  }
0xb3: {  	_ =	swait.ge [sflag:s21], $0x1400  }
0xb4: {  	[sflag:s21] =	ssyncset.done $0x0  }
0xb5: {  	[sflag:s21] =	ssyncadd.s32 $0xFFFFEC00  }
0xb6: {  	_ =	swait.ge [sflag:s21], $0x1400  }
0xb7: {  	[sflag:s21] =	ssyncset.done $0x0  }
0xb8: {  	[sflag:s21] =	ssyncadd.s32 $0xFFFFEC00  }
0xb9: {  	_ =	swait.ge [sflag:s21], $0x1400  }
0xba: {  	[sflag:s21] =	ssyncset.done $0x0  }
0xbb: {  	[sflag:s21] =	ssyncadd.s32 $0xFFFFEC00  }
0xbc: {  	_ =	swait.ge [sflag:s21], $0x1400  }
0xbd: {  	[sflag:s21] =	ssyncset.done $0x0  }
0xbe: {  	[sflag:s21] =	ssyncadd.s32 $0xFFFFEC00  }
0xbf: {  	_ =	swait.ge [sflag:s21], $0x1400  }
0xc0: {  	[sflag:s21] =	ssyncset.done $0x0  }
0xc1: {  	[sflag:s21] =	ssyncadd.s32 $0xFFFFEC00  }
0xc2: {  	_ =	swait.ge [sflag:s21], $0x1400  }
0xc3: {  	[sflag:s21] =	ssyncset.done $0x0  }
0xc4: {  	[sflag:s21] =	ssyncadd.s32 $0xFFFFEC00  }
0xc5: {  	_ =	swait.ge [sflag:s21], $0x1400  }
0xc6: {  	[sflag:s21] =	ssyncset.done $0x0  }
0xc7: {  	[sflag:s21] =	ssyncadd.s32 $0xFFFFEC00  }
0xc8: {  	_ =	swait.ge [sflag:s21], $0x1400  }
0xc9: {  	[sflag:s21] =	ssyncset.done $0x0  }
0xca: {  	[sflag:s21] =	ssyncadd.s32 $0xFFFFEC00  }
0xcb: {  	_ =	swait.ge [sflag:s21], $0x1400  }
0xcc: {  	[sflag:s21] =	ssyncset.done $0x0  }
0xcd: {  	[sflag:s21] =	ssyncadd.s32 $0xFFFFEC00  }
0xce: {  	_ =	swait.ge [sflag:s21], $0x1400  }
0xcf: {  	[sflag:s21] =	ssyncset.done $0x0  }
0xd0: {  	[sflag:s21] =	ssyncadd.s32 $0xFFFFEC00  }
0xd1: {  	_ =	swait.ge [sflag:s21], $0x1400  }
0xd2: {  	[sflag:s21] =	ssyncset.done $0x0  }
0xd3: {  	[sflag:s21] =	ssyncadd.s32 $0xFFFFEC00  }
0xd4: {  	[bflag:$0x0] =	sbarrier.arrive $0xFFFF  }
0xd5: {  	s15 =	simm.s32 $0x380;
	s10 =	sld [smem:$0x7FD]  }
.LBB2_4:
0xd6: {  	p0 =	seq.s32 s15, $0x380  }
0xd7: {  	s11 =	simm.s32 @p0 $0x1  }
0xd8: {  	_ =	swait.ge @p0 [sflag:s11], $0x80  }
0xd9: {  	s20 =	simm.s32 @p0 $0x0;
	[sflag:s11] =	ssyncset.done @p0 $0x0  }
0xda: {  	s9 =	simm.s32 @p0 $0x400;
	[sflag:s11] =	ssyncadd.s32 @p0 $0xFFFFFF80;
	s11 =	simm.s32 @p0 $0x28  }
0xdb: {  	[tilespmem:s9], [sflag:$0x9] =	stream.indirect.gather @p0 [hbm4b:s4+s11], $0x80, s20, s11, $0xb8;
	[tilespmem:$0x19400] =	vst v63  }
0xdc: {  	s9 =	simm.s32 @!p0 $0xD  }
0xdd: {  	_ =	swait.ge @!p0 [sflag:s9], $0x1400  }
0xde: {  	s12 =	simm.s32 @!p0 $0x200;
	[sflag:s9] =	ssyncset.done @!p0 $0x0  }
0xdf: {  	s20 =	simm.s32 @!p0 $0x0;
	[sflag:s9] =	ssyncadd.s32 @!p0 $0xFFFFEC00;
	s9 =	sadd.s32 @!p0 $0xFFFFFFD0, s10  }
0xe0: {  	[tilespmem:s12], [sflag:$0x5] =	stream.linear.gather @!p0 [hbm4b:s9+s20], $0x80, $0x38;
	[tilespmem:$0x19400] =	vst v63  }
0xe1: {  	s9 =	simm.s32 @!p0 $0x1  }
0xe2: {  	_ =	swait.ge @!p0 [sflag:s9], $0x80  }
0xe3: {  	[sflag:s9] =	ssyncset.done @!p0 $0x0  }
0xe4: {  	s12 =	simm.s32 @!p0 $0x400;
	[sflag:s9] =	ssyncadd.s32 @!p0 $0xFFFFFF80;
	s9 =	simm.s32 @!p0 $0x28  }
0xe5: {  	[tilespmem:s12], [sflag:$0x9] =	stream.indirect.gather @!p0 [hbm4b:s4+s9], $0x80, s20, s9, $0xb8;
	[tilespmem:$0x19400] =	vst v63  }
0xe6: {  	s12 =	simm.s32 @!p0 $0xE  }
0xe7: {  	_ =	swait.ge @!p0 [sflag:s12], $0x1400  }
0xe8: {  	[sflag:s12] =	ssyncset.done @!p0 $0x0  }
0xe9: {  	s16 =	simm.s32 @!p0 $0x280;
	[sflag:s12] =	ssyncadd.s32 @!p0 $0xFFFFEC00;
	s12 =	sadd.s32 @!p0 $0xFFFFFFE0, s10  }
0xea: {  	[tilespmem:s16], [sflag:$0x6] =	stream.linear.gather @!p0 [hbm4b:s12+s20], $0x80, $0x38;
	[tilespmem:$0x19400] =	vst v63  }
0xeb: {  	_ =	swait.ge [sflag:s22], $0x80  }
0xec: {  	[sflag:s22] =	ssyncset.done $0x0  }
0xed: {  	s12 =	simm.s32 @p0 $0x3;
	[sflag:s22] =	ssyncadd.s32 $0xFFFFFF80  }
0xee: {  	[tilespmem:s24], [sflag:$0xA] =	stream.indirect.gather [hbm4b:s4+s23], $0x80, s14, s23, $0xb8;
	[tilespmem:$0x19400] =	vst v63  }
0xef: {  	_ =	swait.ge @p0 [sflag:s12], $0x80  }
0xf0: {  	[sflag:s12] =	ssyncset.done @p0 $0x0  }
0xf1: {  	s16 =	simm.s32 @p0 $0x2C00;
	[sflag:s12] =	ssyncadd.s32 @p0 $0xFFFFFF80;
	s12 =	simm.s32 @p0 $0x100  }
0xf2: {  	[tilespmem:s16], [sflag:$0xB] =	stream.indirect.gather @p0 [hbm4b:s4+s11], $0x80, s12, s11, $0xb8;
	[tilespmem:$0x19400] =	vst v63  }
0xf3: {  	s11 =	simm.s32 @!p0 $0xF  }
0xf4: {  	_ =	swait.ge @!p0 [sflag:s11], $0x1400  }
0xf5: {  	[sflag:s11] =	ssyncset.done @!p0 $0x0  }
0xf6: {  	s12 =	simm.s32 @!p0 $0x300;
	[sflag:s11] =	ssyncadd.s32 @!p0 $0xFFFFEC00;
	s11 =	sadd.s32 @!p0 $0xFFFFFFF0, s10  }
0xf7: {  	[tilespmem:s12], [sflag:$0x7] =	stream.linear.gather @!p0 [hbm4b:s11+s20], $0x80, $0x38;
	[tilespmem:$0x19400] =	vst v63  }
0xf8: {  	s11 =	simm.s32 @!p0 $0x3  }
0xf9: {  	_ =	swait.ge @!p0 [sflag:s11], $0x80  }
0xfa: {  	[sflag:s11] =	ssyncset.done @!p0 $0x0  }
0xfb: {  	s12 =	simm.s32 @!p0 $0x2C00;
	[sflag:s11] =	ssyncadd.s32 @!p0 $0xFFFFFF80;
	s11 =	simm.s32 @!p0 $0x100  }
0xfc: {  	[tilespmem:s12], [sflag:$0xB] =	stream.indirect.gather @!p0 [hbm4b:s4+s9], $0x80, s11, s9, $0xb8;
	[tilespmem:$0x19400] =	vst v63  }
0xfd: {  	s9 =	simm.s32 @!p0 $0x10  }
0xfe: {  	_ =	swait.ge @!p0 [sflag:s9], $0x1400  }
0xff: {  	[sflag:s9] =	ssyncset.done @!p0 $0x0  }
0x100: {  	[sflag:s9] =	ssyncadd.s32 @!p0 $0xFFFFEC00;
	s9 =	simm.s32 @!p0 $0x380  }
0x101: {  	[tilespmem:s9], [sflag:$0x8] =	stream.linear.gather @!p0 [hbm4b:s10+s20], $0x80, $0x38;
	[tilespmem:$0x19400] =	vst v63  }
0x102: {  	_ =	swait.ge [sflag:s25], $0x80  }
0x103: {  	[sflag:s25] =	ssyncset.done $0x0  }
0x104: {  	[sflag:s25] =	ssyncadd.s32 $0xFFFFFF80  }
0x105: {  	[tilespmem:s26], [sflag:$0xC] =	stream.indirect.gather [hbm4b:s4+s23], $0x80, s17, s23, $0xb8;
	[tilespmem:$0x19400] =	vst v63  }
0x106: {  	_ =	swait.ge [sflag:s28], $0x1400  }
0x107: {  	[sflag:s28] =	ssyncset.done $0x0  }
0x108: {  	[sflag:s28] =	ssyncadd.s32 $0xFFFFEC00  }
0x109: {  	_ =	swait.ge [sflag:s29], $0x80  }
0x10a: {  	p0 =	seq.s32 s15, $0x7D80;
	[sflag:s29] =	ssyncset.done $0x0  }
0x10b: {  	s9 =	simm.s32 @p0 $0xA;
	[sflag:s29] =	ssyncadd.s32 $0xFFFFFF80  }
0x10c: {  	[spmem:s1] =	stream.indirect.scatter.add.f32 [tilespmem:s19], [sflag:$0xD], $0x80, s13, s23, $0xb8;
	[tilespmem:$0x19400] =	vst v63  }
0x10d: {  	_ =	swait.ge @p0 [sflag:s9], $0x1400  }
0x10e: {  	[sflag:s9] =	ssyncset.done @p0 $0x0  }
0x10f: {  	[sflag:s9] =	ssyncadd.s32 @p0 $0xFFFFEC00;
	s9 =	simm.s32 @p0 $0x6  }
0x110: {  	_ =	swait.ge @p0 [sflag:s9], $0x80  }
0x111: {  	s11 =	simm.s32 @p0 $0x280;
	[sflag:s9] =	ssyncset.done @p0 $0x0  }
0x112: {  	s12 =	simm.s32 @p0 $0x1800;
	[sflag:s9] =	ssyncadd.s32 @p0 $0xFFFFFF80;
	s9 =	simm.s32 @p0 $0x28  }
0x113: {  	[spmem:s1] =	stream.indirect.scatter.add.f32 @p0 [tilespmem:s12], [sflag:$0xE], $0x80, s11, s9, $0xb8;
	[tilespmem:$0x19400] =	vst v63  }
0x114: {  	s9 =	sadd.s32 @!p0 $0xFFFFFE80, s15  }
0x115: {  	s11 =	sand.u32 @!p0 $0xFC00, s9  }
0x116: {  	s9 =	sand.u32 @!p0 $0x200, s9;
	s11 =	sadd.s32 @!p0 s6, s11  }
0x117: {  	s9 =	sor.u32 @!p0 s9, s11  }
0x118: {  	s9 =	sshrl.u32 @!p0 s9, $0x3  }
0x119: {  	s11 =	simm.s32 @!p0 $0x0;
	s9 =	sadd.s32 @!p0 s5, s9  }
0x11a: {  	[tilespmem:s11], [sflag:$0x1] =	stream.linear.gather @!p0 [hbm4b:s9+s11], $0x80, $0x38;
	[tilespmem:$0x19400] =	vst v63  }
0x11b: {  	s9 =	simm.s32 @!p0 $0xA  }
0x11c: {  	_ =	swait.ge @!p0 [sflag:s9], $0x1400  }
0x11d: {  	[sflag:s9] =	ssyncset.done @!p0 $0x0  }
0x11e: {  	[sflag:s9] =	ssyncadd.s32 @!p0 $0xFFFFEC00;
	s9 =	simm.s32 @!p0 $0x6  }
0x11f: {  	_ =	swait.ge @!p0 [sflag:s9], $0x80  }
0x120: {  	s16 =	simm.s32 @!p0 $0x1800;
	[sflag:s9] =	ssyncset.done @!p0 $0x0  }
0x121: {  	s12 =	simm.s32 @!p0 $0x280;
	[sflag:s9] =	ssyncadd.s32 @!p0 $0xFFFFFF80;
	s9 =	simm.s32 @!p0 $0x28  }
0x122: {  	[spmem:s1] =	stream.indirect.scatter.add.f32 @!p0 [tilespmem:s16], [sflag:$0xE], $0x80, s12, s9, $0xb8;
	[tilespmem:$0x19400] =	vst v63  }
0x123: {  	s9 =	sadd.s32 @!p0 $0xFFFFFF00, s15  }
0x124: {  	s12 =	sand.u32 @!p0 $0xFC00, s9  }
0x125: {  	s9 =	sand.u32 @!p0 $0x280, s9;
	s12 =	sadd.s32 @!p0 s6, s12  }
0x126: {  	s9 =	sor.u32 @!p0 s9, s12  }
0x127: {  	s9 =	sshrl.u32 @!p0 s9, $0x3  }
0x128: {  	s12 =	simm.s32 @!p0 $0x80;
	s9 =	sadd.s32 @!p0 s5, s9  }
0x129: {  	[tilespmem:s12], [sflag:$0x2] =	stream.linear.gather @!p0 [hbm4b:s9+s11], $0x80, $0x38;
	[tilespmem:$0x19400] =	vst v63  }
0x12a: {  	_ =	swait.ge [sflag:s30], $0x1400  }
0x12b: {  	p0 =	sne.s32 s15, $0x7D80;
	[sflag:s30] =	ssyncset.done $0x0  }
.Ltmp3:
0x12c: {  	[sflag:s30] =	ssyncadd.s32 $0xFFFFEC00;
	(pc) =	sbr.rel @!p0 .LBB2_5-.Ltmp3, $4  }
0x12d: {  	_ =	swait.ge [sflag:s31], $0x80  }
0x12e: {  	[sflag:s31] =	ssyncset.done $0x0  }
0x12f: {  	[sflag:s31] =	ssyncadd.s32 $0xFFFFFF80  }
0x130: {  	[spmem:s1] =	stream.indirect.scatter.add.f32 [tilespmem:s0], [sflag:$0xF], $0x80, s8, s23, $0xb8;
	[tilespmem:$0x19400] =	vst v63  }
0x131: {  	s9 =	sadd.s32 $0xFFFFFF80, s15  }
0x132: {  	s11 =	sand.u32 $0xFC00, s9  }
0x133: {  	s9 =	sand.u32 $0x300, s9;
	s11 =	sadd.s32 s6, s11  }
0x134: {  	s9 =	sor.u32 s9, s11  }
0x135: {  	s9 =	sshrl.u32 s9, $0x3  }
0x136: {  	s12 =	simm.s32 $0x100;
	s9 =	sadd.s32 s5, s9  }
0x137: {  	[tilespmem:s12], [sflag:$0x3] =	stream.linear.gather [hbm4b:s9+s2], $0x80, $0x38;
	[tilespmem:$0x19400] =	vst v63  }
0x138: {  	_ =	swait.ge [sflag:s3], $0x1400  }
0x139: {  	s16 =	sand.u32 $0xFC00, s15;
	[sflag:s3] =	ssyncset.done $0x0  }
0x13a: {  	s20 =	sand.u32 $0x380, s15;
	s15 =	sadd.s32 $0x200, s15;
	[sflag:s3] =	ssyncadd.s32 $0xFFFFEC00  }
0x13b: {  	p0 =	sne.s32 s15, $0x7F80;
	s9 =	sadd.s32 s6, s16;
	_ =	swait.ge [sflag:s7], $0x80  }
.Ltmp4:
0x13c: {  	s9 =	sor.u32 s20, s9;
	[sflag:s7] =	ssyncset.done $0x0;
	(pc) =	sbr.rel @p0 .LBB2_4-.Ltmp4, $4  }
.Ltmp5:
0x13d: {  	s9 =	sshrl.u32 s9, $0x3;
	[sflag:s7] =	ssyncadd.s32 $0xFFFFFF80;
	(pc) =	sbr.rel @!p0 .LBB2_7-.Ltmp5, $4  }
0x13e: {  	[spmem:s1] =	stream.indirect.scatter.add.f32 [tilespmem:s26], [sflag:$0x10], $0x80, s18, s23, $0xb8;
	[tilespmem:$0x19400] =	vst v63  }
0x13f: {  	s10 =	sadd.s32 $0x40, s10;
	s9 =	sadd.s32 s5, s9  }
0x140: {  	[tilespmem:s17], [sflag:$0x4] =	stream.linear.gather [hbm4b:s9+s2], $0x80, $0x38;
	[tilespmem:$0x19400] =	vst v63  }
0x141: {  	_ = 	snop  }
.LBB2_8:
0x142: {  	_ =	sfence.sel $0x180000  }
0x143: {  	[bflag:$0x0] =	sbarrier.arrive $0xFFFF  }
0x144: {  	_ =	strace $0x9000004D  }
0x145: {  	s0 =	stileid.u32;
	[bflag:$0x2] =	sbarrier.arrive $0xFFFF  }
0x146: {  	p0 =	sne.s32 s0, $0x0;
	s0 =	rddreg [dreg:$0x2]  }
0x147: {  	s0 =	sadd.s32 @!p0 $0x100000, s0  }
0x148: {  	[sflag:s0] =	ssyncadd.tile.s32 @!p0 $0x1;
	_ =	shalt  }
.Lfunc_end2:
_tile_overlayer_lowered:
.L_overlay_start_2:
0x149: {  	(tag) =	ssettag $0x2  }
0x14a: {  	s0 =	rddreg [dreg:$0x0];
	s2 =	stileid.u32  }
0x14b: {  	s1 =	rddreg [dreg:$0x1];
	p0 =	sne.s32 s2, $0x0  }
0x14c: {  	s3 =	rddreg [dreg:$0x2];
	[bflag:$0x3] =	sbarrier.arrive $0xFFFF;
	s2 =	simm.s32 @!p0 $0x1C11  }
0x14d: {  	[timem:s3], [sflag:s2] =	dma.local @!p0 [hbm:s0], s1  }
0x14e: {  	s0 =	simm.s32 @!p0 $0x11  }
0x14f: {  	_ =	swait.ge @!p0 [sflag:s0], s1  }
0x150: {  	s1 =	ssub.s32 @!p0 $0x0, s1;
	[sflag:s0] =	ssyncset.done @!p0 $0x0  }
0x151: {  	[sflag:s0] =	ssyncadd.s32 @!p0 s1  }
0x152: {  	[bflag:$0x3] =	sbarrier.arrive $0xFFFF  }
0x153: {  	_ =	shalt  }

// kernel: kernel.8.cloned.1.call-start
scs
__scs_entry_jumppad:
0x0: {  	(pc) =	sbr.rel $0x88, $3  }
0x1: {  	(tag) =	ssettag $0x0;
	lr =	simm.s32 $0x1  }
0x2: {  	[smem:$0x3F99] =	sst lr;
	_ =	strace $0xD0000000  }
0x3: {  	_ = 	snop  }
0x4: {  	_ = 	snop  }
0x5: {  	_ = 	snop  }
0x6: {  	_ = 	snop  }
0x7: {  	_ = 	snop  }
__scs_overlays_trampoline_lowered:
0x8: {  	[smem:$0x3FA8] =	sst s0  }
0x9: {  	[smem:$0x3FA9] =	sst s1  }
0xa: {  	[smem:$0x3FAA] =	sst s2  }
0xb: {  	[smem:$0x3FAB] =	sst s3  }
0xc: {  	[smem:$0x3FAC] =	sst s4  }
0xd: {  	[smem:$0x3FAD] =	sst s5  }
0xe: {  	[smem:$0x3FAE] =	sst s6  }
0xf: {  	[smem:$0x3FAF] =	sst s7  }
0x10: {  	[smem:$0x3FB0] =	sst s8  }
0x11: {  	[smem:$0x3FB1] =	sst s9;
	s0 =	simm.s32 @!p0 $0x0  }
0x12: {  	s1 =	sld [smem:$0x3F97];
	s0 =	simm.s32 @p0 $0x1  }
0x13: {  	[smem:$0x3FB2] =	sst s0;
	s0 =	simm.s32 @!p1 $0x0  }
0x14: {  	s2 =	sld [smem:$0x3F96];
	s0 =	simm.s32 @p1 $0x1  }
0x15: {  	[smem:$0x3FB3] =	sst s0;
	s0 =	simm.s32 @!p2 $0x0  }
0x16: {  	s3 =	sld [smem:$0x3FDB];
	s0 =	simm.s32 @p2 $0x1  }
0x17: {  	s4 =	simm.s32 $0x1BF5;
	[smem:$0x3FB5] =	sst s0  }
0x18: {  	s0 =	sld [smem:$0x3F98];
	_ =	swait.ge [sflag:s4], $0x0  }
0x19: {  	s7 =	sld [smem:$0x3F99]  }
0x1a: {  	s8 =	sadd.s32 $0xFFFFE003, lr  }
0x1b: {  	s9 =	sadd.s32 $0xFFFFFEF7, lr;
	s5 =	simm.s32 $0xFFFFFFFF;
	p2 =	slt.u32 s8, $0xFFFFF086  }
0x1c: {  	p1 =	slt.u32 s9, $0xF7A;
	s5 =	simm.s32 @!p2 $0x0  }
0x1d: {  	s5 =	simm.s32 @p1 $0x1;
	p0 =	seq.s32 s7, s2  }
0x1e: {  	s7 =	smul.u32 @!p0 $0xF7A, s2;
	p2 =	seq.s32 @!p0 s5, $0x0  }
0x1f: {  	s9 =	smul.u32 $0xF7A, s1;
	s8 =	simm.s32 @!p0 $0x1BF5;
	p2 =	por !p2, p0  }
0x20: {  	[sflag:s8] =	ssyncset.s32 @!p0 $0xFFFFF086;
	s6 =	sadd.s32 @!p0 s3, s7;
	s7 =	simm.s32 @!p0 $0x108  }
0x21: {  	s3 =	sadd.s32 s3, s9;
	s6 =	sadd.s32 @!p0 $0x88, s6;
	s7 =	simm.s32 @p2 $0x1082  }
0x22: {  	[simem:s7], [sflag:s8] =	dma.local @!p0 [hbm:s6], $0xF7A  }
0x23: {  	s9 =	sor.u32 $0xD0000000, s2;
	s6 =	simm.s32 $0x108;
	_ =	swait.ge @!p0 [sflag:s8], $0x0  }
0x24: {  	s3 =	sadd.s32 $0x88, s3;
	s6 =	simm.s32 @!p1 $0x1082;
	[sflag:s4] =	ssyncset.s32 $0xFFFFF086  }
0x25: {  	[simem:s6], [sflag:s4] =	dma.local [hbm:s3], $0xF7A  }
0x26: {  	[smem:$0x3F99] =	sst s1;
	(tag) =	ssettag s2;
	_ =	strace s9  }
0x27: {  	s1 =	sld [smem:$0x3FA9]  }
0x28: {  	s2 =	sld [smem:$0x3FAA]  }
0x29: {  	s4 =	sld [smem:$0x3FAC]  }
0x2a: {  	p0 =	seq.s32 s5, $0x0;
	s5 =	sld [smem:$0x3FAD]  }
0x2b: {  	s6 =	sld [smem:$0x3FAE]  }
0x2c: {  	s7 =	sld [smem:$0x3FAF]  }
0x2d: {  	s3 =	simm.s32 $0x108;
	s8 =	sld [smem:$0x3FB0]  }
0x2e: {  	s3 =	simm.s32 @!p0 $0x1082;
	s9 =	sld [smem:$0x3FB1]  }
0x2f: {  	lr =	sadd.s32 s0, s3;
	s0 =	sld [smem:$0x3FA8]  }
0x30: {  	s3 =	sld [smem:$0x3FAB]  }
0x31: {  	[smem:$0x3FB4] =	sst s10  }
0x32: {  	s10 =	sld [smem:$0x3FB2];
	_ =	sdelay $0x3  }
0x33: {  	p0 =	seq.s32 s10, $0x1;
	s10 =	sld [smem:$0x3FB4];
	_ =	sdelay $0x3  }
0x34: {  	[smem:$0x3FB4] =	sst s10  }
0x35: {  	s10 =	sld [smem:$0x3FB3];
	_ =	sdelay $0x3  }
0x36: {  	p1 =	seq.s32 s10, $0x1;
	s10 =	sld [smem:$0x3FB4];
	_ =	sdelay $0x3  }
0x37: {  	[smem:$0x3FB4] =	sst s10  }
0x38: {  	s10 =	sld [smem:$0x3FB5]  }
0x39: {  	_ = 	snop;
	(pc) =	sbr.ind lr, $3  }
0x3a: {  	_ = 	snop  }
0x3b: {  	_ = 	snop  }
0x3c: {  	p2 =	seq.s32 s10, $0x1;
	s10 =	sld [smem:$0x3FB4]  }
0x3d: {  	_ =	shalt  }
0x3e: {  	_ =	shalt  }
0x3f: {  	_ =	shalt  }
0x40: {  	_ =	shalt  }
0x41: {  	_ =	shalt  }
0x42: {  	_ =	shalt  }
0x43: {  	_ =	shalt  }
0x44: {  	_ =	shalt  }
0x45: {  	_ =	shalt  }
0x46: {  	_ =	shalt  }
0x47: {  	_ =	shalt  }
0x48: {  	_ =	shalt  }
0x49: {  	_ =	shalt  }
0x4a: {  	_ =	shalt  }
0x4b: {  	_ =	shalt  }
0x4c: {  	_ =	shalt  }
0x4d: {  	_ =	shalt  }
0x4e: {  	_ =	shalt  }
0x4f: {  	_ =	shalt  }
0x50: {  	_ =	shalt  }
0x51: {  	_ =	shalt  }
0x52: {  	_ =	shalt  }
0x53: {  	_ =	shalt  }
0x54: {  	_ =	shalt  }
0x55: {  	_ =	shalt  }
0x56: {  	_ =	shalt  }
0x57: {  	_ =	shalt  }
0x58: {  	_ =	shalt  }
0x59: {  	_ =	shalt  }
0x5a: {  	_ =	shalt  }
0x5b: {  	_ =	shalt  }
0x5c: {  	_ =	shalt  }
0x5d: {  	_ =	shalt  }
0x5e: {  	_ =	shalt  }
0x5f: {  	_ =	shalt  }
0x60: {  	_ =	shalt  }
0x61: {  	_ =	shalt  }
0x62: {  	_ =	shalt  }
0x63: {  	_ =	shalt  }
0x64: {  	_ =	shalt  }
0x65: {  	_ =	shalt  }
0x66: {  	_ =	shalt  }
0x67: {  	_ =	shalt  }
0x68: {  	_ =	shalt  }
0x69: {  	_ =	shalt  }
0x6a: {  	_ =	shalt  }
0x6b: {  	_ =	shalt  }
0x6c: {  	_ =	shalt  }
0x6d: {  	_ =	shalt  }
0x6e: {  	_ =	shalt  }
0x6f: {  	_ =	shalt  }
0x70: {  	_ =	shalt  }
0x71: {  	_ =	shalt  }
0x72: {  	_ =	shalt  }
0x73: {  	_ =	shalt  }
0x74: {  	_ =	shalt  }
0x75: {  	_ =	shalt  }
0x76: {  	_ =	shalt  }
0x77: {  	_ =	shalt  }
0x78: {  	_ =	shalt  }
0x79: {  	_ =	shalt  }
0x7a: {  	_ =	shalt  }
0x7b: {  	_ =	shalt  }
0x7c: {  	_ =	shalt  }
0x7d: {  	_ =	shalt  }
0x7e: {  	_ =	shalt  }
0x7f: {  	_ =	shalt  }
0x80: {  	_ =	shalt  }
0x81: {  	_ =	shalt  }
0x82: {  	_ =	shalt  }
0x83: {  	_ =	shalt  }
0x84: {  	_ =	shalt  }
0x85: {  	_ =	shalt  }
0x86: {  	_ =	shalt  }
0x87: {  	_ =	shalt  }
.Lfunc_end0:
.L_simem_size_0:
called_computation_lowered:
.L_overlay_start_0:
0x88: {  	s2 =	sld [smem:$0x3FD9]  }
0x89: {  	s3 =	sld [smem:$0x3FFE];
	_ =	sdelay $0x1  }
0x8a: {  	s1 =	srdreg.scid  }
0x8b: {  	s0 =	sand.u32 $0x1, s1  }
0x8c: {  	s17 =	sshll.u32 s0, $0xA;
	s2 =	sadd.s32 s3, s2  }
0x8d: {  	s2 =	sadd.s32 s2, s17  }
0x8e: {  	[smem:$0x3FC0] =	sst s2  }
0x8f: {  	_ = 	snop  }
0x90: {  	s2 =	sld [smem:$0x3FD0];
	(tm) =	ssettm $0x1  }
0x91: {  	s18 =	sld [smem:$0x3FFB];
	_ =	sdelay $0x3  }
0x92: {  	_ =	strace s18  }
0x93: {  	s3 =	sld [smem:$0x3FFC];
	_ =	sdelay $0x3  }
0x94: {  	_ =	strace s3  }
0x95: {  	s3 =	sld [smem:$0x3FFD];
	_ =	sdelay $0x3  }
0x96: {  	_ =	strace s3  }
0x97: {  	_ =	strace $0x8FFFFFFF  }
0x98: {  	s19 =	sld [smem:$0x3FDB];
	_ =	sdelay $0x1  }
0x99: {  	s4 =	simm.s32 $_scs_section_size  }
0x9a: {  	s5 =	simm.s32 $_size__tile_overlayer_lowered;
	s6 =	simm.s32 $_tile_overlayer_lowered  }
0x9b: {  	s22 =	simm.s32 $0x1BFF;
	s21 =	sshll.u32 s6, $0x1;
	s3 =	sadd.s32 s4, s19  }
0x9c: {  	s7 =	simm.s32 $0x0;
	s20 =	sshll.u32 s5, $0x1;
	s5 =	sadd.s32 s21, s3  }
0x9d: {  	[timem:s7], [sflag:s22] =	dma.local [hbm:s5], s20  }
0x9e: {  	_ =	swait.ge [sflag:s22], s20  }
0x9f: {  	s4 =	ssub.s32 $0x0, s20;
	[sflag:s22] =	ssyncset.done $0x0  }
0xa0: {  	[sflag:s22] =	ssyncadd.s32 s4;
	_ =	sdelay $0x1  }
0xa1: {  	s23 =	simm.s32 $0x1B8B  }
0xa2: {  	_ =	swait.ge [sflag:s23], $0x1  }
0xa3: {  	[sflag:s23] =	ssyncset.done $0x0  }
0xa4: {  	s25 =	simm.s32 $0x1B8E;
	s24 =	sld [smem:$0x3FFE];
	[sflag:s23] =	ssyncadd.s32 $0xFFFFFFFF  }
0xa5: {  	s26 =	simm.s32 $execute0_lowered;
	[smem:$0x3FD2] =	sst s25  }
0xa6: {  	s5 =	sshll.u32 s26, $0x1;
	_ =	strace $0x80000046;
	[dreg:$0x1] =	wrdreg $0xFFFFFFFF  }
0xa7: {  	s28 =	simm.s32 $_size_execute0_lowered;
	s3 =	sadd.s32 s3, s5;
	[dreg:$0x0] =	wrdreg $0x0  }
0xa8: {  	s5 =	sshll.u32 s28, $0x1;
	[dreg:$0x2] =	wrdreg s3  }
0xa9: {  	[dreg:$0x3] =	wrdreg s5  }
0xaa: {  	[dreg:$0x4] =	wrdreg $0xC0  }
0xab: {  	_ =	task [dreg:s7], $0x5FFFF  }
0xac: {  	[dreg:$0x1] =	wrdreg $0xFFFFFFFF  }
0xad: {  	[dreg:$0x0] =	wrdreg $0x60  }
0xae: {  	[dreg:$0x2] =	wrdreg s24  }
0xaf: {  	[dreg:$0x3] =	wrdreg s2  }
0xb0: {  	[dreg:$0x4] =	wrdreg $0x83000  }
0xb1: {  	[dreg:$0x5] =	wrdreg $0x9  }
0xb2: {  	_ =	task.clear_ibuf [dreg:s7], $0x6FFFF;
	_ =	strace $0x90000046  }
0xb3: {  	s29 =	simm.s32 $0x9;
	_ =	strace $0x80000048  }
0xb4: {  	_ =	swait.ge [sflag:s29], $0x1  }
0xb5: {  	[sflag:s29] =	ssyncadd.s32 $0xFFFFFFFF  }
0xb6: {  	_ =	strace $0x90000048  }
0xb7: {  	_ =	sfence  }
0xb8: {  	s30 =	sld [smem:$0x0];
	_ =	sdelay $0x2  }
0xb9: {  	s31 =	sshll.u32 s1, $0xD;
	s1 =	sshrl.u32 s1, $0x2  }
0xba: {  	s3 =	sand.u32 $0x4000, s31;
	s1 =	sadd.s32 s1, s30  }
0xbb: {  	s0 =	sor.u32 s3, s0;
	s1 =	sshll.u32 s1, $0x11  }
0xbc: {  	s0 =	sor.u32 s1, s0  }
0xbd: {  	s0 =	sadd.s32 $0x8F2B, s0  }
0xbe: {  	[sflag:s0] =	ssyncadd.remote.s32 $0x1  }
0xbf: {  	_ =	sfence.sel $0xFFFF  }
0xc0: {  	[dreg:$0x0] =	wrdreg $0xFFFFFFFF;
	(pc) =	sbr.abs _section_cstart, $3  }
0xc1: {  	[dreg:$0x1] =	wrdreg $0xFFFFFFFF  }
0xc2: {  	_ =	task.clear_ibuf [dreg:s7], $0x2FFFF;
	_ =	strace $0x9FFFFFFF  }
0xc3: {  	(tm) =	ssettm $0x7FFFFFFF  }
tec
execute0_lowered:
.L_overlay_start_1:
0x0: {  	(tag) =	ssettag $0x1  }
0x1: {  	s4 =	rddreg [dreg:$0x0]  }
0x2: {  	s6 =	rddreg [dreg:$0x1]  }
0x3: {  	s2 =	rddreg [dreg:$0x2]  }
0x4: {  	s0 =	rddreg [dreg:$0x3];
	s3 =	simm.s32 $0x0  }
0x5: {  	s1 =	stileid.u32;
	s5 =	srdreg.scid;
	s12 =	simm.s32 $0x1  }
0x6: {  	s15 =	simm.s32 $0x20;
	s16 =	simm.s32 $0x10;
	s17 =	simm.s32 $0x0  }
0x7: {  	[smem:$0x7FF] =	sst s3;
	s7 =	sshll.u32 s1, $0xC;
	s8 =	smul.u32 $0x500, s1  }
0x8: {  	s5 =	sand.u32 $0x1, s5;
	s10 =	smul.u32 $0xA00, s1;
	s13 =	sshll.u32 s1, $0x6  }
0x9: {  	_ =	strace $0x80000047;
	s4 =	sadd.s32 s7, s4;
	s30 =	ssub.s32 $0x2, s5  }
0xa: {  	s11 =	sshll.u32 s5, $0x7;
	s5 =	sshll.u32 s5, $0x10;
	s13 =	sor.u32 $0x1C02, s13  }
0xb: {  	s9 =	sshrl.u32 s30, $0x1;
	s8 =	sor.u32 s11, s8;
	s4 =	sadd.s32 s5, s4  }
0xc: {  	s31 =	sshrl.u32 s10, $0x2;
	s10 =	simm.s32 $0x28;
	s11 =	simm.s32 $0x8000  }
0xd: {  	s7 =	ssub.s32 s30, s9;
	s8 =	sshrl.u32 s8, $0x3;
	s4 =	sadd.s32 $0x2600, s4  }
0xe: {  	s5 =	sadd.s32 s31, s2;
	s9 =	simm.s32 $0x8080;
	s6 =	sadd.s32 s6, s8  }
0xf: {  	v0 =	vimm.f32 $0.0e+00;
	v1 =	vimm.f32 $1.000000000e+00;
	s7 =	smax.u32 s7, $0x1;
	s8 =	simm.s32 $0x2;
	s14 =	sshrl.u32 s5, $0x3  }
.LBB2_1:
0x10: {  	[tilespmem:$0x8080] =	vst v0  }
0x11: {  	[tilespmem:$0x8090] =	vst v0  }
0x12: {  	[tilespmem:$0x80A0] =	vst v0  }
0x13: {  	[tilespmem:$0x80B0] =	vst v0  }
0x14: {  	[tilespmem:$0x80C0] =	vst v0  }
0x15: {  	[tilespmem:$0x80D0] =	vst v0  }
0x16: {  	[tilespmem:$0x80E0] =	vst v0  }
0x17: {  	[tilespmem:$0x80F0] =	vst v0  }
0x18: {  	[tilespmem:$0x8100] =	vst v0  }
0x19: {  	[tilespmem:$0x8110] =	vst v0  }
0x1a: {  	[tilespmem:$0x8120] =	vst v0  }
0x1b: {  	[tilespmem:$0x8130] =	vst v0  }
0x1c: {  	[tilespmem:$0x8140] =	vst v0  }
0x1d: {  	[tilespmem:$0x8150] =	vst v0  }
0x1e: {  	[tilespmem:$0x8160] =	vst v0  }
0x1f: {  	[tilespmem:$0x8170] =	vst v0  }
0x20: {  	[tilespmem:$0x8180] =	vst v0  }
0x21: {  	[tilespmem:$0x8190] =	vst v0  }
0x22: {  	[tilespmem:$0x81A0] =	vst v0  }
0x23: {  	[tilespmem:$0x81B0] =	vst v0  }
0x24: {  	[tilespmem:$0x81C0] =	vst v0  }
0x25: {  	[tilespmem:$0x81D0] =	vst v0  }
0x26: {  	[tilespmem:$0x81E0] =	vst v0  }
0x27: {  	[tilespmem:$0x81F0] =	vst v0  }
0x28: {  	[tilespmem:$0x8200] =	vst v0  }
0x29: {  	[tilespmem:$0x8210] =	vst v0  }
0x2a: {  	[tilespmem:$0x8220] =	vst v0  }
0x2b: {  	[tilespmem:$0x8230] =	vst v0  }
0x2c: {  	[tilespmem:$0x8240] =	vst v0  }
0x2d: {  	[tilespmem:$0x8250] =	vst v0  }
0x2e: {  	[tilespmem:$0x8260] =	vst v0  }
0x2f: {  	[tilespmem:$0x8270] =	vst v0  }
0x30: {  	[tilespmem:$0x8280] =	vst v0  }
0x31: {  	[tilespmem:$0x8290] =	vst v0  }
0x32: {  	[tilespmem:$0x82A0] =	vst v0  }
0x33: {  	[tilespmem:$0x82B0] =	vst v0  }
0x34: {  	[tilespmem:$0x82C0] =	vst v0  }
0x35: {  	[tilespmem:$0x82D0] =	vst v0  }
0x36: {  	[tilespmem:$0x82E0] =	vst v0  }
0x37: {  	[tilespmem:$0x82F0] =	vst v0  }
0x38: {  	[tilespmem:$0x8000] =	vst v1  }
0x39: {  	[tilespmem:$0x8010] =	vst v1  }
0x3a: {  	[tilespmem:$0x8018] =	vst v1  }
0x3b: {  	[tilespmem:s3], [sflag:$0x2] =	stream.linear.gather [hbm4b:s4+s3], $0x7D00, $0x38;
	[tilespmem:$0x8580] =	vst v63  }
0x3c: {  	_ =	swait.ge [sflag:s8], $0x7D00  }
0x3d: {  	[sflag:s8] =	ssyncset.done $0x0  }
0x3e: {  	[sflag:s8] =	ssyncadd.s32 $0xFFFF8300  }
0x3f: {  	[spmem:s5] =	stream.linear.scatter [tilespmem:s9], [sflag:$0x2], $0x280, $0x38;
	[tilespmem:$0x8580] =	vst v63  }
0x40: {  	_ =	swait.ge [sflag:s8], $0x280  }
0x41: {  	[sflag:s8] =	ssyncset.done $0x0  }
0x42: {  	[sflag:s8] =	ssyncadd.s32 $0xFFFFFD80  }
0x43: {  	s18 =	simm.s32 $0x0;
	[bflag:$0x0] =	sbarrier.arrive $0xFFFF  }
.LBB2_2:
0x44: {  	p0 =	sne.s32 s18, $0x1F200  }
.Ltmp0:
0x45: {  	_ = 	snop;
	(pc) =	sbr.rel @p0 .LBB2_2-.Ltmp0, $3  }
0x46: {  	_ =	sdelay $0x1  }
0x47: {  	s19 =	sshra.s32 s18, $0x2;
	s18 =	sadd.s32 $0x200, s18  }
0x48: {  	[spmem:s2] =	stream.indirect.scatter.add.f32 [tilespmem:s11], [sflag:$0x1], $0x1, s19, s10, $0xb8;
	[tilespmem:$0x8580] =	vst v63  }
0x49: {  	_ =	swait.ge [sflag:s12], $0x28  }
0x4a: {  	s18 =	simm.s32 $0xF9;
	[sflag:s12] =	ssyncset.done $0x0  }
.LBB2_4:
0x4b: {  	p0 =	sne.s32 s18, $0x1;
	s18 =	sadd.s32 $0xFFFFFFFF, s18;
	[sflag:s12] =	ssyncadd.s32 $0xFFFFFFD8  }
.Ltmp1:
0x4c: {  	(pc) =	sbr.rel @p0 .LBB2_4-.Ltmp1, $3  }
0x4d: {  	_ =	sdelay $0x1  }
0x4e: {  	_ =	swait.ge [sflag:s12], $0x28  }
0x4f: {  	[sflag:s12] =	ssyncset.done $0x0  }
0x50: {  	s17 =	sadd.s32 $0x1, s17  }
0x51: {  	[sflag:s12] =	ssyncadd.s32 $0xFFFFFFD8;
	p0 =	sne.s32 s17, s7  }
.Ltmp2:
0x52: {  	[bflag:$0x0] =	sbarrier.arrive $0xFFFF;
	(pc) =	sbr.rel @p0 .LBB2_1-.Ltmp2, $4  }
0x53: {  	[hbm:s6@s15], [sflag:s13] =	dma.strided [spmem:s14@s16], $0x50, s12, $0x10   }
0x54: {  	_ =	swait.ge [sflag:s8], $0x50  }
0x55: {  	[sflag:s8] =	ssyncset.done $0x0  }
0x56: {  	[sflag:s8] =	ssyncadd.s32 $0xFFFFFFB0  }
0x57: {  	_ =	sfence.sel $0x180000  }
0x58: {  	[bflag:$0x0] =	sbarrier.arrive $0xFFFF  }
0x59: {  	p0 =	sne.s32 s1, $0x0;
	_ =	strace $0x90000047  }
0x5a: {  	s0 =	sadd.s32 @!p0 $0x100000, s0;
	[bflag:$0x2] =	sbarrier.arrive $0xFFFF  }
0x5b: {  	[sflag:s0] =	ssyncadd.tile.s32 @!p0 $0x1;
	_ =	shalt  }
.Lfunc_end2:
_tile_overlayer_lowered:
.L_overlay_start_2:
0x5c: {  	(tag) =	ssettag $0x2  }
0x5d: {  	s0 =	rddreg [dreg:$0x0];
	s2 =	stileid.u32  }
0x5e: {  	s1 =	rddreg [dreg:$0x1];
	p0 =	sne.s32 s2, $0x0  }
0x5f: {  	s3 =	rddreg [dreg:$0x2];
	[bflag:$0x3] =	sbarrier.arrive $0xFFFF;
	s2 =	simm.s32 @!p0 $0x1C02  }
0x60: {  	[timem:s3], [sflag:s2] =	dma.local @!p0 [hbm:s0], s1  }
0x61: {  	s0 =	simm.s32 @!p0 $0x2  }
0x62: {  	_ =	swait.ge @!p0 [sflag:s0], s1  }
0x63: {  	s1 =	ssub.s32 @!p0 $0x0, s1;
	[sflag:s0] =	ssyncset.done @!p0 $0x0  }
0x64: {  	[sflag:s0] =	ssyncadd.s32 @!p0 s1  }
0x65: {  	[bflag:$0x3] =	sbarrier.arrive $0xFFFF  }
0x66: {  	_ =	shalt  }

</sc_bundles>
